<compile_context>
chip_gen: v7x
topology: tpu7x:2x2x1
jax: 0.10.2.dev20260603
libtpu: 0.0.44.dev20260713+nightly
codegen_flags: <defaults>
</compile_context>

<pallas_src>
import functools

import jax
import jax.numpy as jnp
from jax import lax
from jax.experimental import pallas as pl
from jax.experimental.pallas import tpu as pltpu
from jax.experimental.pallas import tpu_sc as plsc

N = 10000
D = 128
NM = 3000

NC = 2
NS = 16
NW = NC * NS
L = 16

CH = 128
NBUF = 2
CCH = 128
NPAD = 10240
RPT = NPAD // NS

E = 320000
EPAD = ((E + NW * CH * 2 - 1) // (NW * CH * 2)) * (NW * CH * 2)
EW = EPAD // NW
TCH = EPAD // CH
WCH = TCH // NW
SEGC = 40
NCCH = EW // CCH

NMP = ((NM + NW * 8 - 1) // (NW * 8)) * (NW * 8)
MCH = NMP // NW

_MESH = plsc.VectorSubcoreMesh(
    core_axis_name="c", subcore_axis_name="s", num_cores=NC, num_subcores=NS)


def _worker_ids():
  cid = lax.axis_index("c")
  sid = lax.axis_index("s")
  return cid, sid, sid * NC + cid


def _zero_vmem_f32(ref, rows, cols):
  zeros16 = jnp.zeros((L,), jnp.float32)

  def body(r, _):
    for k in range(cols // L):
      ref[r, pl.ds(k * L, L)] = zeros16
    return 0

  lax.fori_loop(0, rows, body, 0)


def _sc_counts_body(dst_hbm, mask_hbm, deg_out, w_out,
                    deg_sp, w_sp, idx_v, midx_v, ones_v, zrow_v):
  cid, sid, wid = _worker_ids()

  ones16 = jnp.ones((L,), jnp.float32)
  for k in range(CCH // L):
    ones_v[pl.ds(k * L, L)] = ones16
  _zero_vmem_f32(zrow_v, 1, CCH)

  for z in range(RPT // CCH):
    pltpu.sync_copy(zrow_v.at[0], deg_sp.at[pl.ds(sid * RPT + z * CCH, CCH)])
    pltpu.sync_copy(zrow_v.at[0], w_sp.at[pl.ds(sid * RPT + z * CCH, CCH)])
  plsc.subcore_barrier()

  def edge_body(g, _):
    base = wid * EW + g * CCH
    pltpu.sync_copy(dst_hbm.at[pl.ds(base, CCH)], idx_v)
    pltpu.sync_copy(ones_v, deg_sp.at[idx_v], add=True)
    return 0

  lax.fori_loop(0, NCCH, edge_body, 0)

  pltpu.sync_copy(mask_hbm.at[pl.ds(wid * MCH, MCH)], midx_v)
  pltpu.sync_copy(ones_v.at[pl.ds(0, MCH)], w_sp.at[midx_v], add=True)

  plsc.subcore_barrier()

  pltpu.sync_copy(deg_sp.at[pl.ds(sid * RPT, RPT)],
                  deg_out.at[cid, pl.ds(sid * RPT, RPT)])
  pltpu.sync_copy(w_sp.at[pl.ds(sid * RPT, RPT)],
                  w_out.at[cid, pl.ds(sid * RPT, RPT)])


_sc_counts = pl.kernel(
    _sc_counts_body,
    out_type=(jax.ShapeDtypeStruct((NC, NPAD), jnp.float32),
              jax.ShapeDtypeStruct((NC, NPAD), jnp.float32)),
    mesh=_MESH,
    scratch_types=[
        pltpu.VMEM_SHARED((NPAD,), jnp.float32),
        pltpu.VMEM_SHARED((NPAD,), jnp.float32),
        pltpu.VMEM((CCH,), jnp.int32),
        pltpu.VMEM((MCH,), jnp.int32),
        pltpu.VMEM((CCH,), jnp.float32),
        pltpu.VMEM((1, CCH), jnp.float32),
    ],
)


def _sc_agg_body(y_hbm, src_hbm, dst_hbm, agg_out, agg_sp, sidx_v, didx_v,
                 rows0_v, rows1_v, gsem0, gsem1):
  cid, sid, wid = _worker_ids()
  rows = (rows0_v, rows1_v)
  gsems = (gsem0, gsem1)

  def drain(sem, buf):
    pltpu.make_async_copy(y_hbm.at[pl.ds(0, CH)], buf, sem).wait()

  _zero_vmem_f32(rows0_v, CH, D)
  for z in range(RPT // CH):
    pltpu.sync_copy(rows0_v, agg_sp.at[pl.ds(sid * RPT + z * CH, CH)])

  plsc.subcore_barrier()

  for h in range(WCH // SEGC):
    base = wid * WCH + h * SEGC
    pltpu.sync_copy(src_hbm.at[pl.ds(base, SEGC)], sidx_v)
    pltpu.sync_copy(dst_hbm.at[pl.ds(base, SEGC)], didx_v)
    for b in range(NBUF):
      pltpu.async_copy(y_hbm.at[sidx_v.at[b]], rows[b], gsems[b])

    def pair_body(k, _):
      for b in range(NBUF):
        g = k * NBUF + b
        drain(gsems[b], rows[b])
        pltpu.sync_copy(rows[b], agg_sp.at[didx_v.at[g]], add=True)

        @pl.when(g + NBUF < SEGC)
        def _():
          pltpu.async_copy(y_hbm.at[sidx_v.at[g + NBUF]], rows[b], gsems[b])

      return 0

    lax.fori_loop(0, SEGC // NBUF, pair_body, 0)
  plsc.subcore_barrier()

  pltpu.sync_copy(agg_sp.at[pl.ds(sid * RPT, RPT)],
                  agg_out.at[cid, pl.ds(sid * RPT, RPT)])


_sc_agg = pl.kernel(
    _sc_agg_body,
    out_type=jax.ShapeDtypeStruct((NC, NPAD, D), jnp.float32),
    mesh=_MESH,
    scratch_types=[
        pltpu.VMEM_SHARED((NPAD, D), jnp.float32),
        pltpu.VMEM((SEGC, CH), jnp.int32),
        pltpu.VMEM((SEGC, CH), jnp.int32),
        pltpu.VMEM((CH, D), jnp.float32),
        pltpu.VMEM((CH, D), jnp.float32),
        pltpu.SemaphoreType.DMA,
        pltpu.SemaphoreType.DMA,
    ],
)


R = 2000
GRID = N // R

_vmem = functools.partial(pl.BlockSpec, memory_space=pltpu.MemorySpace.VMEM)
_row_spec = _vmem((R, D), lambda i: (i, 0))
_p_spec = _vmem((NC, R, D), lambda i: (0, i, 0))
_col_spec = _vmem((NC, R, 1), lambda i: (0, i, 0))
_w_spec = _vmem((D, D), lambda i: (0, 0))
_b_spec = _vmem((1, D), lambda i: (0, 0))


def _tc_prep_body(x_ref, wp_ref, tok_ref, wn_ref, ws_ref, b_ref, y_ref, s_ref):
  wcnt = wp_ref[0] + wp_ref[1]
  xm = jnp.where(wcnt > 0.0, tok_ref[...], x_ref[...])
  y_ref[...] = jnp.dot(xm, wn_ref[...], preferred_element_type=jnp.float32)
  s_ref[...] = jnp.dot(xm, ws_ref[...],
                       preferred_element_type=jnp.float32) + b_ref[...]


_tc_prep = pl.pallas_call(
    _tc_prep_body,
    grid=(GRID,),
    in_specs=[_row_spec, _col_spec, _b_spec, _w_spec, _w_spec, _b_spec],
    out_specs=(_row_spec, _row_spec),
    out_shape=(jax.ShapeDtypeStruct((N, D), jnp.float32),
               jax.ShapeDtypeStruct((N, D), jnp.float32)),
)


def _tc_combine_body(s_ref, p_ref, degp_ref, wn_ref, ws_ref, b_ref,
                     y_ref, s2_ref, *, relu):
  inv = 1.0 / jnp.maximum(degp_ref[0] + degp_ref[1], 1.0)
  h = s_ref[...] + (p_ref[0] + p_ref[1]) * inv
  if relu:
    h = jnp.maximum(h, 0.0)
  y_ref[...] = jnp.dot(h, wn_ref[...], preferred_element_type=jnp.float32)
  s2_ref[...] = jnp.dot(h, ws_ref[...],
                        preferred_element_type=jnp.float32) + b_ref[...]


def _make_combine(relu):
  return pl.pallas_call(
      functools.partial(_tc_combine_body, relu=relu),
      grid=(GRID,),
      in_specs=[_row_spec, _p_spec, _col_spec, _w_spec, _w_spec, _b_spec],
      out_specs=(_row_spec, _row_spec),
      out_shape=(jax.ShapeDtypeStruct((N, D), jnp.float32),
                 jax.ShapeDtypeStruct((N, D), jnp.float32)),
  )


_tc_combine_relu = _make_combine(True)
_tc_combine_plain = _make_combine(False)


def _tc_final_body(s_ref, p_ref, degp_ref, wp_ref, x_ref, out_ref):
  i = pl.program_id(0)
  inv = 1.0 / jnp.maximum(degp_ref[0] + degp_ref[1], 1.0)
  h4 = s_ref[...] + (p_ref[0] + p_ref[1]) * inv
  diff = h4 - x_ref[...]
  part = jnp.sum((wp_ref[0] + wp_ref[1]) * diff * diff)

  @pl.when(i == 0)
  def _():
    out_ref[...] = jnp.zeros_like(out_ref)

  out_ref[...] += part

  @pl.when(i == GRID - 1)
  def _():
    out_ref[...] = out_ref[...] * (1.0 / (NM * D))


_tc_final = pl.pallas_call(
    _tc_final_body,
    grid=(GRID,),
    in_specs=[_row_spec, _p_spec, _col_spec, _col_spec, _row_spec],
    out_specs=_vmem((1, 1), lambda i: (0, 0)),
    out_shape=jax.ShapeDtypeStruct((1, 1), jnp.float32),
)


def kernel(x, edge_index, mask_nodes, mask_token,
           w_self_enc1, w_neigh_enc1, b_enc1,
           w_self_enc2, w_neigh_enc2, b_enc2,
           w_self_dec1, w_neigh_dec1, b_dec1,
           w_self_dec2, w_neigh_dec2, b_dec2):
  src = edge_index[0]
  dst = edge_index[1]
  src_p = jnp.concatenate([src, jnp.zeros((EPAD - E,), jnp.int32)])
  dst_p = jnp.concatenate([dst, jnp.full((EPAD - E,), N, jnp.int32)])
  src3 = src_p.reshape(TCH, CH)
  dst3 = dst_p.reshape(TCH, CH)
  mask_p = jnp.concatenate([mask_nodes, jnp.full((NMP - NM,), N, jnp.int32)])

  degp, wp = _sc_counts(dst_p, mask_p)
  degp = degp[:, :, None]
  wp = wp[:, :, None]

  y, s = _tc_prep(x, wp, mask_token, w_neigh_enc1, w_self_enc1, b_enc1[None])
  p = _sc_agg(y, src3, dst3)
  y, s = _tc_combine_relu(s, p, degp, w_neigh_enc2, w_self_enc2, b_enc2[None])
  p = _sc_agg(y, src3, dst3)
  y, s = _tc_combine_plain(s, p, degp, w_neigh_dec1, w_self_dec1, b_dec1[None])
  p = _sc_agg(y, src3, dst3)
  y, s = _tc_combine_relu(s, p, degp, w_neigh_dec2, w_self_dec2, b_dec2[None])
  p = _sc_agg(y, src3, dst3)
  out = _tc_final(s, p, degp, wp, x)
  return out[0, 0]

# --- scband reference (transcript-rebuilt; emitter-appended) ---
"""Pipeline reference for scband-sagenet-57157424775339 (READ-ONLY COPY).

The authoritative reference and input builder live on the scoring server;
editing this copy changes nothing except your own understanding.
"""

import jax, jax.numpy as jnp
import numpy as np

N = 10000
E = 320000
D = 128
NM = 3000

def _init_linear(key, din, dout):
    return jax.random.normal(key, (din, dout), dtype=jnp.float32) * (1.0 / np.sqrt(din))

def setup_inputs(seed: int = 0):
    key = jax.random.key(seed)
    ks = jax.random.split(key, 12)
    inp = {}
    inp['x'] = jax.random.normal(ks[0], (N, D), dtype=jnp.float32)
    inp['edge_index'] = jax.random.randint(ks[1], (2, E), 0, N, dtype=jnp.int32)
    inp['mask_nodes'] = jax.random.randint(ks[2], (NM,), 0, N, dtype=jnp.int32)
    inp['mask_token'] = jnp.zeros((1, D), dtype=jnp.float32)
    names = ['enc1', 'enc2', 'dec1', 'dec2']
    for i, nm in enumerate(names):
        inp['w_self_' + nm] = _init_linear(ks[3 + 2 * i], D, D)
        inp['w_neigh_' + nm] = _init_linear(ks[4 + 2 * i], D, D)
        inp['b_' + nm] = jnp.zeros((D,), dtype=jnp.float32)
    return inp

def _sage_conv(x, src, dst, w_self, w_neigh, b):
    # DGL SAGEConv with aggregator_type='mean':
    #   h_neigh = mean over in-neighbors; rst = fc_self(h) + fc_neigh(h_neigh) + bias
    msg = jnp.take(x, src, axis=0)
    agg = jax.ops.segment_sum(msg, dst, num_segments=N)
    deg = jax.ops.segment_sum(jnp.ones((src.shape[0],), dtype=x.dtype), dst, num_segments=N)
    h_neigh = agg / jnp.maximum(deg, 1.0)[:, None]
    return x @ w_self + h_neigh @ w_neigh + b

def reference(x, edge_index, mask_nodes, mask_token,
              w_self_enc1, w_neigh_enc1, b_enc1,
              w_self_enc2, w_neigh_enc2, b_enc2,
              w_self_dec1, w_neigh_dec1, b_dec1,
              w_self_dec2, w_neigh_dec2, b_dec2):
    src = edge_index[0]
    dst = edge_index[1]
    # mask_nodes(): overwrite masked node features with the mask token (scatter-set)
    x_masked = x.at[mask_nodes].set(mask_token[0])
    h = _sage_conv(x_masked, src, dst, w_self_enc1, w_neigh_enc1, b_enc1)
    h = jax.nn.relu(h)
    h = _sage_conv(h, src, dst, w_self_enc2, w_neigh_enc2, b_enc2)
    h = _sage_conv(h, src, dst, w_self_dec1, w_neigh_dec1, b_dec1)
    h = jax.nn.relu(h)
    h = _sage_conv(h, src, dst, w_self_dec2, w_neigh_dec2, b_dec2)
    x_original = jnp.take(x, mask_nodes, axis=0)
    x_reconstructed = jnp.take(h, mask_nodes, axis=0)
    return jnp.mean((x_reconstructed - x_original) ** 2)

if __name__ == "__main__":
    import jax
    _d = setup_inputs()
    print(jax.jit(kernel)(*tuple(_d.values())))

</pallas_src>

<mosaic_0001>
#map = affine_map<(d0, d1) -> (0, 0)>
#map1 = affine_map<(d0, d1) -> (0, 0, 0)>
module attributes {stable_mosaic.version = 14 : i64} {
  func.func @_sc_agg_body(%arg0: i32, %arg1: i32, %arg2: memref<10000x128xf32, #tpu.memory_space<hbm>>, %arg3: memref<2560x128xi32, #tpu.memory_space<hbm>>, %arg4: memref<2560x128xi32, #tpu.memory_space<hbm>>, %arg5: memref<2x10240x128xf32, #tpu.memory_space<hbm>>, %arg6: memref<10240x128xf32, #tpu.memory_space<vmem_shared>>, %arg7: memref<40x128xi32, #tpu.memory_space<vmem>>, %arg8: memref<40x128xi32, #tpu.memory_space<vmem>>, %arg9: memref<128x128xf32, #tpu.memory_space<vmem>>, %arg10: memref<128x128xf32, #tpu.memory_space<vmem>>, %arg11: memref<!tpu.dma_semaphore, #tpu.memory_space<semaphore_mem>>, %arg12: memref<!tpu.dma_semaphore, #tpu.memory_space<semaphore_mem>>) attributes {dimension_semantics = [#tpu.dimension_semantics<core_parallel>, #tpu.dimension_semantics<subcore_parallel>], iteration_bounds = array<i64: 2, 16>, scalar_prefetch = 0 : i64, scratch_operands = 7 : i64, tpu.core_type = #tpu.core_type<sc_vector_subcore>, window_params = [{transform_indices = #map}, {transform_indices = #map}, {transform_indices = #map}, {transform_indices = #map1}]} {
    %mul3A = arith.constant 2 : i32
    %mul3A_0 = arith.muli %arg1, %mul3A : i32
    %add3A = arith.addi %mul3A_0, %arg0 : i32
    %broadcast_in_dim3A = arith.constant 0.000000e+00 : f32
    %broadcast_in_dim3A_1 = vector.broadcast %broadcast_in_dim3A : f32 to vector<16xf32>
    %scan3A = arith.constant 0 : i32
    %scan3A_2 = arith.constant 0 : i32
    %scan3A_3 = arith.constant 128 : i32
    %scan3A_4 = arith.addi %scan3A_2, %scan3A_3 : i32
    %scan3A_5 = arith.constant 1 : i32
    %scan3A_6 = scf.for %scan3A_82 = %scan3A_2 to %scan3A_4 step %scan3A_5 iter_args(%scan3A_83 = %scan3A) -> (i32)  : i32 {
      %swap3A = arith.index_cast %scan3A_82 : i32 to index
      %swap3A_84 = arith.constant 0 : index
      %swap3A_85 = tpu.vector_load %arg9[%swap3A, %swap3A_84] {strides = array<i32>} : memref<128x128xf32, #tpu.memory_space<vmem>>, vector<1x16xf32>,
      %swap3A_86 = vector.shape_cast %swap3A_85 : vector<1x16xf32> to vector<16xf32>
      %swap3A_87 = vector.shape_cast %broadcast_in_dim3A_1 : vector<16xf32> to vector<1x16xf32>
      tpu.vector_store %arg9[%swap3A, %swap3A_84], %swap3A_87 {strides = array<i32>} : memref<128x128xf32, #tpu.memory_space<vmem>>, vector<1x16xf32>,
      %swap3A_88 = arith.index_cast %scan3A_82 : i32 to index
      %swap3A_89 = arith.constant 16 : index
      %swap3A_90 = tpu.vector_load %arg9[%swap3A_88, %swap3A_89] {strides = array<i32>} : memref<128x128xf32, #tpu.memory_space<vmem>>, vector<1x16xf32>,
      %swap3A_91 = vector.shape_cast %swap3A_90 : vector<1x16xf32> to vector<16xf32>
      %swap3A_92 = vector.shape_cast %broadcast_in_dim3A_1 : vector<16xf32> to vector<1x16xf32>
      tpu.vector_store %arg9[%swap3A_88, %swap3A_89], %swap3A_92 {strides = array<i32>} : memref<128x128xf32, #tpu.memory_space<vmem>>, vector<1x16xf32>,
      %swap3A_93 = arith.index_cast %scan3A_82 : i32 to index
      %swap3A_94 = arith.constant 32 : index
      %swap3A_95 = tpu.vector_load %arg9[%swap3A_93, %swap3A_94] {strides = array<i32>} : memref<128x128xf32, #tpu.memory_space<vmem>>, vector<1x16xf32>,
      %swap3A_96 = vector.shape_cast %swap3A_95 : vector<1x16xf32> to vector<16xf32>
      %swap3A_97 = vector.shape_cast %broadcast_in_dim3A_1 : vector<16xf32> to vector<1x16xf32>
      tpu.vector_store %arg9[%swap3A_93, %swap3A_94], %swap3A_97 {strides = array<i32>} : memref<128x128xf32, #tpu.memory_space<vmem>>, vector<1x16xf32>,
      %swap3A_98 = arith.index_cast %scan3A_82 : i32 to index
      %swap3A_99 = arith.constant 48 : index
      %swap3A_100 = tpu.vector_load %arg9[%swap3A_98, %swap3A_99] {strides = array<i32>} : memref<128x128xf32, #tpu.memory_space<vmem>>, vector<1x16xf32>,
      %swap3A_101 = vector.shape_cast %swap3A_100 : vector<1x16xf32> to vector<16xf32>
      %swap3A_102 = vector.shape_cast %broadcast_in_dim3A_1 : vector<16xf32> to vector<1x16xf32>
      tpu.vector_store %arg9[%swap3A_98, %swap3A_99], %swap3A_102 {strides = array<i32>} : memref<128x128xf32, #tpu.memory_space<vmem>>, vector<1x16xf32>,
      %swap3A_103 = arith.index_cast %scan3A_82 : i32 to index
      %swap3A_104 = arith.constant 64 : index
      %swap3A_105 = tpu.vector_load %arg9[%swap3A_103, %swap3A_104] {strides = array<i32>} : memref<128x128xf32, #tpu.memory_space<vmem>>, vector<1x16xf32>,
      %swap3A_106 = vector.shape_cast %swap3A_105 : vector<1x16xf32> to vector<16xf32>
      %swap3A_107 = vector.shape_cast %broadcast_in_dim3A_1 : vector<16xf32> to vector<1x16xf32>
      tpu.vector_store %arg9[%swap3A_103, %swap3A_104], %swap3A_107 {strides = array<i32>} : memref<128x128xf32, #tpu.memory_space<vmem>>, vector<1x16xf32>,
      %swap3A_108 = arith.index_cast %scan3A_82 : i32 to index
      %swap3A_109 = arith.constant 80 : index
      %swap3A_110 = tpu.vector_load %arg9[%swap3A_108, %swap3A_109] {strides = array<i32>} : memref<128x128xf32, #tpu.memory_space<vmem>>, vector<1x16xf32>,
      %swap3A_111 = vector.shape_cast %swap3A_110 : vector<1x16xf32> to vector<16xf32>
      %swap3A_112 = vector.shape_cast %broadcast_in_dim3A_1 : vector<16xf32> to vector<1x16xf32>
      tpu.vector_store %arg9[%swap3A_108, %swap3A_109], %swap3A_112 {strides = array<i32>} : memref<128x128xf32, #tpu.memory_space<vmem>>, vector<1x16xf32>,
      %swap3A_113 = arith.index_cast %scan3A_82 : i32 to index
      %swap3A_114 = arith.constant 96 : index
      %swap3A_115 = tpu.vector_load %arg9[%swap3A_113, %swap3A_114] {strides = array<i32>} : memref<128x128xf32, #tpu.memory_space<vmem>>, vector<1x16xf32>,
      %swap3A_116 = vector.shape_cast %swap3A_115 : vector<1x16xf32> to vector<16xf32>
      %swap3A_117 = vector.shape_cast %broadcast_in_dim3A_1 : vector<16xf32> to vector<1x16xf32>
      tpu.vector_store %arg9[%swap3A_113, %swap3A_114], %swap3A_117 {strides = array<i32>} : memref<128x128xf32, #tpu.memory_space<vmem>>, vector<1x16xf32>,
      %swap3A_118 = arith.index_cast %scan3A_82 : i32 to index
      %swap3A_119 = arith.constant 112 : index
      %swap3A_120 = tpu.vector_load %arg9[%swap3A_118, %swap3A_119] {strides = array<i32>} : memref<128x128xf32, #tpu.memory_space<vmem>>, vector<1x16xf32>,
      %swap3A_121 = vector.shape_cast %swap3A_120 : vector<1x16xf32> to vector<16xf32>
      %swap3A_122 = vector.shape_cast %broadcast_in_dim3A_1 : vector<16xf32> to vector<1x16xf32>
      tpu.vector_store %arg9[%swap3A_118, %swap3A_119], %swap3A_122 {strides = array<i32>} : memref<128x128xf32, #tpu.memory_space<vmem>>, vector<1x16xf32>,
      %scan3A_123 = arith.constant 0 : i32
      scf.yield %scan3A_123 : i32
    }
    %scan3A_7 = arith.constant 128 : i32
    %mul3A_8 = arith.constant 640 : i32
    %mul3A_9 = arith.muli %arg1, %mul3A_8 : i32
    %add3A_10 = arith.constant 0 : i32
    %add3A_11 = arith.addi %mul3A_9, %add3A_10 : i32
    "tpu.region"() ({
      %run_scoped3A = tpu.sem_alloc : memref<!tpu.dma_semaphore, #tpu.memory_space<semaphore_mem>>
      %dma_start3A_82 = arith.constant 0 : i32
      %dma_start3A_83 = tpu.memref_slice %arg6[%add3A_11, %dma_start3A_82] : memref<10240x128xf32, #tpu.memory_space<vmem_shared>> -> memref<128x128xf32, #tpu.memory_space<vmem_shared>>
      %dma_start3A_84 = arith.constant 0 : i32
      %dma_start3A_85 = tpu.memref_slice %arg6[%add3A_11, %dma_start3A_84] : memref<10240x128xf32, #tpu.memory_space<vmem_shared>> -> memref<128x128xf32, #tpu.memory_space<vmem_shared>>
      tpu.enqueue_dma source(%arg9 : memref<128x128xf32, #tpu.memory_space<vmem>>) target(%dma_start3A_85 : memref<128x128xf32, #tpu.memory_space<vmem_shared>>) target_semaphore(%run_scoped3A : memref<!tpu.dma_semaphore, #tpu.memory_space<semaphore_mem>>)
      %dma_wait3A = arith.constant 0 : i32
      %dma_wait3A_86 = tpu.memref_slice %arg6[%add3A_11, %dma_wait3A] : memref<10240x128xf32, #tpu.memory_space<vmem_shared>> -> memref<128x128xf32, #tpu.memory_space<vmem_shared>>
      %dma_wait3A_87 = arith.constant 0 : i32
      %dma_wait3A_88 = tpu.memref_slice %arg6[%add3A_11, %dma_wait3A_87] : memref<10240x128xf32, #tpu.memory_space<vmem_shared>> -> memref<128x128xf32, #tpu.memory_space<vmem_shared>>
      tpu.wait_dma2 semaphore(%run_scoped3A : memref<!tpu.dma_semaphore, #tpu.memory_space<semaphore_mem>>) src(%arg9 : memref<128x128xf32, #tpu.memory_space<vmem>>) dst(%dma_wait3A_88 : memref<128x128xf32, #tpu.memory_space<vmem_shared>>)
      tpu.yield
    }) : () -> ()
    %mul3A_12 = arith.constant 640 : i32
    %mul3A_13 = arith.muli %arg1, %mul3A_12 : i32
    %add3A_14 = arith.constant 128 : i32
    %add3A_15 = arith.addi %mul3A_13, %add3A_14 : i32
    "tpu.region"() ({
      %run_scoped3A = tpu.sem_alloc : memref<!tpu.dma_semaphore, #tpu.memory_space<semaphore_mem>>
      %dma_start3A_82 = arith.constant 0 : i32
      %dma_start3A_83 = tpu.memref_slice %arg6[%add3A_15, %dma_start3A_82] : memref<10240x128xf32, #tpu.memory_space<vmem_shared>> -> memref<128x128xf32, #tpu.memory_space<vmem_shared>>
      %dma_start3A_84 = arith.constant 0 : i32
      %dma_start3A_85 = tpu.memref_slice %arg6[%add3A_15, %dma_start3A_84] : memref<10240x128xf32, #tpu.memory_space<vmem_shared>> -> memref<128x128xf32, #tpu.memory_space<vmem_shared>>
      tpu.enqueue_dma source(%arg9 : memref<128x128xf32, #tpu.memory_space<vmem>>) target(%dma_start3A_85 : memref<128x128xf32, #tpu.memory_space<vmem_shared>>) target_semaphore(%run_scoped3A : memref<!tpu.dma_semaphore, #tpu.memory_space<semaphore_mem>>)
      %dma_wait3A = arith.constant 0 : i32
      %dma_wait3A_86 = tpu.memref_slice %arg6[%add3A_15, %dma_wait3A] : memref<10240x128xf32, #tpu.memory_space<vmem_shared>> -> memref<128x128xf32, #tpu.memory_space<vmem_shared>>
      %dma_wait3A_87 = arith.constant 0 : i32
      %dma_wait3A_88 = tpu.memref_slice %arg6[%add3A_15, %dma_wait3A_87] : memref<10240x128xf32, #tpu.memory_space<vmem_shared>> -> memref<128x128xf32, #tpu.memory_space<vmem_shared>>
      tpu.wait_dma2 semaphore(%run_scoped3A : memref<!tpu.dma_semaphore, #tpu.memory_space<semaphore_mem>>) src(%arg9 : memref<128x128xf32, #tpu.memory_space<vmem>>) dst(%dma_wait3A_88 : memref<128x128xf32, #tpu.memory_space<vmem_shared>>)
      tpu.yield
    }) : () -> ()
    %mul3A_16 = arith.constant 640 : i32
    %mul3A_17 = arith.muli %arg1, %mul3A_16 : i32
    %add3A_18 = arith.constant 256 : i32
    %add3A_19 = arith.addi %mul3A_17, %add3A_18 : i32
    "tpu.region"() ({
      %run_scoped3A = tpu.sem_alloc : memref<!tpu.dma_semaphore, #tpu.memory_space<semaphore_mem>>
      %dma_start3A_82 = arith.constant 0 : i32
      %dma_start3A_83 = tpu.memref_slice %arg6[%add3A_19, %dma_start3A_82] : memref<10240x128xf32, #tpu.memory_space<vmem_shared>> -> memref<128x128xf32, #tpu.memory_space<vmem_shared>>
      %dma_start3A_84 = arith.constant 0 : i32
      %dma_start3A_85 = tpu.memref_slice %arg6[%add3A_19, %dma_start3A_84] : memref<10240x128xf32, #tpu.memory_space<vmem_shared>> -> memref<128x128xf32, #tpu.memory_space<vmem_shared>>
      tpu.enqueue_dma source(%arg9 : memref<128x128xf32, #tpu.memory_space<vmem>>) target(%dma_start3A_85 : memref<128x128xf32, #tpu.memory_space<vmem_shared>>) target_semaphore(%run_scoped3A : memref<!tpu.dma_semaphore, #tpu.memory_space<semaphore_mem>>)
      %dma_wait3A = arith.constant 0 : i32
      %dma_wait3A_86 = tpu.memref_slice %arg6[%add3A_19, %dma_wait3A] : memref<10240x128xf32, #tpu.memory_space<vmem_shared>> -> memref<128x128xf32, #tpu.memory_space<vmem_shared>>
      %dma_wait3A_87 = arith.constant 0 : i32
      %dma_wait3A_88 = tpu.memref_slice %arg6[%add3A_19, %dma_wait3A_87] : memref<10240x128xf32, #tpu.memory_space<vmem_shared>> -> memref<128x128xf32, #tpu.memory_space<vmem_shared>>
      tpu.wait_dma2 semaphore(%run_scoped3A : memref<!tpu.dma_semaphore, #tpu.memory_space<semaphore_mem>>) src(%arg9 : memref<128x128xf32, #tpu.memory_space<vmem>>) dst(%dma_wait3A_88 : memref<128x128xf32, #tpu.memory_space<vmem_shared>>)
      tpu.yield
    }) : () -> ()
    %mul3A_20 = arith.constant 640 : i32
    %mul3A_21 = arith.muli %arg1, %mul3A_20 : i32
    %add3A_22 = arith.constant 384 : i32
    %add3A_23 = arith.addi %mul3A_21, %add3A_22 : i32
    "tpu.region"() ({
      %run_scoped3A = tpu.sem_alloc : memref<!tpu.dma_semaphore, #tpu.memory_space<semaphore_mem>>
      %dma_start3A_82 = arith.constant 0 : i32
      %dma_start3A_83 = tpu.memref_slice %arg6[%add3A_23, %dma_start3A_82] : memref<10240x128xf32, #tpu.memory_space<vmem_shared>> -> memref<128x128xf32, #tpu.memory_space<vmem_shared>>
      %dma_start3A_84 = arith.constant 0 : i32
      %dma_start3A_85 = tpu.memref_slice %arg6[%add3A_23, %dma_start3A_84] : memref<10240x128xf32, #tpu.memory_space<vmem_shared>> -> memref<128x128xf32, #tpu.memory_space<vmem_shared>>
      tpu.enqueue_dma source(%arg9 : memref<128x128xf32, #tpu.memory_space<vmem>>) target(%dma_start3A_85 : memref<128x128xf32, #tpu.memory_space<vmem_shared>>) target_semaphore(%run_scoped3A : memref<!tpu.dma_semaphore, #tpu.memory_space<semaphore_mem>>)
      %dma_wait3A = arith.constant 0 : i32
      %dma_wait3A_86 = tpu.memref_slice %arg6[%add3A_23, %dma_wait3A] : memref<10240x128xf32, #tpu.memory_space<vmem_shared>> -> memref<128x128xf32, #tpu.memory_space<vmem_shared>>
      %dma_wait3A_87 = arith.constant 0 : i32
      %dma_wait3A_88 = tpu.memref_slice %arg6[%add3A_23, %dma_wait3A_87] : memref<10240x128xf32, #tpu.memory_space<vmem_shared>> -> memref<128x128xf32, #tpu.memory_space<vmem_shared>>
      tpu.wait_dma2 semaphore(%run_scoped3A : memref<!tpu.dma_semaphore, #tpu.memory_space<semaphore_mem>>) src(%arg9 : memref<128x128xf32, #tpu.memory_space<vmem>>) dst(%dma_wait3A_88 : memref<128x128xf32, #tpu.memory_space<vmem_shared>>)
      tpu.yield
    }) : () -> ()
    %mul3A_24 = arith.constant 640 : i32
    %mul3A_25 = arith.muli %arg1, %mul3A_24 : i32
    %add3A_26 = arith.constant 512 : i32
    %add3A_27 = arith.addi %mul3A_25, %add3A_26 : i32
    "tpu.region"() ({
      %run_scoped3A = tpu.sem_alloc : memref<!tpu.dma_semaphore, #tpu.memory_space<semaphore_mem>>
      %dma_start3A_82 = arith.constant 0 : i32
      %dma_start3A_83 = tpu.memref_slice %arg6[%add3A_27, %dma_start3A_82] : memref<10240x128xf32, #tpu.memory_space<vmem_shared>> -> memref<128x128xf32, #tpu.memory_space<vmem_shared>>
      %dma_start3A_84 = arith.constant 0 : i32
      %dma_start3A_85 = tpu.memref_slice %arg6[%add3A_27, %dma_start3A_84] : memref<10240x128xf32, #tpu.memory_space<vmem_shared>> -> memref<128x128xf32, #tpu.memory_space<vmem_shared>>
      tpu.enqueue_dma source(%arg9 : memref<128x128xf32, #tpu.memory_space<vmem>>) target(%dma_start3A_85 : memref<128x128xf32, #tpu.memory_space<vmem_shared>>) target_semaphore(%run_scoped3A : memref<!tpu.dma_semaphore, #tpu.memory_space<semaphore_mem>>)
      %dma_wait3A = arith.constant 0 : i32
      %dma_wait3A_86 = tpu.memref_slice %arg6[%add3A_27, %dma_wait3A] : memref<10240x128xf32, #tpu.memory_space<vmem_shared>> -> memref<128x128xf32, #tpu.memory_space<vmem_shared>>
      %dma_wait3A_87 = arith.constant 0 : i32
      %dma_wait3A_88 = tpu.memref_slice %arg6[%add3A_27, %dma_wait3A_87] : memref<10240x128xf32, #tpu.memory_space<vmem_shared>> -> memref<128x128xf32, #tpu.memory_space<vmem_shared>>
      tpu.wait_dma2 semaphore(%run_scoped3A : memref<!tpu.dma_semaphore, #tpu.memory_space<semaphore_mem>>) src(%arg9 : memref<128x128xf32, #tpu.memory_space<vmem>>) dst(%dma_wait3A_88 : memref<128x128xf32, #tpu.memory_space<vmem_shared>>)
      tpu.yield
    }) : () -> ()
    %barrier3A = arith.constant 0 : index
    tpu.barrier barrier_id(%barrier3A)
    %mul3A_28 = arith.constant 80 : i32
    %mul3A_29 = arith.muli %add3A, %mul3A_28 : i32
    %add3A_30 = arith.constant 0 : i32
    %add3A_31 = arith.addi %mul3A_29, %add3A_30 : i32
    "tpu.region"() ({
      %run_scoped3A = tpu.sem_alloc : memref<!tpu.dma_semaphore, #tpu.memory_space<semaphore_mem>>
      %dma_start3A_82 = arith.constant 0 : i32
      %dma_start3A_83 = tpu.memref_slice %arg3[%add3A_31, %dma_start3A_82] : memref<2560x128xi32, #tpu.memory_space<hbm>> -> memref<40x128xi32, #tpu.memory_space<hbm>>
      %dma_start3A_84 = arith.constant 0 : i32
      %dma_start3A_85 = tpu.memref_slice %arg3[%add3A_31, %dma_start3A_84] : memref<2560x128xi32, #tpu.memory_space<hbm>> -> memref<40x128xi32, #tpu.memory_space<hbm>>
      tpu.enqueue_dma source(%dma_start3A_85 : memref<40x128xi32, #tpu.memory_space<hbm>>) target(%arg7 : memref<40x128xi32, #tpu.memory_space<vmem>>) target_semaphore(%run_scoped3A : memref<!tpu.dma_semaphore, #tpu.memory_space<semaphore_mem>>)
      %dma_wait3A = arith.constant 0 : i32
      %dma_wait3A_86 = tpu.memref_slice %arg3[%add3A_31, %dma_wait3A] : memref<2560x128xi32, #tpu.memory_space<hbm>> -> memref<40x128xi32, #tpu.memory_space<hbm>>
      %dma_wait3A_87 = arith.constant 0 : i32
      %dma_wait3A_88 = tpu.memref_slice %arg3[%add3A_31, %dma_wait3A_87] : memref<2560x128xi32, #tpu.memory_space<hbm>> -> memref<40x128xi32, #tpu.memory_space<hbm>>
      tpu.wait_dma2 semaphore(%run_scoped3A : memref<!tpu.dma_semaphore, #tpu.memory_space<semaphore_mem>>) src(%dma_wait3A_88 : memref<40x128xi32, #tpu.memory_space<hbm>>) dst(%arg7 : memref<40x128xi32, #tpu.memory_space<vmem>>)
      tpu.yield
    }) : () -> ()
    "tpu.region"() ({
      %run_scoped3A = tpu.sem_alloc : memref<!tpu.dma_semaphore, #tpu.memory_space<semaphore_mem>>
      %dma_start3A_82 = arith.constant 0 : i32
      %dma_start3A_83 = tpu.memref_slice %arg4[%add3A_31, %dma_start3A_82] : memref<2560x128xi32, #tpu.memory_space<hbm>> -> memref<40x128xi32, #tpu.memory_space<hbm>>
      %dma_start3A_84 = arith.constant 0 : i32
      %dma_start3A_85 = tpu.memref_slice %arg4[%add3A_31, %dma_start3A_84] : memref<2560x128xi32, #tpu.memory_space<hbm>> -> memref<40x128xi32, #tpu.memory_space<hbm>>
      tpu.enqueue_dma source(%dma_start3A_85 : memref<40x128xi32, #tpu.memory_space<hbm>>) target(%arg8 : memref<40x128xi32, #tpu.memory_space<vmem>>) target_semaphore(%run_scoped3A : memref<!tpu.dma_semaphore, #tpu.memory_space<semaphore_mem>>)
      %dma_wait3A = arith.constant 0 : i32
      %dma_wait3A_86 = tpu.memref_slice %arg4[%add3A_31, %dma_wait3A] : memref<2560x128xi32, #tpu.memory_space<hbm>> -> memref<40x128xi32, #tpu.memory_space<hbm>>
      %dma_wait3A_87 = arith.constant 0 : i32
      %dma_wait3A_88 = tpu.memref_slice %arg4[%add3A_31, %dma_wait3A_87] : memref<2560x128xi32, #tpu.memory_space<hbm>> -> memref<40x128xi32, #tpu.memory_space<hbm>>
      tpu.wait_dma2 semaphore(%run_scoped3A : memref<!tpu.dma_semaphore, #tpu.memory_space<semaphore_mem>>) src(%dma_wait3A_88 : memref<40x128xi32, #tpu.memory_space<hbm>>) dst(%arg8 : memref<40x128xi32, #tpu.memory_space<vmem>>)
      tpu.yield
    }) : () -> ()
    %dma_start3A = arith.constant 0 : i32
    %dma_start3A_32 = arith.constant 0 : i32
    %dma_start3A_33 = tpu.memref_slice %arg7[%dma_start3A, %dma_start3A_32] : memref<40x128xi32, #tpu.memory_space<vmem>> -> memref<1x128xi32, #tpu.memory_space<vmem>>
    %dma_start3A_34 = tpu.memref_squeeze %dma_start3A_33 : memref<1x128xi32, #tpu.memory_space<vmem>> -> memref<128xi32, #tpu.memory_space<vmem>>
    %dma_start3A_35 = arith.constant 0 : i32
    %dma_start3A_36 = arith.constant 0 : i32
    %dma_start3A_37 = tpu.memref_slice %arg2[%dma_start3A_35, %dma_start3A_36] : memref<10000x128xf32, #tpu.memory_space<hbm>> -> memref<10000x128xf32, #tpu.memory_space<hbm>>
    tpu.enqueue_indirect_dma source(%dma_start3A_37 : memref<10000x128xf32, #tpu.memory_space<hbm>>) target(%arg9 : memref<128x128xf32, #tpu.memory_space<vmem>>) offsets(%dma_start3A_34 : memref<128xi32, #tpu.memory_space<vmem>>) semaphore(%arg11 : memref<!tpu.dma_semaphore, #tpu.memory_space<semaphore_mem>>)
    %dma_start3A_38 = arith.constant 1 : i32
    %dma_start3A_39 = arith.constant 0 : i32
    %dma_start3A_40 = tpu.memref_slice %arg7[%dma_start3A_38, %dma_start3A_39] : memref<40x128xi32, #tpu.memory_space<vmem>> -> memref<1x128xi32, #tpu.memory_space<vmem>>
    %dma_start3A_41 = tpu.memref_squeeze %dma_start3A_40 : memref<1x128xi32, #tpu.memory_space<vmem>> -> memref<128xi32, #tpu.memory_space<vmem>>
    %dma_start3A_42 = arith.constant 0 : i32
    %dma_start3A_43 = arith.constant 0 : i32
    %dma_start3A_44 = tpu.memref_slice %arg2[%dma_start3A_42, %dma_start3A_43] : memref<10000x128xf32, #tpu.memory_space<hbm>> -> memref<10000x128xf32, #tpu.memory_space<hbm>>
    tpu.enqueue_indirect_dma source(%dma_start3A_44 : memref<10000x128xf32, #tpu.memory_space<hbm>>) target(%arg10 : memref<128x128xf32, #tpu.memory_space<vmem>>) offsets(%dma_start3A_41 : memref<128xi32, #tpu.memory_space<vmem>>) semaphore(%arg12 : memref<!tpu.dma_semaphore, #tpu.memory_space<semaphore_mem>>)
    %scan3A_45 = arith.constant 0 : i32
    %scan3A_46 = arith.constant 0 : i32
    %scan3A_47 = arith.constant 20 : i32
    %scan3A_48 = arith.addi %scan3A_46, %scan3A_47 : i32
    %scan3A_49 = arith.constant 1 : i32
    %scan3A_50 = scf.for %scan3A_82 = %scan3A_46 to %scan3A_48 step %scan3A_49 iter_args(%scan3A_83 = %scan3A_45) -> (i32)  : i32 {
      %mul3A_84 = arith.constant 2 : i32
      %mul3A_85 = arith.muli %scan3A_82, %mul3A_84 : i32
      %add3A_86 = arith.constant 0 : i32
      %add3A_87 = arith.addi %mul3A_85, %add3A_86 : i32
      %dma_wait3A = arith.constant 0 : i32
      %dma_wait3A_88 = arith.constant 0 : i32
      %dma_wait3A_89 = tpu.memref_slice %arg2[%dma_wait3A, %dma_wait3A_88] : memref<10000x128xf32, #tpu.memory_space<hbm>> -> memref<128x128xf32, #tpu.memory_space<hbm>>
      %dma_wait3A_90 = arith.constant 0 : i32
      %dma_wait3A_91 = arith.constant 0 : i32
      %dma_wait3A_92 = tpu.memref_slice %arg2[%dma_wait3A_90, %dma_wait3A_91] : memref<10000x128xf32, #tpu.memory_space<hbm>> -> memref<128x128xf32, #tpu.memory_space<hbm>>
      tpu.wait_dma2 semaphore(%arg11 : memref<!tpu.dma_semaphore, #tpu.memory_space<semaphore_mem>>) src(%dma_wait3A_92 : memref<128x128xf32, #tpu.memory_space<hbm>>) dst(%arg9 : memref<128x128xf32, #tpu.memory_space<vmem>>)
      "tpu.region"() ({
        %run_scoped3A = tpu.sem_alloc : memref<!tpu.dma_semaphore, #tpu.memory_space<semaphore_mem>>
        %dma_start3A_115 = arith.constant 0 : i32
        %dma_start3A_116 = tpu.memref_slice %arg8[%add3A_87, %dma_start3A_115] : memref<40x128xi32, #tpu.memory_space<vmem>> -> memref<1x128xi32, #tpu.memory_space<vmem>>
        %dma_start3A_117 = tpu.memref_squeeze %dma_start3A_116 : memref<1x128xi32, #tpu.memory_space<vmem>> -> memref<128xi32, #tpu.memory_space<vmem>>
        %dma_start3A_118 = arith.constant 0 : i32
        %dma_start3A_119 = arith.constant 0 : i32
        %dma_start3A_120 = tpu.memref_slice %arg6[%dma_start3A_118, %dma_start3A_119] : memref<10240x128xf32, #tpu.memory_space<vmem_shared>> -> memref<10240x128xf32, #tpu.memory_space<vmem_shared>>
        tpu.enqueue_indirect_dma source(%arg9 : memref<128x128xf32, #tpu.memory_space<vmem>>) target(%dma_start3A_120 : memref<10240x128xf32, #tpu.memory_space<vmem_shared>>) offsets(%dma_start3A_117 : memref<128xi32, #tpu.memory_space<vmem>>) semaphore(%run_scoped3A : memref<!tpu.dma_semaphore, #tpu.memory_space<semaphore_mem>>) {add = true}
        %dma_wait3A_121 = arith.constant 0 : i32
        %dma_wait3A_122 = tpu.memref_slice %arg8[%add3A_87, %dma_wait3A_121] : memref<40x128xi32, #tpu.memory_space<vmem>> -> memref<1x128xi32, #tpu.memory_space<vmem>>
        %dma_wait3A_123 = tpu.memref_squeeze %dma_wait3A_122 : memref<1x128xi32, #tpu.memory_space<vmem>> -> memref<128xi32, #tpu.memory_space<vmem>>
        %dma_wait3A_124 = arith.constant 0 : i32
        %dma_wait3A_125 = arith.constant 0 : i32
        %dma_wait3A_126 = tpu.memref_slice %arg6[%dma_wait3A_124, %dma_wait3A_125] : memref<10240x128xf32, #tpu.memory_space<vmem_shared>> -> memref<10240x128xf32, #tpu.memory_space<vmem_shared>>
        tpu.wait_indirect_dma semaphore(%run_scoped3A : memref<!tpu.dma_semaphore, #tpu.memory_space<semaphore_mem>>) src(%arg9 : memref<128x128xf32, #tpu.memory_space<vmem>>) dst(%dma_wait3A_126 : memref<10240x128xf32, #tpu.memory_space<vmem_shared>>)
        tpu.yield
      }) : () -> ()
      %add3A_93 = arith.constant 2 : i32
      %add3A_94 = arith.addi %add3A_87, %add3A_93 : i32
      %lt3A = arith.constant 40 : i32
      %lt3A_95 = arith.cmpi slt, %add3A_94, %lt3A : i32
      %convert_element_type3A = arith.extui %lt3A_95 : i1 to i32
      %cond3A = arith.constant 0 : i32
      %cond3A_96 = arith.cmpi ne, %convert_element_type3A, %cond3A : i32
      scf.if %cond3A_96 {
        %add3A_115 = arith.constant 2 : i32
        %add3A_116 = arith.addi %add3A_87, %add3A_115 : i32
        %dma_start3A_117 = arith.constant 0 : i32
        %dma_start3A_118 = tpu.memref_slice %arg7[%add3A_116, %dma_start3A_117] : memref<40x128xi32, #tpu.memory_space<vmem>> -> memref<1x128xi32, #tpu.memory_space<vmem>>
        %dma_start3A_119 = tpu.memref_squeeze %dma_start3A_118 : memref<1x128xi32, #tpu.memory_space<vmem>> -> memref<128xi32, #tpu.memory_space<vmem>>
        %dma_start3A_120 = arith.constant 0 : i32
        %dma_start3A_121 = arith.constant 0 : i32
        %dma_start3A_122 = tpu.memref_slice %arg2[%dma_start3A_120, %dma_start3A_121] : memref<10000x128xf32, #tpu.memory_space<hbm>> -> memref<10000x128xf32, #tpu.memory_space<hbm>>
        tpu.enqueue_indirect_dma source(%dma_start3A_122 : memref<10000x128xf32, #tpu.memory_space<hbm>>) target(%arg9 : memref<128x128xf32, #tpu.memory_space<vmem>>) offsets(%dma_start3A_119 : memref<128xi32, #tpu.memory_space<vmem>>) semaphore(%arg11 : memref<!tpu.dma_semaphore, #tpu.memory_space<semaphore_mem>>)
      } else {
      }
      %mul3A_97 = arith.constant 2 : i32
      %mul3A_98 = arith.muli %scan3A_82, %mul3A_97 : i32
      %add3A_99 = arith.constant 1 : i32
      %add3A_100 = arith.addi %mul3A_98, %add3A_99 : i32
      %dma_wait3A_101 = arith.constant 0 : i32
      %dma_wait3A_102 = arith.constant 0 : i32
      %dma_wait3A_103 = tpu.memref_slice %arg2[%dma_wait3A_101, %dma_wait3A_102] : memref<10000x128xf32, #tpu.memory_space<hbm>> -> memref<128x128xf32, #tpu.memory_space<hbm>>
      %dma_wait3A_104 = arith.constant 0 : i32
      %dma_wait3A_105 = arith.constant 0 : i32
      %dma_wait3A_106 = tpu.memref_slice %arg2[%dma_wait3A_104, %dma_wait3A_105] : memref<10000x128xf32, #tpu.memory_space<hbm>> -> memref<128x128xf32, #tpu.memory_space<hbm>>
      tpu.wait_dma2 semaphore(%arg12 : memref<!tpu.dma_semaphore, #tpu.memory_space<semaphore_mem>>) src(%dma_wait3A_106 : memref<128x128xf32, #tpu.memory_space<hbm>>) dst(%arg10 : memref<128x128xf32, #tpu.memory_space<vmem>>)
      "tpu.region"() ({
        %run_scoped3A = tpu.sem_alloc : memref<!tpu.dma_semaphore, #tpu.memory_space<semaphore_mem>>
        %dma_start3A_115 = arith.constant 0 : i32
        %dma_start3A_116 = tpu.memref_slice %arg8[%add3A_100, %dma_start3A_115] : memref<40x128xi32, #tpu.memory_space<vmem>> -> memref<1x128xi32, #tpu.memory_space<vmem>>
        %dma_start3A_117 = tpu.memref_squeeze %dma_start3A_116 : memref<1x128xi32, #tpu.memory_space<vmem>> -> memref<128xi32, #tpu.memory_space<vmem>>
        %dma_start3A_118 = arith.constant 0 : i32
        %dma_start3A_119 = arith.constant 0 : i32
        %dma_start3A_120 = tpu.memref_slice %arg6[%dma_start3A_118, %dma_start3A_119] : memref<10240x128xf32, #tpu.memory_space<vmem_shared>> -> memref<10240x128xf32, #tpu.memory_space<vmem_shared>>
        tpu.enqueue_indirect_dma source(%arg10 : memref<128x128xf32, #tpu.memory_space<vmem>>) target(%dma_start3A_120 : memref<10240x128xf32, #tpu.memory_space<vmem_shared>>) offsets(%dma_start3A_117 : memref<128xi32, #tpu.memory_space<vmem>>) semaphore(%run_scoped3A : memref<!tpu.dma_semaphore, #tpu.memory_space<semaphore_mem>>) {add = true}
        %dma_wait3A_121 = arith.constant 0 : i32
        %dma_wait3A_122 = tpu.memref_slice %arg8[%add3A_100, %dma_wait3A_121] : memref<40x128xi32, #tpu.memory_space<vmem>> -> memref<1x128xi32, #tpu.memory_space<vmem>>
        %dma_wait3A_123 = tpu.memref_squeeze %dma_wait3A_122 : memref<1x128xi32, #tpu.memory_space<vmem>> -> memref<128xi32, #tpu.memory_space<vmem>>
        %dma_wait3A_124 = arith.constant 0 : i32
        %dma_wait3A_125 = arith.constant 0 : i32
        %dma_wait3A_126 = tpu.memref_slice %arg6[%dma_wait3A_124, %dma_wait3A_125] : memref<10240x128xf32, #tpu.memory_space<vmem_shared>> -> memref<10240x128xf32, #tpu.memory_space<vmem_shared>>
        tpu.wait_indirect_dma semaphore(%run_scoped3A : memref<!tpu.dma_semaphore, #tpu.memory_space<semaphore_mem>>) src(%arg10 : memref<128x128xf32, #tpu.memory_space<vmem>>) dst(%dma_wait3A_126 : memref<10240x128xf32, #tpu.memory_space<vmem_shared>>)
        tpu.yield
      }) : () -> ()
      %add3A_107 = arith.constant 2 : i32
      %add3A_108 = arith.addi %add3A_100, %add3A_107 : i32
      %lt3A_109 = arith.constant 40 : i32
      %lt3A_110 = arith.cmpi slt, %add3A_108, %lt3A_109 : i32
      %convert_element_type3A_111 = arith.extui %lt3A_110 : i1 to i32
      %cond3A_112 = arith.constant 0 : i32
      %cond3A_113 = arith.cmpi ne, %convert_element_type3A_111, %cond3A_112 : i32
      scf.if %cond3A_113 {
        %add3A_115 = arith.constant 2 : i32
        %add3A_116 = arith.addi %add3A_100, %add3A_115 : i32
        %dma_start3A_117 = arith.constant 0 : i32
        %dma_start3A_118 = tpu.memref_slice %arg7[%add3A_116, %dma_start3A_117] : memref<40x128xi32, #tpu.memory_space<vmem>> -> memref<1x128xi32, #tpu.memory_space<vmem>>
        %dma_start3A_119 = tpu.memref_squeeze %dma_start3A_118 : memref<1x128xi32, #tpu.memory_space<vmem>> -> memref<128xi32, #tpu.memory_space<vmem>>
        %dma_start3A_120 = arith.constant 0 : i32
        %dma_start3A_121 = arith.constant 0 : i32
        %dma_start3A_122 = tpu.memref_slice %arg2[%dma_start3A_120, %dma_start3A_121] : memref<10000x128xf32, #tpu.memory_space<hbm>> -> memref<10000x128xf32, #tpu.memory_space<hbm>>
        tpu.enqueue_indirect_dma source(%dma_start3A_122 : memref<10000x128xf32, #tpu.memory_space<hbm>>) target(%arg10 : memref<128x128xf32, #tpu.memory_space<vmem>>) offsets(%dma_start3A_119 : memref<128xi32, #tpu.memory_space<vmem>>) semaphore(%arg12 : memref<!tpu.dma_semaphore, #tpu.memory_space<semaphore_mem>>)
      } else {
      }
      %scan3A_114 = arith.constant 0 : i32
      scf.yield %scan3A_114 : i32
    }
    %scan3A_51 = arith.constant 20 : i32
    %mul3A_52 = arith.constant 80 : i32
    %mul3A_53 = arith.muli %add3A, %mul3A_52 : i32
    %add3A_54 = arith.constant 40 : i32
    %add3A_55 = arith.addi %mul3A_53, %add3A_54 : i32
    "tpu.region"() ({
      %run_scoped3A = tpu.sem_alloc : memref<!tpu.dma_semaphore, #tpu.memory_space<semaphore_mem>>
      %dma_start3A_82 = arith.constant 0 : i32
      %dma_start3A_83 = tpu.memref_slice %arg3[%add3A_55, %dma_start3A_82] : memref<2560x128xi32, #tpu.memory_space<hbm>> -> memref<40x128xi32, #tpu.memory_space<hbm>>
      %dma_start3A_84 = arith.constant 0 : i32
      %dma_start3A_85 = tpu.memref_slice %arg3[%add3A_55, %dma_start3A_84] : memref<2560x128xi32, #tpu.memory_space<hbm>> -> memref<40x128xi32, #tpu.memory_space<hbm>>
      tpu.enqueue_dma source(%dma_start3A_85 : memref<40x128xi32, #tpu.memory_space<hbm>>) target(%arg7 : memref<40x128xi32, #tpu.memory_space<vmem>>) target_semaphore(%run_scoped3A : memref<!tpu.dma_semaphore, #tpu.memory_space<semaphore_mem>>)
      %dma_wait3A = arith.constant 0 : i32
      %dma_wait3A_86 = tpu.memref_slice %arg3[%add3A_55, %dma_wait3A] : memref<2560x128xi32, #tpu.memory_space<hbm>> -> memref<40x128xi32, #tpu.memory_space<hbm>>
      %dma_wait3A_87 = arith.constant 0 : i32
      %dma_wait3A_88 = tpu.memref_slice %arg3[%add3A_55, %dma_wait3A_87] : memref<2560x128xi32, #tpu.memory_space<hbm>> -> memref<40x128xi32, #tpu.memory_space<hbm>>
      tpu.wait_dma2 semaphore(%run_scoped3A : memref<!tpu.dma_semaphore, #tpu.memory_space<semaphore_mem>>) src(%dma_wait3A_88 : memref<40x128xi32, #tpu.memory_space<hbm>>) dst(%arg7 : memref<40x128xi32, #tpu.memory_space<vmem>>)
      tpu.yield
    }) : () -> ()
    "tpu.region"() ({
      %run_scoped3A = tpu.sem_alloc : memref<!tpu.dma_semaphore, #tpu.memory_space<semaphore_mem>>
      %dma_start3A_82 = arith.constant 0 : i32
      %dma_start3A_83 = tpu.memref_slice %arg4[%add3A_55, %dma_start3A_82] : memref<2560x128xi32, #tpu.memory_space<hbm>> -> memref<40x128xi32, #tpu.memory_space<hbm>>
      %dma_start3A_84 = arith.constant 0 : i32
      %dma_start3A_85 = tpu.memref_slice %arg4[%add3A_55, %dma_start3A_84] : memref<2560x128xi32, #tpu.memory_space<hbm>> -> memref<40x128xi32, #tpu.memory_space<hbm>>
      tpu.enqueue_dma source(%dma_start3A_85 : memref<40x128xi32, #tpu.memory_space<hbm>>) target(%arg8 : memref<40x128xi32, #tpu.memory_space<vmem>>) target_semaphore(%run_scoped3A : memref<!tpu.dma_semaphore, #tpu.memory_space<semaphore_mem>>)
      %dma_wait3A = arith.constant 0 : i32
      %dma_wait3A_86 = tpu.memref_slice %arg4[%add3A_55, %dma_wait3A] : memref<2560x128xi32, #tpu.memory_space<hbm>> -> memref<40x128xi32, #tpu.memory_space<hbm>>
      %dma_wait3A_87 = arith.constant 0 : i32
      %dma_wait3A_88 = tpu.memref_slice %arg4[%add3A_55, %dma_wait3A_87] : memref<2560x128xi32, #tpu.memory_space<hbm>> -> memref<40x128xi32, #tpu.memory_space<hbm>>
      tpu.wait_dma2 semaphore(%run_scoped3A : memref<!tpu.dma_semaphore, #tpu.memory_space<semaphore_mem>>) src(%dma_wait3A_88 : memref<40x128xi32, #tpu.memory_space<hbm>>) dst(%arg8 : memref<40x128xi32, #tpu.memory_space<vmem>>)
      tpu.yield
    }) : () -> ()
    %dma_start3A_56 = arith.constant 0 : i32
    %dma_start3A_57 = arith.constant 0 : i32
    %dma_start3A_58 = tpu.memref_slice %arg7[%dma_start3A_56, %dma_start3A_57] : memref<40x128xi32, #tpu.memory_space<vmem>> -> memref<1x128xi32, #tpu.memory_space<vmem>>
    %dma_start3A_59 = tpu.memref_squeeze %dma_start3A_58 : memref<1x128xi32, #tpu.memory_space<vmem>> -> memref<128xi32, #tpu.memory_space<vmem>>
    %dma_start3A_60 = arith.constant 0 : i32
    %dma_start3A_61 = arith.constant 0 : i32
    %dma_start3A_62 = tpu.memref_slice %arg2[%dma_start3A_60, %dma_start3A_61] : memref<10000x128xf32, #tpu.memory_space<hbm>> -> memref<10000x128xf32, #tpu.memory_space<hbm>>
    tpu.enqueue_indirect_dma source(%dma_start3A_62 : memref<10000x128xf32, #tpu.memory_space<hbm>>) target(%arg9 : memref<128x128xf32, #tpu.memory_space<vmem>>) offsets(%dma_start3A_59 : memref<128xi32, #tpu.memory_space<vmem>>) semaphore(%arg11 : memref<!tpu.dma_semaphore, #tpu.memory_space<semaphore_mem>>)
    %dma_start3A_63 = arith.constant 1 : i32
    %dma_start3A_64 = arith.constant 0 : i32
    %dma_start3A_65 = tpu.memref_slice %arg7[%dma_start3A_63, %dma_start3A_64] : memref<40x128xi32, #tpu.memory_space<vmem>> -> memref<1x128xi32, #tpu.memory_space<vmem>>
    %dma_start3A_66 = tpu.memref_squeeze %dma_start3A_65 : memref<1x128xi32, #tpu.memory_space<vmem>> -> memref<128xi32, #tpu.memory_space<vmem>>
    %dma_start3A_67 = arith.constant 0 : i32
    %dma_start3A_68 = arith.constant 0 : i32
    %dma_start3A_69 = tpu.memref_slice %arg2[%dma_start3A_67, %dma_start3A_68] : memref<10000x128xf32, #tpu.memory_space<hbm>> -> memref<10000x128xf32, #tpu.memory_space<hbm>>
    tpu.enqueue_indirect_dma source(%dma_start3A_69 : memref<10000x128xf32, #tpu.memory_space<hbm>>) target(%arg10 : memref<128x128xf32, #tpu.memory_space<vmem>>) offsets(%dma_start3A_66 : memref<128xi32, #tpu.memory_space<vmem>>) semaphore(%arg12 : memref<!tpu.dma_semaphore, #tpu.memory_space<semaphore_mem>>)
    %scan3A_70 = arith.constant 0 : i32
    %scan3A_71 = arith.constant 0 : i32
    %scan3A_72 = arith.constant 20 : i32
    %scan3A_73 = arith.addi %scan3A_71, %scan3A_72 : i32
    %scan3A_74 = arith.constant 1 : i32
    %scan3A_75 = scf.for %scan3A_82 = %scan3A_71 to %scan3A_73 step %scan3A_74 iter_args(%scan3A_83 = %scan3A_70) -> (i32)  : i32 {
      %mul3A_84 = arith.constant 2 : i32
      %mul3A_85 = arith.muli %scan3A_82, %mul3A_84 : i32
      %add3A_86 = arith.constant 0 : i32
      %add3A_87 = arith.addi %mul3A_85, %add3A_86 : i32
      %dma_wait3A = arith.constant 0 : i32
      %dma_wait3A_88 = arith.constant 0 : i32
      %dma_wait3A_89 = tpu.memref_slice %arg2[%dma_wait3A, %dma_wait3A_88] : memref<10000x128xf32, #tpu.memory_space<hbm>> -> memref<128x128xf32, #tpu.memory_space<hbm>>
      %dma_wait3A_90 = arith.constant 0 : i32
      %dma_wait3A_91 = arith.constant 0 : i32
      %dma_wait3A_92 = tpu.memref_slice %arg2[%dma_wait3A_90, %dma_wait3A_91] : memref<10000x128xf32, #tpu.memory_space<hbm>> -> memref<128x128xf32, #tpu.memory_space<hbm>>
      tpu.wait_dma2 semaphore(%arg11 : memref<!tpu.dma_semaphore, #tpu.memory_space<semaphore_mem>>) src(%dma_wait3A_92 : memref<128x128xf32, #tpu.memory_space<hbm>>) dst(%arg9 : memref<128x128xf32, #tpu.memory_space<vmem>>)
      "tpu.region"() ({
        %run_scoped3A = tpu.sem_alloc : memref<!tpu.dma_semaphore, #tpu.memory_space<semaphore_mem>>
        %dma_start3A_115 = arith.constant 0 : i32
        %dma_start3A_116 = tpu.memref_slice %arg8[%add3A_87, %dma_start3A_115] : memref<40x128xi32, #tpu.memory_space<vmem>> -> memref<1x128xi32, #tpu.memory_space<vmem>>
        %dma_start3A_117 = tpu.memref_squeeze %dma_start3A_116 : memref<1x128xi32, #tpu.memory_space<vmem>> -> memref<128xi32, #tpu.memory_space<vmem>>
        %dma_start3A_118 = arith.constant 0 : i32
        %dma_start3A_119 = arith.constant 0 : i32
        %dma_start3A_120 = tpu.memref_slice %arg6[%dma_start3A_118, %dma_start3A_119] : memref<10240x128xf32, #tpu.memory_space<vmem_shared>> -> memref<10240x128xf32, #tpu.memory_space<vmem_shared>>
        tpu.enqueue_indirect_dma source(%arg9 : memref<128x128xf32, #tpu.memory_space<vmem>>) target(%dma_start3A_120 : memref<10240x128xf32, #tpu.memory_space<vmem_shared>>) offsets(%dma_start3A_117 : memref<128xi32, #tpu.memory_space<vmem>>) semaphore(%run_scoped3A : memref<!tpu.dma_semaphore, #tpu.memory_space<semaphore_mem>>) {add = true}
        %dma_wait3A_121 = arith.constant 0 : i32
        %dma_wait3A_122 = tpu.memref_slice %arg8[%add3A_87, %dma_wait3A_121] : memref<40x128xi32, #tpu.memory_space<vmem>> -> memref<1x128xi32, #tpu.memory_space<vmem>>
        %dma_wait3A_123 = tpu.memref_squeeze %dma_wait3A_122 : memref<1x128xi32, #tpu.memory_space<vmem>> -> memref<128xi32, #tpu.memory_space<vmem>>
        %dma_wait3A_124 = arith.constant 0 : i32
        %dma_wait3A_125 = arith.constant 0 : i32
        %dma_wait3A_126 = tpu.memref_slice %arg6[%dma_wait3A_124, %dma_wait3A_125] : memref<10240x128xf32, #tpu.memory_space<vmem_shared>> -> memref<10240x128xf32, #tpu.memory_space<vmem_shared>>
        tpu.wait_indirect_dma semaphore(%run_scoped3A : memref<!tpu.dma_semaphore, #tpu.memory_space<semaphore_mem>>) src(%arg9 : memref<128x128xf32, #tpu.memory_space<vmem>>) dst(%dma_wait3A_126 : memref<10240x128xf32, #tpu.memory_space<vmem_shared>>)
        tpu.yield
      }) : () -> ()
      %add3A_93 = arith.constant 2 : i32
      %add3A_94 = arith.addi %add3A_87, %add3A_93 : i32
      %lt3A = arith.constant 40 : i32
      %lt3A_95 = arith.cmpi slt, %add3A_94, %lt3A : i32
      %convert_element_type3A = arith.extui %lt3A_95 : i1 to i32
      %cond3A = arith.constant 0 : i32
      %cond3A_96 = arith.cmpi ne, %convert_element_type3A, %cond3A : i32
      scf.if %cond3A_96 {
        %add3A_115 = arith.constant 2 : i32
        %add3A_116 = arith.addi %add3A_87, %add3A_115 : i32
        %dma_start3A_117 = arith.constant 0 : i32
        %dma_start3A_118 = tpu.memref_slice %arg7[%add3A_116, %dma_start3A_117] : memref<40x128xi32, #tpu.memory_space<vmem>> -> memref<1x128xi32, #tpu.memory_space<vmem>>
        %dma_start3A_119 = tpu.memref_squeeze %dma_start3A_118 : memref<1x128xi32, #tpu.memory_space<vmem>> -> memref<128xi32, #tpu.memory_space<vmem>>
        %dma_start3A_120 = arith.constant 0 : i32
        %dma_start3A_121 = arith.constant 0 : i32
        %dma_start3A_122 = tpu.memref_slice %arg2[%dma_start3A_120, %dma_start3A_121] : memref<10000x128xf32, #tpu.memory_space<hbm>> -> memref<10000x128xf32, #tpu.memory_space<hbm>>
        tpu.enqueue_indirect_dma source(%dma_start3A_122 : memref<10000x128xf32, #tpu.memory_space<hbm>>) target(%arg9 : memref<128x128xf32, #tpu.memory_space<vmem>>) offsets(%dma_start3A_119 : memref<128xi32, #tpu.memory_space<vmem>>) semaphore(%arg11 : memref<!tpu.dma_semaphore, #tpu.memory_space<semaphore_mem>>)
      } else {
      }
      %mul3A_97 = arith.constant 2 : i32
      %mul3A_98 = arith.muli %scan3A_82, %mul3A_97 : i32
      %add3A_99 = arith.constant 1 : i32
      %add3A_100 = arith.addi %mul3A_98, %add3A_99 : i32
      %dma_wait3A_101 = arith.constant 0 : i32
      %dma_wait3A_102 = arith.constant 0 : i32
      %dma_wait3A_103 = tpu.memref_slice %arg2[%dma_wait3A_101, %dma_wait3A_102] : memref<10000x128xf32, #tpu.memory_space<hbm>> -> memref<128x128xf32, #tpu.memory_space<hbm>>
      %dma_wait3A_104 = arith.constant 0 : i32
      %dma_wait3A_105 = arith.constant 0 : i32
      %dma_wait3A_106 = tpu.memref_slice %arg2[%dma_wait3A_104, %dma_wait3A_105] : memref<10000x128xf32, #tpu.memory_space<hbm>> -> memref<128x128xf32, #tpu.memory_space<hbm>>
      tpu.wait_dma2 semaphore(%arg12 : memref<!tpu.dma_semaphore, #tpu.memory_space<semaphore_mem>>) src(%dma_wait3A_106 : memref<128x128xf32, #tpu.memory_space<hbm>>) dst(%arg10 : memref<128x128xf32, #tpu.memory_space<vmem>>)
      "tpu.region"() ({
        %run_scoped3A = tpu.sem_alloc : memref<!tpu.dma_semaphore, #tpu.memory_space<semaphore_mem>>
        %dma_start3A_115 = arith.constant 0 : i32
        %dma_start3A_116 = tpu.memref_slice %arg8[%add3A_100, %dma_start3A_115] : memref<40x128xi32, #tpu.memory_space<vmem>> -> memref<1x128xi32, #tpu.memory_space<vmem>>
        %dma_start3A_117 = tpu.memref_squeeze %dma_start3A_116 : memref<1x128xi32, #tpu.memory_space<vmem>> -> memref<128xi32, #tpu.memory_space<vmem>>
        %dma_start3A_118 = arith.constant 0 : i32
        %dma_start3A_119 = arith.constant 0 : i32
        %dma_start3A_120 = tpu.memref_slice %arg6[%dma_start3A_118, %dma_start3A_119] : memref<10240x128xf32, #tpu.memory_space<vmem_shared>> -> memref<10240x128xf32, #tpu.memory_space<vmem_shared>>
        tpu.enqueue_indirect_dma source(%arg10 : memref<128x128xf32, #tpu.memory_space<vmem>>) target(%dma_start3A_120 : memref<10240x128xf32, #tpu.memory_space<vmem_shared>>) offsets(%dma_start3A_117 : memref<128xi32, #tpu.memory_space<vmem>>) semaphore(%run_scoped3A : memref<!tpu.dma_semaphore, #tpu.memory_space<semaphore_mem>>) {add = true}
        %dma_wait3A_121 = arith.constant 0 : i32
        %dma_wait3A_122 = tpu.memref_slice %arg8[%add3A_100, %dma_wait3A_121] : memref<40x128xi32, #tpu.memory_space<vmem>> -> memref<1x128xi32, #tpu.memory_space<vmem>>
        %dma_wait3A_123 = tpu.memref_squeeze %dma_wait3A_122 : memref<1x128xi32, #tpu.memory_space<vmem>> -> memref<128xi32, #tpu.memory_space<vmem>>
        %dma_wait3A_124 = arith.constant 0 : i32
        %dma_wait3A_125 = arith.constant 0 : i32
        %dma_wait3A_126 = tpu.memref_slice %arg6[%dma_wait3A_124, %dma_wait3A_125] : memref<10240x128xf32, #tpu.memory_space<vmem_shared>> -> memref<10240x128xf32, #tpu.memory_space<vmem_shared>>
        tpu.wait_indirect_dma semaphore(%run_scoped3A : memref<!tpu.dma_semaphore, #tpu.memory_space<semaphore_mem>>) src(%arg10 : memref<128x128xf32, #tpu.memory_space<vmem>>) dst(%dma_wait3A_126 : memref<10240x128xf32, #tpu.memory_space<vmem_shared>>)
        tpu.yield
      }) : () -> ()
      %add3A_107 = arith.constant 2 : i32
      %add3A_108 = arith.addi %add3A_100, %add3A_107 : i32
      %lt3A_109 = arith.constant 40 : i32
      %lt3A_110 = arith.cmpi slt, %add3A_108, %lt3A_109 : i32
      %convert_element_type3A_111 = arith.extui %lt3A_110 : i1 to i32
      %cond3A_112 = arith.constant 0 : i32
      %cond3A_113 = arith.cmpi ne, %convert_element_type3A_111, %cond3A_112 : i32
      scf.if %cond3A_113 {
        %add3A_115 = arith.constant 2 : i32
        %add3A_116 = arith.addi %add3A_100, %add3A_115 : i32
        %dma_start3A_117 = arith.constant 0 : i32
        %dma_start3A_118 = tpu.memref_slice %arg7[%add3A_116, %dma_start3A_117] : memref<40x128xi32, #tpu.memory_space<vmem>> -> memref<1x128xi32, #tpu.memory_space<vmem>>
        %dma_start3A_119 = tpu.memref_squeeze %dma_start3A_118 : memref<1x128xi32, #tpu.memory_space<vmem>> -> memref<128xi32, #tpu.memory_space<vmem>>
        %dma_start3A_120 = arith.constant 0 : i32
        %dma_start3A_121 = arith.constant 0 : i32
        %dma_start3A_122 = tpu.memref_slice %arg2[%dma_start3A_120, %dma_start3A_121] : memref<10000x128xf32, #tpu.memory_space<hbm>> -> memref<10000x128xf32, #tpu.memory_space<hbm>>
        tpu.enqueue_indirect_dma source(%dma_start3A_122 : memref<10000x128xf32, #tpu.memory_space<hbm>>) target(%arg10 : memref<128x128xf32, #tpu.memory_space<vmem>>) offsets(%dma_start3A_119 : memref<128xi32, #tpu.memory_space<vmem>>) semaphore(%arg12 : memref<!tpu.dma_semaphore, #tpu.memory_space<semaphore_mem>>)
      } else {
      }
      %scan3A_114 = arith.constant 0 : i32
      scf.yield %scan3A_114 : i32
    }
    %scan3A_76 = arith.constant 20 : i32
    %barrier3A_77 = arith.constant 0 : index
    tpu.barrier barrier_id(%barrier3A_77)
    %mul3A_78 = arith.constant 640 : i32
    %mul3A_79 = arith.muli %arg1, %mul3A_78 : i32
    %mul3A_80 = arith.constant 640 : i32
    %mul3A_81 = arith.muli %arg1, %mul3A_80 : i32
    "tpu.region"() ({
      %run_scoped3A = tpu.sem_alloc : memref<!tpu.dma_semaphore, #tpu.memory_space<semaphore_mem>>
      %dma_start3A_82 = arith.constant 0 : i32
      %dma_start3A_83 = tpu.memref_slice %arg5[%arg0, %mul3A_81, %dma_start3A_82] : memref<2x10240x128xf32, #tpu.memory_space<hbm>> -> memref<1x640x128xf32, #tpu.memory_space<hbm>>
      %dma_start3A_84 = tpu.memref_squeeze %dma_start3A_83 : memref<1x640x128xf32, #tpu.memory_space<hbm>> -> memref<640x128xf32, #tpu.memory_space<hbm>>
      %dma_start3A_85 = arith.constant 0 : i32
      %dma_start3A_86 = tpu.memref_slice %arg6[%mul3A_79, %dma_start3A_85] : memref<10240x128xf32, #tpu.memory_space<vmem_shared>> -> memref<640x128xf32, #tpu.memory_space<vmem_shared>>
      tpu.enqueue_dma source(%dma_start3A_86 : memref<640x128xf32, #tpu.memory_space<vmem_shared>>) target(%dma_start3A_84 : memref<640x128xf32, #tpu.memory_space<hbm>>) target_semaphore(%run_scoped3A : memref<!tpu.dma_semaphore, #tpu.memory_space<semaphore_mem>>)
      %dma_wait3A = arith.constant 0 : i32
      %dma_wait3A_87 = tpu.memref_slice %arg5[%arg0, %mul3A_81, %dma_wait3A] : memref<2x10240x128xf32, #tpu.memory_space<hbm>> -> memref<1x640x128xf32, #tpu.memory_space<hbm>>
      %dma_wait3A_88 = tpu.memref_squeeze %dma_wait3A_87 : memref<1x640x128xf32, #tpu.memory_space<hbm>> -> memref<640x128xf32, #tpu.memory_space<hbm>>
      %dma_wait3A_89 = arith.constant 0 : i32
      %dma_wait3A_90 = tpu.memref_slice %arg6[%mul3A_79, %dma_wait3A_89] : memref<10240x128xf32, #tpu.memory_space<vmem_shared>> -> memref<640x128xf32, #tpu.memory_space<vmem_shared>>
      tpu.wait_dma2 semaphore(%run_scoped3A : memref<!tpu.dma_semaphore, #tpu.memory_space<semaphore_mem>>) src(%dma_wait3A_90 : memref<640x128xf32, #tpu.memory_space<vmem_shared>>) dst(%dma_wait3A_88 : memref<640x128xf32, #tpu.memory_space<hbm>>)
      tpu.yield
    }) : () -> ()
    return
  }
}

#map = affine_map<(d0, d1) -> (0, 0)>
#map1 = affine_map<(d0, d1) -> (0, 0, 0)>
module attributes {stable_mosaic.version = 14 : i64} {
  func.func @_sc_agg_body(%arg0: i32, %arg1: i32, %arg2: memref<10000x128xf32, #tpu.memory_space<hbm>>, %arg3: memref<2560x128xi32, #tpu.memory_space<hbm>>, %arg4: memref<2560x128xi32, #tpu.memory_space<hbm>>, %arg5: memref<2x10240x128xf32, #tpu.memory_space<hbm>>, %arg6: memref<10240x128xf32, #tpu.memory_space<vmem_shared>>, %arg7: memref<40x128xi32, #tpu.memory_space<vmem>>, %arg8: memref<40x128xi32, #tpu.memory_space<vmem>>, %arg9: memref<128x128xf32, #tpu.memory_space<vmem>>, %arg10: memref<128x128xf32, #tpu.memory_space<vmem>>, %arg11: memref<!tpu.dma_semaphore, #tpu.memory_space<semaphore_mem>>, %arg12: memref<!tpu.dma_semaphore, #tpu.memory_space<semaphore_mem>>) attributes {dimension_semantics = [#tpu.dimension_semantics<core_parallel>, #tpu.dimension_semantics<subcore_parallel>], iteration_bounds = array<i64: 2, 16>, scalar_prefetch = 0 : i64, scratch_operands = 7 : i64, tpu.core_type = #tpu.core_type<sc_vector_subcore>, window_params = [{transform_indices = #map}, {transform_indices = #map}, {transform_indices = #map}, {transform_indices = #map1}]} {
    %mul3A = arith.constant 2 : i32
    %mul3A_0 = arith.muli %arg1, %mul3A : i32
    %add3A = arith.addi %mul3A_0, %arg0 : i32
    %broadcast_in_dim3A = arith.constant 0.000000e+00 : f32
    %broadcast_in_dim3A_1 = vector.broadcast %broadcast_in_dim3A : f32 to vector<16xf32>
    %scan3A = arith.constant 0 : i32
    %scan3A_2 = arith.constant 0 : i32
    %scan3A_3 = arith.constant 128 : i32
    %scan3A_4 = arith.addi %scan3A_2, %scan3A_3 : i32
    %scan3A_5 = arith.constant 1 : i32
    %scan3A_6 = scf.for %scan3A_82 = %scan3A_2 to %scan3A_4 step %scan3A_5 iter_args(%scan3A_83 = %scan3A) -> (i32)  : i32 {
      %swap3A = arith.index_cast %scan3A_82 : i32 to index
      %swap3A_84 = arith.constant 0 : index
      %swap3A_85 = tpu.vector_load %arg9[%swap3A, %swap3A_84] {strides = array<i32>} : memref<128x128xf32, #tpu.memory_space<vmem>>, vector<1x16xf32>,
      %swap3A_86 = vector.shape_cast %swap3A_85 : vector<1x16xf32> to vector<16xf32>
      %swap3A_87 = vector.shape_cast %broadcast_in_dim3A_1 : vector<16xf32> to vector<1x16xf32>
      tpu.vector_store %arg9[%swap3A, %swap3A_84], %swap3A_87 {strides = array<i32>} : memref<128x128xf32, #tpu.memory_space<vmem>>, vector<1x16xf32>,
      %swap3A_88 = arith.index_cast %scan3A_82 : i32 to index
      %swap3A_89 = arith.constant 16 : index
      %swap3A_90 = tpu.vector_load %arg9[%swap3A_88, %swap3A_89] {strides = array<i32>} : memref<128x128xf32, #tpu.memory_space<vmem>>, vector<1x16xf32>,
      %swap3A_91 = vector.shape_cast %swap3A_90 : vector<1x16xf32> to vector<16xf32>
      %swap3A_92 = vector.shape_cast %broadcast_in_dim3A_1 : vector<16xf32> to vector<1x16xf32>
      tpu.vector_store %arg9[%swap3A_88, %swap3A_89], %swap3A_92 {strides = array<i32>} : memref<128x128xf32, #tpu.memory_space<vmem>>, vector<1x16xf32>,
      %swap3A_93 = arith.index_cast %scan3A_82 : i32 to index
      %swap3A_94 = arith.constant 32 : index
      %swap3A_95 = tpu.vector_load %arg9[%swap3A_93, %swap3A_94] {strides = array<i32>} : memref<128x128xf32, #tpu.memory_space<vmem>>, vector<1x16xf32>,
      %swap3A_96 = vector.shape_cast %swap3A_95 : vector<1x16xf32> to vector<16xf32>
      %swap3A_97 = vector.shape_cast %broadcast_in_dim3A_1 : vector<16xf32> to vector<1x16xf32>
      tpu.vector_store %arg9[%swap3A_93, %swap3A_94], %swap3A_97 {strides = array<i32>} : memref<128x128xf32, #tpu.memory_space<vmem>>, vector<1x16xf32>,
      %swap3A_98 = arith.index_cast %scan3A_82 : i32 to index
      %swap3A_99 = arith.constant 48 : index
      %swap3A_100 = tpu.vector_load %arg9[%swap3A_98, %swap3A_99] {strides = array<i32>} : memref<128x128xf32, #tpu.memory_space<vmem>>, vector<1x16xf32>,
      %swap3A_101 = vector.shape_cast %swap3A_100 : vector<1x16xf32> to vector<16xf32>
      %swap3A_102 = vector.shape_cast %broadcast_in_dim3A_1 : vector<16xf32> to vector<1x16xf32>
      tpu.vector_store %arg9[%swap3A_98, %swap3A_99], %swap3A_102 {strides = array<i32>} : memref<128x128xf32, #tpu.memory_space<vmem>>, vector<1x16xf32>,
      %swap3A_103 = arith.index_cast %scan3A_82 : i32 to index
      %swap3A_104 = arith.constant 64 : index
      %swap3A_105 = tpu.vector_load %arg9[%swap3A_103, %swap3A_104] {strides = array<i32>} : memref<128x128xf32, #tpu.memory_space<vmem>>, vector<1x16xf32>,
      %swap3A_106 = vector.shape_cast %swap3A_105 : vector<1x16xf32> to vector<16xf32>
      %swap3A_107 = vector.shape_cast %broadcast_in_dim3A_1 : vector<16xf32> to vector<1x16xf32>
      tpu.vector_store %arg9[%swap3A_103, %swap3A_104], %swap3A_107 {strides = array<i32>} : memref<128x128xf32, #tpu.memory_space<vmem>>, vector<1x16xf32>,
      %swap3A_108 = arith.index_cast %scan3A_82 : i32 to index
      %swap3A_109 = arith.constant 80 : index
      %swap3A_110 = tpu.vector_load %arg9[%swap3A_108, %swap3A_109] {strides = array<i32>} : memref<128x128xf32, #tpu.memory_space<vmem>>, vector<1x16xf32>,
      %swap3A_111 = vector.shape_cast %swap3A_110 : vector<1x16xf32> to vector<16xf32>
      %swap3A_112 = vector.shape_cast %broadcast_in_dim3A_1 : vector<16xf32> to vector<1x16xf32>
      tpu.vector_store %arg9[%swap3A_108, %swap3A_109], %swap3A_112 {strides = array<i32>} : memref<128x128xf32, #tpu.memory_space<vmem>>, vector<1x16xf32>,
      %swap3A_113 = arith.index_cast %scan3A_82 : i32 to index
      %swap3A_114 = arith.constant 96 : index
      %swap3A_115 = tpu.vector_load %arg9[%swap3A_113, %swap3A_114] {strides = array<i32>} : memref<128x128xf32, #tpu.memory_space<vmem>>, vector<1x16xf32>,
      %swap3A_116 = vector.shape_cast %swap3A_115 : vector<1x16xf32> to vector<16xf32>
      %swap3A_117 = vector.shape_cast %broadcast_in_dim3A_1 : vector<16xf32> to vector<1x16xf32>
      tpu.vector_store %arg9[%swap3A_113, %swap3A_114], %swap3A_117 {strides = array<i32>} : memref<128x128xf32, #tpu.memory_space<vmem>>, vector<1x16xf32>,
      %swap3A_118 = arith.index_cast %scan3A_82 : i32 to index
      %swap3A_119 = arith.constant 112 : index
      %swap3A_120 = tpu.vector_load %arg9[%swap3A_118, %swap3A_119] {strides = array<i32>} : memref<128x128xf32, #tpu.memory_space<vmem>>, vector<1x16xf32>,
      %swap3A_121 = vector.shape_cast %swap3A_120 : vector<1x16xf32> to vector<16xf32>
      %swap3A_122 = vector.shape_cast %broadcast_in_dim3A_1 : vector<16xf32> to vector<1x16xf32>
      tpu.vector_store %arg9[%swap3A_118, %swap3A_119], %swap3A_122 {strides = array<i32>} : memref<128x128xf32, #tpu.memory_space<vmem>>, vector<1x16xf32>,
      %scan3A_123 = arith.constant 0 : i32
      scf.yield %scan3A_123 : i32
    }
    %scan3A_7 = arith.constant 128 : i32
    %mul3A_8 = arith.constant 640 : i32
    %mul3A_9 = arith.muli %arg1, %mul3A_8 : i32
    %add3A_10 = arith.constant 0 : i32
    %add3A_11 = arith.addi %mul3A_9, %add3A_10 : i32
    "tpu.region"() ({
      %run_scoped3A = tpu.sem_alloc : memref<!tpu.dma_semaphore, #tpu.memory_space<semaphore_mem>>
      %dma_start3A_82 = arith.constant 0 : i32
      %dma_start3A_83 = tpu.memref_slice %arg6[%add3A_11, %dma_start3A_82] : memref<10240x128xf32, #tpu.memory_space<vmem_shared>> -> memref<128x128xf32, #tpu.memory_space<vmem_shared>>
      %dma_start3A_84 = arith.constant 0 : i32
      %dma_start3A_85 = tpu.memref_slice %arg6[%add3A_11, %dma_start3A_84] : memref<10240x128xf32, #tpu.memory_space<vmem_shared>> -> memref<128x128xf32, #tpu.memory_space<vmem_shared>>
      tpu.enqueue_dma source(%arg9 : memref<128x128xf32, #tpu.memory_space<vmem>>) target(%dma_start3A_85 : memref<128x128xf32, #tpu.memory_space<vmem_shared>>) target_semaphore(%run_scoped3A : memref<!tpu.dma_semaphore, #tpu.memory_space<semaphore_mem>>)
      %dma_wait3A = arith.constant 0 : i32
      %dma_wait3A_86 = tpu.memref_slice %arg6[%add3A_11, %dma_wait3A] : memref<10240x128xf32, #tpu.memory_space<vmem_shared>> -> memref<128x128xf32, #tpu.memory_space<vmem_shared>>
      %dma_wait3A_87 = arith.constant 0 : i32
      %dma_wait3A_88 = tpu.memref_slice %arg6[%add3A_11, %dma_wait3A_87] : memref<10240x128xf32, #tpu.memory_space<vmem_shared>> -> memref<128x128xf32, #tpu.memory_space<vmem_shared>>
      tpu.wait_dma2 semaphore(%run_scoped3A : memref<!tpu.dma_semaphore, #tpu.memory_space<semaphore_mem>>) src(%arg9 : memref<128x128xf32, #tpu.memory_space<vmem>>) dst(%dma_wait3A_88 : memref<128x128xf32, #tpu.memory_space<vmem_shared>>)
      tpu.yield
    }) : () -> ()
    %mul3A_12 = arith.constant 640 : i32
    %mul3A_13 = arith.muli %arg1, %mul3A_12 : i32
    %add3A_14 = arith.constant 128 : i32
    %add3A_15 = arith.addi %mul3A_13, %add3A_14 : i32
    "tpu.region"() ({
      %run_scoped3A = tpu.sem_alloc : memref<!tpu.dma_semaphore, #tpu.memory_space<semaphore_mem>>
      %dma_start3A_82 = arith.constant 0 : i32
      %dma_start3A_83 = tpu.memref_slice %arg6[%add3A_15, %dma_start3A_82] : memref<10240x128xf32, #tpu.memory_space<vmem_shared>> -> memref<128x128xf32, #tpu.memory_space<vmem_shared>>
      %dma_start3A_84 = arith.constant 0 : i32
      %dma_start3A_85 = tpu.memref_slice %arg6[%add3A_15, %dma_start3A_84] : memref<10240x128xf32, #tpu.memory_space<vmem_shared>> -> memref<128x128xf32, #tpu.memory_space<vmem_shared>>
      tpu.enqueue_dma source(%arg9 : memref<128x128xf32, #tpu.memory_space<vmem>>) target(%dma_start3A_85 : memref<128x128xf32, #tpu.memory_space<vmem_shared>>) target_semaphore(%run_scoped3A : memref<!tpu.dma_semaphore, #tpu.memory_space<semaphore_mem>>)
      %dma_wait3A = arith.constant 0 : i32
      %dma_wait3A_86 = tpu.memref_slice %arg6[%add3A_15, %dma_wait3A] : memref<10240x128xf32, #tpu.memory_space<vmem_shared>> -> memref<128x128xf32, #tpu.memory_space<vmem_shared>>
      %dma_wait3A_87 = arith.constant 0 : i32
      %dma_wait3A_88 = tpu.memref_slice %arg6[%add3A_15, %dma_wait3A_87] : memref<10240x128xf32, #tpu.memory_space<vmem_shared>> -> memref<128x128xf32, #tpu.memory_space<vmem_shared>>
      tpu.wait_dma2 semaphore(%run_scoped3A : memref<!tpu.dma_semaphore, #tpu.memory_space<semaphore_mem>>) src(%arg9 : memref<128x128xf32, #tpu.memory_space<vmem>>) dst(%dma_wait3A_88 : memref<128x128xf32, #tpu.memory_space<vmem_shared>>)
      tpu.yield
    }) : () -> ()
    %mul3A_16 = arith.constant 640 : i32
    %mul3A_17 = arith.muli %arg1, %mul3A_16 : i32
    %add3A_18 = arith.constant 256 : i32
    %add3A_19 = arith.addi %mul3A_17, %add3A_18 : i32
    "tpu.region"() ({
      %run_scoped3A = tpu.sem_alloc : memref<!tpu.dma_semaphore, #tpu.memory_space<semaphore_mem>>
      %dma_start3A_82 = arith.constant 0 : i32
      %dma_start3A_83 = tpu.memref_slice %arg6[%add3A_19, %dma_start3A_82] : memref<10240x128xf32, #tpu.memory_space<vmem_shared>> -> memref<128x128xf32, #tpu.memory_space<vmem_shared>>
      %dma_start3A_84 = arith.constant 0 : i32
      %dma_start3A_85 = tpu.memref_slice %arg6[%add3A_19, %dma_start3A_84] : memref<10240x128xf32, #tpu.memory_space<vmem_shared>> -> memref<128x128xf32, #tpu.memory_space<vmem_shared>>
      tpu.enqueue_dma source(%arg9 : memref<128x128xf32, #tpu.memory_space<vmem>>) target(%dma_start3A_85 : memref<128x128xf32, #tpu.memory_space<vmem_shared>>) target_semaphore(%run_scoped3A : memref<!tpu.dma_semaphore, #tpu.memory_space<semaphore_mem>>)
      %dma_wait3A = arith.constant 0 : i32
      %dma_wait3A_86 = tpu.memref_slice %arg6[%add3A_19, %dma_wait3A] : memref<10240x128xf32, #tpu.memory_space<vmem_shared>> -> memref<128x128xf32, #tpu.memory_space<vmem_shared>>
      %dma_wait3A_87 = arith.constant 0 : i32
      %dma_wait3A_88 = tpu.memref_slice %arg6[%add3A_19, %dma_wait3A_87] : memref<10240x128xf32, #tpu.memory_space<vmem_shared>> -> memref<128x128xf32, #tpu.memory_space<vmem_shared>>
      tpu.wait_dma2 semaphore(%run_scoped3A : memref<!tpu.dma_semaphore, #tpu.memory_space<semaphore_mem>>) src(%arg9 : memref<128x128xf32, #tpu.memory_space<vmem>>) dst(%dma_wait3A_88 : memref<128x128xf32, #tpu.memory_space<vmem_shared>>)
      tpu.yield
    }) : () -> ()
    %mul3A_20 = arith.constant 640 : i32
    %mul3A_21 = arith.muli %arg1, %mul3A_20 : i32
    %add3A_22 = arith.constant 384 : i32
    %add3A_23 = arith.addi %mul3A_21, %add3A_22 : i32
    "tpu.region"() ({
      %run_scoped3A = tpu.sem_alloc : memref<!tpu.dma_semaphore, #tpu.memory_space<semaphore_mem>>
      %dma_start3A_82 = arith.constant 0 : i32
      %dma_start3A_83 = tpu.memref_slice %arg6[%add3A_23, %dma_start3A_82] : memref<10240x128xf32, #tpu.memory_space<vmem_shared>> -> memref<128x128xf32, #tpu.memory_space<vmem_shared>>
      %dma_start3A_84 = arith.constant 0 : i32
      %dma_start3A_85 = tpu.memref_slice %arg6[%add3A_23, %dma_start3A_84] : memref<10240x128xf32, #tpu.memory_space<vmem_shared>> -> memref<128x128xf32, #tpu.memory_space<vmem_shared>>
      tpu.enqueue_dma source(%arg9 : memref<128x128xf32, #tpu.memory_space<vmem>>) target(%dma_start3A_85 : memref<128x128xf32, #tpu.memory_space<vmem_shared>>) target_semaphore(%run_scoped3A : memref<!tpu.dma_semaphore, #tpu.memory_space<semaphore_mem>>)
      %dma_wait3A = arith.constant 0 : i32
      %dma_wait3A_86 = tpu.memref_slice %arg6[%add3A_23, %dma_wait3A] : memref<10240x128xf32, #tpu.memory_space<vmem_shared>> -> memref<128x128xf32, #tpu.memory_space<vmem_shared>>
      %dma_wait3A_87 = arith.constant 0 : i32
      %dma_wait3A_88 = tpu.memref_slice %arg6[%add3A_23, %dma_wait3A_87] : memref<10240x128xf32, #tpu.memory_space<vmem_shared>> -> memref<128x128xf32, #tpu.memory_space<vmem_shared>>
      tpu.wait_dma2 semaphore(%run_scoped3A : memref<!tpu.dma_semaphore, #tpu.memory_space<semaphore_mem>>) src(%arg9 : memref<128x128xf32, #tpu.memory_space<vmem>>) dst(%dma_wait3A_88 : memref<128x128xf32, #tpu.memory_space<vmem_shared>>)
      tpu.yield
    }) : () -> ()
    %mul3A_24 = arith.constant 640 : i32
    %mul3A_25 = arith.muli %arg1, %mul3A_24 : i32
    %add3A_26 = arith.constant 512 : i32
    %add3A_27 = arith.addi %mul3A_25, %add3A_26 : i32
    "tpu.region"() ({
      %run_scoped3A = tpu.sem_alloc : memref<!tpu.dma_semaphore, #tpu.memory_space<semaphore_mem>>
      %dma_start3A_82 = arith.constant 0 : i32
      %dma_start3A_83 = tpu.memref_slice %arg6[%add3A_27, %dma_start3A_82] : memref<10240x128xf32, #tpu.memory_space<vmem_shared>> -> memref<128x128xf32, #tpu.memory_space<vmem_shared>>
      %dma_start3A_84 = arith.constant 0 : i32
      %dma_start3A_85 = tpu.memref_slice %arg6[%add3A_27, %dma_start3A_84] : memref<10240x128xf32, #tpu.memory_space<vmem_shared>> -> memref<128x128xf32, #tpu.memory_space<vmem_shared>>
      tpu.enqueue_dma source(%arg9 : memref<128x128xf32, #tpu.memory_space<vmem>>) target(%dma_start3A_85 : memref<128x128xf32, #tpu.memory_space<vmem_shared>>) target_semaphore(%run_scoped3A : memref<!tpu.dma_semaphore, #tpu.memory_space<semaphore_mem>>)
      %dma_wait3A = arith.constant 0 : i32
      %dma_wait3A_86 = tpu.memref_slice %arg6[%add3A_27, %dma_wait3A] : memref<10240x128xf32, #tpu.memory_space<vmem_shared>> -> memref<128x128xf32, #tpu.memory_space<vmem_shared>>
      %dma_wait3A_87 = arith.constant 0 : i32
      %dma_wait3A_88 = tpu.memref_slice %arg6[%add3A_27, %dma_wait3A_87] : memref<10240x128xf32, #tpu.memory_space<vmem_shared>> -> memref<128x128xf32, #tpu.memory_space<vmem_shared>>
      tpu.wait_dma2 semaphore(%run_scoped3A : memref<!tpu.dma_semaphore, #tpu.memory_space<semaphore_mem>>) src(%arg9 : memref<128x128xf32, #tpu.memory_space<vmem>>) dst(%dma_wait3A_88 : memref<128x128xf32, #tpu.memory_space<vmem_shared>>)
      tpu.yield
    }) : () -> ()
    %barrier3A = arith.constant 0 : index
    tpu.barrier barrier_id(%barrier3A)
    %mul3A_28 = arith.constant 80 : i32
    %mul3A_29 = arith.muli %add3A, %mul3A_28 : i32
    %add3A_30 = arith.constant 0 : i32
    %add3A_31 = arith.addi %mul3A_29, %add3A_30 : i32
    "tpu.region"() ({
      %run_scoped3A = tpu.sem_alloc : memref<!tpu.dma_semaphore, #tpu.memory_space<semaphore_mem>>
      %dma_start3A_82 = arith.constant 0 : i32
      %dma_start3A_83 = tpu.memref_slice %arg3[%add3A_31, %dma_start3A_82] : memref<2560x128xi32, #tpu.memory_space<hbm>> -> memref<40x128xi32, #tpu.memory_space<hbm>>
      %dma_start3A_84 = arith.constant 0 : i32
      %dma_start3A_85 = tpu.memref_slice %arg3[%add3A_31, %dma_start3A_84] : memref<2560x128xi32, #tpu.memory_space<hbm>> -> memref<40x128xi32, #tpu.memory_space<hbm>>
      tpu.enqueue_dma source(%dma_start3A_85 : memref<40x128xi32, #tpu.memory_space<hbm>>) target(%arg7 : memref<40x128xi32, #tpu.memory_space<vmem>>) target_semaphore(%run_scoped3A : memref<!tpu.dma_semaphore, #tpu.memory_space<semaphore_mem>>)
      %dma_wait3A = arith.constant 0 : i32
      %dma_wait3A_86 = tpu.memref_slice %arg3[%add3A_31, %dma_wait3A] : memref<2560x128xi32, #tpu.memory_space<hbm>> -> memref<40x128xi32, #tpu.memory_space<hbm>>
      %dma_wait3A_87 = arith.constant 0 : i32
      %dma_wait3A_88 = tpu.memref_slice %arg3[%add3A_31, %dma_wait3A_87] : memref<2560x128xi32, #tpu.memory_space<hbm>> -> memref<40x128xi32, #tpu.memory_space<hbm>>
      tpu.wait_dma2 semaphore(%run_scoped3A : memref<!tpu.dma_semaphore, #tpu.memory_space<semaphore_mem>>) src(%dma_wait3A_88 : memref<40x128xi32, #tpu.memory_space<hbm>>) dst(%arg7 : memref<40x128xi32, #tpu.memory_space<vmem>>)
      tpu.yield
    }) : () -> ()
    "tpu.region"() ({
      %run_scoped3A = tpu.sem_alloc : memref<!tpu.dma_semaphore, #tpu.memory_space<semaphore_mem>>
      %dma_start3A_82 = arith.constant 0 : i32
      %dma_start3A_83 = tpu.memref_slice %arg4[%add3A_31, %dma_start3A_82] : memref<2560x128xi32, #tpu.memory_space<hbm>> -> memref<40x128xi32, #tpu.memory_space<hbm>>
      %dma_start3A_84 = arith.constant 0 : i32
      %dma_start3A_85 = tpu.memref_slice %arg4[%add3A_31, %dma_start3A_84] : memref<2560x128xi32, #tpu.memory_space<hbm>> -> memref<40x128xi32, #tpu.memory_space<hbm>>
      tpu.enqueue_dma source(%dma_start3A_85 : memref<40x128xi32, #tpu.memory_space<hbm>>) target(%arg8 : memref<40x128xi32, #tpu.memory_space<vmem>>) target_semaphore(%run_scoped3A : memref<!tpu.dma_semaphore, #tpu.memory_space<semaphore_mem>>)
      %dma_wait3A = arith.constant 0 : i32
      %dma_wait3A_86 = tpu.memref_slice %arg4[%add3A_31, %dma_wait3A] : memref<2560x128xi32, #tpu.memory_space<hbm>> -> memref<40x128xi32, #tpu.memory_space<hbm>>
      %dma_wait3A_87 = arith.constant 0 : i32
      %dma_wait3A_88 = tpu.memref_slice %arg4[%add3A_31, %dma_wait3A_87] : memref<2560x128xi32, #tpu.memory_space<hbm>> -> memref<40x128xi32, #tpu.memory_space<hbm>>
      tpu.wait_dma2 semaphore(%run_scoped3A : memref<!tpu.dma_semaphore, #tpu.memory_space<semaphore_mem>>) src(%dma_wait3A_88 : memref<40x128xi32, #tpu.memory_space<hbm>>) dst(%arg8 : memref<40x128xi32, #tpu.memory_space<vmem>>)
      tpu.yield
    }) : () -> ()
    %dma_start3A = arith.constant 0 : i32
    %dma_start3A_32 = arith.constant 0 : i32
    %dma_start3A_33 = tpu.memref_slice %arg7[%dma_start3A, %dma_start3A_32] : memref<40x128xi32, #tpu.memory_space<vmem>> -> memref<1x128xi32, #tpu.memory_space<vmem>>
    %dma_start3A_34 = tpu.memref_squeeze %dma_start3A_33 : memref<1x128xi32, #tpu.memory_space<vmem>> -> memref<128xi32, #tpu.memory_space<vmem>>
    %dma_start3A_35 = arith.constant 0 : i32
    %dma_start3A_36 = arith.constant 0 : i32
    %dma_start3A_37 = tpu.memref_slice %arg2[%dma_start3A_35, %dma_start3A_36] : memref<10000x128xf32, #tpu.memory_space<hbm>> -> memref<10000x128xf32, #tpu.memory_space<hbm>>
    tpu.enqueue_indirect_dma source(%dma_start3A_37 : memref<10000x128xf32, #tpu.memory_space<hbm>>) target(%arg9 : memref<128x128xf32, #tpu.memory_space<vmem>>) offsets(%dma_start3A_34 : memref<128xi32, #tpu.memory_space<vmem>>) semaphore(%arg11 : memref<!tpu.dma_semaphore, #tpu.memory_space<semaphore_mem>>)
    %dma_start3A_38 = arith.constant 1 : i32
    %dma_start3A_39 = arith.constant 0 : i32
    %dma_start3A_40 = tpu.memref_slice %arg7[%dma_start3A_38, %dma_start3A_39] : memref<40x128xi32, #tpu.memory_space<vmem>> -> memref<1x128xi32, #tpu.memory_space<vmem>>
    %dma_start3A_41 = tpu.memref_squeeze %dma_start3A_40 : memref<1x128xi32, #tpu.memory_space<vmem>> -> memref<128xi32, #tpu.memory_space<vmem>>
    %dma_start3A_42 = arith.constant 0 : i32
    %dma_start3A_43 = arith.constant 0 : i32
    %dma_start3A_44 = tpu.memref_slice %arg2[%dma_start3A_42, %dma_start3A_43] : memref<10000x128xf32, #tpu.memory_space<hbm>> -> memref<10000x128xf32, #tpu.memory_space<hbm>>
    tpu.enqueue_indirect_dma source(%dma_start3A_44 : memref<10000x128xf32, #tpu.memory_space<hbm>>) target(%arg10 : memref<128x128xf32, #tpu.memory_space<vmem>>) offsets(%dma_start3A_41 : memref<128xi32, #tpu.memory_space<vmem>>) semaphore(%arg12 : memref<!tpu.dma_semaphore, #tpu.memory_space<semaphore_mem>>)
    %scan3A_45 = arith.constant 0 : i32
    %scan3A_46 = arith.constant 0 : i32
    %scan3A_47 = arith.constant 20 : i32
    %scan3A_48 = arith.addi %scan3A_46, %scan3A_47 : i32
    %scan3A_49 = arith.constant 1 : i32
    %scan3A_50 = scf.for %scan3A_82 = %scan3A_46 to %scan3A_48 step %scan3A_49 iter_args(%scan3A_83 = %scan3A_45) -> (i32)  : i32 {
      %mul3A_84 = arith.constant 2 : i32
      %mul3A_85 = arith.muli %scan3A_82, %mul3A_84 : i32
      %add3A_86 = arith.constant 0 : i32
      %add3A_87 = arith.addi %mul3A_85, %add3A_86 : i32
      %dma_wait3A = arith.constant 0 : i32
      %dma_wait3A_88 = arith.constant 0 : i32
      %dma_wait3A_89 = tpu.memref_slice %arg2[%dma_wait3A, %dma_wait3A_88] : memref<10000x128xf32, #tpu.memory_space<hbm>> -> memref<128x128xf32, #tpu.memory_space<hbm>>
      %dma_wait3A_90 = arith.constant 0 : i32
      %dma_wait3A_91 = arith.constant 0 : i32
      %dma_wait3A_92 = tpu.memref_slice %arg2[%dma_wait3A_90, %dma_wait3A_91] : memref<10000x128xf32, #tpu.memory_space<hbm>> -> memref<128x128xf32, #tpu.memory_space<hbm>>
      tpu.wait_dma2 semaphore(%arg11 : memref<!tpu.dma_semaphore, #tpu.memory_space<semaphore_mem>>) src(%dma_wait3A_92 : memref<128x128xf32, #tpu.memory_space<hbm>>) dst(%arg9 : memref<128x128xf32, #tpu.memory_space<vmem>>)
      "tpu.region"() ({
        %run_scoped3A = tpu.sem_alloc : memref<!tpu.dma_semaphore, #tpu.memory_space<semaphore_mem>>
        %dma_start3A_115 = arith.constant 0 : i32
        %dma_start3A_116 = tpu.memref_slice %arg8[%add3A_87, %dma_start3A_115] : memref<40x128xi32, #tpu.memory_space<vmem>> -> memref<1x128xi32, #tpu.memory_space<vmem>>
        %dma_start3A_117 = tpu.memref_squeeze %dma_start3A_116 : memref<1x128xi32, #tpu.memory_space<vmem>> -> memref<128xi32, #tpu.memory_space<vmem>>
        %dma_start3A_118 = arith.constant 0 : i32
        %dma_start3A_119 = arith.constant 0 : i32
        %dma_start3A_120 = tpu.memref_slice %arg6[%dma_start3A_118, %dma_start3A_119] : memref<10240x128xf32, #tpu.memory_space<vmem_shared>> -> memref<10240x128xf32, #tpu.memory_space<vmem_shared>>
        tpu.enqueue_indirect_dma source(%arg9 : memref<128x128xf32, #tpu.memory_space<vmem>>) target(%dma_start3A_120 : memref<10240x128xf32, #tpu.memory_space<vmem_shared>>) offsets(%dma_start3A_117 : memref<128xi32, #tpu.memory_space<vmem>>) semaphore(%run_scoped3A : memref<!tpu.dma_semaphore, #tpu.memory_space<semaphore_mem>>) {add = true}
        %dma_wait3A_121 = arith.constant 0 : i32
        %dma_wait3A_122 = tpu.memref_slice %arg8[%add3A_87, %dma_wait3A_121] : memref<40x128xi32, #tpu.memory_space<vmem>> -> memref<1x128xi32, #tpu.memory_space<vmem>>
        %dma_wait3A_123 = tpu.memref_squeeze %dma_wait3A_122 : memref<1x128xi32, #tpu.memory_space<vmem>> -> memref<128xi32, #tpu.memory_space<vmem>>
        %dma_wait3A_124 = arith.constant 0 : i32
        %dma_wait3A_125 = arith.constant 0 : i32
        %dma_wait3A_126 = tpu.memref_slice %arg6[%dma_wait3A_124, %dma_wait3A_125] : memref<10240x128xf32, #tpu.memory_space<vmem_shared>> -> memref<10240x128xf32, #tpu.memory_space<vmem_shared>>
        tpu.wait_indirect_dma semaphore(%run_scoped3A : memref<!tpu.dma_semaphore, #tpu.memory_space<semaphore_mem>>) src(%arg9 : memref<128x128xf32, #tpu.memory_space<vmem>>) dst(%dma_wait3A_126 : memref<10240x128xf32, #tpu.memory_space<vmem_shared>>)
        tpu.yield
      }) : () -> ()
      %add3A_93 = arith.constant 2 : i32
      %add3A_94 = arith.addi %add3A_87, %add3A_93 : i32
      %lt3A = arith.constant 40 : i32
      %lt3A_95 = arith.cmpi slt, %add3A_94, %lt3A : i32
      %convert_element_type3A = arith.extui %lt3A_95 : i1 to i32
      %cond3A = arith.constant 0 : i32
      %cond3A_96 = arith.cmpi ne, %convert_element_type3A, %cond3A : i32
      scf.if %cond3A_96 {
        %add3A_115 = arith.constant 2 : i32
        %add3A_116 = arith.addi %add3A_87, %add3A_115 : i32
        %dma_start3A_117 = arith.constant 0 : i32
        %dma_start3A_118 = tpu.memref_slice %arg7[%add3A_116, %dma_start3A_117] : memref<40x128xi32, #tpu.memory_space<vmem>> -> memref<1x128xi32, #tpu.memory_space<vmem>>
        %dma_start3A_119 = tpu.memref_squeeze %dma_start3A_118 : memref<1x128xi32, #tpu.memory_space<vmem>> -> memref<128xi32, #tpu.memory_space<vmem>>
        %dma_start3A_120 = arith.constant 0 : i32
        %dma_start3A_121 = arith.constant 0 : i32
        %dma_start3A_122 = tpu.memref_slice %arg2[%dma_start3A_120, %dma_start3A_121] : memref<10000x128xf32, #tpu.memory_space<hbm>> -> memref<10000x128xf32, #tpu.memory_space<hbm>>
        tpu.enqueue_indirect_dma source(%dma_start3A_122 : memref<10000x128xf32, #tpu.memory_space<hbm>>) target(%arg9 : memref<128x128xf32, #tpu.memory_space<vmem>>) offsets(%dma_start3A_119 : memref<128xi32, #tpu.memory_space<vmem>>) semaphore(%arg11 : memref<!tpu.dma_semaphore, #tpu.memory_space<semaphore_mem>>)
      } else {
      }
      %mul3A_97 = arith.constant 2 : i32
      %mul3A_98 = arith.muli %scan3A_82, %mul3A_97 : i32
      %add3A_99 = arith.constant 1 : i32
      %add3A_100 = arith.addi %mul3A_98, %add3A_99 : i32
      %dma_wait3A_101 = arith.constant 0 : i32
      %dma_wait3A_102 = arith.constant 0 : i32
      %dma_wait3A_103 = tpu.memref_slice %arg2[%dma_wait3A_101, %dma_wait3A_102] : memref<10000x128xf32, #tpu.memory_space<hbm>> -> memref<128x128xf32, #tpu.memory_space<hbm>>
      %dma_wait3A_104 = arith.constant 0 : i32
      %dma_wait3A_105 = arith.constant 0 : i32
      %dma_wait3A_106 = tpu.memref_slice %arg2[%dma_wait3A_104, %dma_wait3A_105] : memref<10000x128xf32, #tpu.memory_space<hbm>> -> memref<128x128xf32, #tpu.memory_space<hbm>>
      tpu.wait_dma2 semaphore(%arg12 : memref<!tpu.dma_semaphore, #tpu.memory_space<semaphore_mem>>) src(%dma_wait3A_106 : memref<128x128xf32, #tpu.memory_space<hbm>>) dst(%arg10 : memref<128x128xf32, #tpu.memory_space<vmem>>)
      "tpu.region"() ({
        %run_scoped3A = tpu.sem_alloc : memref<!tpu.dma_semaphore, #tpu.memory_space<semaphore_mem>>
        %dma_start3A_115 = arith.constant 0 : i32
        %dma_start3A_116 = tpu.memref_slice %arg8[%add3A_100, %dma_start3A_115] : memref<40x128xi32, #tpu.memory_space<vmem>> -> memref<1x128xi32, #tpu.memory_space<vmem>>
        %dma_start3A_117 = tpu.memref_squeeze %dma_start3A_116 : memref<1x128xi32, #tpu.memory_space<vmem>> -> memref<128xi32, #tpu.memory_space<vmem>>
        %dma_start3A_118 = arith.constant 0 : i32
        %dma_start3A_119 = arith.constant 0 : i32
        %dma_start3A_120 = tpu.memref_slice %arg6[%dma_start3A_118, %dma_start3A_119] : memref<10240x128xf32, #tpu.memory_space<vmem_shared>> -> memref<10240x128xf32, #tpu.memory_space<vmem_shared>>
        tpu.enqueue_indirect_dma source(%arg10 : memref<128x128xf32, #tpu.memory_space<vmem>>) target(%dma_start3A_120 : memref<10240x128xf32, #tpu.memory_space<vmem_shared>>) offsets(%dma_start3A_117 : memref<128xi32, #tpu.memory_space<vmem>>) semaphore(%run_scoped3A : memref<!tpu.dma_semaphore, #tpu.memory_space<semaphore_mem>>) {add = true}
        %dma_wait3A_121 = arith.constant 0 : i32
        %dma_wait3A_122 = tpu.memref_slice %arg8[%add3A_100, %dma_wait3A_121] : memref<40x128xi32, #tpu.memory_space<vmem>> -> memref<1x128xi32, #tpu.memory_space<vmem>>
        %dma_wait3A_123 = tpu.memref_squeeze %dma_wait3A_122 : memref<1x128xi32, #tpu.memory_space<vmem>> -> memref<128xi32, #tpu.memory_space<vmem>>
        %dma_wait3A_124 = arith.constant 0 : i32
        %dma_wait3A_125 = arith.constant 0 : i32
        %dma_wait3A_126 = tpu.memref_slice %arg6[%dma_wait3A_124, %dma_wait3A_125] : memref<10240x128xf32, #tpu.memory_space<vmem_shared>> -> memref<10240x128xf32, #tpu.memory_space<vmem_shared>>
        tpu.wait_indirect_dma semaphore(%run_scoped3A : memref<!tpu.dma_semaphore, #tpu.memory_space<semaphore_mem>>) src(%arg10 : memref<128x128xf32, #tpu.memory_space<vmem>>) dst(%dma_wait3A_126 : memref<10240x128xf32, #tpu.memory_space<vmem_shared>>)
        tpu.yield
      }) : () -> ()
      %add3A_107 = arith.constant 2 : i32
      %add3A_108 = arith.addi %add3A_100, %add3A_107 : i32
      %lt3A_109 = arith.constant 40 : i32
      %lt3A_110 = arith.cmpi slt, %add3A_108, %lt3A_109 : i32
      %convert_element_type3A_111 = arith.extui %lt3A_110 : i1 to i32
      %cond3A_112 = arith.constant 0 : i32
      %cond3A_113 = arith.cmpi ne, %convert_element_type3A_111, %cond3A_112 : i32
      scf.if %cond3A_113 {
        %add3A_115 = arith.constant 2 : i32
        %add3A_116 = arith.addi %add3A_100, %add3A_115 : i32
        %dma_start3A_117 = arith.constant 0 : i32
        %dma_start3A_118 = tpu.memref_slice %arg7[%add3A_116, %dma_start3A_117] : memref<40x128xi32, #tpu.memory_space<vmem>> -> memref<1x128xi32, #tpu.memory_space<vmem>>
        %dma_start3A_119 = tpu.memref_squeeze %dma_start3A_118 : memref<1x128xi32, #tpu.memory_space<vmem>> -> memref<128xi32, #tpu.memory_space<vmem>>
        %dma_start3A_120 = arith.constant 0 : i32
        %dma_start3A_121 = arith.constant 0 : i32
        %dma_start3A_122 = tpu.memref_slice %arg2[%dma_start3A_120, %dma_start3A_121] : memref<10000x128xf32, #tpu.memory_space<hbm>> -> memref<10000x128xf32, #tpu.memory_space<hbm>>
        tpu.enqueue_indirect_dma source(%dma_start3A_122 : memref<10000x128xf32, #tpu.memory_space<hbm>>) target(%arg10 : memref<128x128xf32, #tpu.memory_space<vmem>>) offsets(%dma_start3A_119 : memref<128xi32, #tpu.memory_space<vmem>>) semaphore(%arg12 : memref<!tpu.dma_semaphore, #tpu.memory_space<semaphore_mem>>)
      } else {
      }
      %scan3A_114 = arith.constant 0 : i32
      scf.yield %scan3A_114 : i32
    }
    %scan3A_51 = arith.constant 20 : i32
    %mul3A_52 = arith.constant 80 : i32
    %mul3A_53 = arith.muli %add3A, %mul3A_52 : i32
    %add3A_54 = arith.constant 40 : i32
    %add3A_55 = arith.addi %mul3A_53, %add3A_54 : i32
    "tpu.region"() ({
      %run_scoped3A = tpu.sem_alloc : memref<!tpu.dma_semaphore, #tpu.memory_space<semaphore_mem>>
      %dma_start3A_82 = arith.constant 0 : i32
      %dma_start3A_83 = tpu.memref_slice %arg3[%add3A_55, %dma_start3A_82] : memref<2560x128xi32, #tpu.memory_space<hbm>> -> memref<40x128xi32, #tpu.memory_space<hbm>>
      %dma_start3A_84 = arith.constant 0 : i32
      %dma_start3A_85 = tpu.memref_slice %arg3[%add3A_55, %dma_start3A_84] : memref<2560x128xi32, #tpu.memory_space<hbm>> -> memref<40x128xi32, #tpu.memory_space<hbm>>
      tpu.enqueue_dma source(%dma_start3A_85 : memref<40x128xi32, #tpu.memory_space<hbm>>) target(%arg7 : memref<40x128xi32, #tpu.memory_space<vmem>>) target_semaphore(%run_scoped3A : memref<!tpu.dma_semaphore, #tpu.memory_space<semaphore_mem>>)
      %dma_wait3A = arith.constant 0 : i32
      %dma_wait3A_86 = tpu.memref_slice %arg3[%add3A_55, %dma_wait3A] : memref<2560x128xi32, #tpu.memory_space<hbm>> -> memref<40x128xi32, #tpu.memory_space<hbm>>
      %dma_wait3A_87 = arith.constant 0 : i32
      %dma_wait3A_88 = tpu.memref_slice %arg3[%add3A_55, %dma_wait3A_87] : memref<2560x128xi32, #tpu.memory_space<hbm>> -> memref<40x128xi32, #tpu.memory_space<hbm>>
      tpu.wait_dma2 semaphore(%run_scoped3A : memref<!tpu.dma_semaphore, #tpu.memory_space<semaphore_mem>>) src(%dma_wait3A_88 : memref<40x128xi32, #tpu.memory_space<hbm>>) dst(%arg7 : memref<40x128xi32, #tpu.memory_space<vmem>>)
      tpu.yield
    }) : () -> ()
    "tpu.region"() ({
      %run_scoped3A = tpu.sem_alloc : memref<!tpu.dma_semaphore, #tpu.memory_space<semaphore_mem>>
      %dma_start3A_82 = arith.constant 0 : i32
      %dma_start3A_83 = tpu.memref_slice %arg4[%add3A_55, %dma_start3A_82] : memref<2560x128xi32, #tpu.memory_space<hbm>> -> memref<40x128xi32, #tpu.memory_space<hbm>>
      %dma_start3A_84 = arith.constant 0 : i32
      %dma_start3A_85 = tpu.memref_slice %arg4[%add3A_55, %dma_start3A_84] : memref<2560x128xi32, #tpu.memory_space<hbm>> -> memref<40x128xi32, #tpu.memory_space<hbm>>
      tpu.enqueue_dma source(%dma_start3A_85 : memref<40x128xi32, #tpu.memory_space<hbm>>) target(%arg8 : memref<40x128xi32, #tpu.memory_space<vmem>>) target_semaphore(%run_scoped3A : memref<!tpu.dma_semaphore, #tpu.memory_space<semaphore_mem>>)
      %dma_wait3A = arith.constant 0 : i32
      %dma_wait3A_86 = tpu.memref_slice %arg4[%add3A_55, %dma_wait3A] : memref<2560x128xi32, #tpu.memory_space<hbm>> -> memref<40x128xi32, #tpu.memory_space<hbm>>
      %dma_wait3A_87 = arith.constant 0 : i32
      %dma_wait3A_88 = tpu.memref_slice %arg4[%add3A_55, %dma_wait3A_87] : memref<2560x128xi32, #tpu.memory_space<hbm>> -> memref<40x128xi32, #tpu.memory_space<hbm>>
      tpu.wait_dma2 semaphore(%run_scoped3A : memref<!tpu.dma_semaphore, #tpu.memory_space<semaphore_mem>>) src(%dma_wait3A_88 : memref<40x128xi32, #tpu.memory_space<hbm>>) dst(%arg8 : memref<40x128xi32, #tpu.memory_space<vmem>>)
      tpu.yield
    }) : () -> ()
    %dma_start3A_56 = arith.constant 0 : i32
    %dma_start3A_57 = arith.constant 0 : i32
    %dma_start3A_58 = tpu.memref_slice %arg7[%dma_start3A_56, %dma_start3A_57] : memref<40x128xi32, #tpu.memory_space<vmem>> -> memref<1x128xi32, #tpu.memory_space<vmem>>
    %dma_start3A_59 = tpu.memref_squeeze %dma_start3A_58 : memref<1x128xi32, #tpu.memory_space<vmem>> -> memref<128xi32, #tpu.memory_space<vmem>>
    %dma_start3A_60 = arith.constant 0 : i32
    %dma_start3A_61 = arith.constant 0 : i32
    %dma_start3A_62 = tpu.memref_slice %arg2[%dma_start3A_60, %dma_start3A_61] : memref<10000x128xf32, #tpu.memory_space<hbm>> -> memref<10000x128xf32, #tpu.memory_space<hbm>>
    tpu.enqueue_indirect_dma source(%dma_start3A_62 : memref<10000x128xf32, #tpu.memory_space<hbm>>) target(%arg9 : memref<128x128xf32, #tpu.memory_space<vmem>>) offsets(%dma_start3A_59 : memref<128xi32, #tpu.memory_space<vmem>>) semaphore(%arg11 : memref<!tpu.dma_semaphore, #tpu.memory_space<semaphore_mem>>)
    %dma_start3A_63 = arith.constant 1 : i32
    %dma_start3A_64 = arith.constant 0 : i32
    %dma_start3A_65 = tpu.memref_slice %arg7[%dma_start3A_63, %dma_start3A_64] : memref<40x128xi32, #tpu.memory_space<vmem>> -> memref<1x128xi32, #tpu.memory_space<vmem>>
    %dma_start3A_66 = tpu.memref_squeeze %dma_start3A_65 : memref<1x128xi32, #tpu.memory_space<vmem>> -> memref<128xi32, #tpu.memory_space<vmem>>
    %dma_start3A_67 = arith.constant 0 : i32
    %dma_start3A_68 = arith.constant 0 : i32
    %dma_start3A_69 = tpu.memref_slice %arg2[%dma_start3A_67, %dma_start3A_68] : memref<10000x128xf32, #tpu.memory_space<hbm>> -> memref<10000x128xf32, #tpu.memory_space<hbm>>
    tpu.enqueue_indirect_dma source(%dma_start3A_69 : memref<10000x128xf32, #tpu.memory_space<hbm>>) target(%arg10 : memref<128x128xf32, #tpu.memory_space<vmem>>) offsets(%dma_start3A_66 : memref<128xi32, #tpu.memory_space<vmem>>) semaphore(%arg12 : memref<!tpu.dma_semaphore, #tpu.memory_space<semaphore_mem>>)
    %scan3A_70 = arith.constant 0 : i32
    %scan3A_71 = arith.constant 0 : i32
    %scan3A_72 = arith.constant 20 : i32
    %scan3A_73 = arith.addi %scan3A_71, %scan3A_72 : i32
    %scan3A_74 = arith.constant 1 : i32
    %scan3A_75 = scf.for %scan3A_82 = %scan3A_71 to %scan3A_73 step %scan3A_74 iter_args(%scan3A_83 = %scan3A_70) -> (i32)  : i32 {
      %mul3A_84 = arith.constant 2 : i32
      %mul3A_85 = arith.muli %scan3A_82, %mul3A_84 : i32
      %add3A_86 = arith.constant 0 : i32
      %add3A_87 = arith.addi %mul3A_85, %add3A_86 : i32
      %dma_wait3A = arith.constant 0 : i32
      %dma_wait3A_88 = arith.constant 0 : i32
      %dma_wait3A_89 = tpu.memref_slice %arg2[%dma_wait3A, %dma_wait3A_88] : memref<10000x128xf32, #tpu.memory_space<hbm>> -> memref<128x128xf32, #tpu.memory_space<hbm>>
      %dma_wait3A_90 = arith.constant 0 : i32
      %dma_wait3A_91 = arith.constant 0 : i32
      %dma_wait3A_92 = tpu.memref_slice %arg2[%dma_wait3A_90, %dma_wait3A_91] : memref<10000x128xf32, #tpu.memory_space<hbm>> -> memref<128x128xf32, #tpu.memory_space<hbm>>
      tpu.wait_dma2 semaphore(%arg11 : memref<!tpu.dma_semaphore, #tpu.memory_space<semaphore_mem>>) src(%dma_wait3A_92 : memref<128x128xf32, #tpu.memory_space<hbm>>) dst(%arg9 : memref<128x128xf32, #tpu.memory_space<vmem>>)
      "tpu.region"() ({
        %run_scoped3A = tpu.sem_alloc : memref<!tpu.dma_semaphore, #tpu.memory_space<semaphore_mem>>
        %dma_start3A_115 = arith.constant 0 : i32
        %dma_start3A_116 = tpu.memref_slice %arg8[%add3A_87, %dma_start3A_115] : memref<40x128xi32, #tpu.memory_space<vmem>> -> memref<1x128xi32, #tpu.memory_space<vmem>>
        %dma_start3A_117 = tpu.memref_squeeze %dma_start3A_116 : memref<1x128xi32, #tpu.memory_space<vmem>> -> memref<128xi32, #tpu.memory_space<vmem>>
        %dma_start3A_118 = arith.constant 0 : i32
        %dma_start3A_119 = arith.constant 0 : i32
        %dma_start3A_120 = tpu.memref_slice %arg6[%dma_start3A_118, %dma_start3A_119] : memref<10240x128xf32, #tpu.memory_space<vmem_shared>> -> memref<10240x128xf32, #tpu.memory_space<vmem_shared>>
        tpu.enqueue_indirect_dma source(%arg9 : memref<128x128xf32, #tpu.memory_space<vmem>>) target(%dma_start3A_120 : memref<10240x128xf32, #tpu.memory_space<vmem_shared>>) offsets(%dma_start3A_117 : memref<128xi32, #tpu.memory_space<vmem>>) semaphore(%run_scoped3A : memref<!tpu.dma_semaphore, #tpu.memory_space<semaphore_mem>>) {add = true}
        %dma_wait3A_121 = arith.constant 0 : i32
        %dma_wait3A_122 = tpu.memref_slice %arg8[%add3A_87, %dma_wait3A_121] : memref<40x128xi32, #tpu.memory_space<vmem>> -> memref<1x128xi32, #tpu.memory_space<vmem>>
        %dma_wait3A_123 = tpu.memref_squeeze %dma_wait3A_122 : memref<1x128xi32, #tpu.memory_space<vmem>> -> memref<128xi32, #tpu.memory_space<vmem>>
        %dma_wait3A_124 = arith.constant 0 : i32
        %dma_wait3A_125 = arith.constant 0 : i32
        %dma_wait3A_126 = tpu.memref_slice %arg6[%dma_wait3A_124, %dma_wait3A_125] : memref<10240x128xf32, #tpu.memory_space<vmem_shared>> -> memref<10240x128xf32, #tpu.memory_space<vmem_shared>>
        tpu.wait_indirect_dma semaphore(%run_scoped3A : memref<!tpu.dma_semaphore, #tpu.memory_space<semaphore_mem>>) src(%arg9 : memref<128x128xf32, #tpu.memory_space<vmem>>) dst(%dma_wait3A_126 : memref<10240x128xf32, #tpu.memory_space<vmem_shared>>)
        tpu.yield
      }) : () -> ()
      %add3A_93 = arith.constant 2 : i32
      %add3A_94 = arith.addi %add3A_87, %add3A_93 : i32
      %lt3A = arith.constant 40 : i32
      %lt3A_95 = arith.cmpi slt, %add3A_94, %lt3A : i32
      %convert_element_type3A = arith.extui %lt3A_95 : i1 to i32
      %cond3A = arith.constant 0 : i32
      %cond3A_96 = arith.cmpi ne, %convert_element_type3A, %cond3A : i32
      scf.if %cond3A_96 {
        %add3A_115 = arith.constant 2 : i32
        %add3A_116 = arith.addi %add3A_87, %add3A_115 : i32
        %dma_start3A_117 = arith.constant 0 : i32
        %dma_start3A_118 = tpu.memref_slice %arg7[%add3A_116, %dma_start3A_117] : memref<40x128xi32, #tpu.memory_space<vmem>> -> memref<1x128xi32, #tpu.memory_space<vmem>>
        %dma_start3A_119 = tpu.memref_squeeze %dma_start3A_118 : memref<1x128xi32, #tpu.memory_space<vmem>> -> memref<128xi32, #tpu.memory_space<vmem>>
        %dma_start3A_120 = arith.constant 0 : i32
        %dma_start3A_121 = arith.constant 0 : i32
        %dma_start3A_122 = tpu.memref_slice %arg2[%dma_start3A_120, %dma_start3A_121] : memref<10000x128xf32, #tpu.memory_space<hbm>> -> memref<10000x128xf32, #tpu.memory_space<hbm>>
        tpu.enqueue_indirect_dma source(%dma_start3A_122 : memref<10000x128xf32, #tpu.memory_space<hbm>>) target(%arg9 : memref<128x128xf32, #tpu.memory_space<vmem>>) offsets(%dma_start3A_119 : memref<128xi32, #tpu.memory_space<vmem>>) semaphore(%arg11 : memref<!tpu.dma_semaphore, #tpu.memory_space<semaphore_mem>>)
      } else {
      }
      %mul3A_97 = arith.constant 2 : i32
      %mul3A_98 = arith.muli %scan3A_82, %mul3A_97 : i32
      %add3A_99 = arith.constant 1 : i32
      %add3A_100 = arith.addi %mul3A_98, %add3A_99 : i32
      %dma_wait3A_101 = arith.constant 0 : i32
      %dma_wait3A_102 = arith.constant 0 : i32
      %dma_wait3A_103 = tpu.memref_slice %arg2[%dma_wait3A_101, %dma_wait3A_102] : memref<10000x128xf32, #tpu.memory_space<hbm>> -> memref<128x128xf32, #tpu.memory_space<hbm>>
      %dma_wait3A_104 = arith.constant 0 : i32
      %dma_wait3A_105 = arith.constant 0 : i32
      %dma_wait3A_106 = tpu.memref_slice %arg2[%dma_wait3A_104, %dma_wait3A_105] : memref<10000x128xf32, #tpu.memory_space<hbm>> -> memref<128x128xf32, #tpu.memory_space<hbm>>
      tpu.wait_dma2 semaphore(%arg12 : memref<!tpu.dma_semaphore, #tpu.memory_space<semaphore_mem>>) src(%dma_wait3A_106 : memref<128x128xf32, #tpu.memory_space<hbm>>) dst(%arg10 : memref<128x128xf32, #tpu.memory_space<vmem>>)
      "tpu.region"() ({
        %run_scoped3A = tpu.sem_alloc : memref<!tpu.dma_semaphore, #tpu.memory_space<semaphore_mem>>
        %dma_start3A_115 = arith.constant 0 : i32
        %dma_start3A_116 = tpu.memref_slice %arg8[%add3A_100, %dma_start3A_115] : memref<40x128xi32, #tpu.memory_space<vmem>> -> memref<1x128xi32, #tpu.memory_space<vmem>>
        %dma_start3A_117 = tpu.memref_squeeze %dma_start3A_116 : memref<1x128xi32, #tpu.memory_space<vmem>> -> memref<128xi32, #tpu.memory_space<vmem>>
        %dma_start3A_118 = arith.constant 0 : i32
        %dma_start3A_119 = arith.constant 0 : i32
        %dma_start3A_120 = tpu.memref_slice %arg6[%dma_start3A_118, %dma_start3A_119] : memref<10240x128xf32, #tpu.memory_space<vmem_shared>> -> memref<10240x128xf32, #tpu.memory_space<vmem_shared>>
        tpu.enqueue_indirect_dma source(%arg10 : memref<128x128xf32, #tpu.memory_space<vmem>>) target(%dma_start3A_120 : memref<10240x128xf32, #tpu.memory_space<vmem_shared>>) offsets(%dma_start3A_117 : memref<128xi32, #tpu.memory_space<vmem>>) semaphore(%run_scoped3A : memref<!tpu.dma_semaphore, #tpu.memory_space<semaphore_mem>>) {add = true}
        %dma_wait3A_121 = arith.constant 0 : i32
        %dma_wait3A_122 = tpu.memref_slice %arg8[%add3A_100, %dma_wait3A_121] : memref<40x128xi32, #tpu.memory_space<vmem>> -> memref<1x128xi32, #tpu.memory_space<vmem>>
        %dma_wait3A_123 = tpu.memref_squeeze %dma_wait3A_122 : memref<1x128xi32, #tpu.memory_space<vmem>> -> memref<128xi32, #tpu.memory_space<vmem>>
        %dma_wait3A_124 = arith.constant 0 : i32
        %dma_wait3A_125 = arith.constant 0 : i32
        %dma_wait3A_126 = tpu.memref_slice %arg6[%dma_wait3A_124, %dma_wait3A_125] : memref<10240x128xf32, #tpu.memory_space<vmem_shared>> -> memref<10240x128xf32, #tpu.memory_space<vmem_shared>>
        tpu.wait_indirect_dma semaphore(%run_scoped3A : memref<!tpu.dma_semaphore, #tpu.memory_space<semaphore_mem>>) src(%arg10 : memref<128x128xf32, #tpu.memory_space<vmem>>) dst(%dma_wait3A_126 : memref<10240x128xf32, #tpu.memory_space<vmem_shared>>)
        tpu.yield
      }) : () -> ()
      %add3A_107 = arith.constant 2 : i32
      %add3A_108 = arith.addi %add3A_100, %add3A_107 : i32
      %lt3A_109 = arith.constant 40 : i32
      %lt3A_110 = arith.cmpi slt, %add3A_108, %lt3A_109 : i32
      %convert_element_type3A_111 = arith.extui %lt3A_110 : i1 to i32
      %cond3A_112 = arith.constant 0 : i32
      %cond3A_113 = arith.cmpi ne, %convert_element_type3A_111, %cond3A_112 : i32
      scf.if %cond3A_113 {
        %add3A_115 = arith.constant 2 : i32
        %add3A_116 = arith.addi %add3A_100, %add3A_115 : i32
        %dma_start3A_117 = arith.constant 0 : i32
        %dma_start3A_118 = tpu.memref_slice %arg7[%add3A_116, %dma_start3A_117] : memref<40x128xi32, #tpu.memory_space<vmem>> -> memref<1x128xi32, #tpu.memory_space<vmem>>
        %dma_start3A_119 = tpu.memref_squeeze %dma_start3A_118 : memref<1x128xi32, #tpu.memory_space<vmem>> -> memref<128xi32, #tpu.memory_space<vmem>>
        %dma_start3A_120 = arith.constant 0 : i32
        %dma_start3A_121 = arith.constant 0 : i32
        %dma_start3A_122 = tpu.memref_slice %arg2[%dma_start3A_120, %dma_start3A_121] : memref<10000x128xf32, #tpu.memory_space<hbm>> -> memref<10000x128xf32, #tpu.memory_space<hbm>>
        tpu.enqueue_indirect_dma source(%dma_start3A_122 : memref<10000x128xf32, #tpu.memory_space<hbm>>) target(%arg10 : memref<128x128xf32, #tpu.memory_space<vmem>>) offsets(%dma_start3A_119 : memref<128xi32, #tpu.memory_space<vmem>>) semaphore(%arg12 : memref<!tpu.dma_semaphore, #tpu.memory_space<semaphore_mem>>)
      } else {
      }
      %scan3A_114 = arith.constant 0 : i32
      scf.yield %scan3A_114 : i32
    }
    %scan3A_76 = arith.constant 20 : i32
    %barrier3A_77 = arith.constant 0 : index
    tpu.barrier barrier_id(%barrier3A_77)
    %mul3A_78 = arith.constant 640 : i32
    %mul3A_79 = arith.muli %arg1, %mul3A_78 : i32
    %mul3A_80 = arith.constant 640 : i32
    %mul3A_81 = arith.muli %arg1, %mul3A_80 : i32
    "tpu.region"() ({
      %run_scoped3A = tpu.sem_alloc : memref<!tpu.dma_semaphore, #tpu.memory_space<semaphore_mem>>
      %dma_start3A_82 = arith.constant 0 : i32
      %dma_start3A_83 = tpu.memref_slice %arg5[%arg0, %mul3A_81, %dma_start3A_82] : memref<2x10240x128xf32, #tpu.memory_space<hbm>> -> memref<1x640x128xf32, #tpu.memory_space<hbm>>
      %dma_start3A_84 = tpu.memref_squeeze %dma_start3A_83 : memref<1x640x128xf32, #tpu.memory_space<hbm>> -> memref<640x128xf32, #tpu.memory_space<hbm>>
      %dma_start3A_85 = arith.constant 0 : i32
      %dma_start3A_86 = tpu.memref_slice %arg6[%mul3A_79, %dma_start3A_85] : memref<10240x128xf32, #tpu.memory_space<vmem_shared>> -> memref<640x128xf32, #tpu.memory_space<vmem_shared>>
      tpu.enqueue_dma source(%dma_start3A_86 : memref<640x128xf32, #tpu.memory_space<vmem_shared>>) target(%dma_start3A_84 : memref<640x128xf32, #tpu.memory_space<hbm>>) target_semaphore(%run_scoped3A : memref<!tpu.dma_semaphore, #tpu.memory_space<semaphore_mem>>)
      %dma_wait3A = arith.constant 0 : i32
      %dma_wait3A_87 = tpu.memref_slice %arg5[%arg0, %mul3A_81, %dma_wait3A] : memref<2x10240x128xf32, #tpu.memory_space<hbm>> -> memref<1x640x128xf32, #tpu.memory_space<hbm>>
      %dma_wait3A_88 = tpu.memref_squeeze %dma_wait3A_87 : memref<1x640x128xf32, #tpu.memory_space<hbm>> -> memref<640x128xf32, #tpu.memory_space<hbm>>
      %dma_wait3A_89 = arith.constant 0 : i32
      %dma_wait3A_90 = tpu.memref_slice %arg6[%mul3A_79, %dma_wait3A_89] : memref<10240x128xf32, #tpu.memory_space<vmem_shared>> -> memref<640x128xf32, #tpu.memory_space<vmem_shared>>
      tpu.wait_dma2 semaphore(%run_scoped3A : memref<!tpu.dma_semaphore, #tpu.memory_space<semaphore_mem>>) src(%dma_wait3A_90 : memref<640x128xf32, #tpu.memory_space<vmem_shared>>) dst(%dma_wait3A_88 : memref<640x128xf32, #tpu.memory_space<hbm>>)
      tpu.yield
    }) : () -> ()
    return
  }
}

#map = affine_map<(d0, d1) -> (0)>
#map1 = affine_map<(d0, d1) -> (0, 0)>
module attributes {stable_mosaic.version = 14 : i64} {
  func.func @_sc_counts_body(%arg0: i32, %arg1: i32, %arg2: memref<327680xi32, #tpu.memory_space<hbm>>, %arg3: memref<3072xi32, #tpu.memory_space<hbm>>, %arg4: memref<2x10240xf32, #tpu.memory_space<hbm>>, %arg5: memref<2x10240xf32, #tpu.memory_space<hbm>>, %arg6: memref<10240xf32, #tpu.memory_space<vmem_shared>>, %arg7: memref<10240xf32, #tpu.memory_space<vmem_shared>>, %arg8: memref<128xi32, #tpu.memory_space<vmem>>, %arg9: memref<96xi32, #tpu.memory_space<vmem>>, %arg10: memref<128xf32, #tpu.memory_space<vmem>>, %arg11: memref<1x128xf32, #tpu.memory_space<vmem>>) attributes {dimension_semantics = [#tpu.dimension_semantics<core_parallel>, #tpu.dimension_semantics<subcore_parallel>], iteration_bounds = array<i64: 2, 16>, scalar_prefetch = 0 : i64, scratch_operands = 6 : i64, tpu.core_type = #tpu.core_type<sc_vector_subcore>, window_params = [{transform_indices = #map}, {transform_indices = #map}, {transform_indices = #map1}, {transform_indices = #map1}]} {
    %mul3A = arith.constant 2 : i32
    %mul3A_0 = arith.muli %arg1, %mul3A : i32
    %add3A = arith.addi %mul3A_0, %arg0 : i32
    %broadcast_in_dim3A = arith.constant 1.000000e+00 : f32
    %broadcast_in_dim3A_1 = vector.broadcast %broadcast_in_dim3A : f32 to vector<16xf32>
    %swap3A = arith.constant 0 : index
    %swap3A_2 = tpu.vector_load %arg10[%swap3A] {strides = array<i32>} : memref<128xf32, #tpu.memory_space<vmem>>, vector<16xf32>,
    %swap3A_3 = vector.shape_cast %swap3A_2 : vector<16xf32> to vector<16xf32>
    %swap3A_4 = vector.shape_cast %broadcast_in_dim3A_1 : vector<16xf32> to vector<16xf32>
    tpu.vector_store %arg10[%swap3A], %swap3A_4 {strides = array<i32>} : memref<128xf32, #tpu.memory_space<vmem>>, vector<16xf32>,
    %swap3A_5 = arith.constant 16 : index
    %swap3A_6 = tpu.vector_load %arg10[%swap3A_5] {strides = array<i32>} : memref<128xf32, #tpu.memory_space<vmem>>, vector<16xf32>,
    %swap3A_7 = vector.shape_cast %swap3A_6 : vector<16xf32> to vector<16xf32>
    %swap3A_8 = vector.shape_cast %broadcast_in_dim3A_1 : vector<16xf32> to vector<16xf32>
    tpu.vector_store %arg10[%swap3A_5], %swap3A_8 {strides = array<i32>} : memref<128xf32, #tpu.memory_space<vmem>>, vector<16xf32>,
    %swap3A_9 = arith.constant 32 : index
    %swap3A_10 = tpu.vector_load %arg10[%swap3A_9] {strides = array<i32>} : memref<128xf32, #tpu.memory_space<vmem>>, vector<16xf32>,
    %swap3A_11 = vector.shape_cast %swap3A_10 : vector<16xf32> to vector<16xf32>
    %swap3A_12 = vector.shape_cast %broadcast_in_dim3A_1 : vector<16xf32> to vector<16xf32>
    tpu.vector_store %arg10[%swap3A_9], %swap3A_12 {strides = array<i32>} : memref<128xf32, #tpu.memory_space<vmem>>, vector<16xf32>,
    %swap3A_13 = arith.constant 48 : index
    %swap3A_14 = tpu.vector_load %arg10[%swap3A_13] {strides = array<i32>} : memref<128xf32, #tpu.memory_space<vmem>>, vector<16xf32>,
    %swap3A_15 = vector.shape_cast %swap3A_14 : vector<16xf32> to vector<16xf32>
    %swap3A_16 = vector.shape_cast %broadcast_in_dim3A_1 : vector<16xf32> to vector<16xf32>
    tpu.vector_store %arg10[%swap3A_13], %swap3A_16 {strides = array<i32>} : memref<128xf32, #tpu.memory_space<vmem>>, vector<16xf32>,
    %swap3A_17 = arith.constant 64 : index
    %swap3A_18 = tpu.vector_load %arg10[%swap3A_17] {strides = array<i32>} : memref<128xf32, #tpu.memory_space<vmem>>, vector<16xf32>,
    %swap3A_19 = vector.shape_cast %swap3A_18 : vector<16xf32> to vector<16xf32>
    %swap3A_20 = vector.shape_cast %broadcast_in_dim3A_1 : vector<16xf32> to vector<16xf32>
    tpu.vector_store %arg10[%swap3A_17], %swap3A_20 {strides = array<i32>} : memref<128xf32, #tpu.memory_space<vmem>>, vector<16xf32>,
    %swap3A_21 = arith.constant 80 : index
    %swap3A_22 = tpu.vector_load %arg10[%swap3A_21] {strides = array<i32>} : memref<128xf32, #tpu.memory_space<vmem>>, vector<16xf32>,
    %swap3A_23 = vector.shape_cast %swap3A_22 : vector<16xf32> to vector<16xf32>
    %swap3A_24 = vector.shape_cast %broadcast_in_dim3A_1 : vector<16xf32> to vector<16xf32>
    tpu.vector_store %arg10[%swap3A_21], %swap3A_24 {strides = array<i32>} : memref<128xf32, #tpu.memory_space<vmem>>, vector<16xf32>,
    %swap3A_25 = arith.constant 96 : index
    %swap3A_26 = tpu.vector_load %arg10[%swap3A_25] {strides = array<i32>} : memref<128xf32, #tpu.memory_space<vmem>>, vector<16xf32>,
    %swap3A_27 = vector.shape_cast %swap3A_26 : vector<16xf32> to vector<16xf32>
    %swap3A_28 = vector.shape_cast %broadcast_in_dim3A_1 : vector<16xf32> to vector<16xf32>
    tpu.vector_store %arg10[%swap3A_25], %swap3A_28 {strides = array<i32>} : memref<128xf32, #tpu.memory_space<vmem>>, vector<16xf32>,
    %swap3A_29 = arith.constant 112 : index
    %swap3A_30 = tpu.vector_load %arg10[%swap3A_29] {strides = array<i32>} : memref<128xf32, #tpu.memory_space<vmem>>, vector<16xf32>,
    %swap3A_31 = vector.shape_cast %swap3A_30 : vector<16xf32> to vector<16xf32>
    %swap3A_32 = vector.shape_cast %broadcast_in_dim3A_1 : vector<16xf32> to vector<16xf32>
    tpu.vector_store %arg10[%swap3A_29], %swap3A_32 {strides = array<i32>} : memref<128xf32, #tpu.memory_space<vmem>>, vector<16xf32>,
    %broadcast_in_dim3A_33 = arith.constant 0.000000e+00 : f32
    %broadcast_in_dim3A_34 = vector.broadcast %broadcast_in_dim3A_33 : f32 to vector<16xf32>
    %scan3A = arith.constant 0 : i32
    %scan3A_35 = arith.constant 0 : i32
    %swap3A_36 = arith.index_cast %scan3A_35 : i32 to index
    %swap3A_37 = arith.constant 0 : index
    %swap3A_38 = tpu.vector_load %arg11[%swap3A_36, %swap3A_37] {strides = array<i32>} : memref<1x128xf32, #tpu.memory_space<vmem>>, vector<1x16xf32>,
    %swap3A_39 = vector.shape_cast %swap3A_38 : vector<1x16xf32> to vector<16xf32>
    %swap3A_40 = vector.shape_cast %broadcast_in_dim3A_34 : vector<16xf32> to vector<1x16xf32>
    tpu.vector_store %arg11[%swap3A_36, %swap3A_37], %swap3A_40 {strides = array<i32>} : memref<1x128xf32, #tpu.memory_space<vmem>>, vector<1x16xf32>,
    %swap3A_41 = arith.index_cast %scan3A_35 : i32 to index
    %swap3A_42 = arith.constant 16 : index
    %swap3A_43 = tpu.vector_load %arg11[%swap3A_41, %swap3A_42] {strides = array<i32>} : memref<1x128xf32, #tpu.memory_space<vmem>>, vector<1x16xf32>,
    %swap3A_44 = vector.shape_cast %swap3A_43 : vector<1x16xf32> to vector<16xf32>
    %swap3A_45 = vector.shape_cast %broadcast_in_dim3A_34 : vector<16xf32> to vector<1x16xf32>
    tpu.vector_store %arg11[%swap3A_41, %swap3A_42], %swap3A_45 {strides = array<i32>} : memref<1x128xf32, #tpu.memory_space<vmem>>, vector<1x16xf32>,
    %swap3A_46 = arith.index_cast %scan3A_35 : i32 to index
    %swap3A_47 = arith.constant 32 : index
    %swap3A_48 = tpu.vector_load %arg11[%swap3A_46, %swap3A_47] {strides = array<i32>} : memref<1x128xf32, #tpu.memory_space<vmem>>, vector<1x16xf32>,
    %swap3A_49 = vector.shape_cast %swap3A_48 : vector<1x16xf32> to vector<16xf32>
    %swap3A_50 = vector.shape_cast %broadcast_in_dim3A_34 : vector<16xf32> to vector<1x16xf32>
    tpu.vector_store %arg11[%swap3A_46, %swap3A_47], %swap3A_50 {strides = array<i32>} : memref<1x128xf32, #tpu.memory_space<vmem>>, vector<1x16xf32>,
    %swap3A_51 = arith.index_cast %scan3A_35 : i32 to index
    %swap3A_52 = arith.constant 48 : index
    %swap3A_53 = tpu.vector_load %arg11[%swap3A_51, %swap3A_52] {strides = array<i32>} : memref<1x128xf32, #tpu.memory_space<vmem>>, vector<1x16xf32>,
    %swap3A_54 = vector.shape_cast %swap3A_53 : vector<1x16xf32> to vector<16xf32>
    %swap3A_55 = vector.shape_cast %broadcast_in_dim3A_34 : vector<16xf32> to vector<1x16xf32>
    tpu.vector_store %arg11[%swap3A_51, %swap3A_52], %swap3A_55 {strides = array<i32>} : memref<1x128xf32, #tpu.memory_space<vmem>>, vector<1x16xf32>,
    %swap3A_56 = arith.index_cast %scan3A_35 : i32 to index
    %swap3A_57 = arith.constant 64 : index
    %swap3A_58 = tpu.vector_load %arg11[%swap3A_56, %swap3A_57] {strides = array<i32>} : memref<1x128xf32, #tpu.memory_space<vmem>>, vector<1x16xf32>,
    %swap3A_59 = vector.shape_cast %swap3A_58 : vector<1x16xf32> to vector<16xf32>
    %swap3A_60 = vector.shape_cast %broadcast_in_dim3A_34 : vector<16xf32> to vector<1x16xf32>
    tpu.vector_store %arg11[%swap3A_56, %swap3A_57], %swap3A_60 {strides = array<i32>} : memref<1x128xf32, #tpu.memory_space<vmem>>, vector<1x16xf32>,
    %swap3A_61 = arith.index_cast %scan3A_35 : i32 to index
    %swap3A_62 = arith.constant 80 : index
    %swap3A_63 = tpu.vector_load %arg11[%swap3A_61, %swap3A_62] {strides = array<i32>} : memref<1x128xf32, #tpu.memory_space<vmem>>, vector<1x16xf32>,
    %swap3A_64 = vector.shape_cast %swap3A_63 : vector<1x16xf32> to vector<16xf32>
    %swap3A_65 = vector.shape_cast %broadcast_in_dim3A_34 : vector<16xf32> to vector<1x16xf32>
    tpu.vector_store %arg11[%swap3A_61, %swap3A_62], %swap3A_65 {strides = array<i32>} : memref<1x128xf32, #tpu.memory_space<vmem>>, vector<1x16xf32>,
    %swap3A_66 = arith.index_cast %scan3A_35 : i32 to index
    %swap3A_67 = arith.constant 96 : index
    %swap3A_68 = tpu.vector_load %arg11[%swap3A_66, %swap3A_67] {strides = array<i32>} : memref<1x128xf32, #tpu.memory_space<vmem>>, vector<1x16xf32>,
    %swap3A_69 = vector.shape_cast %swap3A_68 : vector<1x16xf32> to vector<16xf32>
    %swap3A_70 = vector.shape_cast %broadcast_in_dim3A_34 : vector<16xf32> to vector<1x16xf32>
    tpu.vector_store %arg11[%swap3A_66, %swap3A_67], %swap3A_70 {strides = array<i32>} : memref<1x128xf32, #tpu.memory_space<vmem>>, vector<1x16xf32>,
    %swap3A_71 = arith.index_cast %scan3A_35 : i32 to index
    %swap3A_72 = arith.constant 112 : index
    %swap3A_73 = tpu.vector_load %arg11[%swap3A_71, %swap3A_72] {strides = array<i32>} : memref<1x128xf32, #tpu.memory_space<vmem>>, vector<1x16xf32>,
    %swap3A_74 = vector.shape_cast %swap3A_73 : vector<1x16xf32> to vector<16xf32>
    %swap3A_75 = vector.shape_cast %broadcast_in_dim3A_34 : vector<16xf32> to vector<1x16xf32>
    tpu.vector_store %arg11[%swap3A_71, %swap3A_72], %swap3A_75 {strides = array<i32>} : memref<1x128xf32, #tpu.memory_space<vmem>>, vector<1x16xf32>,
    %scan3A_76 = arith.constant 0 : i32
    %scan3A_77 = arith.constant 1 : i32
    %mul3A_78 = arith.constant 640 : i32
    %mul3A_79 = arith.muli %arg1, %mul3A_78 : i32
    %add3A_80 = arith.constant 0 : i32
    %add3A_81 = arith.addi %mul3A_79, %add3A_80 : i32
    %run_scoped3A = arith.constant 0 : i32
    "tpu.region"() ({
      %run_scoped3A_145 = tpu.sem_alloc : memref<!tpu.dma_semaphore, #tpu.memory_space<semaphore_mem>>
      %dma_start3A = arith.constant 0 : i32
      %dma_start3A_146 = tpu.memref_slice %arg11[%run_scoped3A, %dma_start3A] : memref<1x128xf32, #tpu.memory_space<vmem>> -> memref<1x128xf32, #tpu.memory_space<vmem>>
      %dma_start3A_147 = tpu.memref_squeeze %dma_start3A_146 : memref<1x128xf32, #tpu.memory_space<vmem>> -> memref<128xf32, #tpu.memory_space<vmem>>
      %dma_start3A_148 = tpu.memref_slice %arg6[%add3A_81] : memref<10240xf32, #tpu.memory_space<vmem_shared>> -> memref<128xf32, #tpu.memory_space<vmem_shared>>
      %dma_start3A_149 = tpu.memref_slice %arg6[%add3A_81] : memref<10240xf32, #tpu.memory_space<vmem_shared>> -> memref<128xf32, #tpu.memory_space<vmem_shared>>
      %dma_start3A_150 = arith.constant 0 : i32
      %dma_start3A_151 = tpu.memref_slice %arg11[%run_scoped3A, %dma_start3A_150] : memref<1x128xf32, #tpu.memory_space<vmem>> -> memref<1x128xf32, #tpu.memory_space<vmem>>
      %dma_start3A_152 = tpu.memref_squeeze %dma_start3A_151 : memref<1x128xf32, #tpu.memory_space<vmem>> -> memref<128xf32, #tpu.memory_space<vmem>>
      tpu.enqueue_dma source(%dma_start3A_152 : memref<128xf32, #tpu.memory_space<vmem>>) target(%dma_start3A_149 : memref<128xf32, #tpu.memory_space<vmem_shared>>) target_semaphore(%run_scoped3A_145 : memref<!tpu.dma_semaphore, #tpu.memory_space<semaphore_mem>>)
      %dma_wait3A = arith.constant 0 : i32
      %dma_wait3A_153 = tpu.memref_slice %arg11[%run_scoped3A, %dma_wait3A] : memref<1x128xf32, #tpu.memory_space<vmem>> -> memref<1x128xf32, #tpu.memory_space<vmem>>
      %dma_wait3A_154 = tpu.memref_squeeze %dma_wait3A_153 : memref<1x128xf32, #tpu.memory_space<vmem>> -> memref<128xf32, #tpu.memory_space<vmem>>
      %dma_wait3A_155 = tpu.memref_slice %arg6[%add3A_81] : memref<10240xf32, #tpu.memory_space<vmem_shared>> -> memref<128xf32, #tpu.memory_space<vmem_shared>>
      %dma_wait3A_156 = tpu.memref_slice %arg6[%add3A_81] : memref<10240xf32, #tpu.memory_space<vmem_shared>> -> memref<128xf32, #tpu.memory_space<vmem_shared>>
      %dma_wait3A_157 = arith.constant 0 : i32
      %dma_wait3A_158 = tpu.memref_slice %arg11[%run_scoped3A, %dma_wait3A_157] : memref<1x128xf32, #tpu.memory_space<vmem>> -> memref<1x128xf32, #tpu.memory_space<vmem>>
      %dma_wait3A_159 = tpu.memref_squeeze %dma_wait3A_158 : memref<1x128xf32, #tpu.memory_space<vmem>> -> memref<128xf32, #tpu.memory_space<vmem>>
      tpu.wait_dma2 semaphore(%run_scoped3A_145 : memref<!tpu.dma_semaphore, #tpu.memory_space<semaphore_mem>>) src(%dma_wait3A_159 : memref<128xf32, #tpu.memory_space<vmem>>) dst(%dma_wait3A_156 : memref<128xf32, #tpu.memory_space<vmem_shared>>)
      tpu.yield
    }) : () -> ()
    %mul3A_82 = arith.constant 640 : i32
    %mul3A_83 = arith.muli %arg1, %mul3A_82 : i32
    %add3A_84 = arith.constant 0 : i32
    %add3A_85 = arith.addi %mul3A_83, %add3A_84 : i32
    %run_scoped3A_86 = arith.constant 0 : i32
    "tpu.region"() ({
      %run_scoped3A_145 = tpu.sem_alloc : memref<!tpu.dma_semaphore, #tpu.memory_space<semaphore_mem>>
      %dma_start3A = arith.constant 0 : i32
      %dma_start3A_146 = tpu.memref_slice %arg11[%run_scoped3A_86, %dma_start3A] : memref<1x128xf32, #tpu.memory_space<vmem>> -> memref<1x128xf32, #tpu.memory_space<vmem>>
      %dma_start3A_147 = tpu.memref_squeeze %dma_start3A_146 : memref<1x128xf32, #tpu.memory_space<vmem>> -> memref<128xf32, #tpu.memory_space<vmem>>
      %dma_start3A_148 = tpu.memref_slice %arg7[%add3A_85] : memref<10240xf32, #tpu.memory_space<vmem_shared>> -> memref<128xf32, #tpu.memory_space<vmem_shared>>
      %dma_start3A_149 = tpu.memref_slice %arg7[%add3A_85] : memref<10240xf32, #tpu.memory_space<vmem_shared>> -> memref<128xf32, #tpu.memory_space<vmem_shared>>
      %dma_start3A_150 = arith.constant 0 : i32
      %dma_start3A_151 = tpu.memref_slice %arg11[%run_scoped3A_86, %dma_start3A_150] : memref<1x128xf32, #tpu.memory_space<vmem>> -> memref<1x128xf32, #tpu.memory_space<vmem>>
      %dma_start3A_152 = tpu.memref_squeeze %dma_start3A_151 : memref<1x128xf32, #tpu.memory_space<vmem>> -> memref<128xf32, #tpu.memory_space<vmem>>
      tpu.enqueue_dma source(%dma_start3A_152 : memref<128xf32, #tpu.memory_space<vmem>>) target(%dma_start3A_149 : memref<128xf32, #tpu.memory_space<vmem_shared>>) target_semaphore(%run_scoped3A_145 : memref<!tpu.dma_semaphore, #tpu.memory_space<semaphore_mem>>)
      %dma_wait3A = arith.constant 0 : i32
      %dma_wait3A_153 = tpu.memref_slice %arg11[%run_scoped3A_86, %dma_wait3A] : memref<1x128xf32, #tpu.memory_space<vmem>> -> memref<1x128xf32, #tpu.memory_space<vmem>>
      %dma_wait3A_154 = tpu.memref_squeeze %dma_wait3A_153 : memref<1x128xf32, #tpu.memory_space<vmem>> -> memref<128xf32, #tpu.memory_space<vmem>>
      %dma_wait3A_155 = tpu.memref_slice %arg7[%add3A_85] : memref<10240xf32, #tpu.memory_space<vmem_shared>> -> memref<128xf32, #tpu.memory_space<vmem_shared>>
      %dma_wait3A_156 = tpu.memref_slice %arg7[%add3A_85] : memref<10240xf32, #tpu.memory_space<vmem_shared>> -> memref<128xf32, #tpu.memory_space<vmem_shared>>
      %dma_wait3A_157 = arith.constant 0 : i32
      %dma_wait3A_158 = tpu.memref_slice %arg11[%run_scoped3A_86, %dma_wait3A_157] : memref<1x128xf32, #tpu.memory_space<vmem>> -> memref<1x128xf32, #tpu.memory_space<vmem>>
      %dma_wait3A_159 = tpu.memref_squeeze %dma_wait3A_158 : memref<1x128xf32, #tpu.memory_space<vmem>> -> memref<128xf32, #tpu.memory_space<vmem>>
      tpu.wait_dma2 semaphore(%run_scoped3A_145 : memref<!tpu.dma_semaphore, #tpu.memory_space<semaphore_mem>>) src(%dma_wait3A_159 : memref<128xf32, #tpu.memory_space<vmem>>) dst(%dma_wait3A_156 : memref<128xf32, #tpu.memory_space<vmem_shared>>)
      tpu.yield
    }) : () -> ()
    %mul3A_87 = arith.constant 640 : i32
    %mul3A_88 = arith.muli %arg1, %mul3A_87 : i32
    %add3A_89 = arith.constant 128 : i32
    %add3A_90 = arith.addi %mul3A_88, %add3A_89 : i32
    %run_scoped3A_91 = arith.constant 0 : i32
    "tpu.region"() ({
      %run_scoped3A_145 = tpu.sem_alloc : memref<!tpu.dma_semaphore, #tpu.memory_space<semaphore_mem>>
      %dma_start3A = arith.constant 0 : i32
      %dma_start3A_146 = tpu.memref_slice %arg11[%run_scoped3A_91, %dma_start3A] : memref<1x128xf32, #tpu.memory_space<vmem>> -> memref<1x128xf32, #tpu.memory_space<vmem>>
      %dma_start3A_147 = tpu.memref_squeeze %dma_start3A_146 : memref<1x128xf32, #tpu.memory_space<vmem>> -> memref<128xf32, #tpu.memory_space<vmem>>
      %dma_start3A_148 = tpu.memref_slice %arg6[%add3A_90] : memref<10240xf32, #tpu.memory_space<vmem_shared>> -> memref<128xf32, #tpu.memory_space<vmem_shared>>
      %dma_start3A_149 = tpu.memref_slice %arg6[%add3A_90] : memref<10240xf32, #tpu.memory_space<vmem_shared>> -> memref<128xf32, #tpu.memory_space<vmem_shared>>
      %dma_start3A_150 = arith.constant 0 : i32
      %dma_start3A_151 = tpu.memref_slice %arg11[%run_scoped3A_91, %dma_start3A_150] : memref<1x128xf32, #tpu.memory_space<vmem>> -> memref<1x128xf32, #tpu.memory_space<vmem>>
      %dma_start3A_152 = tpu.memref_squeeze %dma_start3A_151 : memref<1x128xf32, #tpu.memory_space<vmem>> -> memref<128xf32, #tpu.memory_space<vmem>>
      tpu.enqueue_dma source(%dma_start3A_152 : memref<128xf32, #tpu.memory_space<vmem>>) target(%dma_start3A_149 : memref<128xf32, #tpu.memory_space<vmem_shared>>) target_semaphore(%run_scoped3A_145 : memref<!tpu.dma_semaphore, #tpu.memory_space<semaphore_mem>>)
      %dma_wait3A = arith.constant 0 : i32
      %dma_wait3A_153 = tpu.memref_slice %arg11[%run_scoped3A_91, %dma_wait3A] : memref<1x128xf32, #tpu.memory_space<vmem>> -> memref<1x128xf32, #tpu.memory_space<vmem>>
      %dma_wait3A_154 = tpu.memref_squeeze %dma_wait3A_153 : memref<1x128xf32, #tpu.memory_space<vmem>> -> memref<128xf32, #tpu.memory_space<vmem>>
      %dma_wait3A_155 = tpu.memref_slice %arg6[%add3A_90] : memref<10240xf32, #tpu.memory_space<vmem_shared>> -> memref<128xf32, #tpu.memory_space<vmem_shared>>
      %dma_wait3A_156 = tpu.memref_slice %arg6[%add3A_90] : memref<10240xf32, #tpu.memory_space<vmem_shared>> -> memref<128xf32, #tpu.memory_space<vmem_shared>>
      %dma_wait3A_157 = arith.constant 0 : i32
      %dma_wait3A_158 = tpu.memref_slice %arg11[%run_scoped3A_91, %dma_wait3A_157] : memref<1x128xf32, #tpu.memory_space<vmem>> -> memref<1x128xf32, #tpu.memory_space<vmem>>
      %dma_wait3A_159 = tpu.memref_squeeze %dma_wait3A_158 : memref<1x128xf32, #tpu.memory_space<vmem>> -> memref<128xf32, #tpu.memory_space<vmem>>
      tpu.wait_dma2 semaphore(%run_scoped3A_145 : memref<!tpu.dma_semaphore, #tpu.memory_space<semaphore_mem>>) src(%dma_wait3A_159 : memref<128xf32, #tpu.memory_space<vmem>>) dst(%dma_wait3A_156 : memref<128xf32, #tpu.memory_space<vmem_shared>>)
      tpu.yield
    }) : () -> ()
    %mul3A_92 = arith.constant 640 : i32
    %mul3A_93 = arith.muli %arg1, %mul3A_92 : i32
    %add3A_94 = arith.constant 128 : i32
    %add3A_95 = arith.addi %mul3A_93, %add3A_94 : i32
    %run_scoped3A_96 = arith.constant 0 : i32
    "tpu.region"() ({
      %run_scoped3A_145 = tpu.sem_alloc : memref<!tpu.dma_semaphore, #tpu.memory_space<semaphore_mem>>
      %dma_start3A = arith.constant 0 : i32
      %dma_start3A_146 = tpu.memref_slice %arg11[%run_scoped3A_96, %dma_start3A] : memref<1x128xf32, #tpu.memory_space<vmem>> -> memref<1x128xf32, #tpu.memory_space<vmem>>
      %dma_start3A_147 = tpu.memref_squeeze %dma_start3A_146 : memref<1x128xf32, #tpu.memory_space<vmem>> -> memref<128xf32, #tpu.memory_space<vmem>>
      %dma_start3A_148 = tpu.memref_slice %arg7[%add3A_95] : memref<10240xf32, #tpu.memory_space<vmem_shared>> -> memref<128xf32, #tpu.memory_space<vmem_shared>>
      %dma_start3A_149 = tpu.memref_slice %arg7[%add3A_95] : memref<10240xf32, #tpu.memory_space<vmem_shared>> -> memref<128xf32, #tpu.memory_space<vmem_shared>>
      %dma_start3A_150 = arith.constant 0 : i32
      %dma_start3A_151 = tpu.memref_slice %arg11[%run_scoped3A_96, %dma_start3A_150] : memref<1x128xf32, #tpu.memory_space<vmem>> -> memref<1x128xf32, #tpu.memory_space<vmem>>
      %dma_start3A_152 = tpu.memref_squeeze %dma_start3A_151 : memref<1x128xf32, #tpu.memory_space<vmem>> -> memref<128xf32, #tpu.memory_space<vmem>>
      tpu.enqueue_dma source(%dma_start3A_152 : memref<128xf32, #tpu.memory_space<vmem>>) target(%dma_start3A_149 : memref<128xf32, #tpu.memory_space<vmem_shared>>) target_semaphore(%run_scoped3A_145 : memref<!tpu.dma_semaphore, #tpu.memory_space<semaphore_mem>>)
      %dma_wait3A = arith.constant 0 : i32
      %dma_wait3A_153 = tpu.memref_slice %arg11[%run_scoped3A_96, %dma_wait3A] : memref<1x128xf32, #tpu.memory_space<vmem>> -> memref<1x128xf32, #tpu.memory_space<vmem>>
      %dma_wait3A_154 = tpu.memref_squeeze %dma_wait3A_153 : memref<1x128xf32, #tpu.memory_space<vmem>> -> memref<128xf32, #tpu.memory_space<vmem>>
      %dma_wait3A_155 = tpu.memref_slice %arg7[%add3A_95] : memref<10240xf32, #tpu.memory_space<vmem_shared>> -> memref<128xf32, #tpu.memory_space<vmem_shared>>
      %dma_wait3A_156 = tpu.memref_slice %arg7[%add3A_95] : memref<10240xf32, #tpu.memory_space<vmem_shared>> -> memref<128xf32, #tpu.memory_space<vmem_shared>>
      %dma_wait3A_157 = arith.constant 0 : i32
      %dma_wait3A_158 = tpu.memref_slice %arg11[%run_scoped3A_96, %dma_wait3A_157] : memref<1x128xf32, #tpu.memory_space<vmem>> -> memref<1x128xf32, #tpu.memory_space<vmem>>
      %dma_wait3A_159 = tpu.memref_squeeze %dma_wait3A_158 : memref<1x128xf32, #tpu.memory_space<vmem>> -> memref<128xf32, #tpu.memory_space<vmem>>
      tpu.wait_dma2 semaphore(%run_scoped3A_145 : memref<!tpu.dma_semaphore, #tpu.memory_space<semaphore_mem>>) src(%dma_wait3A_159 : memref<128xf32, #tpu.memory_space<vmem>>) dst(%dma_wait3A_156 : memref<128xf32, #tpu.memory_space<vmem_shared>>)
      tpu.yield
    }) : () -> ()
    %mul3A_97 = arith.constant 640 : i32
    %mul3A_98 = arith.muli %arg1, %mul3A_97 : i32
    %add3A_99 = arith.constant 256 : i32
    %add3A_100 = arith.addi %mul3A_98, %add3A_99 : i32
    %run_scoped3A_101 = arith.constant 0 : i32
    "tpu.region"() ({
      %run_scoped3A_145 = tpu.sem_alloc : memref<!tpu.dma_semaphore, #tpu.memory_space<semaphore_mem>>
      %dma_start3A = arith.constant 0 : i32
      %dma_start3A_146 = tpu.memref_slice %arg11[%run_scoped3A_101, %dma_start3A] : memref<1x128xf32, #tpu.memory_space<vmem>> -> memref<1x128xf32, #tpu.memory_space<vmem>>
      %dma_start3A_147 = tpu.memref_squeeze %dma_start3A_146 : memref<1x128xf32, #tpu.memory_space<vmem>> -> memref<128xf32, #tpu.memory_space<vmem>>
      %dma_start3A_148 = tpu.memref_slice %arg6[%add3A_100] : memref<10240xf32, #tpu.memory_space<vmem_shared>> -> memref<128xf32, #tpu.memory_space<vmem_shared>>
      %dma_start3A_149 = tpu.memref_slice %arg6[%add3A_100] : memref<10240xf32, #tpu.memory_space<vmem_shared>> -> memref<128xf32, #tpu.memory_space<vmem_shared>>
      %dma_start3A_150 = arith.constant 0 : i32
      %dma_start3A_151 = tpu.memref_slice %arg11[%run_scoped3A_101, %dma_start3A_150] : memref<1x128xf32, #tpu.memory_space<vmem>> -> memref<1x128xf32, #tpu.memory_space<vmem>>
      %dma_start3A_152 = tpu.memref_squeeze %dma_start3A_151 : memref<1x128xf32, #tpu.memory_space<vmem>> -> memref<128xf32, #tpu.memory_space<vmem>>
      tpu.enqueue_dma source(%dma_start3A_152 : memref<128xf32, #tpu.memory_space<vmem>>) target(%dma_start3A_149 : memref<128xf32, #tpu.memory_space<vmem_shared>>) target_semaphore(%run_scoped3A_145 : memref<!tpu.dma_semaphore, #tpu.memory_space<semaphore_mem>>)
      %dma_wait3A = arith.constant 0 : i32
      %dma_wait3A_153 = tpu.memref_slice %arg11[%run_scoped3A_101, %dma_wait3A] : memref<1x128xf32, #tpu.memory_space<vmem>> -> memref<1x128xf32, #tpu.memory_space<vmem>>
      %dma_wait3A_154 = tpu.memref_squeeze %dma_wait3A_153 : memref<1x128xf32, #tpu.memory_space<vmem>> -> memref<128xf32, #tpu.memory_space<vmem>>
      %dma_wait3A_155 = tpu.memref_slice %arg6[%add3A_100] : memref<10240xf32, #tpu.memory_space<vmem_shared>> -> memref<128xf32, #tpu.memory_space<vmem_shared>>
      %dma_wait3A_156 = tpu.memref_slice %arg6[%add3A_100] : memref<10240xf32, #tpu.memory_space<vmem_shared>> -> memref<128xf32, #tpu.memory_space<vmem_shared>>
      %dma_wait3A_157 = arith.constant 0 : i32
      %dma_wait3A_158 = tpu.memref_slice %arg11[%run_scoped3A_101, %dma_wait3A_157] : memref<1x128xf32, #tpu.memory_space<vmem>> -> memref<1x128xf32, #tpu.memory_space<vmem>>
      %dma_wait3A_159 = tpu.memref_squeeze %dma_wait3A_158 : memref<1x128xf32, #tpu.memory_space<vmem>> -> memref<128xf32, #tpu.memory_space<vmem>>
      tpu.wait_dma2 semaphore(%run_scoped3A_145 : memref<!tpu.dma_semaphore, #tpu.memory_space<semaphore_mem>>) src(%dma_wait3A_159 : memref<128xf32, #tpu.memory_space<vmem>>) dst(%dma_wait3A_156 : memref<128xf32, #tpu.memory_space<vmem_shared>>)
      tpu.yield
    }) : () -> ()
    %mul3A_102 = arith.constant 640 : i32
    %mul3A_103 = arith.muli %arg1, %mul3A_102 : i32
    %add3A_104 = arith.constant 256 : i32
    %add3A_105 = arith.addi %mul3A_103, %add3A_104 : i32
    %run_scoped3A_106 = arith.constant 0 : i32
    "tpu.region"() ({
      %run_scoped3A_145 = tpu.sem_alloc : memref<!tpu.dma_semaphore, #tpu.memory_space<semaphore_mem>>
      %dma_start3A = arith.constant 0 : i32
      %dma_start3A_146 = tpu.memref_slice %arg11[%run_scoped3A_106, %dma_start3A] : memref<1x128xf32, #tpu.memory_space<vmem>> -> memref<1x128xf32, #tpu.memory_space<vmem>>
      %dma_start3A_147 = tpu.memref_squeeze %dma_start3A_146 : memref<1x128xf32, #tpu.memory_space<vmem>> -> memref<128xf32, #tpu.memory_space<vmem>>
      %dma_start3A_148 = tpu.memref_slice %arg7[%add3A_105] : memref<10240xf32, #tpu.memory_space<vmem_shared>> -> memref<128xf32, #tpu.memory_space<vmem_shared>>
      %dma_start3A_149 = tpu.memref_slice %arg7[%add3A_105] : memref<10240xf32, #tpu.memory_space<vmem_shared>> -> memref<128xf32, #tpu.memory_space<vmem_shared>>
      %dma_start3A_150 = arith.constant 0 : i32
      %dma_start3A_151 = tpu.memref_slice %arg11[%run_scoped3A_106, %dma_start3A_150] : memref<1x128xf32, #tpu.memory_space<vmem>> -> memref<1x128xf32, #tpu.memory_space<vmem>>
      %dma_start3A_152 = tpu.memref_squeeze %dma_start3A_151 : memref<1x128xf32, #tpu.memory_space<vmem>> -> memref<128xf32, #tpu.memory_space<vmem>>
      tpu.enqueue_dma source(%dma_start3A_152 : memref<128xf32, #tpu.memory_space<vmem>>) target(%dma_start3A_149 : memref<128xf32, #tpu.memory_space<vmem_shared>>) target_semaphore(%run_scoped3A_145 : memref<!tpu.dma_semaphore, #tpu.memory_space<semaphore_mem>>)
      %dma_wait3A = arith.constant 0 : i32
      %dma_wait3A_153 = tpu.memref_slice %arg11[%run_scoped3A_106, %dma_wait3A] : memref<1x128xf32, #tpu.memory_space<vmem>> -> memref<1x128xf32, #tpu.memory_space<vmem>>
      %dma_wait3A_154 = tpu.memref_squeeze %dma_wait3A_153 : memref<1x128xf32, #tpu.memory_space<vmem>> -> memref<128xf32, #tpu.memory_space<vmem>>
      %dma_wait3A_155 = tpu.memref_slice %arg7[%add3A_105] : memref<10240xf32, #tpu.memory_space<vmem_shared>> -> memref<128xf32, #tpu.memory_space<vmem_shared>>
      %dma_wait3A_156 = tpu.memref_slice %arg7[%add3A_105] : memref<10240xf32, #tpu.memory_space<vmem_shared>> -> memref<128xf32, #tpu.memory_space<vmem_shared>>
      %dma_wait3A_157 = arith.constant 0 : i32
      %dma_wait3A_158 = tpu.memref_slice %arg11[%run_scoped3A_106, %dma_wait3A_157] : memref<1x128xf32, #tpu.memory_space<vmem>> -> memref<1x128xf32, #tpu.memory_space<vmem>>
      %dma_wait3A_159 = tpu.memref_squeeze %dma_wait3A_158 : memref<1x128xf32, #tpu.memory_space<vmem>> -> memref<128xf32, #tpu.memory_space<vmem>>
      tpu.wait_dma2 semaphore(%run_scoped3A_145 : memref<!tpu.dma_semaphore, #tpu.memory_space<semaphore_mem>>) src(%dma_wait3A_159 : memref<128xf32, #tpu.memory_space<vmem>>) dst(%dma_wait3A_156 : memref<128xf32, #tpu.memory_space<vmem_shared>>)
      tpu.yield
    }) : () -> ()
    %mul3A_107 = arith.constant 640 : i32
    %mul3A_108 = arith.muli %arg1, %mul3A_107 : i32
    %add3A_109 = arith.constant 384 : i32
    %add3A_110 = arith.addi %mul3A_108, %add3A_109 : i32
    %run_scoped3A_111 = arith.constant 0 : i32
    "tpu.region"() ({
      %run_scoped3A_145 = tpu.sem_alloc : memref<!tpu.dma_semaphore, #tpu.memory_space<semaphore_mem>>
      %dma_start3A = arith.constant 0 : i32
      %dma_start3A_146 = tpu.memref_slice %arg11[%run_scoped3A_111, %dma_start3A] : memref<1x128xf32, #tpu.memory_space<vmem>> -> memref<1x128xf32, #tpu.memory_space<vmem>>
      %dma_start3A_147 = tpu.memref_squeeze %dma_start3A_146 : memref<1x128xf32, #tpu.memory_space<vmem>> -> memref<128xf32, #tpu.memory_space<vmem>>
      %dma_start3A_148 = tpu.memref_slice %arg6[%add3A_110] : memref<10240xf32, #tpu.memory_space<vmem_shared>> -> memref<128xf32, #tpu.memory_space<vmem_shared>>
      %dma_start3A_149 = tpu.memref_slice %arg6[%add3A_110] : memref<10240xf32, #tpu.memory_space<vmem_shared>> -> memref<128xf32, #tpu.memory_space<vmem_shared>>
      %dma_start3A_150 = arith.constant 0 : i32
      %dma_start3A_151 = tpu.memref_slice %arg11[%run_scoped3A_111, %dma_start3A_150] : memref<1x128xf32, #tpu.memory_space<vmem>> -> memref<1x128xf32, #tpu.memory_space<vmem>>
      %dma_start3A_152 = tpu.memref_squeeze %dma_start3A_151 : memref<1x128xf32, #tpu.memory_space<vmem>> -> memref<128xf32, #tpu.memory_space<vmem>>
      tpu.enqueue_dma source(%dma_start3A_152 : memref<128xf32, #tpu.memory_space<vmem>>) target(%dma_start3A_149 : memref<128xf32, #tpu.memory_space<vmem_shared>>) target_semaphore(%run_scoped3A_145 : memref<!tpu.dma_semaphore, #tpu.memory_space<semaphore_mem>>)
      %dma_wait3A = arith.constant 0 : i32
      %dma_wait3A_153 = tpu.memref_slice %arg11[%run_scoped3A_111, %dma_wait3A] : memref<1x128xf32, #tpu.memory_space<vmem>> -> memref<1x128xf32, #tpu.memory_space<vmem>>
      %dma_wait3A_154 = tpu.memref_squeeze %dma_wait3A_153 : memref<1x128xf32, #tpu.memory_space<vmem>> -> memref<128xf32, #tpu.memory_space<vmem>>
      %dma_wait3A_155 = tpu.memref_slice %arg6[%add3A_110] : memref<10240xf32, #tpu.memory_space<vmem_shared>> -> memref<128xf32, #tpu.memory_space<vmem_shared>>
      %dma_wait3A_156 = tpu.memref_slice %arg6[%add3A_110] : memref<10240xf32, #tpu.memory_space<vmem_shared>> -> memref<128xf32, #tpu.memory_space<vmem_shared>>
      %dma_wait3A_157 = arith.constant 0 : i32
      %dma_wait3A_158 = tpu.memref_slice %arg11[%run_scoped3A_111, %dma_wait3A_157] : memref<1x128xf32, #tpu.memory_space<vmem>> -> memref<1x128xf32, #tpu.memory_space<vmem>>
      %dma_wait3A_159 = tpu.memref_squeeze %dma_wait3A_158 : memref<1x128xf32, #tpu.memory_space<vmem>> -> memref<128xf32, #tpu.memory_space<vmem>>
      tpu.wait_dma2 semaphore(%run_scoped3A_145 : memref<!tpu.dma_semaphore, #tpu.memory_space<semaphore_mem>>) src(%dma_wait3A_159 : memref<128xf32, #tpu.memory_space<vmem>>) dst(%dma_wait3A_156 : memref<128xf32, #tpu.memory_space<vmem_shared>>)
      tpu.yield
    }) : () -> ()
    %mul3A_112 = arith.constant 640 : i32
    %mul3A_113 = arith.muli %arg1, %mul3A_112 : i32
    %add3A_114 = arith.constant 384 : i32
    %add3A_115 = arith.addi %mul3A_113, %add3A_114 : i32
    %run_scoped3A_116 = arith.constant 0 : i32
    "tpu.region"() ({
      %run_scoped3A_145 = tpu.sem_alloc : memref<!tpu.dma_semaphore, #tpu.memory_space<semaphore_mem>>
      %dma_start3A = arith.constant 0 : i32
      %dma_start3A_146 = tpu.memref_slice %arg11[%run_scoped3A_116, %dma_start3A] : memref<1x128xf32, #tpu.memory_space<vmem>> -> memref<1x128xf32, #tpu.memory_space<vmem>>
      %dma_start3A_147 = tpu.memref_squeeze %dma_start3A_146 : memref<1x128xf32, #tpu.memory_space<vmem>> -> memref<128xf32, #tpu.memory_space<vmem>>
      %dma_start3A_148 = tpu.memref_slice %arg7[%add3A_115] : memref<10240xf32, #tpu.memory_space<vmem_shared>> -> memref<128xf32, #tpu.memory_space<vmem_shared>>
      %dma_start3A_149 = tpu.memref_slice %arg7[%add3A_115] : memref<10240xf32, #tpu.memory_space<vmem_shared>> -> memref<128xf32, #tpu.memory_space<vmem_shared>>
      %dma_start3A_150 = arith.constant 0 : i32
      %dma_start3A_151 = tpu.memref_slice %arg11[%run_scoped3A_116, %dma_start3A_150] : memref<1x128xf32, #tpu.memory_space<vmem>> -> memref<1x128xf32, #tpu.memory_space<vmem>>
      %dma_start3A_152 = tpu.memref_squeeze %dma_start3A_151 : memref<1x128xf32, #tpu.memory_space<vmem>> -> memref<128xf32, #tpu.memory_space<vmem>>
      tpu.enqueue_dma source(%dma_start3A_152 : memref<128xf32, #tpu.memory_space<vmem>>) target(%dma_start3A_149 : memref<128xf32, #tpu.memory_space<vmem_shared>>) target_semaphore(%run_scoped3A_145 : memref<!tpu.dma_semaphore, #tpu.memory_space<semaphore_mem>>)
      %dma_wait3A = arith.constant 0 : i32
      %dma_wait3A_153 = tpu.memref_slice %arg11[%run_scoped3A_116, %dma_wait3A] : memref<1x128xf32, #tpu.memory_space<vmem>> -> memref<1x128xf32, #tpu.memory_space<vmem>>
      %dma_wait3A_154 = tpu.memref_squeeze %dma_wait3A_153 : memref<1x128xf32, #tpu.memory_space<vmem>> -> memref<128xf32, #tpu.memory_space<vmem>>
      %dma_wait3A_155 = tpu.memref_slice %arg7[%add3A_115] : memref<10240xf32, #tpu.memory_space<vmem_shared>> -> memref<128xf32, #tpu.memory_space<vmem_shared>>
      %dma_wait3A_156 = tpu.memref_slice %arg7[%add3A_115] : memref<10240xf32, #tpu.memory_space<vmem_shared>> -> memref<128xf32, #tpu.memory_space<vmem_shared>>
      %dma_wait3A_157 = arith.constant 0 : i32
      %dma_wait3A_158 = tpu.memref_slice %arg11[%run_scoped3A_116, %dma_wait3A_157] : memref<1x128xf32, #tpu.memory_space<vmem>> -> memref<1x128xf32, #tpu.memory_space<vmem>>
      %dma_wait3A_159 = tpu.memref_squeeze %dma_wait3A_158 : memref<1x128xf32, #tpu.memory_space<vmem>> -> memref<128xf32, #tpu.memory_space<vmem>>
      tpu.wait_dma2 semaphore(%run_scoped3A_145 : memref<!tpu.dma_semaphore, #tpu.memory_space<semaphore_mem>>) src(%dma_wait3A_159 : memref<128xf32, #tpu.memory_space<vmem>>) dst(%dma_wait3A_156 : memref<128xf32, #tpu.memory_space<vmem_shared>>)
      tpu.yield
    }) : () -> ()
    %mul3A_117 = arith.constant 640 : i32
    %mul3A_118 = arith.muli %arg1, %mul3A_117 : i32
    %add3A_119 = arith.constant 512 : i32
    %add3A_120 = arith.addi %mul3A_118, %add3A_119 : i32
    %run_scoped3A_121 = arith.constant 0 : i32
    "tpu.region"() ({
      %run_scoped3A_145 = tpu.sem_alloc : memref<!tpu.dma_semaphore, #tpu.memory_space<semaphore_mem>>
      %dma_start3A = arith.constant 0 : i32
      %dma_start3A_146 = tpu.memref_slice %arg11[%run_scoped3A_121, %dma_start3A] : memref<1x128xf32, #tpu.memory_space<vmem>> -> memref<1x128xf32, #tpu.memory_space<vmem>>
      %dma_start3A_147 = tpu.memref_squeeze %dma_start3A_146 : memref<1x128xf32, #tpu.memory_space<vmem>> -> memref<128xf32, #tpu.memory_space<vmem>>
      %dma_start3A_148 = tpu.memref_slice %arg6[%add3A_120] : memref<10240xf32, #tpu.memory_space<vmem_shared>> -> memref<128xf32, #tpu.memory_space<vmem_shared>>
      %dma_start3A_149 = tpu.memref_slice %arg6[%add3A_120] : memref<10240xf32, #tpu.memory_space<vmem_shared>> -> memref<128xf32, #tpu.memory_space<vmem_shared>>
      %dma_start3A_150 = arith.constant 0 : i32
      %dma_start3A_151 = tpu.memref_slice %arg11[%run_scoped3A_121, %dma_start3A_150] : memref<1x128xf32, #tpu.memory_space<vmem>> -> memref<1x128xf32, #tpu.memory_space<vmem>>
      %dma_start3A_152 = tpu.memref_squeeze %dma_start3A_151 : memref<1x128xf32, #tpu.memory_space<vmem>> -> memref<128xf32, #tpu.memory_space<vmem>>
      tpu.enqueue_dma source(%dma_start3A_152 : memref<128xf32, #tpu.memory_space<vmem>>) target(%dma_start3A_149 : memref<128xf32, #tpu.memory_space<vmem_shared>>) target_semaphore(%run_scoped3A_145 : memref<!tpu.dma_semaphore, #tpu.memory_space<semaphore_mem>>)
      %dma_wait3A = arith.constant 0 : i32
      %dma_wait3A_153 = tpu.memref_slice %arg11[%run_scoped3A_121, %dma_wait3A] : memref<1x128xf32, #tpu.memory_space<vmem>> -> memref<1x128xf32, #tpu.memory_space<vmem>>
      %dma_wait3A_154 = tpu.memref_squeeze %dma_wait3A_153 : memref<1x128xf32, #tpu.memory_space<vmem>> -> memref<128xf32, #tpu.memory_space<vmem>>
      %dma_wait3A_155 = tpu.memref_slice %arg6[%add3A_120] : memref<10240xf32, #tpu.memory_space<vmem_shared>> -> memref<128xf32, #tpu.memory_space<vmem_shared>>
      %dma_wait3A_156 = tpu.memref_slice %arg6[%add3A_120] : memref<10240xf32, #tpu.memory_space<vmem_shared>> -> memref<128xf32, #tpu.memory_space<vmem_shared>>
      %dma_wait3A_157 = arith.constant 0 : i32
      %dma_wait3A_158 = tpu.memref_slice %arg11[%run_scoped3A_121, %dma_wait3A_157] : memref<1x128xf32, #tpu.memory_space<vmem>> -> memref<1x128xf32, #tpu.memory_space<vmem>>
      %dma_wait3A_159 = tpu.memref_squeeze %dma_wait3A_158 : memref<1x128xf32, #tpu.memory_space<vmem>> -> memref<128xf32, #tpu.memory_space<vmem>>
      tpu.wait_dma2 semaphore(%run_scoped3A_145 : memref<!tpu.dma_semaphore, #tpu.memory_space<semaphore_mem>>) src(%dma_wait3A_159 : memref<128xf32, #tpu.memory_space<vmem>>) dst(%dma_wait3A_156 : memref<128xf32, #tpu.memory_space<vmem_shared>>)
      tpu.yield
    }) : () -> ()
    %mul3A_122 = arith.constant 640 : i32
    %mul3A_123 = arith.muli %arg1, %mul3A_122 : i32
    %add3A_124 = arith.constant 512 : i32
    %add3A_125 = arith.addi %mul3A_123, %add3A_124 : i32
    %run_scoped3A_126 = arith.constant 0 : i32
    "tpu.region"() ({
      %run_scoped3A_145 = tpu.sem_alloc : memref<!tpu.dma_semaphore, #tpu.memory_space<semaphore_mem>>
      %dma_start3A = arith.constant 0 : i32
      %dma_start3A_146 = tpu.memref_slice %arg11[%run_scoped3A_126, %dma_start3A] : memref<1x128xf32, #tpu.memory_space<vmem>> -> memref<1x128xf32, #tpu.memory_space<vmem>>
      %dma_start3A_147 = tpu.memref_squeeze %dma_start3A_146 : memref<1x128xf32, #tpu.memory_space<vmem>> -> memref<128xf32, #tpu.memory_space<vmem>>
      %dma_start3A_148 = tpu.memref_slice %arg7[%add3A_125] : memref<10240xf32, #tpu.memory_space<vmem_shared>> -> memref<128xf32, #tpu.memory_space<vmem_shared>>
      %dma_start3A_149 = tpu.memref_slice %arg7[%add3A_125] : memref<10240xf32, #tpu.memory_space<vmem_shared>> -> memref<128xf32, #tpu.memory_space<vmem_shared>>
      %dma_start3A_150 = arith.constant 0 : i32
      %dma_start3A_151 = tpu.memref_slice %arg11[%run_scoped3A_126, %dma_start3A_150] : memref<1x128xf32, #tpu.memory_space<vmem>> -> memref<1x128xf32, #tpu.memory_space<vmem>>
      %dma_start3A_152 = tpu.memref_squeeze %dma_start3A_151 : memref<1x128xf32, #tpu.memory_space<vmem>> -> memref<128xf32, #tpu.memory_space<vmem>>
      tpu.enqueue_dma source(%dma_start3A_152 : memref<128xf32, #tpu.memory_space<vmem>>) target(%dma_start3A_149 : memref<128xf32, #tpu.memory_space<vmem_shared>>) target_semaphore(%run_scoped3A_145 : memref<!tpu.dma_semaphore, #tpu.memory_space<semaphore_mem>>)
      %dma_wait3A = arith.constant 0 : i32
      %dma_wait3A_153 = tpu.memref_slice %arg11[%run_scoped3A_126, %dma_wait3A] : memref<1x128xf32, #tpu.memory_space<vmem>> -> memref<1x128xf32, #tpu.memory_space<vmem>>
      %dma_wait3A_154 = tpu.memref_squeeze %dma_wait3A_153 : memref<1x128xf32, #tpu.memory_space<vmem>> -> memref<128xf32, #tpu.memory_space<vmem>>
      %dma_wait3A_155 = tpu.memref_slice %arg7[%add3A_125] : memref<10240xf32, #tpu.memory_space<vmem_shared>> -> memref<128xf32, #tpu.memory_space<vmem_shared>>
      %dma_wait3A_156 = tpu.memref_slice %arg7[%add3A_125] : memref<10240xf32, #tpu.memory_space<vmem_shared>> -> memref<128xf32, #tpu.memory_space<vmem_shared>>
      %dma_wait3A_157 = arith.constant 0 : i32
      %dma_wait3A_158 = tpu.memref_slice %arg11[%run_scoped3A_126, %dma_wait3A_157] : memref<1x128xf32, #tpu.memory_space<vmem>> -> memref<1x128xf32, #tpu.memory_space<vmem>>
      %dma_wait3A_159 = tpu.memref_squeeze %dma_wait3A_158 : memref<1x128xf32, #tpu.memory_space<vmem>> -> memref<128xf32, #tpu.memory_space<vmem>>
      tpu.wait_dma2 semaphore(%run_scoped3A_145 : memref<!tpu.dma_semaphore, #tpu.memory_space<semaphore_mem>>) src(%dma_wait3A_159 : memref<128xf32, #tpu.memory_space<vmem>>) dst(%dma_wait3A_156 : memref<128xf32, #tpu.memory_space<vmem_shared>>)
      tpu.yield
    }) : () -> ()
    %barrier3A = arith.constant 0 : index
    tpu.barrier barrier_id(%barrier3A)
    %scan3A_127 = arith.constant 0 : i32
    %scan3A_128 = arith.constant 0 : i32
    %scan3A_129 = arith.constant 80 : i32
    %scan3A_130 = arith.addi %scan3A_128, %scan3A_129 : i32
    %scan3A_131 = arith.constant 1 : i32
    %scan3A_132 = scf.for %scan3A_145 = %scan3A_128 to %scan3A_130 step %scan3A_131 iter_args(%scan3A_146 = %scan3A_127) -> (i32)  : i32 {
      %mul3A_147 = arith.constant 10240 : i32
      %mul3A_148 = arith.muli %add3A, %mul3A_147 : i32
      %mul3A_149 = arith.constant 128 : i32
      %mul3A_150 = arith.muli %scan3A_145, %mul3A_149 : i32
      %add3A_151 = arith.addi %mul3A_148, %mul3A_150 : i32
      "tpu.region"() ({
        %run_scoped3A_153 = tpu.sem_alloc : memref<!tpu.dma_semaphore, #tpu.memory_space<semaphore_mem>>
        %dma_start3A = tpu.memref_slice %arg2[%add3A_151] : memref<327680xi32, #tpu.memory_space<hbm>> -> memref<128xi32, #tpu.memory_space<hbm>>
        %dma_start3A_154 = tpu.memref_slice %arg2[%add3A_151] : memref<327680xi32, #tpu.memory_space<hbm>> -> memref<128xi32, #tpu.memory_space<hbm>>
        tpu.enqueue_dma source(%dma_start3A_154 : memref<128xi32, #tpu.memory_space<hbm>>) target(%arg8 : memref<128xi32, #tpu.memory_space<vmem>>) target_semaphore(%run_scoped3A_153 : memref<!tpu.dma_semaphore, #tpu.memory_space<semaphore_mem>>)
        %dma_wait3A = tpu.memref_slice %arg2[%add3A_151] : memref<327680xi32, #tpu.memory_space<hbm>> -> memref<128xi32, #tpu.memory_space<hbm>>
        %dma_wait3A_155 = tpu.memref_slice %arg2[%add3A_151] : memref<327680xi32, #tpu.memory_space<hbm>> -> memref<128xi32, #tpu.memory_space<hbm>>
        tpu.wait_dma2 semaphore(%run_scoped3A_153 : memref<!tpu.dma_semaphore, #tpu.memory_space<semaphore_mem>>) src(%dma_wait3A_155 : memref<128xi32, #tpu.memory_space<hbm>>) dst(%arg8 : memref<128xi32, #tpu.memory_space<vmem>>)
        tpu.yield
      }) : () -> ()
      "tpu.region"() ({
        %run_scoped3A_153 = tpu.sem_alloc : memref<!tpu.dma_semaphore, #tpu.memory_space<semaphore_mem>>
        %dma_start3A = arith.constant 0 : i32
        %dma_start3A_154 = tpu.memref_slice %arg6[%dma_start3A] : memref<10240xf32, #tpu.memory_space<vmem_shared>> -> memref<10240xf32, #tpu.memory_space<vmem_shared>>
        tpu.enqueue_indirect_dma source(%arg10 : memref<128xf32, #tpu.memory_space<vmem>>) target(%dma_start3A_154 : memref<10240xf32, #tpu.memory_space<vmem_shared>>) offsets(%arg8 : memref<128xi32, #tpu.memory_space<vmem>>) semaphore(%run_scoped3A_153 : memref<!tpu.dma_semaphore, #tpu.memory_space<semaphore_mem>>) {add = true}
        %dma_wait3A = arith.constant 0 : i32
        %dma_wait3A_155 = tpu.memref_slice %arg6[%dma_wait3A] : memref<10240xf32, #tpu.memory_space<vmem_shared>> -> memref<10240xf32, #tpu.memory_space<vmem_shared>>
        tpu.wait_indirect_dma semaphore(%run_scoped3A_153 : memref<!tpu.dma_semaphore, #tpu.memory_space<semaphore_mem>>) src(%arg10 : memref<128xf32, #tpu.memory_space<vmem>>) dst(%dma_wait3A_155 : memref<10240xf32, #tpu.memory_space<vmem_shared>>)
        tpu.yield
      }) : () -> ()
      %scan3A_152 = arith.constant 0 : i32
      scf.yield %scan3A_152 : i32
    }
    %scan3A_133 = arith.constant 80 : i32
    %mul3A_134 = arith.constant 96 : i32
    %mul3A_135 = arith.muli %add3A, %mul3A_134 : i32
    "tpu.region"() ({
      %run_scoped3A_145 = tpu.sem_alloc : memref<!tpu.dma_semaphore, #tpu.memory_space<semaphore_mem>>
      %dma_start3A = tpu.memref_slice %arg3[%mul3A_135] : memref<3072xi32, #tpu.memory_space<hbm>> -> memref<96xi32, #tpu.memory_space<hbm>>
      %dma_start3A_146 = tpu.memref_slice %arg3[%mul3A_135] : memref<3072xi32, #tpu.memory_space<hbm>> -> memref<96xi32, #tpu.memory_space<hbm>>
      tpu.enqueue_dma source(%dma_start3A_146 : memref<96xi32, #tpu.memory_space<hbm>>) target(%arg9 : memref<96xi32, #tpu.memory_space<vmem>>) target_semaphore(%run_scoped3A_145 : memref<!tpu.dma_semaphore, #tpu.memory_space<semaphore_mem>>)
      %dma_wait3A = tpu.memref_slice %arg3[%mul3A_135] : memref<3072xi32, #tpu.memory_space<hbm>> -> memref<96xi32, #tpu.memory_space<hbm>>
      %dma_wait3A_147 = tpu.memref_slice %arg3[%mul3A_135] : memref<3072xi32, #tpu.memory_space<hbm>> -> memref<96xi32, #tpu.memory_space<hbm>>
      tpu.wait_dma2 semaphore(%run_scoped3A_145 : memref<!tpu.dma_semaphore, #tpu.memory_space<semaphore_mem>>) src(%dma_wait3A_147 : memref<96xi32, #tpu.memory_space<hbm>>) dst(%arg9 : memref<96xi32, #tpu.memory_space<vmem>>)
      tpu.yield
    }) : () -> ()
    "tpu.region"() ({
      %run_scoped3A_145 = tpu.sem_alloc : memref<!tpu.dma_semaphore, #tpu.memory_space<semaphore_mem>>
      %dma_start3A = arith.constant 0 : i32
      %dma_start3A_146 = tpu.memref_slice %arg10[%dma_start3A] : memref<128xf32, #tpu.memory_space<vmem>> -> memref<96xf32, #tpu.memory_space<vmem>>
      %dma_start3A_147 = arith.constant 0 : i32
      %dma_start3A_148 = tpu.memref_slice %arg7[%dma_start3A_147] : memref<10240xf32, #tpu.memory_space<vmem_shared>> -> memref<10240xf32, #tpu.memory_space<vmem_shared>>
      tpu.enqueue_indirect_dma source(%dma_start3A_146 : memref<96xf32, #tpu.memory_space<vmem>>) target(%dma_start3A_148 : memref<10240xf32, #tpu.memory_space<vmem_shared>>) offsets(%arg9 : memref<96xi32, #tpu.memory_space<vmem>>) semaphore(%run_scoped3A_145 : memref<!tpu.dma_semaphore, #tpu.memory_space<semaphore_mem>>) {add = true}
      %dma_wait3A = arith.constant 0 : i32
      %dma_wait3A_149 = tpu.memref_slice %arg10[%dma_wait3A] : memref<128xf32, #tpu.memory_space<vmem>> -> memref<96xf32, #tpu.memory_space<vmem>>
      %dma_wait3A_150 = arith.constant 0 : i32
      %dma_wait3A_151 = tpu.memref_slice %arg7[%dma_wait3A_150] : memref<10240xf32, #tpu.memory_space<vmem_shared>> -> memref<10240xf32, #tpu.memory_space<vmem_shared>>
      tpu.wait_indirect_dma semaphore(%run_scoped3A_145 : memref<!tpu.dma_semaphore, #tpu.memory_space<semaphore_mem>>) src(%dma_wait3A_149 : memref<96xf32, #tpu.memory_space<vmem>>) dst(%dma_wait3A_151 : memref<10240xf32, #tpu.memory_space<vmem_shared>>)
      tpu.yield
    }) : () -> ()
    %barrier3A_136 = arith.constant 0 : index
    tpu.barrier barrier_id(%barrier3A_136)
    %mul3A_137 = arith.constant 640 : i32
    %mul3A_138 = arith.muli %arg1, %mul3A_137 : i32
    %mul3A_139 = arith.constant 640 : i32
    %mul3A_140 = arith.muli %arg1, %mul3A_139 : i32
    "tpu.region"() ({
      %run_scoped3A_145 = tpu.sem_alloc : memref<!tpu.dma_semaphore, #tpu.memory_space<semaphore_mem>>
      %dma_start3A = tpu.memref_slice %arg4[%arg0, %mul3A_140] : memref<2x10240xf32, #tpu.memory_space<hbm>> -> memref<1x640xf32, #tpu.memory_space<hbm>>
      %dma_start3A_146 = tpu.memref_squeeze %dma_start3A : memref<1x640xf32, #tpu.memory_space<hbm>> -> memref<640xf32, #tpu.memory_space<hbm>>
      %dma_start3A_147 = tpu.memref_slice %arg6[%mul3A_138] : memref<10240xf32, #tpu.memory_space<vmem_shared>> -> memref<640xf32, #tpu.memory_space<vmem_shared>>
      tpu.enqueue_dma source(%dma_start3A_147 : memref<640xf32, #tpu.memory_space<vmem_shared>>) target(%dma_start3A_146 : memref<640xf32, #tpu.memory_space<hbm>>) target_semaphore(%run_scoped3A_145 : memref<!tpu.dma_semaphore, #tpu.memory_space<semaphore_mem>>)
      %dma_wait3A = tpu.memref_slice %arg4[%arg0, %mul3A_140] : memref<2x10240xf32, #tpu.memory_space<hbm>> -> memref<1x640xf32, #tpu.memory_space<hbm>>
      %dma_wait3A_148 = tpu.memref_squeeze %dma_wait3A : memref<1x640xf32, #tpu.memory_space<hbm>> -> memref<640xf32, #tpu.memory_space<hbm>>
      %dma_wait3A_149 = tpu.memref_slice %arg6[%mul3A_138] : memref<10240xf32, #tpu.memory_space<vmem_shared>> -> memref<640xf32, #tpu.memory_space<vmem_shared>>
      tpu.wait_dma2 semaphore(%run_scoped3A_145 : memref<!tpu.dma_semaphore, #tpu.memory_space<semaphore_mem>>) src(%dma_wait3A_149 : memref<640xf32, #tpu.memory_space<vmem_shared>>) dst(%dma_wait3A_148 : memref<640xf32, #tpu.memory_space<hbm>>)
      tpu.yield
    }) : () -> ()
    %mul3A_141 = arith.constant 640 : i32
    %mul3A_142 = arith.muli %arg1, %mul3A_141 : i32
    %mul3A_143 = arith.constant 640 : i32
    %mul3A_144 = arith.muli %arg1, %mul3A_143 : i32
    "tpu.region"() ({
      %run_scoped3A_145 = tpu.sem_alloc : memref<!tpu.dma_semaphore, #tpu.memory_space<semaphore_mem>>
      %dma_start3A = tpu.memref_slice %arg5[%arg0, %mul3A_144] : memref<2x10240xf32, #tpu.memory_space<hbm>> -> memref<1x640xf32, #tpu.memory_space<hbm>>
      %dma_start3A_146 = tpu.memref_squeeze %dma_start3A : memref<1x640xf32, #tpu.memory_space<hbm>> -> memref<640xf32, #tpu.memory_space<hbm>>
      %dma_start3A_147 = tpu.memref_slice %arg7[%mul3A_142] : memref<10240xf32, #tpu.memory_space<vmem_shared>> -> memref<640xf32, #tpu.memory_space<vmem_shared>>
      tpu.enqueue_dma source(%dma_start3A_147 : memref<640xf32, #tpu.memory_space<vmem_shared>>) target(%dma_start3A_146 : memref<640xf32, #tpu.memory_space<hbm>>) target_semaphore(%run_scoped3A_145 : memref<!tpu.dma_semaphore, #tpu.memory_space<semaphore_mem>>)
      %dma_wait3A = tpu.memref_slice %arg5[%arg0, %mul3A_144] : memref<2x10240xf32, #tpu.memory_space<hbm>> -> memref<1x640xf32, #tpu.memory_space<hbm>>
      %dma_wait3A_148 = tpu.memref_squeeze %dma_wait3A : memref<1x640xf32, #tpu.memory_space<hbm>> -> memref<640xf32, #tpu.memory_space<hbm>>
      %dma_wait3A_149 = tpu.memref_slice %arg7[%mul3A_142] : memref<10240xf32, #tpu.memory_space<vmem_shared>> -> memref<640xf32, #tpu.memory_space<vmem_shared>>
      tpu.wait_dma2 semaphore(%run_scoped3A_145 : memref<!tpu.dma_semaphore, #tpu.memory_space<semaphore_mem>>) src(%dma_wait3A_149 : memref<640xf32, #tpu.memory_space<vmem_shared>>) dst(%dma_wait3A_148 : memref<640xf32, #tpu.memory_space<hbm>>)
      tpu.yield
    }) : () -> ()
    return
  }
}

#map = affine_map<(d0, d1) -> (0, 0)>
#map1 = affine_map<(d0, d1) -> (0, 0, 0)>
module attributes {stable_mosaic.version = 14 : i64} {
  func.func @_sc_agg_body(%arg0: i32, %arg1: i32, %arg2: memref<10000x128xf32, #tpu.memory_space<hbm>>, %arg3: memref<2560x128xi32, #tpu.memory_space<hbm>>, %arg4: memref<2560x128xi32, #tpu.memory_space<hbm>>, %arg5: memref<2x10240x128xf32, #tpu.memory_space<hbm>>, %arg6: memref<10240x128xf32, #tpu.memory_space<vmem_shared>>, %arg7: memref<40x128xi32, #tpu.memory_space<vmem>>, %arg8: memref<40x128xi32, #tpu.memory_space<vmem>>, %arg9: memref<128x128xf32, #tpu.memory_space<vmem>>, %arg10: memref<128x128xf32, #tpu.memory_space<vmem>>, %arg11: memref<!tpu.dma_semaphore, #tpu.memory_space<semaphore_mem>>, %arg12: memref<!tpu.dma_semaphore, #tpu.memory_space<semaphore_mem>>) attributes {dimension_semantics = [#tpu.dimension_semantics<core_parallel>, #tpu.dimension_semantics<subcore_parallel>], iteration_bounds = array<i64: 2, 16>, scalar_prefetch = 0 : i64, scratch_operands = 7 : i64, tpu.core_type = #tpu.core_type<sc_vector_subcore>, window_params = [{transform_indices = #map}, {transform_indices = #map}, {transform_indices = #map}, {transform_indices = #map1}]} {
    %mul3A = arith.constant 2 : i32
    %mul3A_0 = arith.muli %arg1, %mul3A : i32
    %add3A = arith.addi %mul3A_0, %arg0 : i32
    %broadcast_in_dim3A = arith.constant 0.000000e+00 : f32
    %broadcast_in_dim3A_1 = vector.broadcast %broadcast_in_dim3A : f32 to vector<16xf32>
    %scan3A = arith.constant 0 : i32
    %scan3A_2 = arith.constant 0 : i32
    %scan3A_3 = arith.constant 128 : i32
    %scan3A_4 = arith.addi %scan3A_2, %scan3A_3 : i32
    %scan3A_5 = arith.constant 1 : i32
    %scan3A_6 = scf.for %scan3A_82 = %scan3A_2 to %scan3A_4 step %scan3A_5 iter_args(%scan3A_83 = %scan3A) -> (i32)  : i32 {
      %swap3A = arith.index_cast %scan3A_82 : i32 to index
      %swap3A_84 = arith.constant 0 : index
      %swap3A_85 = tpu.vector_load %arg9[%swap3A, %swap3A_84] {strides = array<i32>} : memref<128x128xf32, #tpu.memory_space<vmem>>, vector<1x16xf32>,
      %swap3A_86 = vector.shape_cast %swap3A_85 : vector<1x16xf32> to vector<16xf32>
      %swap3A_87 = vector.shape_cast %broadcast_in_dim3A_1 : vector<16xf32> to vector<1x16xf32>
      tpu.vector_store %arg9[%swap3A, %swap3A_84], %swap3A_87 {strides = array<i32>} : memref<128x128xf32, #tpu.memory_space<vmem>>, vector<1x16xf32>,
      %swap3A_88 = arith.index_cast %scan3A_82 : i32 to index
      %swap3A_89 = arith.constant 16 : index
      %swap3A_90 = tpu.vector_load %arg9[%swap3A_88, %swap3A_89] {strides = array<i32>} : memref<128x128xf32, #tpu.memory_space<vmem>>, vector<1x16xf32>,
      %swap3A_91 = vector.shape_cast %swap3A_90 : vector<1x16xf32> to vector<16xf32>
      %swap3A_92 = vector.shape_cast %broadcast_in_dim3A_1 : vector<16xf32> to vector<1x16xf32>
      tpu.vector_store %arg9[%swap3A_88, %swap3A_89], %swap3A_92 {strides = array<i32>} : memref<128x128xf32, #tpu.memory_space<vmem>>, vector<1x16xf32>,
      %swap3A_93 = arith.index_cast %scan3A_82 : i32 to index
      %swap3A_94 = arith.constant 32 : index
      %swap3A_95 = tpu.vector_load %arg9[%swap3A_93, %swap3A_94] {strides = array<i32>} : memref<128x128xf32, #tpu.memory_space<vmem>>, vector<1x16xf32>,
      %swap3A_96 = vector.shape_cast %swap3A_95 : vector<1x16xf32> to vector<16xf32>
      %swap3A_97 = vector.shape_cast %broadcast_in_dim3A_1 : vector<16xf32> to vector<1x16xf32>
      tpu.vector_store %arg9[%swap3A_93, %swap3A_94], %swap3A_97 {strides = array<i32>} : memref<128x128xf32, #tpu.memory_space<vmem>>, vector<1x16xf32>,
      %swap3A_98 = arith.index_cast %scan3A_82 : i32 to index
      %swap3A_99 = arith.constant 48 : index
      %swap3A_100 = tpu.vector_load %arg9[%swap3A_98, %swap3A_99] {strides = array<i32>} : memref<128x128xf32, #tpu.memory_space<vmem>>, vector<1x16xf32>,
      %swap3A_101 = vector.shape_cast %swap3A_100 : vector<1x16xf32> to vector<16xf32>
      %swap3A_102 = vector.shape_cast %broadcast_in_dim3A_1 : vector<16xf32> to vector<1x16xf32>
      tpu.vector_store %arg9[%swap3A_98, %swap3A_99], %swap3A_102 {strides = array<i32>} : memref<128x128xf32, #tpu.memory_space<vmem>>, vector<1x16xf32>,
      %swap3A_103 = arith.index_cast %scan3A_82 : i32 to index
      %swap3A_104 = arith.constant 64 : index
      %swap3A_105 = tpu.vector_load %arg9[%swap3A_103, %swap3A_104] {strides = array<i32>} : memref<128x128xf32, #tpu.memory_space<vmem>>, vector<1x16xf32>,
      %swap3A_106 = vector.shape_cast %swap3A_105 : vector<1x16xf32> to vector<16xf32>
      %swap3A_107 = vector.shape_cast %broadcast_in_dim3A_1 : vector<16xf32> to vector<1x16xf32>
      tpu.vector_store %arg9[%swap3A_103, %swap3A_104], %swap3A_107 {strides = array<i32>} : memref<128x128xf32, #tpu.memory_space<vmem>>, vector<1x16xf32>,
      %swap3A_108 = arith.index_cast %scan3A_82 : i32 to index
      %swap3A_109 = arith.constant 80 : index
      %swap3A_110 = tpu.vector_load %arg9[%swap3A_108, %swap3A_109] {strides = array<i32>} : memref<128x128xf32, #tpu.memory_space<vmem>>, vector<1x16xf32>,
      %swap3A_111 = vector.shape_cast %swap3A_110 : vector<1x16xf32> to vector<16xf32>
      %swap3A_112 = vector.shape_cast %broadcast_in_dim3A_1 : vector<16xf32> to vector<1x16xf32>
      tpu.vector_store %arg9[%swap3A_108, %swap3A_109], %swap3A_112 {strides = array<i32>} : memref<128x128xf32, #tpu.memory_space<vmem>>, vector<1x16xf32>,
      %swap3A_113 = arith.index_cast %scan3A_82 : i32 to index
      %swap3A_114 = arith.constant 96 : index
      %swap3A_115 = tpu.vector_load %arg9[%swap3A_113, %swap3A_114] {strides = array<i32>} : memref<128x128xf32, #tpu.memory_space<vmem>>, vector<1x16xf32>,
      %swap3A_116 = vector.shape_cast %swap3A_115 : vector<1x16xf32> to vector<16xf32>
      %swap3A_117 = vector.shape_cast %broadcast_in_dim3A_1 : vector<16xf32> to vector<1x16xf32>
      tpu.vector_store %arg9[%swap3A_113, %swap3A_114], %swap3A_117 {strides = array<i32>} : memref<128x128xf32, #tpu.memory_space<vmem>>, vector<1x16xf32>,
      %swap3A_118 = arith.index_cast %scan3A_82 : i32 to index
      %swap3A_119 = arith.constant 112 : index
      %swap3A_120 = tpu.vector_load %arg9[%swap3A_118, %swap3A_119] {strides = array<i32>} : memref<128x128xf32, #tpu.memory_space<vmem>>, vector<1x16xf32>,
      %swap3A_121 = vector.shape_cast %swap3A_120 : vector<1x16xf32> to vector<16xf32>
      %swap3A_122 = vector.shape_cast %broadcast_in_dim3A_1 : vector<16xf32> to vector<1x16xf32>
      tpu.vector_store %arg9[%swap3A_118, %swap3A_119], %swap3A_122 {strides = array<i32>} : memref<128x128xf32, #tpu.memory_space<vmem>>, vector<1x16xf32>,
      %scan3A_123 = arith.constant 0 : i32
      scf.yield %scan3A_123 : i32
    }
    %scan3A_7 = arith.constant 128 : i32
    %mul3A_8 = arith.constant 640 : i32
    %mul3A_9 = arith.muli %arg1, %mul3A_8 : i32
    %add3A_10 = arith.constant 0 : i32
    %add3A_11 = arith.addi %mul3A_9, %add3A_10 : i32
    "tpu.region"() ({
      %run_scoped3A = tpu.sem_alloc : memref<!tpu.dma_semaphore, #tpu.memory_space<semaphore_mem>>
      %dma_start3A_82 = arith.constant 0 : i32
      %dma_start3A_83 = tpu.memref_slice %arg6[%add3A_11, %dma_start3A_82] : memref<10240x128xf32, #tpu.memory_space<vmem_shared>> -> memref<128x128xf32, #tpu.memory_space<vmem_shared>>
      %dma_start3A_84 = arith.constant 0 : i32
      %dma_start3A_85 = tpu.memref_slice %arg6[%add3A_11, %dma_start3A_84] : memref<10240x128xf32, #tpu.memory_space<vmem_shared>> -> memref<128x128xf32, #tpu.memory_space<vmem_shared>>
      tpu.enqueue_dma source(%arg9 : memref<128x128xf32, #tpu.memory_space<vmem>>) target(%dma_start3A_85 : memref<128x128xf32, #tpu.memory_space<vmem_shared>>) target_semaphore(%run_scoped3A : memref<!tpu.dma_semaphore, #tpu.memory_space<semaphore_mem>>)
      %dma_wait3A = arith.constant 0 : i32
      %dma_wait3A_86 = tpu.memref_slice %arg6[%add3A_11, %dma_wait3A] : memref<10240x128xf32, #tpu.memory_space<vmem_shared>> -> memref<128x128xf32, #tpu.memory_space<vmem_shared>>
      %dma_wait3A_87 = arith.constant 0 : i32
      %dma_wait3A_88 = tpu.memref_slice %arg6[%add3A_11, %dma_wait3A_87] : memref<10240x128xf32, #tpu.memory_space<vmem_shared>> -> memref<128x128xf32, #tpu.memory_space<vmem_shared>>
      tpu.wait_dma2 semaphore(%run_scoped3A : memref<!tpu.dma_semaphore, #tpu.memory_space<semaphore_mem>>) src(%arg9 : memref<128x128xf32, #tpu.memory_space<vmem>>) dst(%dma_wait3A_88 : memref<128x128xf32, #tpu.memory_space<vmem_shared>>)
      tpu.yield
    }) : () -> ()
    %mul3A_12 = arith.constant 640 : i32
    %mul3A_13 = arith.muli %arg1, %mul3A_12 : i32
    %add3A_14 = arith.constant 128 : i32
    %add3A_15 = arith.addi %mul3A_13, %add3A_14 : i32
    "tpu.region"() ({
      %run_scoped3A = tpu.sem_alloc : memref<!tpu.dma_semaphore, #tpu.memory_space<semaphore_mem>>
      %dma_start3A_82 = arith.constant 0 : i32
      %dma_start3A_83 = tpu.memref_slice %arg6[%add3A_15, %dma_start3A_82] : memref<10240x128xf32, #tpu.memory_space<vmem_shared>> -> memref<128x128xf32, #tpu.memory_space<vmem_shared>>
      %dma_start3A_84 = arith.constant 0 : i32
      %dma_start3A_85 = tpu.memref_slice %arg6[%add3A_15, %dma_start3A_84] : memref<10240x128xf32, #tpu.memory_space<vmem_shared>> -> memref<128x128xf32, #tpu.memory_space<vmem_shared>>
      tpu.enqueue_dma source(%arg9 : memref<128x128xf32, #tpu.memory_space<vmem>>) target(%dma_start3A_85 : memref<128x128xf32, #tpu.memory_space<vmem_shared>>) target_semaphore(%run_scoped3A : memref<!tpu.dma_semaphore, #tpu.memory_space<semaphore_mem>>)
      %dma_wait3A = arith.constant 0 : i32
      %dma_wait3A_86 = tpu.memref_slice %arg6[%add3A_15, %dma_wait3A] : memref<10240x128xf32, #tpu.memory_space<vmem_shared>> -> memref<128x128xf32, #tpu.memory_space<vmem_shared>>
      %dma_wait3A_87 = arith.constant 0 : i32
      %dma_wait3A_88 = tpu.memref_slice %arg6[%add3A_15, %dma_wait3A_87] : memref<10240x128xf32, #tpu.memory_space<vmem_shared>> -> memref<128x128xf32, #tpu.memory_space<vmem_shared>>
      tpu.wait_dma2 semaphore(%run_scoped3A : memref<!tpu.dma_semaphore, #tpu.memory_space<semaphore_mem>>) src(%arg9 : memref<128x128xf32, #tpu.memory_space<vmem>>) dst(%dma_wait3A_88 : memref<128x128xf32, #tpu.memory_space<vmem_shared>>)
      tpu.yield
    }) : () -> ()
    %mul3A_16 = arith.constant 640 : i32
    %mul3A_17 = arith.muli %arg1, %mul3A_16 : i32
    %add3A_18 = arith.constant 256 : i32
    %add3A_19 = arith.addi %mul3A_17, %add3A_18 : i32
    "tpu.region"() ({
      %run_scoped3A = tpu.sem_alloc : memref<!tpu.dma_semaphore, #tpu.memory_space<semaphore_mem>>
      %dma_start3A_82 = arith.constant 0 : i32
      %dma_start3A_83 = tpu.memref_slice %arg6[%add3A_19, %dma_start3A_82] : memref<10240x128xf32, #tpu.memory_space<vmem_shared>> -> memref<128x128xf32, #tpu.memory_space<vmem_shared>>
      %dma_start3A_84 = arith.constant 0 : i32
      %dma_start3A_85 = tpu.memref_slice %arg6[%add3A_19, %dma_start3A_84] : memref<10240x128xf32, #tpu.memory_space<vmem_shared>> -> memref<128x128xf32, #tpu.memory_space<vmem_shared>>
      tpu.enqueue_dma source(%arg9 : memref<128x128xf32, #tpu.memory_space<vmem>>) target(%dma_start3A_85 : memref<128x128xf32, #tpu.memory_space<vmem_shared>>) target_semaphore(%run_scoped3A : memref<!tpu.dma_semaphore, #tpu.memory_space<semaphore_mem>>)
      %dma_wait3A = arith.constant 0 : i32
      %dma_wait3A_86 = tpu.memref_slice %arg6[%add3A_19, %dma_wait3A] : memref<10240x128xf32, #tpu.memory_space<vmem_shared>> -> memref<128x128xf32, #tpu.memory_space<vmem_shared>>
      %dma_wait3A_87 = arith.constant 0 : i32
      %dma_wait3A_88 = tpu.memref_slice %arg6[%add3A_19, %dma_wait3A_87] : memref<10240x128xf32, #tpu.memory_space<vmem_shared>> -> memref<128x128xf32, #tpu.memory_space<vmem_shared>>
      tpu.wait_dma2 semaphore(%run_scoped3A : memref<!tpu.dma_semaphore, #tpu.memory_space<semaphore_mem>>) src(%arg9 : memref<128x128xf32, #tpu.memory_space<vmem>>) dst(%dma_wait3A_88 : memref<128x128xf32, #tpu.memory_space<vmem_shared>>)
      tpu.yield
    }) : () -> ()
    %mul3A_20 = arith.constant 640 : i32
    %mul3A_21 = arith.muli %arg1, %mul3A_20 : i32
    %add3A_22 = arith.constant 384 : i32
    %add3A_23 = arith.addi %mul3A_21, %add3A_22 : i32
    "tpu.region"() ({
      %run_scoped3A = tpu.sem_alloc : memref<!tpu.dma_semaphore, #tpu.memory_space<semaphore_mem>>
      %dma_start3A_82 = arith.constant 0 : i32
      %dma_start3A_83 = tpu.memref_slice %arg6[%add3A_23, %dma_start3A_82] : memref<10240x128xf32, #tpu.memory_space<vmem_shared>> -> memref<128x128xf32, #tpu.memory_space<vmem_shared>>
      %dma_start3A_84 = arith.constant 0 : i32
      %dma_start3A_85 = tpu.memref_slice %arg6[%add3A_23, %dma_start3A_84] : memref<10240x128xf32, #tpu.memory_space<vmem_shared>> -> memref<128x128xf32, #tpu.memory_space<vmem_shared>>
      tpu.enqueue_dma source(%arg9 : memref<128x128xf32, #tpu.memory_space<vmem>>) target(%dma_start3A_85 : memref<128x128xf32, #tpu.memory_space<vmem_shared>>) target_semaphore(%run_scoped3A : memref<!tpu.dma_semaphore, #tpu.memory_space<semaphore_mem>>)
      %dma_wait3A = arith.constant 0 : i32
      %dma_wait3A_86 = tpu.memref_slice %arg6[%add3A_23, %dma_wait3A] : memref<10240x128xf32, #tpu.memory_space<vmem_shared>> -> memref<128x128xf32, #tpu.memory_space<vmem_shared>>
      %dma_wait3A_87 = arith.constant 0 : i32
      %dma_wait3A_88 = tpu.memref_slice %arg6[%add3A_23, %dma_wait3A_87] : memref<10240x128xf32, #tpu.memory_space<vmem_shared>> -> memref<128x128xf32, #tpu.memory_space<vmem_shared>>
      tpu.wait_dma2 semaphore(%run_scoped3A : memref<!tpu.dma_semaphore, #tpu.memory_space<semaphore_mem>>) src(%arg9 : memref<128x128xf32, #tpu.memory_space<vmem>>) dst(%dma_wait3A_88 : memref<128x128xf32, #tpu.memory_space<vmem_shared>>)
      tpu.yield
    }) : () -> ()
    %mul3A_24 = arith.constant 640 : i32
    %mul3A_25 = arith.muli %arg1, %mul3A_24 : i32
    %add3A_26 = arith.constant 512 : i32
    %add3A_27 = arith.addi %mul3A_25, %add3A_26 : i32
    "tpu.region"() ({
      %run_scoped3A = tpu.sem_alloc : memref<!tpu.dma_semaphore, #tpu.memory_space<semaphore_mem>>
      %dma_start3A_82 = arith.constant 0 : i32
      %dma_start3A_83 = tpu.memref_slice %arg6[%add3A_27, %dma_start3A_82] : memref<10240x128xf32, #tpu.memory_space<vmem_shared>> -> memref<128x128xf32, #tpu.memory_space<vmem_shared>>
      %dma_start3A_84 = arith.constant 0 : i32
      %dma_start3A_85 = tpu.memref_slice %arg6[%add3A_27, %dma_start3A_84] : memref<10240x128xf32, #tpu.memory_space<vmem_shared>> -> memref<128x128xf32, #tpu.memory_space<vmem_shared>>
      tpu.enqueue_dma source(%arg9 : memref<128x128xf32, #tpu.memory_space<vmem>>) target(%dma_start3A_85 : memref<128x128xf32, #tpu.memory_space<vmem_shared>>) target_semaphore(%run_scoped3A : memref<!tpu.dma_semaphore, #tpu.memory_space<semaphore_mem>>)
      %dma_wait3A = arith.constant 0 : i32
      %dma_wait3A_86 = tpu.memref_slice %arg6[%add3A_27, %dma_wait3A] : memref<10240x128xf32, #tpu.memory_space<vmem_shared>> -> memref<128x128xf32, #tpu.memory_space<vmem_shared>>
      %dma_wait3A_87 = arith.constant 0 : i32
      %dma_wait3A_88 = tpu.memref_slice %arg6[%add3A_27, %dma_wait3A_87] : memref<10240x128xf32, #tpu.memory_space<vmem_shared>> -> memref<128x128xf32, #tpu.memory_space<vmem_shared>>
      tpu.wait_dma2 semaphore(%run_scoped3A : memref<!tpu.dma_semaphore, #tpu.memory_space<semaphore_mem>>) src(%arg9 : memref<128x128xf32, #tpu.memory_space<vmem>>) dst(%dma_wait3A_88 : memref<128x128xf32, #tpu.memory_space<vmem_shared>>)
      tpu.yield
    }) : () -> ()
    %barrier3A = arith.constant 0 : index
    tpu.barrier barrier_id(%barrier3A)
    %mul3A_28 = arith.constant 80 : i32
    %mul3A_29 = arith.muli %add3A, %mul3A_28 : i32
    %add3A_30 = arith.constant 0 : i32
    %add3A_31 = arith.addi %mul3A_29, %add3A_30 : i32
    "tpu.region"() ({
      %run_scoped3A = tpu.sem_alloc : memref<!tpu.dma_semaphore, #tpu.memory_space<semaphore_mem>>
      %dma_start3A_82 = arith.constant 0 : i32
      %dma_start3A_83 = tpu.memref_slice %arg3[%add3A_31, %dma_start3A_82] : memref<2560x128xi32, #tpu.memory_space<hbm>> -> memref<40x128xi32, #tpu.memory_space<hbm>>
      %dma_start3A_84 = arith.constant 0 : i32
      %dma_start3A_85 = tpu.memref_slice %arg3[%add3A_31, %dma_start3A_84] : memref<2560x128xi32, #tpu.memory_space<hbm>> -> memref<40x128xi32, #tpu.memory_space<hbm>>
      tpu.enqueue_dma source(%dma_start3A_85 : memref<40x128xi32, #tpu.memory_space<hbm>>) target(%arg7 : memref<40x128xi32, #tpu.memory_space<vmem>>) target_semaphore(%run_scoped3A : memref<!tpu.dma_semaphore, #tpu.memory_space<semaphore_mem>>)
      %dma_wait3A = arith.constant 0 : i32
      %dma_wait3A_86 = tpu.memref_slice %arg3[%add3A_31, %dma_wait3A] : memref<2560x128xi32, #tpu.memory_space<hbm>> -> memref<40x128xi32, #tpu.memory_space<hbm>>
      %dma_wait3A_87 = arith.constant 0 : i32
      %dma_wait3A_88 = tpu.memref_slice %arg3[%add3A_31, %dma_wait3A_87] : memref<2560x128xi32, #tpu.memory_space<hbm>> -> memref<40x128xi32, #tpu.memory_space<hbm>>
      tpu.wait_dma2 semaphore(%run_scoped3A : memref<!tpu.dma_semaphore, #tpu.memory_space<semaphore_mem>>) src(%dma_wait3A_88 : memref<40x128xi32, #tpu.memory_space<hbm>>) dst(%arg7 : memref<40x128xi32, #tpu.memory_space<vmem>>)
      tpu.yield
    }) : () -> ()
    "tpu.region"() ({
      %run_scoped3A = tpu.sem_alloc : memref<!tpu.dma_semaphore, #tpu.memory_space<semaphore_mem>>
      %dma_start3A_82 = arith.constant 0 : i32
      %dma_start3A_83 = tpu.memref_slice %arg4[%add3A_31, %dma_start3A_82] : memref<2560x128xi32, #tpu.memory_space<hbm>> -> memref<40x128xi32, #tpu.memory_space<hbm>>
      %dma_start3A_84 = arith.constant 0 : i32
      %dma_start3A_85 = tpu.memref_slice %arg4[%add3A_31, %dma_start3A_84] : memref<2560x128xi32, #tpu.memory_space<hbm>> -> memref<40x128xi32, #tpu.memory_space<hbm>>
      tpu.enqueue_dma source(%dma_start3A_85 : memref<40x128xi32, #tpu.memory_space<hbm>>) target(%arg8 : memref<40x128xi32, #tpu.memory_space<vmem>>) target_semaphore(%run_scoped3A : memref<!tpu.dma_semaphore, #tpu.memory_space<semaphore_mem>>)
      %dma_wait3A = arith.constant 0 : i32
      %dma_wait3A_86 = tpu.memref_slice %arg4[%add3A_31, %dma_wait3A] : memref<2560x128xi32, #tpu.memory_space<hbm>> -> memref<40x128xi32, #tpu.memory_space<hbm>>
      %dma_wait3A_87 = arith.constant 0 : i32
      %dma_wait3A_88 = tpu.memref_slice %arg4[%add3A_31, %dma_wait3A_87] : memref<2560x128xi32, #tpu.memory_space<hbm>> -> memref<40x128xi32, #tpu.memory_space<hbm>>
      tpu.wait_dma2 semaphore(%run_scoped3A : memref<!tpu.dma_semaphore, #tpu.memory_space<semaphore_mem>>) src(%dma_wait3A_88 : memref<40x128xi32, #tpu.memory_space<hbm>>) dst(%arg8 : memref<40x128xi32, #tpu.memory_space<vmem>>)
      tpu.yield
    }) : () -> ()
    %dma_start3A = arith.constant 0 : i32
    %dma_start3A_32 = arith.constant 0 : i32
    %dma_start3A_33 = tpu.memref_slice %arg7[%dma_start3A, %dma_start3A_32] : memref<40x128xi32, #tpu.memory_space<vmem>> -> memref<1x128xi32, #tpu.memory_space<vmem>>
    %dma_start3A_34 = tpu.memref_squeeze %dma_start3A_33 : memref<1x128xi32, #tpu.memory_space<vmem>> -> memref<128xi32, #tpu.memory_space<vmem>>
    %dma_start3A_35 = arith.constant 0 : i32
    %dma_start3A_36 = arith.constant 0 : i32
    %dma_start3A_37 = tpu.memref_slice %arg2[%dma_start3A_35, %dma_start3A_36] : memref<10000x128xf32, #tpu.memory_space<hbm>> -> memref<10000x128xf32, #tpu.memory_space<hbm>>
    tpu.enqueue_indirect_dma source(%dma_start3A_37 : memref<10000x128xf32, #tpu.memory_space<hbm>>) target(%arg9 : memref<128x128xf32, #tpu.memory_space<vmem>>) offsets(%dma_start3A_34 : memref<128xi32, #tpu.memory_space<vmem>>) semaphore(%arg11 : memref<!tpu.dma_semaphore, #tpu.memory_space<semaphore_mem>>)
    %dma_start3A_38 = arith.constant 1 : i32
    %dma_start3A_39 = arith.constant 0 : i32
    %dma_start3A_40 = tpu.memref_slice %arg7[%dma_start3A_38, %dma_start3A_39] : memref<40x128xi32, #tpu.memory_space<vmem>> -> memref<1x128xi32, #tpu.memory_space<vmem>>
    %dma_start3A_41 = tpu.memref_squeeze %dma_start3A_40 : memref<1x128xi32, #tpu.memory_space<vmem>> -> memref<128xi32, #tpu.memory_space<vmem>>
    %dma_start3A_42 = arith.constant 0 : i32
    %dma_start3A_43 = arith.constant 0 : i32
    %dma_start3A_44 = tpu.memref_slice %arg2[%dma_start3A_42, %dma_start3A_43] : memref<10000x128xf32, #tpu.memory_space<hbm>> -> memref<10000x128xf32, #tpu.memory_space<hbm>>
    tpu.enqueue_indirect_dma source(%dma_start3A_44 : memref<10000x128xf32, #tpu.memory_space<hbm>>) target(%arg10 : memref<128x128xf32, #tpu.memory_space<vmem>>) offsets(%dma_start3A_41 : memref<128xi32, #tpu.memory_space<vmem>>) semaphore(%arg12 : memref<!tpu.dma_semaphore, #tpu.memory_space<semaphore_mem>>)
    %scan3A_45 = arith.constant 0 : i32
    %scan3A_46 = arith.constant 0 : i32
    %scan3A_47 = arith.constant 20 : i32
    %scan3A_48 = arith.addi %scan3A_46, %scan3A_47 : i32
    %scan3A_49 = arith.constant 1 : i32
    %scan3A_50 = scf.for %scan3A_82 = %scan3A_46 to %scan3A_48 step %scan3A_49 iter_args(%scan3A_83 = %scan3A_45) -> (i32)  : i32 {
      %mul3A_84 = arith.constant 2 : i32
      %mul3A_85 = arith.muli %scan3A_82, %mul3A_84 : i32
      %add3A_86 = arith.constant 0 : i32
      %add3A_87 = arith.addi %mul3A_85, %add3A_86 : i32
      %dma_wait3A = arith.constant 0 : i32
      %dma_wait3A_88 = arith.constant 0 : i32
      %dma_wait3A_89 = tpu.memref_slice %arg2[%dma_wait3A, %dma_wait3A_88] : memref<10000x128xf32, #tpu.memory_space<hbm>> -> memref<128x128xf32, #tpu.memory_space<hbm>>
      %dma_wait3A_90 = arith.constant 0 : i32
      %dma_wait3A_91 = arith.constant 0 : i32
      %dma_wait3A_92 = tpu.memref_slice %arg2[%dma_wait3A_90, %dma_wait3A_91] : memref<10000x128xf32, #tpu.memory_space<hbm>> -> memref<128x128xf32, #tpu.memory_space<hbm>>
      tpu.wait_dma2 semaphore(%arg11 : memref<!tpu.dma_semaphore, #tpu.memory_space<semaphore_mem>>) src(%dma_wait3A_92 : memref<128x128xf32, #tpu.memory_space<hbm>>) dst(%arg9 : memref<128x128xf32, #tpu.memory_space<vmem>>)
      "tpu.region"() ({
        %run_scoped3A = tpu.sem_alloc : memref<!tpu.dma_semaphore, #tpu.memory_space<semaphore_mem>>
        %dma_start3A_115 = arith.constant 0 : i32
        %dma_start3A_116 = tpu.memref_slice %arg8[%add3A_87, %dma_start3A_115] : memref<40x128xi32, #tpu.memory_space<vmem>> -> memref<1x128xi32, #tpu.memory_space<vmem>>
        %dma_start3A_117 = tpu.memref_squeeze %dma_start3A_116 : memref<1x128xi32, #tpu.memory_space<vmem>> -> memref<128xi32, #tpu.memory_space<vmem>>
        %dma_start3A_118 = arith.constant 0 : i32
        %dma_start3A_119 = arith.constant 0 : i32
        %dma_start3A_120 = tpu.memref_slice %arg6[%dma_start3A_118, %dma_start3A_119] : memref<10240x128xf32, #tpu.memory_space<vmem_shared>> -> memref<10240x128xf32, #tpu.memory_space<vmem_shared>>
        tpu.enqueue_indirect_dma source(%arg9 : memref<128x128xf32, #tpu.memory_space<vmem>>) target(%dma_start3A_120 : memref<10240x128xf32, #tpu.memory_space<vmem_shared>>) offsets(%dma_start3A_117 : memref<128xi32, #tpu.memory_space<vmem>>) semaphore(%run_scoped3A : memref<!tpu.dma_semaphore, #tpu.memory_space<semaphore_mem>>) {add = true}
        %dma_wait3A_121 = arith.constant 0 : i32
        %dma_wait3A_122 = tpu.memref_slice %arg8[%add3A_87, %dma_wait3A_121] : memref<40x128xi32, #tpu.memory_space<vmem>> -> memref<1x128xi32, #tpu.memory_space<vmem>>
        %dma_wait3A_123 = tpu.memref_squeeze %dma_wait3A_122 : memref<1x128xi32, #tpu.memory_space<vmem>> -> memref<128xi32, #tpu.memory_space<vmem>>
        %dma_wait3A_124 = arith.constant 0 : i32
        %dma_wait3A_125 = arith.constant 0 : i32
        %dma_wait3A_126 = tpu.memref_slice %arg6[%dma_wait3A_124, %dma_wait3A_125] : memref<10240x128xf32, #tpu.memory_space<vmem_shared>> -> memref<10240x128xf32, #tpu.memory_space<vmem_shared>>
        tpu.wait_indirect_dma semaphore(%run_scoped3A : memref<!tpu.dma_semaphore, #tpu.memory_space<semaphore_mem>>) src(%arg9 : memref<128x128xf32, #tpu.memory_space<vmem>>) dst(%dma_wait3A_126 : memref<10240x128xf32, #tpu.memory_space<vmem_shared>>)
        tpu.yield
      }) : () -> ()
      %add3A_93 = arith.constant 2 : i32
      %add3A_94 = arith.addi %add3A_87, %add3A_93 : i32
      %lt3A = arith.constant 40 : i32
      %lt3A_95 = arith.cmpi slt, %add3A_94, %lt3A : i32
      %convert_element_type3A = arith.extui %lt3A_95 : i1 to i32
      %cond3A = arith.constant 0 : i32
      %cond3A_96 = arith.cmpi ne, %convert_element_type3A, %cond3A : i32
      scf.if %cond3A_96 {
        %add3A_115 = arith.constant 2 : i32
        %add3A_116 = arith.addi %add3A_87, %add3A_115 : i32
        %dma_start3A_117 = arith.constant 0 : i32
        %dma_start3A_118 = tpu.memref_slice %arg7[%add3A_116, %dma_start3A_117] : memref<40x128xi32, #tpu.memory_space<vmem>> -> memref<1x128xi32, #tpu.memory_space<vmem>>
        %dma_start3A_119 = tpu.memref_squeeze %dma_start3A_118 : memref<1x128xi32, #tpu.memory_space<vmem>> -> memref<128xi32, #tpu.memory_space<vmem>>
        %dma_start3A_120 = arith.constant 0 : i32
        %dma_start3A_121 = arith.constant 0 : i32
        %dma_start3A_122 = tpu.memref_slice %arg2[%dma_start3A_120, %dma_start3A_121] : memref<10000x128xf32, #tpu.memory_space<hbm>> -> memref<10000x128xf32, #tpu.memory_space<hbm>>
        tpu.enqueue_indirect_dma source(%dma_start3A_122 : memref<10000x128xf32, #tpu.memory_space<hbm>>) target(%arg9 : memref<128x128xf32, #tpu.memory_space<vmem>>) offsets(%dma_start3A_119 : memref<128xi32, #tpu.memory_space<vmem>>) semaphore(%arg11 : memref<!tpu.dma_semaphore, #tpu.memory_space<semaphore_mem>>)
      } else {
      }
      %mul3A_97 = arith.constant 2 : i32
      %mul3A_98 = arith.muli %scan3A_82, %mul3A_97 : i32
      %add3A_99 = arith.constant 1 : i32
      %add3A_100 = arith.addi %mul3A_98, %add3A_99 : i32
      %dma_wait3A_101 = arith.constant 0 : i32
      %dma_wait3A_102 = arith.constant 0 : i32
      %dma_wait3A_103 = tpu.memref_slice %arg2[%dma_wait3A_101, %dma_wait3A_102] : memref<10000x128xf32, #tpu.memory_space<hbm>> -> memref<128x128xf32, #tpu.memory_space<hbm>>
      %dma_wait3A_104 = arith.constant 0 : i32
      %dma_wait3A_105 = arith.constant 0 : i32
      %dma_wait3A_106 = tpu.memref_slice %arg2[%dma_wait3A_104, %dma_wait3A_105] : memref<10000x128xf32, #tpu.memory_space<hbm>> -> memref<128x128xf32, #tpu.memory_space<hbm>>
      tpu.wait_dma2 semaphore(%arg12 : memref<!tpu.dma_semaphore, #tpu.memory_space<semaphore_mem>>) src(%dma_wait3A_106 : memref<128x128xf32, #tpu.memory_space<hbm>>) dst(%arg10 : memref<128x128xf32, #tpu.memory_space<vmem>>)
      "tpu.region"() ({
        %run_scoped3A = tpu.sem_alloc : memref<!tpu.dma_semaphore, #tpu.memory_space<semaphore_mem>>
        %dma_start3A_115 = arith.constant 0 : i32
        %dma_start3A_116 = tpu.memref_slice %arg8[%add3A_100, %dma_start3A_115] : memref<40x128xi32, #tpu.memory_space<vmem>> -> memref<1x128xi32, #tpu.memory_space<vmem>>
        %dma_start3A_117 = tpu.memref_squeeze %dma_start3A_116 : memref<1x128xi32, #tpu.memory_space<vmem>> -> memref<128xi32, #tpu.memory_space<vmem>>
        %dma_start3A_118 = arith.constant 0 : i32
        %dma_start3A_119 = arith.constant 0 : i32
        %dma_start3A_120 = tpu.memref_slice %arg6[%dma_start3A_118, %dma_start3A_119] : memref<10240x128xf32, #tpu.memory_space<vmem_shared>> -> memref<10240x128xf32, #tpu.memory_space<vmem_shared>>
        tpu.enqueue_indirect_dma source(%arg10 : memref<128x128xf32, #tpu.memory_space<vmem>>) target(%dma_start3A_120 : memref<10240x128xf32, #tpu.memory_space<vmem_shared>>) offsets(%dma_start3A_117 : memref<128xi32, #tpu.memory_space<vmem>>) semaphore(%run_scoped3A : memref<!tpu.dma_semaphore, #tpu.memory_space<semaphore_mem>>) {add = true}
        %dma_wait3A_121 = arith.constant 0 : i32
        %dma_wait3A_122 = tpu.memref_slice %arg8[%add3A_100, %dma_wait3A_121] : memref<40x128xi32, #tpu.memory_space<vmem>> -> memref<1x128xi32, #tpu.memory_space<vmem>>
        %dma_wait3A_123 = tpu.memref_squeeze %dma_wait3A_122 : memref<1x128xi32, #tpu.memory_space<vmem>> -> memref<128xi32, #tpu.memory_space<vmem>>
        %dma_wait3A_124 = arith.constant 0 : i32
        %dma_wait3A_125 = arith.constant 0 : i32
        %dma_wait3A_126 = tpu.memref_slice %arg6[%dma_wait3A_124, %dma_wait3A_125] : memref<10240x128xf32, #tpu.memory_space<vmem_shared>> -> memref<10240x128xf32, #tpu.memory_space<vmem_shared>>
        tpu.wait_indirect_dma semaphore(%run_scoped3A : memref<!tpu.dma_semaphore, #tpu.memory_space<semaphore_mem>>) src(%arg10 : memref<128x128xf32, #tpu.memory_space<vmem>>) dst(%dma_wait3A_126 : memref<10240x128xf32, #tpu.memory_space<vmem_shared>>)
        tpu.yield
      }) : () -> ()
      %add3A_107 = arith.constant 2 : i32
      %add3A_108 = arith.addi %add3A_100, %add3A_107 : i32
      %lt3A_109 = arith.constant 40 : i32
      %lt3A_110 = arith.cmpi slt, %add3A_108, %lt3A_109 : i32
      %convert_element_type3A_111 = arith.extui %lt3A_110 : i1 to i32
      %cond3A_112 = arith.constant 0 : i32
      %cond3A_113 = arith.cmpi ne, %convert_element_type3A_111, %cond3A_112 : i32
      scf.if %cond3A_113 {
        %add3A_115 = arith.constant 2 : i32
        %add3A_116 = arith.addi %add3A_100, %add3A_115 : i32
        %dma_start3A_117 = arith.constant 0 : i32
        %dma_start3A_118 = tpu.memref_slice %arg7[%add3A_116, %dma_start3A_117] : memref<40x128xi32, #tpu.memory_space<vmem>> -> memref<1x128xi32, #tpu.memory_space<vmem>>
        %dma_start3A_119 = tpu.memref_squeeze %dma_start3A_118 : memref<1x128xi32, #tpu.memory_space<vmem>> -> memref<128xi32, #tpu.memory_space<vmem>>
        %dma_start3A_120 = arith.constant 0 : i32
        %dma_start3A_121 = arith.constant 0 : i32
        %dma_start3A_122 = tpu.memref_slice %arg2[%dma_start3A_120, %dma_start3A_121] : memref<10000x128xf32, #tpu.memory_space<hbm>> -> memref<10000x128xf32, #tpu.memory_space<hbm>>
        tpu.enqueue_indirect_dma source(%dma_start3A_122 : memref<10000x128xf32, #tpu.memory_space<hbm>>) target(%arg10 : memref<128x128xf32, #tpu.memory_space<vmem>>) offsets(%dma_start3A_119 : memref<128xi32, #tpu.memory_space<vmem>>) semaphore(%arg12 : memref<!tpu.dma_semaphore, #tpu.memory_space<semaphore_mem>>)
      } else {
      }
      %scan3A_114 = arith.constant 0 : i32
      scf.yield %scan3A_114 : i32
    }
    %scan3A_51 = arith.constant 20 : i32
    %mul3A_52 = arith.constant 80 : i32
    %mul3A_53 = arith.muli %add3A, %mul3A_52 : i32
    %add3A_54 = arith.constant 40 : i32
    %add3A_55 = arith.addi %mul3A_53, %add3A_54 : i32
    "tpu.region"() ({
      %run_scoped3A = tpu.sem_alloc : memref<!tpu.dma_semaphore, #tpu.memory_space<semaphore_mem>>
      %dma_start3A_82 = arith.constant 0 : i32
      %dma_start3A_83 = tpu.memref_slice %arg3[%add3A_55, %dma_start3A_82] : memref<2560x128xi32, #tpu.memory_space<hbm>> -> memref<40x128xi32, #tpu.memory_space<hbm>>
      %dma_start3A_84 = arith.constant 0 : i32
      %dma_start3A_85 = tpu.memref_slice %arg3[%add3A_55, %dma_start3A_84] : memref<2560x128xi32, #tpu.memory_space<hbm>> -> memref<40x128xi32, #tpu.memory_space<hbm>>
      tpu.enqueue_dma source(%dma_start3A_85 : memref<40x128xi32, #tpu.memory_space<hbm>>) target(%arg7 : memref<40x128xi32, #tpu.memory_space<vmem>>) target_semaphore(%run_scoped3A : memref<!tpu.dma_semaphore, #tpu.memory_space<semaphore_mem>>)
      %dma_wait3A = arith.constant 0 : i32
      %dma_wait3A_86 = tpu.memref_slice %arg3[%add3A_55, %dma_wait3A] : memref<2560x128xi32, #tpu.memory_space<hbm>> -> memref<40x128xi32, #tpu.memory_space<hbm>>
      %dma_wait3A_87 = arith.constant 0 : i32
      %dma_wait3A_88 = tpu.memref_slice %arg3[%add3A_55, %dma_wait3A_87] : memref<2560x128xi32, #tpu.memory_space<hbm>> -> memref<40x128xi32, #tpu.memory_space<hbm>>
      tpu.wait_dma2 semaphore(%run_scoped3A : memref<!tpu.dma_semaphore, #tpu.memory_space<semaphore_mem>>) src(%dma_wait3A_88 : memref<40x128xi32, #tpu.memory_space<hbm>>) dst(%arg7 : memref<40x128xi32, #tpu.memory_space<vmem>>)
      tpu.yield
    }) : () -> ()
    "tpu.region"() ({
      %run_scoped3A = tpu.sem_alloc : memref<!tpu.dma_semaphore, #tpu.memory_space<semaphore_mem>>
      %dma_start3A_82 = arith.constant 0 : i32
      %dma_start3A_83 = tpu.memref_slice %arg4[%add3A_55, %dma_start3A_82] : memref<2560x128xi32, #tpu.memory_space<hbm>> -> memref<40x128xi32, #tpu.memory_space<hbm>>
      %dma_start3A_84 = arith.constant 0 : i32
      %dma_start3A_85 = tpu.memref_slice %arg4[%add3A_55, %dma_start3A_84] : memref<2560x128xi32, #tpu.memory_space<hbm>> -> memref<40x128xi32, #tpu.memory_space<hbm>>
      tpu.enqueue_dma source(%dma_start3A_85 : memref<40x128xi32, #tpu.memory_space<hbm>>) target(%arg8 : memref<40x128xi32, #tpu.memory_space<vmem>>) target_semaphore(%run_scoped3A : memref<!tpu.dma_semaphore, #tpu.memory_space<semaphore_mem>>)
      %dma_wait3A = arith.constant 0 : i32
      %dma_wait3A_86 = tpu.memref_slice %arg4[%add3A_55, %dma_wait3A] : memref<2560x128xi32, #tpu.memory_space<hbm>> -> memref<40x128xi32, #tpu.memory_space<hbm>>
      %dma_wait3A_87 = arith.constant 0 : i32
      %dma_wait3A_88 = tpu.memref_slice %arg4[%add3A_55, %dma_wait3A_87] : memref<2560x128xi32, #tpu.memory_space<hbm>> -> memref<40x128xi32, #tpu.memory_space<hbm>>
      tpu.wait_dma2 semaphore(%run_scoped3A : memref<!tpu.dma_semaphore, #tpu.memory_space<semaphore_mem>>) src(%dma_wait3A_88 : memref<40x128xi32, #tpu.memory_space<hbm>>) dst(%arg8 : memref<40x128xi32, #tpu.memory_space<vmem>>)
      tpu.yield
    }) : () -> ()
    %dma_start3A_56 = arith.constant 0 : i32
    %dma_start3A_57 = arith.constant 0 : i32
    %dma_start3A_58 = tpu.memref_slice %arg7[%dma_start3A_56, %dma_start3A_57] : memref<40x128xi32, #tpu.memory_space<vmem>> -> memref<1x128xi32, #tpu.memory_space<vmem>>
    %dma_start3A_59 = tpu.memref_squeeze %dma_start3A_58 : memref<1x128xi32, #tpu.memory_space<vmem>> -> memref<128xi32, #tpu.memory_space<vmem>>
    %dma_start3A_60 = arith.constant 0 : i32
    %dma_start3A_61 = arith.constant 0 : i32
    %dma_start3A_62 = tpu.memref_slice %arg2[%dma_start3A_60, %dma_start3A_61] : memref<10000x128xf32, #tpu.memory_space<hbm>> -> memref<10000x128xf32, #tpu.memory_space<hbm>>
    tpu.enqueue_indirect_dma source(%dma_start3A_62 : memref<10000x128xf32, #tpu.memory_space<hbm>>) target(%arg9 : memref<128x128xf32, #tpu.memory_space<vmem>>) offsets(%dma_start3A_59 : memref<128xi32, #tpu.memory_space<vmem>>) semaphore(%arg11 : memref<!tpu.dma_semaphore, #tpu.memory_space<semaphore_mem>>)
    %dma_start3A_63 = arith.constant 1 : i32
    %dma_start3A_64 = arith.constant 0 : i32
    %dma_start3A_65 = tpu.memref_slice %arg7[%dma_start3A_63, %dma_start3A_64] : memref<40x128xi32, #tpu.memory_space<vmem>> -> memref<1x128xi32, #tpu.memory_space<vmem>>
    %dma_start3A_66 = tpu.memref_squeeze %dma_start3A_65 : memref<1x128xi32, #tpu.memory_space<vmem>> -> memref<128xi32, #tpu.memory_space<vmem>>
    %dma_start3A_67 = arith.constant 0 : i32
    %dma_start3A_68 = arith.constant 0 : i32
    %dma_start3A_69 = tpu.memref_slice %arg2[%dma_start3A_67, %dma_start3A_68] : memref<10000x128xf32, #tpu.memory_space<hbm>> -> memref<10000x128xf32, #tpu.memory_space<hbm>>
    tpu.enqueue_indirect_dma source(%dma_start3A_69 : memref<10000x128xf32, #tpu.memory_space<hbm>>) target(%arg10 : memref<128x128xf32, #tpu.memory_space<vmem>>) offsets(%dma_start3A_66 : memref<128xi32, #tpu.memory_space<vmem>>) semaphore(%arg12 : memref<!tpu.dma_semaphore, #tpu.memory_space<semaphore_mem>>)
    %scan3A_70 = arith.constant 0 : i32
    %scan3A_71 = arith.constant 0 : i32
    %scan3A_72 = arith.constant 20 : i32
    %scan3A_73 = arith.addi %scan3A_71, %scan3A_72 : i32
    %scan3A_74 = arith.constant 1 : i32
    %scan3A_75 = scf.for %scan3A_82 = %scan3A_71 to %scan3A_73 step %scan3A_74 iter_args(%scan3A_83 = %scan3A_70) -> (i32)  : i32 {
      %mul3A_84 = arith.constant 2 : i32
      %mul3A_85 = arith.muli %scan3A_82, %mul3A_84 : i32
      %add3A_86 = arith.constant 0 : i32
      %add3A_87 = arith.addi %mul3A_85, %add3A_86 : i32
      %dma_wait3A = arith.constant 0 : i32
      %dma_wait3A_88 = arith.constant 0 : i32
      %dma_wait3A_89 = tpu.memref_slice %arg2[%dma_wait3A, %dma_wait3A_88] : memref<10000x128xf32, #tpu.memory_space<hbm>> -> memref<128x128xf32, #tpu.memory_space<hbm>>
      %dma_wait3A_90 = arith.constant 0 : i32
      %dma_wait3A_91 = arith.constant 0 : i32
      %dma_wait3A_92 = tpu.memref_slice %arg2[%dma_wait3A_90, %dma_wait3A_91] : memref<10000x128xf32, #tpu.memory_space<hbm>> -> memref<128x128xf32, #tpu.memory_space<hbm>>
      tpu.wait_dma2 semaphore(%arg11 : memref<!tpu.dma_semaphore, #tpu.memory_space<semaphore_mem>>) src(%dma_wait3A_92 : memref<128x128xf32, #tpu.memory_space<hbm>>) dst(%arg9 : memref<128x128xf32, #tpu.memory_space<vmem>>)
      "tpu.region"() ({
        %run_scoped3A = tpu.sem_alloc : memref<!tpu.dma_semaphore, #tpu.memory_space<semaphore_mem>>
        %dma_start3A_115 = arith.constant 0 : i32
        %dma_start3A_116 = tpu.memref_slice %arg8[%add3A_87, %dma_start3A_115] : memref<40x128xi32, #tpu.memory_space<vmem>> -> memref<1x128xi32, #tpu.memory_space<vmem>>
        %dma_start3A_117 = tpu.memref_squeeze %dma_start3A_116 : memref<1x128xi32, #tpu.memory_space<vmem>> -> memref<128xi32, #tpu.memory_space<vmem>>
        %dma_start3A_118 = arith.constant 0 : i32
        %dma_start3A_119 = arith.constant 0 : i32
        %dma_start3A_120 = tpu.memref_slice %arg6[%dma_start3A_118, %dma_start3A_119] : memref<10240x128xf32, #tpu.memory_space<vmem_shared>> -> memref<10240x128xf32, #tpu.memory_space<vmem_shared>>
        tpu.enqueue_indirect_dma source(%arg9 : memref<128x128xf32, #tpu.memory_space<vmem>>) target(%dma_start3A_120 : memref<10240x128xf32, #tpu.memory_space<vmem_shared>>) offsets(%dma_start3A_117 : memref<128xi32, #tpu.memory_space<vmem>>) semaphore(%run_scoped3A : memref<!tpu.dma_semaphore, #tpu.memory_space<semaphore_mem>>) {add = true}
        %dma_wait3A_121 = arith.constant 0 : i32
        %dma_wait3A_122 = tpu.memref_slice %arg8[%add3A_87, %dma_wait3A_121] : memref<40x128xi32, #tpu.memory_space<vmem>> -> memref<1x128xi32, #tpu.memory_space<vmem>>
        %dma_wait3A_123 = tpu.memref_squeeze %dma_wait3A_122 : memref<1x128xi32, #tpu.memory_space<vmem>> -> memref<128xi32, #tpu.memory_space<vmem>>
        %dma_wait3A_124 = arith.constant 0 : i32
        %dma_wait3A_125 = arith.constant 0 : i32
        %dma_wait3A_126 = tpu.memref_slice %arg6[%dma_wait3A_124, %dma_wait3A_125] : memref<10240x128xf32, #tpu.memory_space<vmem_shared>> -> memref<10240x128xf32, #tpu.memory_space<vmem_shared>>
        tpu.wait_indirect_dma semaphore(%run_scoped3A : memref<!tpu.dma_semaphore, #tpu.memory_space<semaphore_mem>>) src(%arg9 : memref<128x128xf32, #tpu.memory_space<vmem>>) dst(%dma_wait3A_126 : memref<10240x128xf32, #tpu.memory_space<vmem_shared>>)
        tpu.yield
      }) : () -> ()
      %add3A_93 = arith.constant 2 : i32
      %add3A_94 = arith.addi %add3A_87, %add3A_93 : i32
      %lt3A = arith.constant 40 : i32
      %lt3A_95 = arith.cmpi slt, %add3A_94, %lt3A : i32
      %convert_element_type3A = arith.extui %lt3A_95 : i1 to i32
      %cond3A = arith.constant 0 : i32
      %cond3A_96 = arith.cmpi ne, %convert_element_type3A, %cond3A : i32
      scf.if %cond3A_96 {
        %add3A_115 = arith.constant 2 : i32
        %add3A_116 = arith.addi %add3A_87, %add3A_115 : i32
        %dma_start3A_117 = arith.constant 0 : i32
        %dma_start3A_118 = tpu.memref_slice %arg7[%add3A_116, %dma_start3A_117] : memref<40x128xi32, #tpu.memory_space<vmem>> -> memref<1x128xi32, #tpu.memory_space<vmem>>
        %dma_start3A_119 = tpu.memref_squeeze %dma_start3A_118 : memref<1x128xi32, #tpu.memory_space<vmem>> -> memref<128xi32, #tpu.memory_space<vmem>>
        %dma_start3A_120 = arith.constant 0 : i32
        %dma_start3A_121 = arith.constant 0 : i32
        %dma_start3A_122 = tpu.memref_slice %arg2[%dma_start3A_120, %dma_start3A_121] : memref<10000x128xf32, #tpu.memory_space<hbm>> -> memref<10000x128xf32, #tpu.memory_space<hbm>>
        tpu.enqueue_indirect_dma source(%dma_start3A_122 : memref<10000x128xf32, #tpu.memory_space<hbm>>) target(%arg9 : memref<128x128xf32, #tpu.memory_space<vmem>>) offsets(%dma_start3A_119 : memref<128xi32, #tpu.memory_space<vmem>>) semaphore(%arg11 : memref<!tpu.dma_semaphore, #tpu.memory_space<semaphore_mem>>)
      } else {
      }
      %mul3A_97 = arith.constant 2 : i32
      %mul3A_98 = arith.muli %scan3A_82, %mul3A_97 : i32
      %add3A_99 = arith.constant 1 : i32
      %add3A_100 = arith.addi %mul3A_98, %add3A_99 : i32
      %dma_wait3A_101 = arith.constant 0 : i32
      %dma_wait3A_102 = arith.constant 0 : i32
      %dma_wait3A_103 = tpu.memref_slice %arg2[%dma_wait3A_101, %dma_wait3A_102] : memref<10000x128xf32, #tpu.memory_space<hbm>> -> memref<128x128xf32, #tpu.memory_space<hbm>>
      %dma_wait3A_104 = arith.constant 0 : i32
      %dma_wait3A_105 = arith.constant 0 : i32
      %dma_wait3A_106 = tpu.memref_slice %arg2[%dma_wait3A_104, %dma_wait3A_105] : memref<10000x128xf32, #tpu.memory_space<hbm>> -> memref<128x128xf32, #tpu.memory_space<hbm>>
      tpu.wait_dma2 semaphore(%arg12 : memref<!tpu.dma_semaphore, #tpu.memory_space<semaphore_mem>>) src(%dma_wait3A_106 : memref<128x128xf32, #tpu.memory_space<hbm>>) dst(%arg10 : memref<128x128xf32, #tpu.memory_space<vmem>>)
      "tpu.region"() ({
        %run_scoped3A = tpu.sem_alloc : memref<!tpu.dma_semaphore, #tpu.memory_space<semaphore_mem>>
        %dma_start3A_115 = arith.constant 0 : i32
        %dma_start3A_116 = tpu.memref_slice %arg8[%add3A_100, %dma_start3A_115] : memref<40x128xi32, #tpu.memory_space<vmem>> -> memref<1x128xi32, #tpu.memory_space<vmem>>
        %dma_start3A_117 = tpu.memref_squeeze %dma_start3A_116 : memref<1x128xi32, #tpu.memory_space<vmem>> -> memref<128xi32, #tpu.memory_space<vmem>>
        %dma_start3A_118 = arith.constant 0 : i32
        %dma_start3A_119 = arith.constant 0 : i32
        %dma_start3A_120 = tpu.memref_slice %arg6[%dma_start3A_118, %dma_start3A_119] : memref<10240x128xf32, #tpu.memory_space<vmem_shared>> -> memref<10240x128xf32, #tpu.memory_space<vmem_shared>>
        tpu.enqueue_indirect_dma source(%arg10 : memref<128x128xf32, #tpu.memory_space<vmem>>) target(%dma_start3A_120 : memref<10240x128xf32, #tpu.memory_space<vmem_shared>>) offsets(%dma_start3A_117 : memref<128xi32, #tpu.memory_space<vmem>>) semaphore(%run_scoped3A : memref<!tpu.dma_semaphore, #tpu.memory_space<semaphore_mem>>) {add = true}
        %dma_wait3A_121 = arith.constant 0 : i32
        %dma_wait3A_122 = tpu.memref_slice %arg8[%add3A_100, %dma_wait3A_121] : memref<40x128xi32, #tpu.memory_space<vmem>> -> memref<1x128xi32, #tpu.memory_space<vmem>>
        %dma_wait3A_123 = tpu.memref_squeeze %dma_wait3A_122 : memref<1x128xi32, #tpu.memory_space<vmem>> -> memref<128xi32, #tpu.memory_space<vmem>>
        %dma_wait3A_124 = arith.constant 0 : i32
        %dma_wait3A_125 = arith.constant 0 : i32
        %dma_wait3A_126 = tpu.memref_slice %arg6[%dma_wait3A_124, %dma_wait3A_125] : memref<10240x128xf32, #tpu.memory_space<vmem_shared>> -> memref<10240x128xf32, #tpu.memory_space<vmem_shared>>
        tpu.wait_indirect_dma semaphore(%run_scoped3A : memref<!tpu.dma_semaphore, #tpu.memory_space<semaphore_mem>>) src(%arg10 : memref<128x128xf32, #tpu.memory_space<vmem>>) dst(%dma_wait3A_126 : memref<10240x128xf32, #tpu.memory_space<vmem_shared>>)
        tpu.yield
      }) : () -> ()
      %add3A_107 = arith.constant 2 : i32
      %add3A_108 = arith.addi %add3A_100, %add3A_107 : i32
      %lt3A_109 = arith.constant 40 : i32
      %lt3A_110 = arith.cmpi slt, %add3A_108, %lt3A_109 : i32
      %convert_element_type3A_111 = arith.extui %lt3A_110 : i1 to i32
      %cond3A_112 = arith.constant 0 : i32
      %cond3A_113 = arith.cmpi ne, %convert_element_type3A_111, %cond3A_112 : i32
      scf.if %cond3A_113 {
        %add3A_115 = arith.constant 2 : i32
        %add3A_116 = arith.addi %add3A_100, %add3A_115 : i32
        %dma_start3A_117 = arith.constant 0 : i32
        %dma_start3A_118 = tpu.memref_slice %arg7[%add3A_116, %dma_start3A_117] : memref<40x128xi32, #tpu.memory_space<vmem>> -> memref<1x128xi32, #tpu.memory_space<vmem>>
        %dma_start3A_119 = tpu.memref_squeeze %dma_start3A_118 : memref<1x128xi32, #tpu.memory_space<vmem>> -> memref<128xi32, #tpu.memory_space<vmem>>
        %dma_start3A_120 = arith.constant 0 : i32
        %dma_start3A_121 = arith.constant 0 : i32
        %dma_start3A_122 = tpu.memref_slice %arg2[%dma_start3A_120, %dma_start3A_121] : memref<10000x128xf32, #tpu.memory_space<hbm>> -> memref<10000x128xf32, #tpu.memory_space<hbm>>
        tpu.enqueue_indirect_dma source(%dma_start3A_122 : memref<10000x128xf32, #tpu.memory_space<hbm>>) target(%arg10 : memref<128x128xf32, #tpu.memory_space<vmem>>) offsets(%dma_start3A_119 : memref<128xi32, #tpu.memory_space<vmem>>) semaphore(%arg12 : memref<!tpu.dma_semaphore, #tpu.memory_space<semaphore_mem>>)
      } else {
      }
      %scan3A_114 = arith.constant 0 : i32
      scf.yield %scan3A_114 : i32
    }
    %scan3A_76 = arith.constant 20 : i32
    %barrier3A_77 = arith.constant 0 : index
    tpu.barrier barrier_id(%barrier3A_77)
    %mul3A_78 = arith.constant 640 : i32
    %mul3A_79 = arith.muli %arg1, %mul3A_78 : i32
    %mul3A_80 = arith.constant 640 : i32
    %mul3A_81 = arith.muli %arg1, %mul3A_80 : i32
    "tpu.region"() ({
      %run_scoped3A = tpu.sem_alloc : memref<!tpu.dma_semaphore, #tpu.memory_space<semaphore_mem>>
      %dma_start3A_82 = arith.constant 0 : i32
      %dma_start3A_83 = tpu.memref_slice %arg5[%arg0, %mul3A_81, %dma_start3A_82] : memref<2x10240x128xf32, #tpu.memory_space<hbm>> -> memref<1x640x128xf32, #tpu.memory_space<hbm>>
      %dma_start3A_84 = tpu.memref_squeeze %dma_start3A_83 : memref<1x640x128xf32, #tpu.memory_space<hbm>> -> memref<640x128xf32, #tpu.memory_space<hbm>>
      %dma_start3A_85 = arith.constant 0 : i32
      %dma_start3A_86 = tpu.memref_slice %arg6[%mul3A_79, %dma_start3A_85] : memref<10240x128xf32, #tpu.memory_space<vmem_shared>> -> memref<640x128xf32, #tpu.memory_space<vmem_shared>>
      tpu.enqueue_dma source(%dma_start3A_86 : memref<640x128xf32, #tpu.memory_space<vmem_shared>>) target(%dma_start3A_84 : memref<640x128xf32, #tpu.memory_space<hbm>>) target_semaphore(%run_scoped3A : memref<!tpu.dma_semaphore, #tpu.memory_space<semaphore_mem>>)
      %dma_wait3A = arith.constant 0 : i32
      %dma_wait3A_87 = tpu.memref_slice %arg5[%arg0, %mul3A_81, %dma_wait3A] : memref<2x10240x128xf32, #tpu.memory_space<hbm>> -> memref<1x640x128xf32, #tpu.memory_space<hbm>>
      %dma_wait3A_88 = tpu.memref_squeeze %dma_wait3A_87 : memref<1x640x128xf32, #tpu.memory_space<hbm>> -> memref<640x128xf32, #tpu.memory_space<hbm>>
      %dma_wait3A_89 = arith.constant 0 : i32
      %dma_wait3A_90 = tpu.memref_slice %arg6[%mul3A_79, %dma_wait3A_89] : memref<10240x128xf32, #tpu.memory_space<vmem_shared>> -> memref<640x128xf32, #tpu.memory_space<vmem_shared>>
      tpu.wait_dma2 semaphore(%run_scoped3A : memref<!tpu.dma_semaphore, #tpu.memory_space<semaphore_mem>>) src(%dma_wait3A_90 : memref<640x128xf32, #tpu.memory_space<vmem_shared>>) dst(%dma_wait3A_88 : memref<640x128xf32, #tpu.memory_space<hbm>>)
      tpu.yield
    }) : () -> ()
    return
  }
}

#map = affine_map<(d0, d1) -> (0, 0)>
#map1 = affine_map<(d0, d1) -> (0, 0, 0)>
module attributes {stable_mosaic.version = 14 : i64} {
  func.func @_sc_agg_body(%arg0: i32, %arg1: i32, %arg2: memref<10000x128xf32, #tpu.memory_space<hbm>>, %arg3: memref<2560x128xi32, #tpu.memory_space<hbm>>, %arg4: memref<2560x128xi32, #tpu.memory_space<hbm>>, %arg5: memref<2x10240x128xf32, #tpu.memory_space<hbm>>, %arg6: memref<10240x128xf32, #tpu.memory_space<vmem_shared>>, %arg7: memref<40x128xi32, #tpu.memory_space<vmem>>, %arg8: memref<40x128xi32, #tpu.memory_space<vmem>>, %arg9: memref<128x128xf32, #tpu.memory_space<vmem>>, %arg10: memref<128x128xf32, #tpu.memory_space<vmem>>, %arg11: memref<!tpu.dma_semaphore, #tpu.memory_space<semaphore_mem>>, %arg12: memref<!tpu.dma_semaphore, #tpu.memory_space<semaphore_mem>>) attributes {dimension_semantics = [#tpu.dimension_semantics<core_parallel>, #tpu.dimension_semantics<subcore_parallel>], iteration_bounds = array<i64: 2, 16>, scalar_prefetch = 0 : i64, scratch_operands = 7 : i64, tpu.core_type = #tpu.core_type<sc_vector_subcore>, window_params = [{transform_indices = #map}, {transform_indices = #map}, {transform_indices = #map}, {transform_indices = #map1}]} {
    %mul3A = arith.constant 2 : i32
    %mul3A_0 = arith.muli %arg1, %mul3A : i32
    %add3A = arith.addi %mul3A_0, %arg0 : i32
    %broadcast_in_dim3A = arith.constant 0.000000e+00 : f32
    %broadcast_in_dim3A_1 = vector.broadcast %broadcast_in_dim3A : f32 to vector<16xf32>
    %scan3A = arith.constant 0 : i32
    %scan3A_2 = arith.constant 0 : i32
    %scan3A_3 = arith.constant 128 : i32
    %scan3A_4 = arith.addi %scan3A_2, %scan3A_3 : i32
    %scan3A_5 = arith.constant 1 : i32
    %scan3A_6 = scf.for %scan3A_82 = %scan3A_2 to %scan3A_4 step %scan3A_5 iter_args(%scan3A_83 = %scan3A) -> (i32)  : i32 {
      %swap3A = arith.index_cast %scan3A_82 : i32 to index
      %swap3A_84 = arith.constant 0 : index
      %swap3A_85 = tpu.vector_load %arg9[%swap3A, %swap3A_84] {strides = array<i32>} : memref<128x128xf32, #tpu.memory_space<vmem>>, vector<1x16xf32>,
      %swap3A_86 = vector.shape_cast %swap3A_85 : vector<1x16xf32> to vector<16xf32>
      %swap3A_87 = vector.shape_cast %broadcast_in_dim3A_1 : vector<16xf32> to vector<1x16xf32>
      tpu.vector_store %arg9[%swap3A, %swap3A_84], %swap3A_87 {strides = array<i32>} : memref<128x128xf32, #tpu.memory_space<vmem>>, vector<1x16xf32>,
      %swap3A_88 = arith.index_cast %scan3A_82 : i32 to index
      %swap3A_89 = arith.constant 16 : index
      %swap3A_90 = tpu.vector_load %arg9[%swap3A_88, %swap3A_89] {strides = array<i32>} : memref<128x128xf32, #tpu.memory_space<vmem>>, vector<1x16xf32>,
      %swap3A_91 = vector.shape_cast %swap3A_90 : vector<1x16xf32> to vector<16xf32>
      %swap3A_92 = vector.shape_cast %broadcast_in_dim3A_1 : vector<16xf32> to vector<1x16xf32>
      tpu.vector_store %arg9[%swap3A_88, %swap3A_89], %swap3A_92 {strides = array<i32>} : memref<128x128xf32, #tpu.memory_space<vmem>>, vector<1x16xf32>,
      %swap3A_93 = arith.index_cast %scan3A_82 : i32 to index
      %swap3A_94 = arith.constant 32 : index
      %swap3A_95 = tpu.vector_load %arg9[%swap3A_93, %swap3A_94] {strides = array<i32>} : memref<128x128xf32, #tpu.memory_space<vmem>>, vector<1x16xf32>,
      %swap3A_96 = vector.shape_cast %swap3A_95 : vector<1x16xf32> to vector<16xf32>
      %swap3A_97 = vector.shape_cast %broadcast_in_dim3A_1 : vector<16xf32> to vector<1x16xf32>
      tpu.vector_store %arg9[%swap3A_93, %swap3A_94], %swap3A_97 {strides = array<i32>} : memref<128x128xf32, #tpu.memory_space<vmem>>, vector<1x16xf32>,
      %swap3A_98 = arith.index_cast %scan3A_82 : i32 to index
      %swap3A_99 = arith.constant 48 : index
      %swap3A_100 = tpu.vector_load %arg9[%swap3A_98, %swap3A_99] {strides = array<i32>} : memref<128x128xf32, #tpu.memory_space<vmem>>, vector<1x16xf32>,
      %swap3A_101 = vector.shape_cast %swap3A_100 : vector<1x16xf32> to vector<16xf32>
      %swap3A_102 = vector.shape_cast %broadcast_in_dim3A_1 : vector<16xf32> to vector<1x16xf32>
      tpu.vector_store %arg9[%swap3A_98, %swap3A_99], %swap3A_102 {strides = array<i32>} : memref<128x128xf32, #tpu.memory_space<vmem>>, vector<1x16xf32>,
      %swap3A_103 = arith.index_cast %scan3A_82 : i32 to index
      %swap3A_104 = arith.constant 64 : index
      %swap3A_105 = tpu.vector_load %arg9[%swap3A_103, %swap3A_104] {strides = array<i32>} : memref<128x128xf32, #tpu.memory_space<vmem>>, vector<1x16xf32>,
      %swap3A_106 = vector.shape_cast %swap3A_105 : vector<1x16xf32> to vector<16xf32>
      %swap3A_107 = vector.shape_cast %broadcast_in_dim3A_1 : vector<16xf32> to vector<1x16xf32>
      tpu.vector_store %arg9[%swap3A_103, %swap3A_104], %swap3A_107 {strides = array<i32>} : memref<128x128xf32, #tpu.memory_space<vmem>>, vector<1x16xf32>,
      %swap3A_108 = arith.index_cast %scan3A_82 : i32 to index
      %swap3A_109 = arith.constant 80 : index
      %swap3A_110 = tpu.vector_load %arg9[%swap3A_108, %swap3A_109] {strides = array<i32>} : memref<128x128xf32, #tpu.memory_space<vmem>>, vector<1x16xf32>,
      %swap3A_111 = vector.shape_cast %swap3A_110 : vector<1x16xf32> to vector<16xf32>
      %swap3A_112 = vector.shape_cast %broadcast_in_dim3A_1 : vector<16xf32> to vector<1x16xf32>
      tpu.vector_store %arg9[%swap3A_108, %swap3A_109], %swap3A_112 {strides = array<i32>} : memref<128x128xf32, #tpu.memory_space<vmem>>, vector<1x16xf32>,
      %swap3A_113 = arith.index_cast %scan3A_82 : i32 to index
      %swap3A_114 = arith.constant 96 : index
      %swap3A_115 = tpu.vector_load %arg9[%swap3A_113, %swap3A_114] {strides = array<i32>} : memref<128x128xf32, #tpu.memory_space<vmem>>, vector<1x16xf32>,
      %swap3A_116 = vector.shape_cast %swap3A_115 : vector<1x16xf32> to vector<16xf32>
      %swap3A_117 = vector.shape_cast %broadcast_in_dim3A_1 : vector<16xf32> to vector<1x16xf32>
      tpu.vector_store %arg9[%swap3A_113, %swap3A_114], %swap3A_117 {strides = array<i32>} : memref<128x128xf32, #tpu.memory_space<vmem>>, vector<1x16xf32>,
      %swap3A_118 = arith.index_cast %scan3A_82 : i32 to index
      %swap3A_119 = arith.constant 112 : index
      %swap3A_120 = tpu.vector_load %arg9[%swap3A_118, %swap3A_119] {strides = array<i32>} : memref<128x128xf32, #tpu.memory_space<vmem>>, vector<1x16xf32>,
      %swap3A_121 = vector.shape_cast %swap3A_120 : vector<1x16xf32> to vector<16xf32>
      %swap3A_122 = vector.shape_cast %broadcast_in_dim3A_1 : vector<16xf32> to vector<1x16xf32>
      tpu.vector_store %arg9[%swap3A_118, %swap3A_119], %swap3A_122 {strides = array<i32>} : memref<128x128xf32, #tpu.memory_space<vmem>>, vector<1x16xf32>,
      %scan3A_123 = arith.constant 0 : i32
      scf.yield %scan3A_123 : i32
    }
    %scan3A_7 = arith.constant 128 : i32
    %mul3A_8 = arith.constant 640 : i32
    %mul3A_9 = arith.muli %arg1, %mul3A_8 : i32
    %add3A_10 = arith.constant 0 : i32
    %add3A_11 = arith.addi %mul3A_9, %add3A_10 : i32
    "tpu.region"() ({
      %run_scoped3A = tpu.sem_alloc : memref<!tpu.dma_semaphore, #tpu.memory_space<semaphore_mem>>
      %dma_start3A_82 = arith.constant 0 : i32
      %dma_start3A_83 = tpu.memref_slice %arg6[%add3A_11, %dma_start3A_82] : memref<10240x128xf32, #tpu.memory_space<vmem_shared>> -> memref<128x128xf32, #tpu.memory_space<vmem_shared>>
      %dma_start3A_84 = arith.constant 0 : i32
      %dma_start3A_85 = tpu.memref_slice %arg6[%add3A_11, %dma_start3A_84] : memref<10240x128xf32, #tpu.memory_space<vmem_shared>> -> memref<128x128xf32, #tpu.memory_space<vmem_shared>>
      tpu.enqueue_dma source(%arg9 : memref<128x128xf32, #tpu.memory_space<vmem>>) target(%dma_start3A_85 : memref<128x128xf32, #tpu.memory_space<vmem_shared>>) target_semaphore(%run_scoped3A : memref<!tpu.dma_semaphore, #tpu.memory_space<semaphore_mem>>)
      %dma_wait3A = arith.constant 0 : i32
      %dma_wait3A_86 = tpu.memref_slice %arg6[%add3A_11, %dma_wait3A] : memref<10240x128xf32, #tpu.memory_space<vmem_shared>> -> memref<128x128xf32, #tpu.memory_space<vmem_shared>>
      %dma_wait3A_87 = arith.constant 0 : i32
      %dma_wait3A_88 = tpu.memref_slice %arg6[%add3A_11, %dma_wait3A_87] : memref<10240x128xf32, #tpu.memory_space<vmem_shared>> -> memref<128x128xf32, #tpu.memory_space<vmem_shared>>
      tpu.wait_dma2 semaphore(%run_scoped3A : memref<!tpu.dma_semaphore, #tpu.memory_space<semaphore_mem>>) src(%arg9 : memref<128x128xf32, #tpu.memory_space<vmem>>) dst(%dma_wait3A_88 : memref<128x128xf32, #tpu.memory_space<vmem_shared>>)
      tpu.yield
    }) : () -> ()
    %mul3A_12 = arith.constant 640 : i32
    %mul3A_13 = arith.muli %arg1, %mul3A_12 : i32
    %add3A_14 = arith.constant 128 : i32
    %add3A_15 = arith.addi %mul3A_13, %add3A_14 : i32
    "tpu.region"() ({
      %run_scoped3A = tpu.sem_alloc : memref<!tpu.dma_semaphore, #tpu.memory_space<semaphore_mem>>
      %dma_start3A_82 = arith.constant 0 : i32
      %dma_start3A_83 = tpu.memref_slice %arg6[%add3A_15, %dma_start3A_82] : memref<10240x128xf32, #tpu.memory_space<vmem_shared>> -> memref<128x128xf32, #tpu.memory_space<vmem_shared>>
      %dma_start3A_84 = arith.constant 0 : i32
      %dma_start3A_85 = tpu.memref_slice %arg6[%add3A_15, %dma_start3A_84] : memref<10240x128xf32, #tpu.memory_space<vmem_shared>> -> memref<128x128xf32, #tpu.memory_space<vmem_shared>>
      tpu.enqueue_dma source(%arg9 : memref<128x128xf32, #tpu.memory_space<vmem>>) target(%dma_start3A_85 : memref<128x128xf32, #tpu.memory_space<vmem_shared>>) target_semaphore(%run_scoped3A : memref<!tpu.dma_semaphore, #tpu.memory_space<semaphore_mem>>)
      %dma_wait3A = arith.constant 0 : i32
      %dma_wait3A_86 = tpu.memref_slice %arg6[%add3A_15, %dma_wait3A] : memref<10240x128xf32, #tpu.memory_space<vmem_shared>> -> memref<128x128xf32, #tpu.memory_space<vmem_shared>>
      %dma_wait3A_87 = arith.constant 0 : i32
      %dma_wait3A_88 = tpu.memref_slice %arg6[%add3A_15, %dma_wait3A_87] : memref<10240x128xf32, #tpu.memory_space<vmem_shared>> -> memref<128x128xf32, #tpu.memory_space<vmem_shared>>
      tpu.wait_dma2 semaphore(%run_scoped3A : memref<!tpu.dma_semaphore, #tpu.memory_space<semaphore_mem>>) src(%arg9 : memref<128x128xf32, #tpu.memory_space<vmem>>) dst(%dma_wait3A_88 : memref<128x128xf32, #tpu.memory_space<vmem_shared>>)
      tpu.yield
    }) : () -> ()
    %mul3A_16 = arith.constant 640 : i32
    %mul3A_17 = arith.muli %arg1, %mul3A_16 : i32
    %add3A_18 = arith.constant 256 : i32
    %add3A_19 = arith.addi %mul3A_17, %add3A_18 : i32
    "tpu.region"() ({
      %run_scoped3A = tpu.sem_alloc : memref<!tpu.dma_semaphore, #tpu.memory_space<semaphore_mem>>
      %dma_start3A_82 = arith.constant 0 : i32
      %dma_start3A_83 = tpu.memref_slice %arg6[%add3A_19, %dma_start3A_82] : memref<10240x128xf32, #tpu.memory_space<vmem_shared>> -> memref<128x128xf32, #tpu.memory_space<vmem_shared>>
      %dma_start3A_84 = arith.constant 0 : i32
      %dma_start3A_85 = tpu.memref_slice %arg6[%add3A_19, %dma_start3A_84] : memref<10240x128xf32, #tpu.memory_space<vmem_shared>> -> memref<128x128xf32, #tpu.memory_space<vmem_shared>>
      tpu.enqueue_dma source(%arg9 : memref<128x128xf32, #tpu.memory_space<vmem>>) target(%dma_start3A_85 : memref<128x128xf32, #tpu.memory_space<vmem_shared>>) target_semaphore(%run_scoped3A : memref<!tpu.dma_semaphore, #tpu.memory_space<semaphore_mem>>)
      %dma_wait3A = arith.constant 0 : i32
      %dma_wait3A_86 = tpu.memref_slice %arg6[%add3A_19, %dma_wait3A] : memref<10240x128xf32, #tpu.memory_space<vmem_shared>> -> memref<128x128xf32, #tpu.memory_space<vmem_shared>>
      %dma_wait3A_87 = arith.constant 0 : i32
      %dma_wait3A_88 = tpu.memref_slice %arg6[%add3A_19, %dma_wait3A_87] : memref<10240x128xf32, #tpu.memory_space<vmem_shared>> -> memref<128x128xf32, #tpu.memory_space<vmem_shared>>
      tpu.wait_dma2 semaphore(%run_scoped3A : memref<!tpu.dma_semaphore, #tpu.memory_space<semaphore_mem>>) src(%arg9 : memref<128x128xf32, #tpu.memory_space<vmem>>) dst(%dma_wait3A_88 : memref<128x128xf32, #tpu.memory_space<vmem_shared>>)
      tpu.yield
    }) : () -> ()
    %mul3A_20 = arith.constant 640 : i32
    %mul3A_21 = arith.muli %arg1, %mul3A_20 : i32
    %add3A_22 = arith.constant 384 : i32
    %add3A_23 = arith.addi %mul3A_21, %add3A_22 : i32
    "tpu.region"() ({
      %run_scoped3A = tpu.sem_alloc : memref<!tpu.dma_semaphore, #tpu.memory_space<semaphore_mem>>
      %dma_start3A_82 = arith.constant 0 : i32
      %dma_start3A_83 = tpu.memref_slice %arg6[%add3A_23, %dma_start3A_82] : memref<10240x128xf32, #tpu.memory_space<vmem_shared>> -> memref<128x128xf32, #tpu.memory_space<vmem_shared>>
      %dma_start3A_84 = arith.constant 0 : i32
      %dma_start3A_85 = tpu.memref_slice %arg6[%add3A_23, %dma_start3A_84] : memref<10240x128xf32, #tpu.memory_space<vmem_shared>> -> memref<128x128xf32, #tpu.memory_space<vmem_shared>>
      tpu.enqueue_dma source(%arg9 : memref<128x128xf32, #tpu.memory_space<vmem>>) target(%dma_start3A_85 : memref<128x128xf32, #tpu.memory_space<vmem_shared>>) target_semaphore(%run_scoped3A : memref<!tpu.dma_semaphore, #tpu.memory_space<semaphore_mem>>)
      %dma_wait3A = arith.constant 0 : i32
      %dma_wait3A_86 = tpu.memref_slice %arg6[%add3A_23, %dma_wait3A] : memref<10240x128xf32, #tpu.memory_space<vmem_shared>> -> memref<128x128xf32, #tpu.memory_space<vmem_shared>>
      %dma_wait3A_87 = arith.constant 0 : i32
      %dma_wait3A_88 = tpu.memref_slice %arg6[%add3A_23, %dma_wait3A_87] : memref<10240x128xf32, #tpu.memory_space<vmem_shared>> -> memref<128x128xf32, #tpu.memory_space<vmem_shared>>
      tpu.wait_dma2 semaphore(%run_scoped3A : memref<!tpu.dma_semaphore, #tpu.memory_space<semaphore_mem>>) src(%arg9 : memref<128x128xf32, #tpu.memory_space<vmem>>) dst(%dma_wait3A_88 : memref<128x128xf32, #tpu.memory_space<vmem_shared>>)
      tpu.yield
    }) : () -> ()
    %mul3A_24 = arith.constant 640 : i32
    %mul3A_25 = arith.muli %arg1, %mul3A_24 : i32
    %add3A_26 = arith.constant 512 : i32
    %add3A_27 = arith.addi %mul3A_25, %add3A_26 : i32
    "tpu.region"() ({
      %run_scoped3A = tpu.sem_alloc : memref<!tpu.dma_semaphore, #tpu.memory_space<semaphore_mem>>
      %dma_start3A_82 = arith.constant 0 : i32
      %dma_start3A_83 = tpu.memref_slice %arg6[%add3A_27, %dma_start3A_82] : memref<10240x128xf32, #tpu.memory_space<vmem_shared>> -> memref<128x128xf32, #tpu.memory_space<vmem_shared>>
      %dma_start3A_84 = arith.constant 0 : i32
      %dma_start3A_85 = tpu.memref_slice %arg6[%add3A_27, %dma_start3A_84] : memref<10240x128xf32, #tpu.memory_space<vmem_shared>> -> memref<128x128xf32, #tpu.memory_space<vmem_shared>>
      tpu.enqueue_dma source(%arg9 : memref<128x128xf32, #tpu.memory_space<vmem>>) target(%dma_start3A_85 : memref<128x128xf32, #tpu.memory_space<vmem_shared>>) target_semaphore(%run_scoped3A : memref<!tpu.dma_semaphore, #tpu.memory_space<semaphore_mem>>)
      %dma_wait3A = arith.constant 0 : i32
      %dma_wait3A_86 = tpu.memref_slice %arg6[%add3A_27, %dma_wait3A] : memref<10240x128xf32, #tpu.memory_space<vmem_shared>> -> memref<128x128xf32, #tpu.memory_space<vmem_shared>>
      %dma_wait3A_87 = arith.constant 0 : i32
      %dma_wait3A_88 = tpu.memref_slice %arg6[%add3A_27, %dma_wait3A_87] : memref<10240x128xf32, #tpu.memory_space<vmem_shared>> -> memref<128x128xf32, #tpu.memory_space<vmem_shared>>
      tpu.wait_dma2 semaphore(%run_scoped3A : memref<!tpu.dma_semaphore, #tpu.memory_space<semaphore_mem>>) src(%arg9 : memref<128x128xf32, #tpu.memory_space<vmem>>) dst(%dma_wait3A_88 : memref<128x128xf32, #tpu.memory_space<vmem_shared>>)
      tpu.yield
    }) : () -> ()
    %barrier3A = arith.constant 0 : index
    tpu.barrier barrier_id(%barrier3A)
    %mul3A_28 = arith.constant 80 : i32
    %mul3A_29 = arith.muli %add3A, %mul3A_28 : i32
    %add3A_30 = arith.constant 0 : i32
    %add3A_31 = arith.addi %mul3A_29, %add3A_30 : i32
    "tpu.region"() ({
      %run_scoped3A = tpu.sem_alloc : memref<!tpu.dma_semaphore, #tpu.memory_space<semaphore_mem>>
      %dma_start3A_82 = arith.constant 0 : i32
      %dma_start3A_83 = tpu.memref_slice %arg3[%add3A_31, %dma_start3A_82] : memref<2560x128xi32, #tpu.memory_space<hbm>> -> memref<40x128xi32, #tpu.memory_space<hbm>>
      %dma_start3A_84 = arith.constant 0 : i32
      %dma_start3A_85 = tpu.memref_slice %arg3[%add3A_31, %dma_start3A_84] : memref<2560x128xi32, #tpu.memory_space<hbm>> -> memref<40x128xi32, #tpu.memory_space<hbm>>
      tpu.enqueue_dma source(%dma_start3A_85 : memref<40x128xi32, #tpu.memory_space<hbm>>) target(%arg7 : memref<40x128xi32, #tpu.memory_space<vmem>>) target_semaphore(%run_scoped3A : memref<!tpu.dma_semaphore, #tpu.memory_space<semaphore_mem>>)
      %dma_wait3A = arith.constant 0 : i32
      %dma_wait3A_86 = tpu.memref_slice %arg3[%add3A_31, %dma_wait3A] : memref<2560x128xi32, #tpu.memory_space<hbm>> -> memref<40x128xi32, #tpu.memory_space<hbm>>
      %dma_wait3A_87 = arith.constant 0 : i32
      %dma_wait3A_88 = tpu.memref_slice %arg3[%add3A_31, %dma_wait3A_87] : memref<2560x128xi32, #tpu.memory_space<hbm>> -> memref<40x128xi32, #tpu.memory_space<hbm>>
      tpu.wait_dma2 semaphore(%run_scoped3A : memref<!tpu.dma_semaphore, #tpu.memory_space<semaphore_mem>>) src(%dma_wait3A_88 : memref<40x128xi32, #tpu.memory_space<hbm>>) dst(%arg7 : memref<40x128xi32, #tpu.memory_space<vmem>>)
      tpu.yield
    }) : () -> ()
    "tpu.region"() ({
      %run_scoped3A = tpu.sem_alloc : memref<!tpu.dma_semaphore, #tpu.memory_space<semaphore_mem>>
      %dma_start3A_82 = arith.constant 0 : i32
      %dma_start3A_83 = tpu.memref_slice %arg4[%add3A_31, %dma_start3A_82] : memref<2560x128xi32, #tpu.memory_space<hbm>> -> memref<40x128xi32, #tpu.memory_space<hbm>>
      %dma_start3A_84 = arith.constant 0 : i32
      %dma_start3A_85 = tpu.memref_slice %arg4[%add3A_31, %dma_start3A_84] : memref<2560x128xi32, #tpu.memory_space<hbm>> -> memref<40x128xi32, #tpu.memory_space<hbm>>
      tpu.enqueue_dma source(%dma_start3A_85 : memref<40x128xi32, #tpu.memory_space<hbm>>) target(%arg8 : memref<40x128xi32, #tpu.memory_space<vmem>>) target_semaphore(%run_scoped3A : memref<!tpu.dma_semaphore, #tpu.memory_space<semaphore_mem>>)
      %dma_wait3A = arith.constant 0 : i32
      %dma_wait3A_86 = tpu.memref_slice %arg4[%add3A_31, %dma_wait3A] : memref<2560x128xi32, #tpu.memory_space<hbm>> -> memref<40x128xi32, #tpu.memory_space<hbm>>
      %dma_wait3A_87 = arith.constant 0 : i32
      %dma_wait3A_88 = tpu.memref_slice %arg4[%add3A_31, %dma_wait3A_87] : memref<2560x128xi32, #tpu.memory_space<hbm>> -> memref<40x128xi32, #tpu.memory_space<hbm>>
      tpu.wait_dma2 semaphore(%run_scoped3A : memref<!tpu.dma_semaphore, #tpu.memory_space<semaphore_mem>>) src(%dma_wait3A_88 : memref<40x128xi32, #tpu.memory_space<hbm>>) dst(%arg8 : memref<40x128xi32, #tpu.memory_space<vmem>>)
      tpu.yield
    }) : () -> ()
    %dma_start3A = arith.constant 0 : i32
    %dma_start3A_32 = arith.constant 0 : i32
    %dma_start3A_33 = tpu.memref_slice %arg7[%dma_start3A, %dma_start3A_32] : memref<40x128xi32, #tpu.memory_space<vmem>> -> memref<1x128xi32, #tpu.memory_space<vmem>>
    %dma_start3A_34 = tpu.memref_squeeze %dma_start3A_33 : memref<1x128xi32, #tpu.memory_space<vmem>> -> memref<128xi32, #tpu.memory_space<vmem>>
    %dma_start3A_35 = arith.constant 0 : i32
    %dma_start3A_36 = arith.constant 0 : i32
    %dma_start3A_37 = tpu.memref_slice %arg2[%dma_start3A_35, %dma_start3A_36] : memref<10000x128xf32, #tpu.memory_space<hbm>> -> memref<10000x128xf32, #tpu.memory_space<hbm>>
    tpu.enqueue_indirect_dma source(%dma_start3A_37 : memref<10000x128xf32, #tpu.memory_space<hbm>>) target(%arg9 : memref<128x128xf32, #tpu.memory_space<vmem>>) offsets(%dma_start3A_34 : memref<128xi32, #tpu.memory_space<vmem>>) semaphore(%arg11 : memref<!tpu.dma_semaphore, #tpu.memory_space<semaphore_mem>>)
    %dma_start3A_38 = arith.constant 1 : i32
    %dma_start3A_39 = arith.constant 0 : i32
    %dma_start3A_40 = tpu.memref_slice %arg7[%dma_start3A_38, %dma_start3A_39] : memref<40x128xi32, #tpu.memory_space<vmem>> -> memref<1x128xi32, #tpu.memory_space<vmem>>
    %dma_start3A_41 = tpu.memref_squeeze %dma_start3A_40 : memref<1x128xi32, #tpu.memory_space<vmem>> -> memref<128xi32, #tpu.memory_space<vmem>>
    %dma_start3A_42 = arith.constant 0 : i32
    %dma_start3A_43 = arith.constant 0 : i32
    %dma_start3A_44 = tpu.memref_slice %arg2[%dma_start3A_42, %dma_start3A_43] : memref<10000x128xf32, #tpu.memory_space<hbm>> -> memref<10000x128xf32, #tpu.memory_space<hbm>>
    tpu.enqueue_indirect_dma source(%dma_start3A_44 : memref<10000x128xf32, #tpu.memory_space<hbm>>) target(%arg10 : memref<128x128xf32, #tpu.memory_space<vmem>>) offsets(%dma_start3A_41 : memref<128xi32, #tpu.memory_space<vmem>>) semaphore(%arg12 : memref<!tpu.dma_semaphore, #tpu.memory_space<semaphore_mem>>)
    %scan3A_45 = arith.constant 0 : i32
    %scan3A_46 = arith.constant 0 : i32
    %scan3A_47 = arith.constant 20 : i32
    %scan3A_48 = arith.addi %scan3A_46, %scan3A_47 : i32
    %scan3A_49 = arith.constant 1 : i32
    %scan3A_50 = scf.for %scan3A_82 = %scan3A_46 to %scan3A_48 step %scan3A_49 iter_args(%scan3A_83 = %scan3A_45) -> (i32)  : i32 {
      %mul3A_84 = arith.constant 2 : i32
      %mul3A_85 = arith.muli %scan3A_82, %mul3A_84 : i32
      %add3A_86 = arith.constant 0 : i32
      %add3A_87 = arith.addi %mul3A_85, %add3A_86 : i32
      %dma_wait3A = arith.constant 0 : i32
      %dma_wait3A_88 = arith.constant 0 : i32
      %dma_wait3A_89 = tpu.memref_slice %arg2[%dma_wait3A, %dma_wait3A_88] : memref<10000x128xf32, #tpu.memory_space<hbm>> -> memref<128x128xf32, #tpu.memory_space<hbm>>
      %dma_wait3A_90 = arith.constant 0 : i32
      %dma_wait3A_91 = arith.constant 0 : i32
      %dma_wait3A_92 = tpu.memref_slice %arg2[%dma_wait3A_90, %dma_wait3A_91] : memref<10000x128xf32, #tpu.memory_space<hbm>> -> memref<128x128xf32, #tpu.memory_space<hbm>>
      tpu.wait_dma2 semaphore(%arg11 : memref<!tpu.dma_semaphore, #tpu.memory_space<semaphore_mem>>) src(%dma_wait3A_92 : memref<128x128xf32, #tpu.memory_space<hbm>>) dst(%arg9 : memref<128x128xf32, #tpu.memory_space<vmem>>)
      "tpu.region"() ({
        %run_scoped3A = tpu.sem_alloc : memref<!tpu.dma_semaphore, #tpu.memory_space<semaphore_mem>>
        %dma_start3A_115 = arith.constant 0 : i32
        %dma_start3A_116 = tpu.memref_slice %arg8[%add3A_87, %dma_start3A_115] : memref<40x128xi32, #tpu.memory_space<vmem>> -> memref<1x128xi32, #tpu.memory_space<vmem>>
        %dma_start3A_117 = tpu.memref_squeeze %dma_start3A_116 : memref<1x128xi32, #tpu.memory_space<vmem>> -> memref<128xi32, #tpu.memory_space<vmem>>
        %dma_start3A_118 = arith.constant 0 : i32
        %dma_start3A_119 = arith.constant 0 : i32
        %dma_start3A_120 = tpu.memref_slice %arg6[%dma_start3A_118, %dma_start3A_119] : memref<10240x128xf32, #tpu.memory_space<vmem_shared>> -> memref<10240x128xf32, #tpu.memory_space<vmem_shared>>
        tpu.enqueue_indirect_dma source(%arg9 : memref<128x128xf32, #tpu.memory_space<vmem>>) target(%dma_start3A_120 : memref<10240x128xf32, #tpu.memory_space<vmem_shared>>) offsets(%dma_start3A_117 : memref<128xi32, #tpu.memory_space<vmem>>) semaphore(%run_scoped3A : memref<!tpu.dma_semaphore, #tpu.memory_space<semaphore_mem>>) {add = true}
        %dma_wait3A_121 = arith.constant 0 : i32
        %dma_wait3A_122 = tpu.memref_slice %arg8[%add3A_87, %dma_wait3A_121] : memref<40x128xi32, #tpu.memory_space<vmem>> -> memref<1x128xi32, #tpu.memory_space<vmem>>
        %dma_wait3A_123 = tpu.memref_squeeze %dma_wait3A_122 : memref<1x128xi32, #tpu.memory_space<vmem>> -> memref<128xi32, #tpu.memory_space<vmem>>
        %dma_wait3A_124 = arith.constant 0 : i32
        %dma_wait3A_125 = arith.constant 0 : i32
        %dma_wait3A_126 = tpu.memref_slice %arg6[%dma_wait3A_124, %dma_wait3A_125] : memref<10240x128xf32, #tpu.memory_space<vmem_shared>> -> memref<10240x128xf32, #tpu.memory_space<vmem_shared>>
        tpu.wait_indirect_dma semaphore(%run_scoped3A : memref<!tpu.dma_semaphore, #tpu.memory_space<semaphore_mem>>) src(%arg9 : memref<128x128xf32, #tpu.memory_space<vmem>>) dst(%dma_wait3A_126 : memref<10240x128xf32, #tpu.memory_space<vmem_shared>>)
        tpu.yield
      }) : () -> ()
      %add3A_93 = arith.constant 2 : i32
      %add3A_94 = arith.addi %add3A_87, %add3A_93 : i32
      %lt3A = arith.constant 40 : i32
      %lt3A_95 = arith.cmpi slt, %add3A_94, %lt3A : i32
      %convert_element_type3A = arith.extui %lt3A_95 : i1 to i32
      %cond3A = arith.constant 0 : i32
      %cond3A_96 = arith.cmpi ne, %convert_element_type3A, %cond3A : i32
      scf.if %cond3A_96 {
        %add3A_115 = arith.constant 2 : i32
        %add3A_116 = arith.addi %add3A_87, %add3A_115 : i32
        %dma_start3A_117 = arith.constant 0 : i32
        %dma_start3A_118 = tpu.memref_slice %arg7[%add3A_116, %dma_start3A_117] : memref<40x128xi32, #tpu.memory_space<vmem>> -> memref<1x128xi32, #tpu.memory_space<vmem>>
        %dma_start3A_119 = tpu.memref_squeeze %dma_start3A_118 : memref<1x128xi32, #tpu.memory_space<vmem>> -> memref<128xi32, #tpu.memory_space<vmem>>
        %dma_start3A_120 = arith.constant 0 : i32
        %dma_start3A_121 = arith.constant 0 : i32
        %dma_start3A_122 = tpu.memref_slice %arg2[%dma_start3A_120, %dma_start3A_121] : memref<10000x128xf32, #tpu.memory_space<hbm>> -> memref<10000x128xf32, #tpu.memory_space<hbm>>
        tpu.enqueue_indirect_dma source(%dma_start3A_122 : memref<10000x128xf32, #tpu.memory_space<hbm>>) target(%arg9 : memref<128x128xf32, #tpu.memory_space<vmem>>) offsets(%dma_start3A_119 : memref<128xi32, #tpu.memory_space<vmem>>) semaphore(%arg11 : memref<!tpu.dma_semaphore, #tpu.memory_space<semaphore_mem>>)
      } else {
      }
      %mul3A_97 = arith.constant 2 : i32
      %mul3A_98 = arith.muli %scan3A_82, %mul3A_97 : i32
      %add3A_99 = arith.constant 1 : i32
      %add3A_100 = arith.addi %mul3A_98, %add3A_99 : i32
      %dma_wait3A_101 = arith.constant 0 : i32
      %dma_wait3A_102 = arith.constant 0 : i32
      %dma_wait3A_103 = tpu.memref_slice %arg2[%dma_wait3A_101, %dma_wait3A_102] : memref<10000x128xf32, #tpu.memory_space<hbm>> -> memref<128x128xf32, #tpu.memory_space<hbm>>
      %dma_wait3A_104 = arith.constant 0 : i32
      %dma_wait3A_105 = arith.constant 0 : i32
      %dma_wait3A_106 = tpu.memref_slice %arg2[%dma_wait3A_104, %dma_wait3A_105] : memref<10000x128xf32, #tpu.memory_space<hbm>> -> memref<128x128xf32, #tpu.memory_space<hbm>>
      tpu.wait_dma2 semaphore(%arg12 : memref<!tpu.dma_semaphore, #tpu.memory_space<semaphore_mem>>) src(%dma_wait3A_106 : memref<128x128xf32, #tpu.memory_space<hbm>>) dst(%arg10 : memref<128x128xf32, #tpu.memory_space<vmem>>)
      "tpu.region"() ({
        %run_scoped3A = tpu.sem_alloc : memref<!tpu.dma_semaphore, #tpu.memory_space<semaphore_mem>>
        %dma_start3A_115 = arith.constant 0 : i32
        %dma_start3A_116 = tpu.memref_slice %arg8[%add3A_100, %dma_start3A_115] : memref<40x128xi32, #tpu.memory_space<vmem>> -> memref<1x128xi32, #tpu.memory_space<vmem>>
        %dma_start3A_117 = tpu.memref_squeeze %dma_start3A_116 : memref<1x128xi32, #tpu.memory_space<vmem>> -> memref<128xi32, #tpu.memory_space<vmem>>
        %dma_start3A_118 = arith.constant 0 : i32
        %dma_start3A_119 = arith.constant 0 : i32
        %dma_start3A_120 = tpu.memref_slice %arg6[%dma_start3A_118, %dma_start3A_119] : memref<10240x128xf32, #tpu.memory_space<vmem_shared>> -> memref<10240x128xf32, #tpu.memory_space<vmem_shared>>
        tpu.enqueue_indirect_dma source(%arg10 : memref<128x128xf32, #tpu.memory_space<vmem>>) target(%dma_start3A_120 : memref<10240x128xf32, #tpu.memory_space<vmem_shared>>) offsets(%dma_start3A_117 : memref<128xi32, #tpu.memory_space<vmem>>) semaphore(%run_scoped3A : memref<!tpu.dma_semaphore, #tpu.memory_space<semaphore_mem>>) {add = true}
        %dma_wait3A_121 = arith.constant 0 : i32
        %dma_wait3A_122 = tpu.memref_slice %arg8[%add3A_100, %dma_wait3A_121] : memref<40x128xi32, #tpu.memory_space<vmem>> -> memref<1x128xi32, #tpu.memory_space<vmem>>
        %dma_wait3A_123 = tpu.memref_squeeze %dma_wait3A_122 : memref<1x128xi32, #tpu.memory_space<vmem>> -> memref<128xi32, #tpu.memory_space<vmem>>
        %dma_wait3A_124 = arith.constant 0 : i32
        %dma_wait3A_125 = arith.constant 0 : i32
        %dma_wait3A_126 = tpu.memref_slice %arg6[%dma_wait3A_124, %dma_wait3A_125] : memref<10240x128xf32, #tpu.memory_space<vmem_shared>> -> memref<10240x128xf32, #tpu.memory_space<vmem_shared>>
        tpu.wait_indirect_dma semaphore(%run_scoped3A : memref<!tpu.dma_semaphore, #tpu.memory_space<semaphore_mem>>) src(%arg10 : memref<128x128xf32, #tpu.memory_space<vmem>>) dst(%dma_wait3A_126 : memref<10240x128xf32, #tpu.memory_space<vmem_shared>>)
        tpu.yield
      }) : () -> ()
      %add3A_107 = arith.constant 2 : i32
      %add3A_108 = arith.addi %add3A_100, %add3A_107 : i32
      %lt3A_109 = arith.constant 40 : i32
      %lt3A_110 = arith.cmpi slt, %add3A_108, %lt3A_109 : i32
      %convert_element_type3A_111 = arith.extui %lt3A_110 : i1 to i32
      %cond3A_112 = arith.constant 0 : i32
      %cond3A_113 = arith.cmpi ne, %convert_element_type3A_111, %cond3A_112 : i32
      scf.if %cond3A_113 {
        %add3A_115 = arith.constant 2 : i32
        %add3A_116 = arith.addi %add3A_100, %add3A_115 : i32
        %dma_start3A_117 = arith.constant 0 : i32
        %dma_start3A_118 = tpu.memref_slice %arg7[%add3A_116, %dma_start3A_117] : memref<40x128xi32, #tpu.memory_space<vmem>> -> memref<1x128xi32, #tpu.memory_space<vmem>>
        %dma_start3A_119 = tpu.memref_squeeze %dma_start3A_118 : memref<1x128xi32, #tpu.memory_space<vmem>> -> memref<128xi32, #tpu.memory_space<vmem>>
        %dma_start3A_120 = arith.constant 0 : i32
        %dma_start3A_121 = arith.constant 0 : i32
        %dma_start3A_122 = tpu.memref_slice %arg2[%dma_start3A_120, %dma_start3A_121] : memref<10000x128xf32, #tpu.memory_space<hbm>> -> memref<10000x128xf32, #tpu.memory_space<hbm>>
        tpu.enqueue_indirect_dma source(%dma_start3A_122 : memref<10000x128xf32, #tpu.memory_space<hbm>>) target(%arg10 : memref<128x128xf32, #tpu.memory_space<vmem>>) offsets(%dma_start3A_119 : memref<128xi32, #tpu.memory_space<vmem>>) semaphore(%arg12 : memref<!tpu.dma_semaphore, #tpu.memory_space<semaphore_mem>>)
      } else {
      }
      %scan3A_114 = arith.constant 0 : i32
      scf.yield %scan3A_114 : i32
    }
    %scan3A_51 = arith.constant 20 : i32
    %mul3A_52 = arith.constant 80 : i32
    %mul3A_53 = arith.muli %add3A, %mul3A_52 : i32
    %add3A_54 = arith.constant 40 : i32
    %add3A_55 = arith.addi %mul3A_53, %add3A_54 : i32
    "tpu.region"() ({
      %run_scoped3A = tpu.sem_alloc : memref<!tpu.dma_semaphore, #tpu.memory_space<semaphore_mem>>
      %dma_start3A_82 = arith.constant 0 : i32
      %dma_start3A_83 = tpu.memref_slice %arg3[%add3A_55, %dma_start3A_82] : memref<2560x128xi32, #tpu.memory_space<hbm>> -> memref<40x128xi32, #tpu.memory_space<hbm>>
      %dma_start3A_84 = arith.constant 0 : i32
      %dma_start3A_85 = tpu.memref_slice %arg3[%add3A_55, %dma_start3A_84] : memref<2560x128xi32, #tpu.memory_space<hbm>> -> memref<40x128xi32, #tpu.memory_space<hbm>>
      tpu.enqueue_dma source(%dma_start3A_85 : memref<40x128xi32, #tpu.memory_space<hbm>>) target(%arg7 : memref<40x128xi32, #tpu.memory_space<vmem>>) target_semaphore(%run_scoped3A : memref<!tpu.dma_semaphore, #tpu.memory_space<semaphore_mem>>)
      %dma_wait3A = arith.constant 0 : i32
      %dma_wait3A_86 = tpu.memref_slice %arg3[%add3A_55, %dma_wait3A] : memref<2560x128xi32, #tpu.memory_space<hbm>> -> memref<40x128xi32, #tpu.memory_space<hbm>>
      %dma_wait3A_87 = arith.constant 0 : i32
      %dma_wait3A_88 = tpu.memref_slice %arg3[%add3A_55, %dma_wait3A_87] : memref<2560x128xi32, #tpu.memory_space<hbm>> -> memref<40x128xi32, #tpu.memory_space<hbm>>
      tpu.wait_dma2 semaphore(%run_scoped3A : memref<!tpu.dma_semaphore, #tpu.memory_space<semaphore_mem>>) src(%dma_wait3A_88 : memref<40x128xi32, #tpu.memory_space<hbm>>) dst(%arg7 : memref<40x128xi32, #tpu.memory_space<vmem>>)
      tpu.yield
    }) : () -> ()
    "tpu.region"() ({
      %run_scoped3A = tpu.sem_alloc : memref<!tpu.dma_semaphore, #tpu.memory_space<semaphore_mem>>
      %dma_start3A_82 = arith.constant 0 : i32
      %dma_start3A_83 = tpu.memref_slice %arg4[%add3A_55, %dma_start3A_82] : memref<2560x128xi32, #tpu.memory_space<hbm>> -> memref<40x128xi32, #tpu.memory_space<hbm>>
      %dma_start3A_84 = arith.constant 0 : i32
      %dma_start3A_85 = tpu.memref_slice %arg4[%add3A_55, %dma_start3A_84] : memref<2560x128xi32, #tpu.memory_space<hbm>> -> memref<40x128xi32, #tpu.memory_space<hbm>>
      tpu.enqueue_dma source(%dma_start3A_85 : memref<40x128xi32, #tpu.memory_space<hbm>>) target(%arg8 : memref<40x128xi32, #tpu.memory_space<vmem>>) target_semaphore(%run_scoped3A : memref<!tpu.dma_semaphore, #tpu.memory_space<semaphore_mem>>)
      %dma_wait3A = arith.constant 0 : i32
      %dma_wait3A_86 = tpu.memref_slice %arg4[%add3A_55, %dma_wait3A] : memref<2560x128xi32, #tpu.memory_space<hbm>> -> memref<40x128xi32, #tpu.memory_space<hbm>>
      %dma_wait3A_87 = arith.constant 0 : i32
      %dma_wait3A_88 = tpu.memref_slice %arg4[%add3A_55, %dma_wait3A_87] : memref<2560x128xi32, #tpu.memory_space<hbm>> -> memref<40x128xi32, #tpu.memory_space<hbm>>
      tpu.wait_dma2 semaphore(%run_scoped3A : memref<!tpu.dma_semaphore, #tpu.memory_space<semaphore_mem>>) src(%dma_wait3A_88 : memref<40x128xi32, #tpu.memory_space<hbm>>) dst(%arg8 : memref<40x128xi32, #tpu.memory_space<vmem>>)
      tpu.yield
    }) : () -> ()
    %dma_start3A_56 = arith.constant 0 : i32
    %dma_start3A_57 = arith.constant 0 : i32
    %dma_start3A_58 = tpu.memref_slice %arg7[%dma_start3A_56, %dma_start3A_57] : memref<40x128xi32, #tpu.memory_space<vmem>> -> memref<1x128xi32, #tpu.memory_space<vmem>>
    %dma_start3A_59 = tpu.memref_squeeze %dma_start3A_58 : memref<1x128xi32, #tpu.memory_space<vmem>> -> memref<128xi32, #tpu.memory_space<vmem>>
    %dma_start3A_60 = arith.constant 0 : i32
    %dma_start3A_61 = arith.constant 0 : i32
    %dma_start3A_62 = tpu.memref_slice %arg2[%dma_start3A_60, %dma_start3A_61] : memref<10000x128xf32, #tpu.memory_space<hbm>> -> memref<10000x128xf32, #tpu.memory_space<hbm>>
    tpu.enqueue_indirect_dma source(%dma_start3A_62 : memref<10000x128xf32, #tpu.memory_space<hbm>>) target(%arg9 : memref<128x128xf32, #tpu.memory_space<vmem>>) offsets(%dma_start3A_59 : memref<128xi32, #tpu.memory_space<vmem>>) semaphore(%arg11 : memref<!tpu.dma_semaphore, #tpu.memory_space<semaphore_mem>>)
    %dma_start3A_63 = arith.constant 1 : i32
    %dma_start3A_64 = arith.constant 0 : i32
    %dma_start3A_65 = tpu.memref_slice %arg7[%dma_start3A_63, %dma_start3A_64] : memref<40x128xi32, #tpu.memory_space<vmem>> -> memref<1x128xi32, #tpu.memory_space<vmem>>
    %dma_start3A_66 = tpu.memref_squeeze %dma_start3A_65 : memref<1x128xi32, #tpu.memory_space<vmem>> -> memref<128xi32, #tpu.memory_space<vmem>>
    %dma_start3A_67 = arith.constant 0 : i32
    %dma_start3A_68 = arith.constant 0 : i32
    %dma_start3A_69 = tpu.memref_slice %arg2[%dma_start3A_67, %dma_start3A_68] : memref<10000x128xf32, #tpu.memory_space<hbm>> -> memref<10000x128xf32, #tpu.memory_space<hbm>>
    tpu.enqueue_indirect_dma source(%dma_start3A_69 : memref<10000x128xf32, #tpu.memory_space<hbm>>) target(%arg10 : memref<128x128xf32, #tpu.memory_space<vmem>>) offsets(%dma_start3A_66 : memref<128xi32, #tpu.memory_space<vmem>>) semaphore(%arg12 : memref<!tpu.dma_semaphore, #tpu.memory_space<semaphore_mem>>)
    %scan3A_70 = arith.constant 0 : i32
    %scan3A_71 = arith.constant 0 : i32
    %scan3A_72 = arith.constant 20 : i32
    %scan3A_73 = arith.addi %scan3A_71, %scan3A_72 : i32
    %scan3A_74 = arith.constant 1 : i32
    %scan3A_75 = scf.for %scan3A_82 = %scan3A_71 to %scan3A_73 step %scan3A_74 iter_args(%scan3A_83 = %scan3A_70) -> (i32)  : i32 {
      %mul3A_84 = arith.constant 2 : i32
      %mul3A_85 = arith.muli %scan3A_82, %mul3A_84 : i32
      %add3A_86 = arith.constant 0 : i32
      %add3A_87 = arith.addi %mul3A_85, %add3A_86 : i32
      %dma_wait3A = arith.constant 0 : i32
      %dma_wait3A_88 = arith.constant 0 : i32
      %dma_wait3A_89 = tpu.memref_slice %arg2[%dma_wait3A, %dma_wait3A_88] : memref<10000x128xf32, #tpu.memory_space<hbm>> -> memref<128x128xf32, #tpu.memory_space<hbm>>
      %dma_wait3A_90 = arith.constant 0 : i32
      %dma_wait3A_91 = arith.constant 0 : i32
      %dma_wait3A_92 = tpu.memref_slice %arg2[%dma_wait3A_90, %dma_wait3A_91] : memref<10000x128xf32, #tpu.memory_space<hbm>> -> memref<128x128xf32, #tpu.memory_space<hbm>>
      tpu.wait_dma2 semaphore(%arg11 : memref<!tpu.dma_semaphore, #tpu.memory_space<semaphore_mem>>) src(%dma_wait3A_92 : memref<128x128xf32, #tpu.memory_space<hbm>>) dst(%arg9 : memref<128x128xf32, #tpu.memory_space<vmem>>)
      "tpu.region"() ({
        %run_scoped3A = tpu.sem_alloc : memref<!tpu.dma_semaphore, #tpu.memory_space<semaphore_mem>>
        %dma_start3A_115 = arith.constant 0 : i32
        %dma_start3A_116 = tpu.memref_slice %arg8[%add3A_87, %dma_start3A_115] : memref<40x128xi32, #tpu.memory_space<vmem>> -> memref<1x128xi32, #tpu.memory_space<vmem>>
        %dma_start3A_117 = tpu.memref_squeeze %dma_start3A_116 : memref<1x128xi32, #tpu.memory_space<vmem>> -> memref<128xi32, #tpu.memory_space<vmem>>
        %dma_start3A_118 = arith.constant 0 : i32
        %dma_start3A_119 = arith.constant 0 : i32
        %dma_start3A_120 = tpu.memref_slice %arg6[%dma_start3A_118, %dma_start3A_119] : memref<10240x128xf32, #tpu.memory_space<vmem_shared>> -> memref<10240x128xf32, #tpu.memory_space<vmem_shared>>
        tpu.enqueue_indirect_dma source(%arg9 : memref<128x128xf32, #tpu.memory_space<vmem>>) target(%dma_start3A_120 : memref<10240x128xf32, #tpu.memory_space<vmem_shared>>) offsets(%dma_start3A_117 : memref<128xi32, #tpu.memory_space<vmem>>) semaphore(%run_scoped3A : memref<!tpu.dma_semaphore, #tpu.memory_space<semaphore_mem>>) {add = true}
        %dma_wait3A_121 = arith.constant 0 : i32
        %dma_wait3A_122 = tpu.memref_slice %arg8[%add3A_87, %dma_wait3A_121] : memref<40x128xi32, #tpu.memory_space<vmem>> -> memref<1x128xi32, #tpu.memory_space<vmem>>
        %dma_wait3A_123 = tpu.memref_squeeze %dma_wait3A_122 : memref<1x128xi32, #tpu.memory_space<vmem>> -> memref<128xi32, #tpu.memory_space<vmem>>
        %dma_wait3A_124 = arith.constant 0 : i32
        %dma_wait3A_125 = arith.constant 0 : i32
        %dma_wait3A_126 = tpu.memref_slice %arg6[%dma_wait3A_124, %dma_wait3A_125] : memref<10240x128xf32, #tpu.memory_space<vmem_shared>> -> memref<10240x128xf32, #tpu.memory_space<vmem_shared>>
        tpu.wait_indirect_dma semaphore(%run_scoped3A : memref<!tpu.dma_semaphore, #tpu.memory_space<semaphore_mem>>) src(%arg9 : memref<128x128xf32, #tpu.memory_space<vmem>>) dst(%dma_wait3A_126 : memref<10240x128xf32, #tpu.memory_space<vmem_shared>>)
        tpu.yield
      }) : () -> ()
      %add3A_93 = arith.constant 2 : i32
      %add3A_94 = arith.addi %add3A_87, %add3A_93 : i32
      %lt3A = arith.constant 40 : i32
      %lt3A_95 = arith.cmpi slt, %add3A_94, %lt3A : i32
      %convert_element_type3A = arith.extui %lt3A_95 : i1 to i32
      %cond3A = arith.constant 0 : i32
      %cond3A_96 = arith.cmpi ne, %convert_element_type3A, %cond3A : i32
      scf.if %cond3A_96 {
        %add3A_115 = arith.constant 2 : i32
        %add3A_116 = arith.addi %add3A_87, %add3A_115 : i32
        %dma_start3A_117 = arith.constant 0 : i32
        %dma_start3A_118 = tpu.memref_slice %arg7[%add3A_116, %dma_start3A_117] : memref<40x128xi32, #tpu.memory_space<vmem>> -> memref<1x128xi32, #tpu.memory_space<vmem>>
        %dma_start3A_119 = tpu.memref_squeeze %dma_start3A_118 : memref<1x128xi32, #tpu.memory_space<vmem>> -> memref<128xi32, #tpu.memory_space<vmem>>
        %dma_start3A_120 = arith.constant 0 : i32
        %dma_start3A_121 = arith.constant 0 : i32
        %dma_start3A_122 = tpu.memref_slice %arg2[%dma_start3A_120, %dma_start3A_121] : memref<10000x128xf32, #tpu.memory_space<hbm>> -> memref<10000x128xf32, #tpu.memory_space<hbm>>
        tpu.enqueue_indirect_dma source(%dma_start3A_122 : memref<10000x128xf32, #tpu.memory_space<hbm>>) target(%arg9 : memref<128x128xf32, #tpu.memory_space<vmem>>) offsets(%dma_start3A_119 : memref<128xi32, #tpu.memory_space<vmem>>) semaphore(%arg11 : memref<!tpu.dma_semaphore, #tpu.memory_space<semaphore_mem>>)
      } else {
      }
      %mul3A_97 = arith.constant 2 : i32
      %mul3A_98 = arith.muli %scan3A_82, %mul3A_97 : i32
      %add3A_99 = arith.constant 1 : i32
      %add3A_100 = arith.addi %mul3A_98, %add3A_99 : i32
      %dma_wait3A_101 = arith.constant 0 : i32
      %dma_wait3A_102 = arith.constant 0 : i32
      %dma_wait3A_103 = tpu.memref_slice %arg2[%dma_wait3A_101, %dma_wait3A_102] : memref<10000x128xf32, #tpu.memory_space<hbm>> -> memref<128x128xf32, #tpu.memory_space<hbm>>
      %dma_wait3A_104 = arith.constant 0 : i32
      %dma_wait3A_105 = arith.constant 0 : i32
      %dma_wait3A_106 = tpu.memref_slice %arg2[%dma_wait3A_104, %dma_wait3A_105] : memref<10000x128xf32, #tpu.memory_space<hbm>> -> memref<128x128xf32, #tpu.memory_space<hbm>>
      tpu.wait_dma2 semaphore(%arg12 : memref<!tpu.dma_semaphore, #tpu.memory_space<semaphore_mem>>) src(%dma_wait3A_106 : memref<128x128xf32, #tpu.memory_space<hbm>>) dst(%arg10 : memref<128x128xf32, #tpu.memory_space<vmem>>)
      "tpu.region"() ({
        %run_scoped3A = tpu.sem_alloc : memref<!tpu.dma_semaphore, #tpu.memory_space<semaphore_mem>>
        %dma_start3A_115 = arith.constant 0 : i32
        %dma_start3A_116 = tpu.memref_slice %arg8[%add3A_100, %dma_start3A_115] : memref<40x128xi32, #tpu.memory_space<vmem>> -> memref<1x128xi32, #tpu.memory_space<vmem>>
        %dma_start3A_117 = tpu.memref_squeeze %dma_start3A_116 : memref<1x128xi32, #tpu.memory_space<vmem>> -> memref<128xi32, #tpu.memory_space<vmem>>
        %dma_start3A_118 = arith.constant 0 : i32
        %dma_start3A_119 = arith.constant 0 : i32
        %dma_start3A_120 = tpu.memref_slice %arg6[%dma_start3A_118, %dma_start3A_119] : memref<10240x128xf32, #tpu.memory_space<vmem_shared>> -> memref<10240x128xf32, #tpu.memory_space<vmem_shared>>
        tpu.enqueue_indirect_dma source(%arg10 : memref<128x128xf32, #tpu.memory_space<vmem>>) target(%dma_start3A_120 : memref<10240x128xf32, #tpu.memory_space<vmem_shared>>) offsets(%dma_start3A_117 : memref<128xi32, #tpu.memory_space<vmem>>) semaphore(%run_scoped3A : memref<!tpu.dma_semaphore, #tpu.memory_space<semaphore_mem>>) {add = true}
        %dma_wait3A_121 = arith.constant 0 : i32
        %dma_wait3A_122 = tpu.memref_slice %arg8[%add3A_100, %dma_wait3A_121] : memref<40x128xi32, #tpu.memory_space<vmem>> -> memref<1x128xi32, #tpu.memory_space<vmem>>
        %dma_wait3A_123 = tpu.memref_squeeze %dma_wait3A_122 : memref<1x128xi32, #tpu.memory_space<vmem>> -> memref<128xi32, #tpu.memory_space<vmem>>
        %dma_wait3A_124 = arith.constant 0 : i32
        %dma_wait3A_125 = arith.constant 0 : i32
        %dma_wait3A_126 = tpu.memref_slice %arg6[%dma_wait3A_124, %dma_wait3A_125] : memref<10240x128xf32, #tpu.memory_space<vmem_shared>> -> memref<10240x128xf32, #tpu.memory_space<vmem_shared>>
        tpu.wait_indirect_dma semaphore(%run_scoped3A : memref<!tpu.dma_semaphore, #tpu.memory_space<semaphore_mem>>) src(%arg10 : memref<128x128xf32, #tpu.memory_space<vmem>>) dst(%dma_wait3A_126 : memref<10240x128xf32, #tpu.memory_space<vmem_shared>>)
        tpu.yield
      }) : () -> ()
      %add3A_107 = arith.constant 2 : i32
      %add3A_108 = arith.addi %add3A_100, %add3A_107 : i32
      %lt3A_109 = arith.constant 40 : i32
      %lt3A_110 = arith.cmpi slt, %add3A_108, %lt3A_109 : i32
      %convert_element_type3A_111 = arith.extui %lt3A_110 : i1 to i32
      %cond3A_112 = arith.constant 0 : i32
      %cond3A_113 = arith.cmpi ne, %convert_element_type3A_111, %cond3A_112 : i32
      scf.if %cond3A_113 {
        %add3A_115 = arith.constant 2 : i32
        %add3A_116 = arith.addi %add3A_100, %add3A_115 : i32
        %dma_start3A_117 = arith.constant 0 : i32
        %dma_start3A_118 = tpu.memref_slice %arg7[%add3A_116, %dma_start3A_117] : memref<40x128xi32, #tpu.memory_space<vmem>> -> memref<1x128xi32, #tpu.memory_space<vmem>>
        %dma_start3A_119 = tpu.memref_squeeze %dma_start3A_118 : memref<1x128xi32, #tpu.memory_space<vmem>> -> memref<128xi32, #tpu.memory_space<vmem>>
        %dma_start3A_120 = arith.constant 0 : i32
        %dma_start3A_121 = arith.constant 0 : i32
        %dma_start3A_122 = tpu.memref_slice %arg2[%dma_start3A_120, %dma_start3A_121] : memref<10000x128xf32, #tpu.memory_space<hbm>> -> memref<10000x128xf32, #tpu.memory_space<hbm>>
        tpu.enqueue_indirect_dma source(%dma_start3A_122 : memref<10000x128xf32, #tpu.memory_space<hbm>>) target(%arg10 : memref<128x128xf32, #tpu.memory_space<vmem>>) offsets(%dma_start3A_119 : memref<128xi32, #tpu.memory_space<vmem>>) semaphore(%arg12 : memref<!tpu.dma_semaphore, #tpu.memory_space<semaphore_mem>>)
      } else {
      }
      %scan3A_114 = arith.constant 0 : i32
      scf.yield %scan3A_114 : i32
    }
    %scan3A_76 = arith.constant 20 : i32
    %barrier3A_77 = arith.constant 0 : index
    tpu.barrier barrier_id(%barrier3A_77)
    %mul3A_78 = arith.constant 640 : i32
    %mul3A_79 = arith.muli %arg1, %mul3A_78 : i32
    %mul3A_80 = arith.constant 640 : i32
    %mul3A_81 = arith.muli %arg1, %mul3A_80 : i32
    "tpu.region"() ({
      %run_scoped3A = tpu.sem_alloc : memref<!tpu.dma_semaphore, #tpu.memory_space<semaphore_mem>>
      %dma_start3A_82 = arith.constant 0 : i32
      %dma_start3A_83 = tpu.memref_slice %arg5[%arg0, %mul3A_81, %dma_start3A_82] : memref<2x10240x128xf32, #tpu.memory_space<hbm>> -> memref<1x640x128xf32, #tpu.memory_space<hbm>>
      %dma_start3A_84 = tpu.memref_squeeze %dma_start3A_83 : memref<1x640x128xf32, #tpu.memory_space<hbm>> -> memref<640x128xf32, #tpu.memory_space<hbm>>
      %dma_start3A_85 = arith.constant 0 : i32
      %dma_start3A_86 = tpu.memref_slice %arg6[%mul3A_79, %dma_start3A_85] : memref<10240x128xf32, #tpu.memory_space<vmem_shared>> -> memref<640x128xf32, #tpu.memory_space<vmem_shared>>
      tpu.enqueue_dma source(%dma_start3A_86 : memref<640x128xf32, #tpu.memory_space<vmem_shared>>) target(%dma_start3A_84 : memref<640x128xf32, #tpu.memory_space<hbm>>) target_semaphore(%run_scoped3A : memref<!tpu.dma_semaphore, #tpu.memory_space<semaphore_mem>>)
      %dma_wait3A = arith.constant 0 : i32
      %dma_wait3A_87 = tpu.memref_slice %arg5[%arg0, %mul3A_81, %dma_wait3A] : memref<2x10240x128xf32, #tpu.memory_space<hbm>> -> memref<1x640x128xf32, #tpu.memory_space<hbm>>
      %dma_wait3A_88 = tpu.memref_squeeze %dma_wait3A_87 : memref<1x640x128xf32, #tpu.memory_space<hbm>> -> memref<640x128xf32, #tpu.memory_space<hbm>>
      %dma_wait3A_89 = arith.constant 0 : i32
      %dma_wait3A_90 = tpu.memref_slice %arg6[%mul3A_79, %dma_wait3A_89] : memref<10240x128xf32, #tpu.memory_space<vmem_shared>> -> memref<640x128xf32, #tpu.memory_space<vmem_shared>>
      tpu.wait_dma2 semaphore(%run_scoped3A : memref<!tpu.dma_semaphore, #tpu.memory_space<semaphore_mem>>) src(%dma_wait3A_90 : memref<640x128xf32, #tpu.memory_space<vmem_shared>>) dst(%dma_wait3A_88 : memref<640x128xf32, #tpu.memory_space<hbm>>)
      tpu.yield
    }) : () -> ()
    return
  }
}

module attributes {stable_mosaic.version = 14 : i64} {
  func.func @_tc_prep_body(%arg0: i32, %arg1: memref<2000x128xf32, #tpu.memory_space<vmem>>, %arg2: memref<2x2000x1xf32, #tpu.memory_space<vmem>>, %arg3: memref<1x128xf32, #tpu.memory_space<vmem>>, %arg4: memref<128x128xf32, #tpu.memory_space<vmem>>, %arg5: memref<128x128xf32, #tpu.memory_space<vmem>>, %arg6: memref<1x128xf32, #tpu.memory_space<vmem>>, %arg7: memref<2000x128xf32, #tpu.memory_space<vmem>>, %arg8: memref<2000x128xf32, #tpu.memory_space<vmem>>) attributes {dimension_semantics = [#tpu.dimension_semantics<arbitrary>], iteration_bounds = array<i64: 5>, scalar_prefetch = 0 : i64, scratch_operands = 0 : i64, tpu.core_type = #tpu.core_type<tc>, window_params = [{transform_indices = @transform_0, window_bounds = array<i64: 2000, 128>}, {transform_indices = @transform_1, window_bounds = array<i64: 2, 2000, 1>}, {pipeline_mode = #tpu.pipeline_mode<synchronous>, transform_indices = @transform_2, window_bounds = array<i64: 1, 128>}, {pipeline_mode = #tpu.pipeline_mode<synchronous>, transform_indices = @transform_3, window_bounds = array<i64: 128, 128>}, {pipeline_mode = #tpu.pipeline_mode<synchronous>, transform_indices = @transform_4, window_bounds = array<i64: 128, 128>}, {pipeline_mode = #tpu.pipeline_mode<synchronous>, transform_indices = @transform_5, window_bounds = array<i64: 1, 128>}, {transform_indices = @transform_6, window_bounds = array<i64: 2000, 128>}, {transform_indices = @transform_7, window_bounds = array<i64: 2000, 128>}]} {
    %get3A = arith.constant 0 : index
    %get3A_0 = arith.constant 0 : index
    %get3A_1 = arith.constant 0 : index
    %get3A_2 = vector.load %arg2[%get3A, %get3A_0, %get3A_1] : memref<2x2000x1xf32, #tpu.memory_space<vmem>>, vector<1x2000x1xf32>
    %get3A_3 = vector.shape_cast %get3A_2 : vector<1x2000x1xf32> to vector<2000x1xf32>
    %get3A_4 = arith.constant 1 : index
    %get3A_5 = arith.constant 0 : index
    %get3A_6 = arith.constant 0 : index
    %get3A_7 = vector.load %arg2[%get3A_4, %get3A_5, %get3A_6] : memref<2x2000x1xf32, #tpu.memory_space<vmem>>, vector<1x2000x1xf32>
    %get3A_8 = vector.shape_cast %get3A_7 : vector<1x2000x1xf32> to vector<2000x1xf32>
    %add3A = arith.addf %get3A_3, %get3A_8 : vector<2000x1xf32>
    %gt3A = arith.constant 0.000000e+00 : f32
    %gt3A_9 = vector.broadcast %gt3A : f32 to vector<2000x1xf32>
    %gt3A_10 = arith.cmpf ogt, %add3A, %gt3A_9 : vector<2000x1xf32>
    %get3A_11 = arith.constant 0 : index
    %get3A_12 = arith.constant 0 : index
    %get3A_13 = vector.load %arg3[%get3A_11, %get3A_12] : memref<1x128xf32, #tpu.memory_space<vmem>>, vector<1x128xf32>
    %get3A_14 = arith.constant 0 : index
    %get3A_15 = arith.constant 0 : index
    %get3A_16 = vector.load %arg1[%get3A_14, %get3A_15] : memref<2000x128xf32, #tpu.memory_space<vmem>>, vector<2000x128xf32>
    %broadcast_in_dim3A = vector.shape_cast %gt3A_10 : vector<2000x1xi1> to vector<2000x1xi1>
    %broadcast_in_dim3A_17 = vector.broadcast %broadcast_in_dim3A : vector<2000x1xi1> to vector<2000x128xi1>
    %broadcast_in_dim3A_18 = vector.shape_cast %get3A_13 : vector<1x128xf32> to vector<1x128xf32>
    %broadcast_in_dim3A_19 = vector.broadcast %broadcast_in_dim3A_18 : vector<1x128xf32> to vector<2000x128xf32>
    %select_n3A = arith.select %broadcast_in_dim3A_17, %broadcast_in_dim3A_19, %get3A_16 : vector<2000x128xi1>, vector<2000x128xf32>
    %get3A_20 = arith.constant 0 : index
    %get3A_21 = arith.constant 0 : index
    %get3A_22 = vector.load %arg4[%get3A_20, %get3A_21] : memref<128x128xf32, #tpu.memory_space<vmem>>, vector<128x128xf32>
    %dot_general3A = arith.constant dense<0.000000e+00> : vector<2000x128xf32>
    %dot_general3A_23 = tpu.matmul %select_n3A, %get3A_22, %dot_general3A {dimension_numbers = #tpu.dot_dimension_numbers<[1], [0], [0], [1], [0, 0, 1, 1], [], []>, transpose_lhs_hint = false} : vector<2000x128xf32>, vector<128x128xf32>, vector<2000x128xf32> -> vector<2000x128xf32>
    %swap3A = arith.constant 0 : index
    %swap3A_24 = arith.constant 0 : index
    %swap3A_25 = vector.load %arg7[%swap3A, %swap3A_24] : memref<2000x128xf32, #tpu.memory_space<vmem>>, vector<2000x128xf32>
    tpu.vector_store %arg7[%swap3A, %swap3A_24], %dot_general3A_23 {strides = array<i32>} : memref<2000x128xf32, #tpu.memory_space<vmem>>, vector<2000x128xf32>,
    %get3A_26 = arith.constant 0 : index
    %get3A_27 = arith.constant 0 : index
    %get3A_28 = vector.load %arg5[%get3A_26, %get3A_27] : memref<128x128xf32, #tpu.memory_space<vmem>>, vector<128x128xf32>
    %dot_general3A_29 = arith.constant dense<0.000000e+00> : vector<2000x128xf32>
    %dot_general3A_30 = tpu.matmul %select_n3A, %get3A_28, %dot_general3A_29 {dimension_numbers = #tpu.dot_dimension_numbers<[1], [0], [0], [1], [0, 0, 1, 1], [], []>, transpose_lhs_hint = false} : vector<2000x128xf32>, vector<128x128xf32>, vector<2000x128xf32> -> vector<2000x128xf32>
    %get3A_31 = arith.constant 0 : index
    %get3A_32 = arith.constant 0 : index
    %get3A_33 = vector.load %arg6[%get3A_31, %get3A_32] : memref<1x128xf32, #tpu.memory_space<vmem>>, vector<1x128xf32>
    %add3A_34 = vector.broadcast %get3A_33 : vector<1x128xf32> to vector<2000x128xf32>
    %add3A_35 = arith.addf %dot_general3A_30, %add3A_34 : vector<2000x128xf32>
    %swap3A_36 = arith.constant 0 : index
    %swap3A_37 = arith.constant 0 : index
    %swap3A_38 = vector.load %arg8[%swap3A_36, %swap3A_37] : memref<2000x128xf32, #tpu.memory_space<vmem>>, vector<2000x128xf32>
    tpu.vector_store %arg8[%swap3A_36, %swap3A_37], %add3A_35 {strides = array<i32>} : memref<2000x128xf32, #tpu.memory_space<vmem>>, vector<2000x128xf32>,
    return
  }
  func.func @transform_0(%arg0: i32) -> (i32, i32) {
    %c0_i32 = arith.constant 0 : i32
    %c0_i32_0 = arith.constant 0 : i32
    return %arg0, %c0_i32 : i32, i32
  }
  func.func @transform_1(%arg0: i32) -> (i32, i32, i32) {
    %c0_i32 = arith.constant 0 : i32
    %c0_i32_0 = arith.constant 0 : i32
    %c0_i32_1 = arith.constant 0 : i32
    return %c0_i32, %arg0, %c0_i32_0 : i32, i32, i32
  }
  func.func @transform_2(%arg0: i32) -> (i32, i32) {
    %c0_i32 = arith.constant 0 : i32
    %c0_i32_0 = arith.constant 0 : i32
    %c0_i32_1 = arith.constant 0 : i32
    return %c0_i32, %c0_i32_0 : i32, i32
  }
  func.func @transform_3(%arg0: i32) -> (i32, i32) {
    %c0_i32 = arith.constant 0 : i32
    %c0_i32_0 = arith.constant 0 : i32
    %c0_i32_1 = arith.constant 0 : i32
    return %c0_i32, %c0_i32_0 : i32, i32
  }
  func.func @transform_4(%arg0: i32) -> (i32, i32) {
    %c0_i32 = arith.constant 0 : i32
    %c0_i32_0 = arith.constant 0 : i32
    %c0_i32_1 = arith.constant 0 : i32
    return %c0_i32, %c0_i32_0 : i32, i32
  }
  func.func @transform_5(%arg0: i32) -> (i32, i32) {
    %c0_i32 = arith.constant 0 : i32
    %c0_i32_0 = arith.constant 0 : i32
    %c0_i32_1 = arith.constant 0 : i32
    return %c0_i32, %c0_i32_0 : i32, i32
  }
  func.func @transform_6(%arg0: i32) -> (i32, i32) {
    %c0_i32 = arith.constant 0 : i32
    %c0_i32_0 = arith.constant 0 : i32
    return %arg0, %c0_i32 : i32, i32
  }
  func.func @transform_7(%arg0: i32) -> (i32, i32) {
    %c0_i32 = arith.constant 0 : i32
    %c0_i32_0 = arith.constant 0 : i32
    return %arg0, %c0_i32 : i32, i32
  }
}

module attributes {stable_mosaic.version = 14 : i64} {
  func.func @_tc_combine_body(%arg0: i32, %arg1: memref<2000x128xf32, #tpu.memory_space<vmem>>, %arg2: memref<2x2000x128xf32, #tpu.memory_space<vmem>>, %arg3: memref<2x2000x1xf32, #tpu.memory_space<vmem>>, %arg4: memref<128x128xf32, #tpu.memory_space<vmem>>, %arg5: memref<128x128xf32, #tpu.memory_space<vmem>>, %arg6: memref<1x128xf32, #tpu.memory_space<vmem>>, %arg7: memref<2000x128xf32, #tpu.memory_space<vmem>>, %arg8: memref<2000x128xf32, #tpu.memory_space<vmem>>) attributes {dimension_semantics = [#tpu.dimension_semantics<arbitrary>], iteration_bounds = array<i64: 5>, scalar_prefetch = 0 : i64, scratch_operands = 0 : i64, tpu.core_type = #tpu.core_type<tc>, window_params = [{transform_indices = @transform_0, window_bounds = array<i64: 2000, 128>}, {transform_indices = @transform_1, window_bounds = array<i64: 2, 2000, 128>}, {transform_indices = @transform_2, window_bounds = array<i64: 2, 2000, 1>}, {pipeline_mode = #tpu.pipeline_mode<synchronous>, transform_indices = @transform_3, window_bounds = array<i64: 128, 128>}, {pipeline_mode = #tpu.pipeline_mode<synchronous>, transform_indices = @transform_4, window_bounds = array<i64: 128, 128>}, {pipeline_mode = #tpu.pipeline_mode<synchronous>, transform_indices = @transform_5, window_bounds = array<i64: 1, 128>}, {transform_indices = @transform_6, window_bounds = array<i64: 2000, 128>}, {transform_indices = @transform_7, window_bounds = array<i64: 2000, 128>}]} {
    %get3A = arith.constant 0 : index
    %get3A_0 = arith.constant 0 : index
    %get3A_1 = arith.constant 0 : index
    %get3A_2 = vector.load %arg3[%get3A, %get3A_0, %get3A_1] : memref<2x2000x1xf32, #tpu.memory_space<vmem>>, vector<1x2000x1xf32>
    %get3A_3 = vector.shape_cast %get3A_2 : vector<1x2000x1xf32> to vector<2000x1xf32>
    %get3A_4 = arith.constant 1 : index
    %get3A_5 = arith.constant 0 : index
    %get3A_6 = arith.constant 0 : index
    %get3A_7 = vector.load %arg3[%get3A_4, %get3A_5, %get3A_6] : memref<2x2000x1xf32, #tpu.memory_space<vmem>>, vector<1x2000x1xf32>
    %get3A_8 = vector.shape_cast %get3A_7 : vector<1x2000x1xf32> to vector<2000x1xf32>
    %add3A = arith.addf %get3A_3, %get3A_8 : vector<2000x1xf32>
    %max3A = arith.constant 1.000000e+00 : f32
    %max3A_9 = vector.broadcast %max3A : f32 to vector<2000x1xf32>
    %max3A_10 = arith.maximumf %add3A, %max3A_9 : vector<2000x1xf32>
    %div3A = arith.constant 1.000000e+00 : f32
    %div3A_11 = vector.broadcast %div3A : f32 to vector<2000x1xf32>
    %div3A_12 = arith.divf %div3A_11, %max3A_10 : vector<2000x1xf32>
    %get3A_13 = arith.constant 0 : index
    %get3A_14 = arith.constant 0 : index
    %get3A_15 = vector.load %arg1[%get3A_13, %get3A_14] : memref<2000x128xf32, #tpu.memory_space<vmem>>, vector<2000x128xf32>
    %get3A_16 = arith.constant 0 : index
    %get3A_17 = arith.constant 0 : index
    %get3A_18 = arith.constant 0 : index
    %get3A_19 = vector.load %arg2[%get3A_16, %get3A_17, %get3A_18] : memref<2x2000x128xf32, #tpu.memory_space<vmem>>, vector<1x2000x128xf32>
    %get3A_20 = vector.shape_cast %get3A_19 : vector<1x2000x128xf32> to vector<2000x128xf32>
    %get3A_21 = arith.constant 1 : index
    %get3A_22 = arith.constant 0 : index
    %get3A_23 = arith.constant 0 : index
    %get3A_24 = vector.load %arg2[%get3A_21, %get3A_22, %get3A_23] : memref<2x2000x128xf32, #tpu.memory_space<vmem>>, vector<1x2000x128xf32>
    %get3A_25 = vector.shape_cast %get3A_24 : vector<1x2000x128xf32> to vector<2000x128xf32>
    %add3A_26 = arith.addf %get3A_20, %get3A_25 : vector<2000x128xf32>
    %mul3A = vector.broadcast %div3A_12 : vector<2000x1xf32> to vector<2000x128xf32>
    %mul3A_27 = arith.mulf %add3A_26, %mul3A : vector<2000x128xf32>
    %add3A_28 = arith.addf %get3A_15, %mul3A_27 : vector<2000x128xf32>
    %max3A_29 = arith.constant 0.000000e+00 : f32
    %max3A_30 = vector.broadcast %max3A_29 : f32 to vector<2000x128xf32>
    %max3A_31 = arith.maximumf %add3A_28, %max3A_30 : vector<2000x128xf32>
    %get3A_32 = arith.constant 0 : index
    %get3A_33 = arith.constant 0 : index
    %get3A_34 = vector.load %arg4[%get3A_32, %get3A_33] : memref<128x128xf32, #tpu.memory_space<vmem>>, vector<128x128xf32>
    %dot_general3A = arith.constant dense<0.000000e+00> : vector<2000x128xf32>
    %dot_general3A_35 = tpu.matmul %max3A_31, %get3A_34, %dot_general3A {dimension_numbers = #tpu.dot_dimension_numbers<[1], [0], [0], [1], [0, 0, 1, 1], [], []>, transpose_lhs_hint = false} : vector<2000x128xf32>, vector<128x128xf32>, vector<2000x128xf32> -> vector<2000x128xf32>
    %swap3A = arith.constant 0 : index
    %swap3A_36 = arith.constant 0 : index
    %swap3A_37 = vector.load %arg7[%swap3A, %swap3A_36] : memref<2000x128xf32, #tpu.memory_space<vmem>>, vector<2000x128xf32>
    tpu.vector_store %arg7[%swap3A, %swap3A_36], %dot_general3A_35 {strides = array<i32>} : memref<2000x128xf32, #tpu.memory_space<vmem>>, vector<2000x128xf32>,
    %get3A_38 = arith.constant 0 : index
    %get3A_39 = arith.constant 0 : index
    %get3A_40 = vector.load %arg5[%get3A_38, %get3A_39] : memref<128x128xf32, #tpu.memory_space<vmem>>, vector<128x128xf32>
    %dot_general3A_41 = arith.constant dense<0.000000e+00> : vector<2000x128xf32>
    %dot_general3A_42 = tpu.matmul %max3A_31, %get3A_40, %dot_general3A_41 {dimension_numbers = #tpu.dot_dimension_numbers<[1], [0], [0], [1], [0, 0, 1, 1], [], []>, transpose_lhs_hint = false} : vector<2000x128xf32>, vector<128x128xf32>, vector<2000x128xf32> -> vector<2000x128xf32>
    %get3A_43 = arith.constant 0 : index
    %get3A_44 = arith.constant 0 : index
    %get3A_45 = vector.load %arg6[%get3A_43, %get3A_44] : memref<1x128xf32, #tpu.memory_space<vmem>>, vector<1x128xf32>
    %add3A_46 = vector.broadcast %get3A_45 : vector<1x128xf32> to vector<2000x128xf32>
    %add3A_47 = arith.addf %dot_general3A_42, %add3A_46 : vector<2000x128xf32>
    %swap3A_48 = arith.constant 0 : index
    %swap3A_49 = arith.constant 0 : index
    %swap3A_50 = vector.load %arg8[%swap3A_48, %swap3A_49] : memref<2000x128xf32, #tpu.memory_space<vmem>>, vector<2000x128xf32>
    tpu.vector_store %arg8[%swap3A_48, %swap3A_49], %add3A_47 {strides = array<i32>} : memref<2000x128xf32, #tpu.memory_space<vmem>>, vector<2000x128xf32>,
    return
  }
  func.func @transform_0(%arg0: i32) -> (i32, i32) {
    %c0_i32 = arith.constant 0 : i32
    %c0_i32_0 = arith.constant 0 : i32
    return %arg0, %c0_i32 : i32, i32
  }
  func.func @transform_1(%arg0: i32) -> (i32, i32, i32) {
    %c0_i32 = arith.constant 0 : i32
    %c0_i32_0 = arith.constant 0 : i32
    %c0_i32_1 = arith.constant 0 : i32
    return %c0_i32, %arg0, %c0_i32_0 : i32, i32, i32
  }
  func.func @transform_2(%arg0: i32) -> (i32, i32, i32) {
    %c0_i32 = arith.constant 0 : i32
    %c0_i32_0 = arith.constant 0 : i32
    %c0_i32_1 = arith.constant 0 : i32
    return %c0_i32, %arg0, %c0_i32_0 : i32, i32, i32
  }
  func.func @transform_3(%arg0: i32) -> (i32, i32) {
    %c0_i32 = arith.constant 0 : i32
    %c0_i32_0 = arith.constant 0 : i32
    %c0_i32_1 = arith.constant 0 : i32
    return %c0_i32, %c0_i32_0 : i32, i32
  }
  func.func @transform_4(%arg0: i32) -> (i32, i32) {
    %c0_i32 = arith.constant 0 : i32
    %c0_i32_0 = arith.constant 0 : i32
    %c0_i32_1 = arith.constant 0 : i32
    return %c0_i32, %c0_i32_0 : i32, i32
  }
  func.func @transform_5(%arg0: i32) -> (i32, i32) {
    %c0_i32 = arith.constant 0 : i32
    %c0_i32_0 = arith.constant 0 : i32
    %c0_i32_1 = arith.constant 0 : i32
    return %c0_i32, %c0_i32_0 : i32, i32
  }
  func.func @transform_6(%arg0: i32) -> (i32, i32) {
    %c0_i32 = arith.constant 0 : i32
    %c0_i32_0 = arith.constant 0 : i32
    return %arg0, %c0_i32 : i32, i32
  }
  func.func @transform_7(%arg0: i32) -> (i32, i32) {
    %c0_i32 = arith.constant 0 : i32
    %c0_i32_0 = arith.constant 0 : i32
    return %arg0, %c0_i32 : i32, i32
  }
}

module attributes {stable_mosaic.version = 14 : i64} {
  func.func @_tc_combine_body(%arg0: i32, %arg1: memref<2000x128xf32, #tpu.memory_space<vmem>>, %arg2: memref<2x2000x128xf32, #tpu.memory_space<vmem>>, %arg3: memref<2x2000x1xf32, #tpu.memory_space<vmem>>, %arg4: memref<128x128xf32, #tpu.memory_space<vmem>>, %arg5: memref<128x128xf32, #tpu.memory_space<vmem>>, %arg6: memref<1x128xf32, #tpu.memory_space<vmem>>, %arg7: memref<2000x128xf32, #tpu.memory_space<vmem>>, %arg8: memref<2000x128xf32, #tpu.memory_space<vmem>>) attributes {dimension_semantics = [#tpu.dimension_semantics<arbitrary>], iteration_bounds = array<i64: 5>, scalar_prefetch = 0 : i64, scratch_operands = 0 : i64, tpu.core_type = #tpu.core_type<tc>, window_params = [{transform_indices = @transform_0, window_bounds = array<i64: 2000, 128>}, {transform_indices = @transform_1, window_bounds = array<i64: 2, 2000, 128>}, {transform_indices = @transform_2, window_bounds = array<i64: 2, 2000, 1>}, {pipeline_mode = #tpu.pipeline_mode<synchronous>, transform_indices = @transform_3, window_bounds = array<i64: 128, 128>}, {pipeline_mode = #tpu.pipeline_mode<synchronous>, transform_indices = @transform_4, window_bounds = array<i64: 128, 128>}, {pipeline_mode = #tpu.pipeline_mode<synchronous>, transform_indices = @transform_5, window_bounds = array<i64: 1, 128>}, {transform_indices = @transform_6, window_bounds = array<i64: 2000, 128>}, {transform_indices = @transform_7, window_bounds = array<i64: 2000, 128>}]} {
    %get3A = arith.constant 0 : index
    %get3A_0 = arith.constant 0 : index
    %get3A_1 = arith.constant 0 : index
    %get3A_2 = vector.load %arg3[%get3A, %get3A_0, %get3A_1] : memref<2x2000x1xf32, #tpu.memory_space<vmem>>, vector<1x2000x1xf32>
    %get3A_3 = vector.shape_cast %get3A_2 : vector<1x2000x1xf32> to vector<2000x1xf32>
    %get3A_4 = arith.constant 1 : index
    %get3A_5 = arith.constant 0 : index
    %get3A_6 = arith.constant 0 : index
    %get3A_7 = vector.load %arg3[%get3A_4, %get3A_5, %get3A_6] : memref<2x2000x1xf32, #tpu.memory_space<vmem>>, vector<1x2000x1xf32>
    %get3A_8 = vector.shape_cast %get3A_7 : vector<1x2000x1xf32> to vector<2000x1xf32>
    %add3A = arith.addf %get3A_3, %get3A_8 : vector<2000x1xf32>
    %max3A = arith.constant 1.000000e+00 : f32
    %max3A_9 = vector.broadcast %max3A : f32 to vector<2000x1xf32>
    %max3A_10 = arith.maximumf %add3A, %max3A_9 : vector<2000x1xf32>
    %div3A = arith.constant 1.000000e+00 : f32
    %div3A_11 = vector.broadcast %div3A : f32 to vector<2000x1xf32>
    %div3A_12 = arith.divf %div3A_11, %max3A_10 : vector<2000x1xf32>
    %get3A_13 = arith.constant 0 : index
    %get3A_14 = arith.constant 0 : index
    %get3A_15 = vector.load %arg1[%get3A_13, %get3A_14] : memref<2000x128xf32, #tpu.memory_space<vmem>>, vector<2000x128xf32>
    %get3A_16 = arith.constant 0 : index
    %get3A_17 = arith.constant 0 : index
    %get3A_18 = arith.constant 0 : index
    %get3A_19 = vector.load %arg2[%get3A_16, %get3A_17, %get3A_18] : memref<2x2000x128xf32, #tpu.memory_space<vmem>>, vector<1x2000x128xf32>
    %get3A_20 = vector.shape_cast %get3A_19 : vector<1x2000x128xf32> to vector<2000x128xf32>
    %get3A_21 = arith.constant 1 : index
    %get3A_22 = arith.constant 0 : index
    %get3A_23 = arith.constant 0 : index
    %get3A_24 = vector.load %arg2[%get3A_21, %get3A_22, %get3A_23] : memref<2x2000x128xf32, #tpu.memory_space<vmem>>, vector<1x2000x128xf32>
    %get3A_25 = vector.shape_cast %get3A_24 : vector<1x2000x128xf32> to vector<2000x128xf32>
    %add3A_26 = arith.addf %get3A_20, %get3A_25 : vector<2000x128xf32>
    %mul3A = vector.broadcast %div3A_12 : vector<2000x1xf32> to vector<2000x128xf32>
    %mul3A_27 = arith.mulf %add3A_26, %mul3A : vector<2000x128xf32>
    %add3A_28 = arith.addf %get3A_15, %mul3A_27 : vector<2000x128xf32>
    %get3A_29 = arith.constant 0 : index
    %get3A_30 = arith.constant 0 : index
    %get3A_31 = vector.load %arg4[%get3A_29, %get3A_30] : memref<128x128xf32, #tpu.memory_space<vmem>>, vector<128x128xf32>
    %dot_general3A = arith.constant dense<0.000000e+00> : vector<2000x128xf32>
    %dot_general3A_32 = tpu.matmul %add3A_28, %get3A_31, %dot_general3A {dimension_numbers = #tpu.dot_dimension_numbers<[1], [0], [0], [1], [0, 0, 1, 1], [], []>, transpose_lhs_hint = false} : vector<2000x128xf32>, vector<128x128xf32>, vector<2000x128xf32> -> vector<2000x128xf32>
    %swap3A = arith.constant 0 : index
    %swap3A_33 = arith.constant 0 : index
    %swap3A_34 = vector.load %arg7[%swap3A, %swap3A_33] : memref<2000x128xf32, #tpu.memory_space<vmem>>, vector<2000x128xf32>
    tpu.vector_store %arg7[%swap3A, %swap3A_33], %dot_general3A_32 {strides = array<i32>} : memref<2000x128xf32, #tpu.memory_space<vmem>>, vector<2000x128xf32>,
    %get3A_35 = arith.constant 0 : index
    %get3A_36 = arith.constant 0 : index
    %get3A_37 = vector.load %arg5[%get3A_35, %get3A_36] : memref<128x128xf32, #tpu.memory_space<vmem>>, vector<128x128xf32>
    %dot_general3A_38 = arith.constant dense<0.000000e+00> : vector<2000x128xf32>
    %dot_general3A_39 = tpu.matmul %add3A_28, %get3A_37, %dot_general3A_38 {dimension_numbers = #tpu.dot_dimension_numbers<[1], [0], [0], [1], [0, 0, 1, 1], [], []>, transpose_lhs_hint = false} : vector<2000x128xf32>, vector<128x128xf32>, vector<2000x128xf32> -> vector<2000x128xf32>
    %get3A_40 = arith.constant 0 : index
    %get3A_41 = arith.constant 0 : index
    %get3A_42 = vector.load %arg6[%get3A_40, %get3A_41] : memref<1x128xf32, #tpu.memory_space<vmem>>, vector<1x128xf32>
    %add3A_43 = vector.broadcast %get3A_42 : vector<1x128xf32> to vector<2000x128xf32>
    %add3A_44 = arith.addf %dot_general3A_39, %add3A_43 : vector<2000x128xf32>
    %swap3A_45 = arith.constant 0 : index
    %swap3A_46 = arith.constant 0 : index
    %swap3A_47 = vector.load %arg8[%swap3A_45, %swap3A_46] : memref<2000x128xf32, #tpu.memory_space<vmem>>, vector<2000x128xf32>
    tpu.vector_store %arg8[%swap3A_45, %swap3A_46], %add3A_44 {strides = array<i32>} : memref<2000x128xf32, #tpu.memory_space<vmem>>, vector<2000x128xf32>,
    return
  }
  func.func @transform_0(%arg0: i32) -> (i32, i32) {
    %c0_i32 = arith.constant 0 : i32
    %c0_i32_0 = arith.constant 0 : i32
    return %arg0, %c0_i32 : i32, i32
  }
  func.func @transform_1(%arg0: i32) -> (i32, i32, i32) {
    %c0_i32 = arith.constant 0 : i32
    %c0_i32_0 = arith.constant 0 : i32
    %c0_i32_1 = arith.constant 0 : i32
    return %c0_i32, %arg0, %c0_i32_0 : i32, i32, i32
  }
  func.func @transform_2(%arg0: i32) -> (i32, i32, i32) {
    %c0_i32 = arith.constant 0 : i32
    %c0_i32_0 = arith.constant 0 : i32
    %c0_i32_1 = arith.constant 0 : i32
    return %c0_i32, %arg0, %c0_i32_0 : i32, i32, i32
  }
  func.func @transform_3(%arg0: i32) -> (i32, i32) {
    %c0_i32 = arith.constant 0 : i32
    %c0_i32_0 = arith.constant 0 : i32
    %c0_i32_1 = arith.constant 0 : i32
    return %c0_i32, %c0_i32_0 : i32, i32
  }
  func.func @transform_4(%arg0: i32) -> (i32, i32) {
    %c0_i32 = arith.constant 0 : i32
    %c0_i32_0 = arith.constant 0 : i32
    %c0_i32_1 = arith.constant 0 : i32
    return %c0_i32, %c0_i32_0 : i32, i32
  }
  func.func @transform_5(%arg0: i32) -> (i32, i32) {
    %c0_i32 = arith.constant 0 : i32
    %c0_i32_0 = arith.constant 0 : i32
    %c0_i32_1 = arith.constant 0 : i32
    return %c0_i32, %c0_i32_0 : i32, i32
  }
  func.func @transform_6(%arg0: i32) -> (i32, i32) {
    %c0_i32 = arith.constant 0 : i32
    %c0_i32_0 = arith.constant 0 : i32
    return %arg0, %c0_i32 : i32, i32
  }
  func.func @transform_7(%arg0: i32) -> (i32, i32) {
    %c0_i32 = arith.constant 0 : i32
    %c0_i32_0 = arith.constant 0 : i32
    return %arg0, %c0_i32 : i32, i32
  }
}

module attributes {stable_mosaic.version = 14 : i64} {
  func.func @_tc_final_body(%arg0: i32, %arg1: memref<2000x128xf32, #tpu.memory_space<vmem>>, %arg2: memref<2x2000x128xf32, #tpu.memory_space<vmem>>, %arg3: memref<2x2000x1xf32, #tpu.memory_space<vmem>>, %arg4: memref<2x2000x1xf32, #tpu.memory_space<vmem>>, %arg5: memref<2000x128xf32, #tpu.memory_space<vmem>>, %arg6: memref<1x1xf32, #tpu.memory_space<vmem>>) attributes {dimension_semantics = [#tpu.dimension_semantics<arbitrary>], iteration_bounds = array<i64: 5>, scalar_prefetch = 0 : i64, scratch_operands = 0 : i64, tpu.core_type = #tpu.core_type<tc>, window_params = [{transform_indices = @transform_0, window_bounds = array<i64: 2000, 128>}, {transform_indices = @transform_1, window_bounds = array<i64: 2, 2000, 128>}, {transform_indices = @transform_2, window_bounds = array<i64: 2, 2000, 1>}, {transform_indices = @transform_3, window_bounds = array<i64: 2, 2000, 1>}, {transform_indices = @transform_4, window_bounds = array<i64: 2000, 128>}, {pipeline_mode = #tpu.pipeline_mode<synchronous>, transform_indices = @transform_5, window_bounds = array<i64: 1, 1>}]} {
    %get3A = arith.constant 0 : index
    %get3A_0 = arith.constant 0 : index
    %get3A_1 = arith.constant 0 : index
    %get3A_2 = vector.load %arg3[%get3A, %get3A_0, %get3A_1] : memref<2x2000x1xf32, #tpu.memory_space<vmem>>, vector<1x2000x1xf32>
    %get3A_3 = vector.shape_cast %get3A_2 : vector<1x2000x1xf32> to vector<2000x1xf32>
    %get3A_4 = arith.constant 1 : index
    %get3A_5 = arith.constant 0 : index
    %get3A_6 = arith.constant 0 : index
    %get3A_7 = vector.load %arg3[%get3A_4, %get3A_5, %get3A_6] : memref<2x2000x1xf32, #tpu.memory_space<vmem>>, vector<1x2000x1xf32>
    %get3A_8 = vector.shape_cast %get3A_7 : vector<1x2000x1xf32> to vector<2000x1xf32>
    %add3A = arith.addf %get3A_3, %get3A_8 : vector<2000x1xf32>
    %max3A = arith.constant 1.000000e+00 : f32
    %max3A_9 = vector.broadcast %max3A : f32 to vector<2000x1xf32>
    %max3A_10 = arith.maximumf %add3A, %max3A_9 : vector<2000x1xf32>
    %div3A = arith.constant 1.000000e+00 : f32
    %div3A_11 = vector.broadcast %div3A : f32 to vector<2000x1xf32>
    %div3A_12 = arith.divf %div3A_11, %max3A_10 : vector<2000x1xf32>
    %get3A_13 = arith.constant 0 : index
    %get3A_14 = arith.constant 0 : index
    %get3A_15 = vector.load %arg1[%get3A_13, %get3A_14] : memref<2000x128xf32, #tpu.memory_space<vmem>>, vector<2000x128xf32>
    %get3A_16 = arith.constant 0 : index
    %get3A_17 = arith.constant 0 : index
    %get3A_18 = arith.constant 0 : index
    %get3A_19 = vector.load %arg2[%get3A_16, %get3A_17, %get3A_18] : memref<2x2000x128xf32, #tpu.memory_space<vmem>>, vector<1x2000x128xf32>
    %get3A_20 = vector.shape_cast %get3A_19 : vector<1x2000x128xf32> to vector<2000x128xf32>
    %get3A_21 = arith.constant 1 : index
    %get3A_22 = arith.constant 0 : index
    %get3A_23 = arith.constant 0 : index
    %get3A_24 = vector.load %arg2[%get3A_21, %get3A_22, %get3A_23] : memref<2x2000x128xf32, #tpu.memory_space<vmem>>, vector<1x2000x128xf32>
    %get3A_25 = vector.shape_cast %get3A_24 : vector<1x2000x128xf32> to vector<2000x128xf32>
    %add3A_26 = arith.addf %get3A_20, %get3A_25 : vector<2000x128xf32>
    %mul3A = vector.broadcast %div3A_12 : vector<2000x1xf32> to vector<2000x128xf32>
    %mul3A_27 = arith.mulf %add3A_26, %mul3A : vector<2000x128xf32>
    %add3A_28 = arith.addf %get3A_15, %mul3A_27 : vector<2000x128xf32>
    %get3A_29 = arith.constant 0 : index
    %get3A_30 = arith.constant 0 : index
    %get3A_31 = vector.load %arg5[%get3A_29, %get3A_30] : memref<2000x128xf32, #tpu.memory_space<vmem>>, vector<2000x128xf32>
    %sub3A = arith.subf %add3A_28, %get3A_31 : vector<2000x128xf32>
    %get3A_32 = arith.constant 0 : index
    %get3A_33 = arith.constant 0 : index
    %get3A_34 = arith.constant 0 : index
    %get3A_35 = vector.load %arg4[%get3A_32, %get3A_33, %get3A_34] : memref<2x2000x1xf32, #tpu.memory_space<vmem>>, vector<1x2000x1xf32>
    %get3A_36 = vector.shape_cast %get3A_35 : vector<1x2000x1xf32> to vector<2000x1xf32>
    %get3A_37 = arith.constant 1 : index
    %get3A_38 = arith.constant 0 : index
    %get3A_39 = arith.constant 0 : index
    %get3A_40 = vector.load %arg4[%get3A_37, %get3A_38, %get3A_39] : memref<2x2000x1xf32, #tpu.memory_space<vmem>>, vector<1x2000x1xf32>
    %get3A_41 = vector.shape_cast %get3A_40 : vector<1x2000x1xf32> to vector<2000x1xf32>
    %add3A_42 = arith.addf %get3A_36, %get3A_41 : vector<2000x1xf32>
    %mul3A_43 = vector.broadcast %add3A_42 : vector<2000x1xf32> to vector<2000x128xf32>
    %mul3A_44 = arith.mulf %mul3A_43, %sub3A : vector<2000x128xf32>
    %mul3A_45 = arith.mulf %mul3A_44, %sub3A : vector<2000x128xf32>
    %reduce_sum3A = vector.shape_cast %mul3A_45 : vector<2000x128xf32> to vector<1x2000x128xf32>
    %reduce_sum3A_46 = arith.constant dense<0.000000e+00> : vector<1xf32>
    %reduce_sum3A_47 = vector.multi_reduction <add>, %reduce_sum3A, %reduce_sum3A_46 [1, 2] : vector<1x2000x128xf32> to vector<1xf32>
    %reduce_sum3A_48 = vector.shape_cast %reduce_sum3A_47 : vector<1xf32> to vector<1x1x1xf32>
    %reduce_sum3A_49 = vector.extract %reduce_sum3A_48[0, 0, 0] : f32 from vector<1x1x1xf32>
    %eq3A = arith.constant 0 : i32
    %eq3A_50 = arith.cmpi eq, %arg0, %eq3A : i32
    %convert_element_type3A = arith.extui %eq3A_50 : i1 to i32
    %cond3A = arith.constant 0 : i32
    %cond3A_51 = arith.cmpi ne, %convert_element_type3A, %cond3A : i32
    scf.if %cond3A_51 {
      %broadcast_in_dim3A = arith.constant 0.000000e+00 : f32
      %broadcast_in_dim3A_64 = vector.broadcast %broadcast_in_dim3A : f32 to vector<1x1xf32>
      %swap3A_65 = arith.constant 0 : index
      %swap3A_66 = arith.constant 0 : index
      %swap3A_67 = vector.load %arg6[%swap3A_65, %swap3A_66] : memref<1x1xf32, #tpu.memory_space<vmem>>, vector<1x1xf32>
      tpu.vector_store %arg6[%swap3A_65, %swap3A_66], %broadcast_in_dim3A_64 {strides = array<i32>} : memref<1x1xf32, #tpu.memory_space<vmem>>, vector<1x1xf32>,
    } else {
    }
    %get3A_52 = arith.constant 0 : index
    %get3A_53 = arith.constant 0 : index
    %get3A_54 = vector.load %arg6[%get3A_52, %get3A_53] : memref<1x1xf32, #tpu.memory_space<vmem>>, vector<1x1xf32>
    %add3A_55 = vector.broadcast %reduce_sum3A_49 : f32 to vector<1x1xf32>
    %add3A_56 = arith.addf %get3A_54, %add3A_55 : vector<1x1xf32>
    %swap3A = arith.constant 0 : index
    %swap3A_57 = arith.constant 0 : index
    %swap3A_58 = vector.load %arg6[%swap3A, %swap3A_57] : memref<1x1xf32, #tpu.memory_space<vmem>>, vector<1x1xf32>
    tpu.vector_store %arg6[%swap3A, %swap3A_57], %add3A_56 {strides = array<i32>} : memref<1x1xf32, #tpu.memory_space<vmem>>, vector<1x1xf32>,
    %eq3A_59 = arith.constant 4 : i32
    %eq3A_60 = arith.cmpi eq, %arg0, %eq3A_59 : i32
    %convert_element_type3A_61 = arith.extui %eq3A_60 : i1 to i32
    %cond3A_62 = arith.constant 0 : i32
    %cond3A_63 = arith.cmpi ne, %convert_element_type3A_61, %cond3A_62 : i32
    scf.if %cond3A_63 {
      %get3A_64 = arith.constant 0 : index
      %get3A_65 = arith.constant 0 : index
      %get3A_66 = vector.load %arg6[%get3A_64, %get3A_65] : memref<1x1xf32, #tpu.memory_space<vmem>>, vector<1x1xf32>
      %mul3A_67 = arith.constant 2.60416664E-6 : f32
      %mul3A_68 = vector.broadcast %mul3A_67 : f32 to vector<1x1xf32>
      %mul3A_69 = arith.mulf %get3A_66, %mul3A_68 : vector<1x1xf32>
      %swap3A_70 = arith.constant 0 : index
      %swap3A_71 = arith.constant 0 : index
      %swap3A_72 = vector.load %arg6[%swap3A_70, %swap3A_71] : memref<1x1xf32, #tpu.memory_space<vmem>>, vector<1x1xf32>
      tpu.vector_store %arg6[%swap3A_70, %swap3A_71], %mul3A_69 {strides = array<i32>} : memref<1x1xf32, #tpu.memory_space<vmem>>, vector<1x1xf32>,
    } else {
    }
    return
  }
  func.func @transform_0(%arg0: i32) -> (i32, i32) {
    %c0_i32 = arith.constant 0 : i32
    %c0_i32_0 = arith.constant 0 : i32
    return %arg0, %c0_i32 : i32, i32
  }
  func.func @transform_1(%arg0: i32) -> (i32, i32, i32) {
    %c0_i32 = arith.constant 0 : i32
    %c0_i32_0 = arith.constant 0 : i32
    %c0_i32_1 = arith.constant 0 : i32
    return %c0_i32, %arg0, %c0_i32_0 : i32, i32, i32
  }
  func.func @transform_2(%arg0: i32) -> (i32, i32, i32) {
    %c0_i32 = arith.constant 0 : i32
    %c0_i32_0 = arith.constant 0 : i32
    %c0_i32_1 = arith.constant 0 : i32
    return %c0_i32, %arg0, %c0_i32_0 : i32, i32, i32
  }
  func.func @transform_3(%arg0: i32) -> (i32, i32, i32) {
    %c0_i32 = arith.constant 0 : i32
    %c0_i32_0 = arith.constant 0 : i32
    %c0_i32_1 = arith.constant 0 : i32
    return %c0_i32, %arg0, %c0_i32_0 : i32, i32, i32
  }
  func.func @transform_4(%arg0: i32) -> (i32, i32) {
    %c0_i32 = arith.constant 0 : i32
    %c0_i32_0 = arith.constant 0 : i32
    return %arg0, %c0_i32 : i32, i32
  }
  func.func @transform_5(%arg0: i32) -> (i32, i32) {
    %c0_i32 = arith.constant 0 : i32
    %c0_i32_0 = arith.constant 0 : i32
    %c0_i32_1 = arith.constant 0 : i32
    return %c0_i32, %c0_i32_0 : i32, i32
  }
}

</mosaic_0001>

<sc_bundles>
// kernel: kernel.12.cloned.1.call-start
scs
__scs_entry_jumppad:
0x0: {  	(pc) =	sbr.rel $0x88, $3  }
0x1: {  	(tag) =	ssettag $0x0;
	lr =	simm.s32 $0x1  }
0x2: {  	[smem:$0x3F91] =	sst lr;
	_ =	strace $0xD0000000  }
0x3: {  	_ = 	snop  }
0x4: {  	_ = 	snop  }
0x5: {  	_ = 	snop  }
0x6: {  	_ = 	snop  }
0x7: {  	_ = 	snop  }
__scs_overlays_trampoline_lowered:
0x8: {  	[smem:$0x3FA0] =	sst s0  }
0x9: {  	[smem:$0x3FA1] =	sst s1  }
0xa: {  	[smem:$0x3FA2] =	sst s2  }
0xb: {  	[smem:$0x3FA3] =	sst s3  }
0xc: {  	[smem:$0x3FA4] =	sst s4  }
0xd: {  	[smem:$0x3FA5] =	sst s5  }
0xe: {  	[smem:$0x3FA6] =	sst s6  }
0xf: {  	[smem:$0x3FA7] =	sst s7  }
0x10: {  	[smem:$0x3FA8] =	sst s8  }
0x11: {  	[smem:$0x3FA9] =	sst s9;
	s0 =	simm.s32 @!p0 $0x0  }
0x12: {  	s1 =	sld [smem:$0x3F8F];
	s0 =	simm.s32 @p0 $0x1  }
0x13: {  	[smem:$0x3FAA] =	sst s0;
	s0 =	simm.s32 @!p1 $0x0  }
0x14: {  	s2 =	sld [smem:$0x3F8E];
	s0 =	simm.s32 @p1 $0x1  }
0x15: {  	[smem:$0x3FAB] =	sst s0;
	s0 =	simm.s32 @!p2 $0x0  }
0x16: {  	s3 =	sld [smem:$0x3FDB];
	s0 =	simm.s32 @p2 $0x1  }
0x17: {  	s4 =	simm.s32 $0x1BF5;
	[smem:$0x3FAD] =	sst s0  }
0x18: {  	s0 =	sld [smem:$0x3F90];
	_ =	swait.ge [sflag:s4], $0x0  }
0x19: {  	s7 =	sld [smem:$0x3F91]  }
0x1a: {  	s8 =	sadd.s32 $0xFFFFE003, lr  }
0x1b: {  	s9 =	sadd.s32 $0xFFFFFEF7, lr;
	s5 =	simm.s32 $0xFFFFFFFF;
	p2 =	slt.u32 s8, $0xFFFFF086  }
0x1c: {  	p1 =	slt.u32 s9, $0xF7A;
	s5 =	simm.s32 @!p2 $0x0  }
0x1d: {  	s5 =	simm.s32 @p1 $0x1;
	p0 =	seq.s32 s7, s2  }
0x1e: {  	s7 =	smul.u32 @!p0 $0xF7A, s2;
	p2 =	seq.s32 @!p0 s5, $0x0  }
0x1f: {  	s9 =	smul.u32 $0xF7A, s1;
	s8 =	simm.s32 @!p0 $0x1BF5;
	p2 =	por !p2, p0  }
0x20: {  	[sflag:s8] =	ssyncset.s32 @!p0 $0xFFFFF086;
	s6 =	sadd.s32 @!p0 s3, s7;
	s7 =	simm.s32 @!p0 $0x108  }
0x21: {  	s3 =	sadd.s32 s3, s9;
	s6 =	sadd.s32 @!p0 $0x88, s6;
	s7 =	simm.s32 @p2 $0x1082  }
0x22: {  	[simem:s7], [sflag:s8] =	dma.local @!p0 [hbm:s6], $0xF7A  }
0x23: {  	s9 =	sor.u32 $0xD0000000, s2;
	s6 =	simm.s32 $0x108;
	_ =	swait.ge @!p0 [sflag:s8], $0x0  }
0x24: {  	s3 =	sadd.s32 $0x88, s3;
	s6 =	simm.s32 @!p1 $0x1082;
	[sflag:s4] =	ssyncset.s32 $0xFFFFF086  }
0x25: {  	[simem:s6], [sflag:s4] =	dma.local [hbm:s3], $0xF7A  }
0x26: {  	[smem:$0x3F91] =	sst s1;
	(tag) =	ssettag s2;
	_ =	strace s9  }
0x27: {  	s1 =	sld [smem:$0x3FA1]  }
0x28: {  	s2 =	sld [smem:$0x3FA2]  }
0x29: {  	s4 =	sld [smem:$0x3FA4]  }
0x2a: {  	p0 =	seq.s32 s5, $0x0;
	s5 =	sld [smem:$0x3FA5]  }
0x2b: {  	s6 =	sld [smem:$0x3FA6]  }
0x2c: {  	s7 =	sld [smem:$0x3FA7]  }
0x2d: {  	s3 =	simm.s32 $0x108;
	s8 =	sld [smem:$0x3FA8]  }
0x2e: {  	s3 =	simm.s32 @!p0 $0x1082;
	s9 =	sld [smem:$0x3FA9]  }
0x2f: {  	lr =	sadd.s32 s0, s3;
	s0 =	sld [smem:$0x3FA0]  }
0x30: {  	s3 =	sld [smem:$0x3FA3]  }
0x31: {  	[smem:$0x3FAC] =	sst s10  }
0x32: {  	s10 =	sld [smem:$0x3FAA];
	_ =	sdelay $0x3  }
0x33: {  	p0 =	seq.s32 s10, $0x1;
	s10 =	sld [smem:$0x3FAC];
	_ =	sdelay $0x3  }
0x34: {  	[smem:$0x3FAC] =	sst s10  }
0x35: {  	s10 =	sld [smem:$0x3FAB];
	_ =	sdelay $0x3  }
0x36: {  	p1 =	seq.s32 s10, $0x1;
	s10 =	sld [smem:$0x3FAC];
	_ =	sdelay $0x3  }
0x37: {  	[smem:$0x3FAC] =	sst s10  }
0x38: {  	s10 =	sld [smem:$0x3FAD]  }
0x39: {  	_ = 	snop;
	(pc) =	sbr.ind lr, $3  }
0x3a: {  	_ = 	snop  }
0x3b: {  	_ = 	snop  }
0x3c: {  	p2 =	seq.s32 s10, $0x1;
	s10 =	sld [smem:$0x3FAC]  }
0x3d: {  	_ =	shalt  }
0x3e: {  	_ =	shalt  }
0x3f: {  	_ =	shalt  }
0x40: {  	_ =	shalt  }
0x41: {  	_ =	shalt  }
0x42: {  	_ =	shalt  }
0x43: {  	_ =	shalt  }
0x44: {  	_ =	shalt  }
0x45: {  	_ =	shalt  }
0x46: {  	_ =	shalt  }
0x47: {  	_ =	shalt  }
0x48: {  	_ =	shalt  }
0x49: {  	_ =	shalt  }
0x4a: {  	_ =	shalt  }
0x4b: {  	_ =	shalt  }
0x4c: {  	_ =	shalt  }
0x4d: {  	_ =	shalt  }
0x4e: {  	_ =	shalt  }
0x4f: {  	_ =	shalt  }
0x50: {  	_ =	shalt  }
0x51: {  	_ =	shalt  }
0x52: {  	_ =	shalt  }
0x53: {  	_ =	shalt  }
0x54: {  	_ =	shalt  }
0x55: {  	_ =	shalt  }
0x56: {  	_ =	shalt  }
0x57: {  	_ =	shalt  }
0x58: {  	_ =	shalt  }
0x59: {  	_ =	shalt  }
0x5a: {  	_ =	shalt  }
0x5b: {  	_ =	shalt  }
0x5c: {  	_ =	shalt  }
0x5d: {  	_ =	shalt  }
0x5e: {  	_ =	shalt  }
0x5f: {  	_ =	shalt  }
0x60: {  	_ =	shalt  }
0x61: {  	_ =	shalt  }
0x62: {  	_ =	shalt  }
0x63: {  	_ =	shalt  }
0x64: {  	_ =	shalt  }
0x65: {  	_ =	shalt  }
0x66: {  	_ =	shalt  }
0x67: {  	_ =	shalt  }
0x68: {  	_ =	shalt  }
0x69: {  	_ =	shalt  }
0x6a: {  	_ =	shalt  }
0x6b: {  	_ =	shalt  }
0x6c: {  	_ =	shalt  }
0x6d: {  	_ =	shalt  }
0x6e: {  	_ =	shalt  }
0x6f: {  	_ =	shalt  }
0x70: {  	_ =	shalt  }
0x71: {  	_ =	shalt  }
0x72: {  	_ =	shalt  }
0x73: {  	_ =	shalt  }
0x74: {  	_ =	shalt  }
0x75: {  	_ =	shalt  }
0x76: {  	_ =	shalt  }
0x77: {  	_ =	shalt  }
0x78: {  	_ =	shalt  }
0x79: {  	_ =	shalt  }
0x7a: {  	_ =	shalt  }
0x7b: {  	_ =	shalt  }
0x7c: {  	_ =	shalt  }
0x7d: {  	_ =	shalt  }
0x7e: {  	_ =	shalt  }
0x7f: {  	_ =	shalt  }
0x80: {  	_ =	shalt  }
0x81: {  	_ =	shalt  }
0x82: {  	_ =	shalt  }
0x83: {  	_ =	shalt  }
0x84: {  	_ =	shalt  }
0x85: {  	_ =	shalt  }
0x86: {  	_ =	shalt  }
0x87: {  	_ =	shalt  }
.Lfunc_end0:
.L_simem_size_0:
called_computation_lowered:
.L_overlay_start_0:
0x88: {  	s2 =	sld [smem:$0x3FD9]  }
0x89: {  	s3 =	sld [smem:$0x3FFE];
	_ =	sdelay $0x1  }
0x8a: {  	s1 =	srdreg.scid  }
0x8b: {  	s0 =	sand.u32 $0x1, s1  }
0x8c: {  	s16 =	sshll.u32 s0, $0xA;
	s2 =	sadd.s32 s3, s2  }
0x8d: {  	s2 =	sadd.s32 s2, s16  }
0x8e: {  	[smem:$0x3FB8] =	sst s2  }
0x8f: {  	_ = 	snop  }
0x90: {  	(tm) =	ssettm $0x1  }
0x91: {  	s17 =	sld [smem:$0x3FFB];
	_ =	sdelay $0x3  }
0x92: {  	_ =	strace s17  }
0x93: {  	s2 =	sld [smem:$0x3FFC];
	_ =	sdelay $0x3  }
0x94: {  	_ =	strace s2  }
0x95: {  	s2 =	sld [smem:$0x3FFD];
	_ =	sdelay $0x3  }
0x96: {  	_ =	strace s2  }
0x97: {  	_ =	strace $0x8FFFFFFF  }
0x98: {  	s18 =	sld [smem:$0x3FDB];
	_ =	sdelay $0x1  }
0x99: {  	s19 =	simm.s32 $_scs_section_size  }
0x9a: {  	s4 =	simm.s32 $_size__tile_overlayer_lowered;
	s5 =	simm.s32 $_tile_overlayer_lowered  }
0x9b: {  	s22 =	simm.s32 $0x1BFF;
	s21 =	sshll.u32 s5, $0x1;
	s2 =	sadd.s32 s19, s18  }
0x9c: {  	s6 =	simm.s32 $0x0;
	s20 =	sshll.u32 s4, $0x1;
	s4 =	sadd.s32 s21, s2  }
0x9d: {  	[timem:s6], [sflag:s22] =	dma.local [hbm:s4], s20  }
0x9e: {  	_ =	swait.ge [sflag:s22], s20  }
0x9f: {  	s3 =	ssub.s32 $0x0, s20;
	[sflag:s22] =	ssyncset.done $0x0  }
0xa0: {  	[sflag:s22] =	ssyncadd.s32 s3;
	_ =	sdelay $0x1  }
0xa1: {  	s23 =	simm.s32 $0x1B8B  }
0xa2: {  	_ =	swait.ge [sflag:s23], $0x1  }
0xa3: {  	[sflag:s23] =	ssyncset.done $0x0  }
0xa4: {  	s25 =	simm.s32 $0x1B8E;
	s24 =	sld [smem:$0x3FFE];
	[sflag:s23] =	ssyncadd.s32 $0xFFFFFFFF  }
0xa5: {  	s26 =	simm.s32 $execute0_lowered;
	[smem:$0x3FD2] =	sst s25  }
0xa6: {  	s4 =	sshll.u32 s26, $0x1;
	_ =	strace $0x80000046;
	[dreg:$0x1] =	wrdreg $0xFFFFFFFF  }
0xa7: {  	s28 =	simm.s32 $_size_execute0_lowered;
	s2 =	sadd.s32 s2, s4;
	[dreg:$0x0] =	wrdreg $0x0  }
0xa8: {  	s4 =	sshll.u32 s28, $0x1;
	[dreg:$0x2] =	wrdreg s2  }
0xa9: {  	[dreg:$0x3] =	wrdreg s4  }
0xaa: {  	[dreg:$0x4] =	wrdreg $0xC0  }
0xab: {  	_ =	task [dreg:s6], $0x5FFFF  }
0xac: {  	[dreg:$0x1] =	wrdreg $0xFFFFFFFF  }
0xad: {  	[dreg:$0x0] =	wrdreg $0x60  }
0xae: {  	[dreg:$0x2] =	wrdreg s24  }
0xaf: {  	[dreg:$0x3] =	wrdreg $0x0  }
0xb0: {  	[dreg:$0x4] =	wrdreg $0x2800  }
0xb1: {  	[dreg:$0x5] =	wrdreg $0x9  }
0xb2: {  	_ =	task.clear_ibuf [dreg:s6], $0x6FFFF;
	_ =	strace $0x90000046  }
0xb3: {  	s29 =	simm.s32 $0x9;
	_ =	strace $0x80000048  }
0xb4: {  	_ =	swait.ge [sflag:s29], $0x1  }
0xb5: {  	[sflag:s29] =	ssyncadd.s32 $0xFFFFFFFF  }
0xb6: {  	_ =	strace $0x90000048  }
0xb7: {  	_ =	sfence  }
0xb8: {  	s30 =	sld [smem:$0x0];
	_ =	sdelay $0x2  }
0xb9: {  	s31 =	sshll.u32 s1, $0xD;
	s1 =	sshrl.u32 s1, $0x2  }
0xba: {  	s3 =	sand.u32 $0x4000, s31;
	s1 =	sadd.s32 s1, s30  }
0xbb: {  	s0 =	sor.u32 s3, s0;
	s1 =	sshll.u32 s1, $0x11  }
0xbc: {  	s0 =	sor.u32 s1, s0  }
0xbd: {  	s0 =	sadd.s32 $0x8F2B, s0  }
0xbe: {  	[sflag:s0] =	ssyncadd.remote.s32 $0x1  }
0xbf: {  	_ =	sfence.sel $0xFFFF  }
0xc0: {  	[dreg:$0x0] =	wrdreg $0xFFFFFFFF;
	(pc) =	sbr.abs _section_cstart, $3  }
0xc1: {  	[dreg:$0x1] =	wrdreg $0xFFFFFFFF  }
0xc2: {  	_ =	task.clear_ibuf [dreg:s6], $0x2FFFF;
	_ =	strace $0x9FFFFFFF  }
0xc3: {  	(tm) =	ssettm $0x7FFFFFFF  }
tec
execute0_lowered:
.L_overlay_start_1:
0x0: {  	(tag) =	ssettag $0x1  }
0x1: {  	s0 =	rddreg [dreg:$0x0]  }
0x2: {  	s1 =	rddreg [dreg:$0x1]  }
0x3: {  	s3 =	rddreg [dreg:$0x2];
	s4 =	simm.s32 $0x0  }
0x4: {  	s2 =	stileid.u32;
	s5 =	srdreg.scid;
	s21 =	simm.s32 $0x1  }
0x5: {  	s28 =	simm.s32 $0x20;
	s29 =	simm.s32 $0x10;
	s6 =	smul.u32 $0xA00, s2  }
0x6: {  	s30 =	simm.s32 $0x0;
	[smem:$0x7FF] =	sst s4;
	s7 =	smul.u32 $0x500, s2  }
0x7: {  	s13 =	sand.u32 $0x1, s5;
	s22 =	sshll.u32 s2, $0x1;
	s14 =	smul.u32 $0x280, s2  }
0x8: {  	_ =	strace $0x80000047;
	s5 =	sor.u32 s13, s22;
	s23 =	sshll.u32 s13, $0x7  }
0x9: {  	s24 =	ssub.s32 $0x2, s13;
	s20 =	smul.u32 $0x500, s13;
	s22 =	simm.s32 $0x500  }
0xa: {  	s18 =	sadd.s32 s6, s0;
	s5 =	smul.u32 $0xC, s5;
	s6 =	sor.u32 s23, s7  }
0xb: {  	s26 =	sshrl.u32 s24, $0x1;
	s8 =	sadd.s32 $0x80, s14;
	s10 =	sadd.s32 $0x100, s14  }
0xc: {  	s12 =	sadd.s32 $0x180, s14;
	s23 =	simm.s32 $0x80;
	s25 =	sshrl.u32 s6, $0x3  }
0xd: {  	s19 =	ssub.s32 s24, s26;
	s6 =	sadd.s32 s14, s3;
	s7 =	sadd.s32 s8, s1  }
0xe: {  	s8 =	sadd.s32 s8, s3;
	s9 =	sadd.s32 s10, s1;
	s10 =	sadd.s32 s10, s3  }
0xf: {  	s11 =	sadd.s32 s12, s1;
	s12 =	sadd.s32 s12, s3;
	s31 =	sadd.s32 s20, s18  }
0x10: {  	s20 =	simm.s32 $0x680;
	s24 =	simm.s32 $0x600;
	s26 =	simm.s32 $0x60  }
0x11: {  	s15 =	sadd.s32 s5, s0;
	s0 =	sadd.s32 s25, s0;
	s5 =	sadd.s32 s14, s1  }
0x12: {  	s14 =	sadd.s32 $0x200, s14;
	s18 =	smax.u32 s19, $0x1;
	s19 =	sadd.s32 $0x4A00, s31  }
0x13: {  	s25 =	simm.s32 $0x580;
	s13 =	sadd.s32 s14, s1;
	s14 =	sadd.s32 s14, s3  }
0x14: {  	v0 =	vimm.f32 $1.000000000e+00;
	v1 =	vimm.f32 $0.0e+00;
	s15 =	sadd.s32 $0x18A00, s15;
	s16 =	sadd.s32 $0x19600, s0;
	s17 =	sadd.s32 $0x18C00, s0  }
.LBB2_1:
0x15: {  	[tilespmem:$0x600] =	vst v0  }
0x16: {  	[tilespmem:$0x610] =	vst v0  }
0x17: {  	[tilespmem:$0x620] =	vst v0  }
0x18: {  	[tilespmem:$0x630] =	vst v0  }
0x19: {  	[tilespmem:$0x640] =	vst v0  }
0x1a: {  	[tilespmem:$0x650] =	vst v0  }
0x1b: {  	[tilespmem:$0x660] =	vst v0  }
0x1c: {  	[tilespmem:$0x670] =	vst v0  }
0x1d: {  	[tilespmem:$0x680] =	vst v1  }
0x1e: {  	[tilespmem:$0x690] =	vst v1  }
0x1f: {  	[tilespmem:$0x6A0] =	vst v1  }
0x20: {  	[tilespmem:$0x6B0] =	vst v1  }
0x21: {  	[tilespmem:$0x6C0] =	vst v1  }
0x22: {  	[tilespmem:$0x6D0] =	vst v1  }
0x23: {  	[tilespmem:$0x6E0] =	vst v1  }
0x24: {  	[tilespmem:$0x6F0] =	vst v1  }
0x25: {  	[spmem:s5] =	stream.linear.scatter [tilespmem:s20], [sflag:$0x1], $0x80, $0x38;
	[tilespmem:$0x700] =	vst v63  }
0x26: {  	_ =	swait.ge [sflag:s21], $0x80  }
0x27: {  	[sflag:s21] =	ssyncset.done $0x0  }
0x28: {  	[sflag:s21] =	ssyncadd.s32 $0xFFFFFF80  }
0x29: {  	[spmem:s6] =	stream.linear.scatter [tilespmem:s20], [sflag:$0x1], $0x80, $0x38;
	[tilespmem:$0x700] =	vst v63  }
0x2a: {  	_ =	swait.ge [sflag:s21], $0x80  }
0x2b: {  	[sflag:s21] =	ssyncset.done $0x0  }
0x2c: {  	[sflag:s21] =	ssyncadd.s32 $0xFFFFFF80  }
0x2d: {  	[spmem:s7] =	stream.linear.scatter [tilespmem:s20], [sflag:$0x1], $0x80, $0x38;
	[tilespmem:$0x700] =	vst v63  }
0x2e: {  	_ =	swait.ge [sflag:s21], $0x80  }
0x2f: {  	[sflag:s21] =	ssyncset.done $0x0  }
0x30: {  	[sflag:s21] =	ssyncadd.s32 $0xFFFFFF80  }
0x31: {  	[spmem:s8] =	stream.linear.scatter [tilespmem:s20], [sflag:$0x1], $0x80, $0x38;
	[tilespmem:$0x700] =	vst v63  }
0x32: {  	_ =	swait.ge [sflag:s21], $0x80  }
0x33: {  	[sflag:s21] =	ssyncset.done $0x0  }
0x34: {  	[sflag:s21] =	ssyncadd.s32 $0xFFFFFF80  }
0x35: {  	[spmem:s9] =	stream.linear.scatter [tilespmem:s20], [sflag:$0x1], $0x80, $0x38;
	[tilespmem:$0x700] =	vst v63  }
0x36: {  	_ =	swait.ge [sflag:s21], $0x80  }
0x37: {  	[sflag:s21] =	ssyncset.done $0x0  }
0x38: {  	[sflag:s21] =	ssyncadd.s32 $0xFFFFFF80  }
0x39: {  	[spmem:s10] =	stream.linear.scatter [tilespmem:s20], [sflag:$0x1], $0x80, $0x38;
	[tilespmem:$0x700] =	vst v63  }
0x3a: {  	_ =	swait.ge [sflag:s21], $0x80  }
0x3b: {  	[sflag:s21] =	ssyncset.done $0x0  }
0x3c: {  	[sflag:s21] =	ssyncadd.s32 $0xFFFFFF80  }
0x3d: {  	[spmem:s11] =	stream.linear.scatter [tilespmem:s20], [sflag:$0x1], $0x80, $0x38;
	[tilespmem:$0x700] =	vst v63  }
0x3e: {  	_ =	swait.ge [sflag:s21], $0x80  }
0x3f: {  	[sflag:s21] =	ssyncset.done $0x0  }
0x40: {  	[sflag:s21] =	ssyncadd.s32 $0xFFFFFF80  }
0x41: {  	[spmem:s12] =	stream.linear.scatter [tilespmem:s20], [sflag:$0x1], $0x80, $0x38;
	[tilespmem:$0x700] =	vst v63  }
0x42: {  	_ =	swait.ge [sflag:s21], $0x80  }
0x43: {  	[sflag:s21] =	ssyncset.done $0x0  }
0x44: {  	[sflag:s21] =	ssyncadd.s32 $0xFFFFFF80  }
0x45: {  	[spmem:s13] =	stream.linear.scatter [tilespmem:s20], [sflag:$0x1], $0x80, $0x38;
	[tilespmem:$0x700] =	vst v63  }
0x46: {  	_ =	swait.ge [sflag:s21], $0x80  }
0x47: {  	[sflag:s21] =	ssyncset.done $0x0  }
0x48: {  	[sflag:s21] =	ssyncadd.s32 $0xFFFFFF80  }
0x49: {  	[spmem:s14] =	stream.linear.scatter [tilespmem:s20], [sflag:$0x1], $0x80, $0x38;
	[tilespmem:$0x700] =	vst v63  }
0x4a: {  	_ =	swait.ge [sflag:s21], $0x80  }
0x4b: {  	[sflag:s21] =	ssyncset.done $0x0  }
0x4c: {  	[sflag:s21] =	ssyncadd.s32 $0xFFFFFF80  }
0x4d: {  	s0 =	sadd.s32 $0x0, s19;
	[bflag:$0x0] =	sbarrier.arrive $0xFFFF  }
0x4e: {  	[tilespmem:s22], [sflag:$0x1] =	stream.linear.gather [hbm4b:s0+s4], $0x80, $0x38;
	[tilespmem:$0x700] =	vst v63  }
0x4f: {  	_ =	swait.ge [sflag:s21], $0x80  }
0x50: {  	[sflag:s21] =	ssyncset.done $0x0  }
0x51: {  	[sflag:s21] =	ssyncadd.s32 $0xFFFFFF80  }
0x52: {  	[spmem:s1] =	stream.indirect.scatter.add.f32 [tilespmem:s24], [sflag:$0x1], $0x1, s22, s23, $0xb8;
	[tilespmem:$0x700] =	vst v63  }
0x53: {  	_ =	swait.ge [sflag:s21], $0x80  }
0x54: {  	s31 =	simm.s32 $0x10;
	s0 =	simm.s32 $0x20;
	[sflag:s21] =	ssyncset.done $0x0  }
.LBB2_2:
0x55: {  	s2 =	sadd.s32 s31, s19  }
0x56: {  	[sflag:s21] =	ssyncadd.s32 $0xFFFFFF80;
	s31 =	smov.u32 s0;
	s3 =	sadd.s32 $0x10, s0  }
0x57: {  	[tilespmem:s22], [sflag:$0x1] =	stream.linear.gather [hbm4b:s2+s4], $0x80, $0x38;
	[tilespmem:$0x700] =	vst v63  }
0x58: {  	p0 =	sne.s32 s0, $0x4F0;
	_ =	swait.ge [sflag:s21], $0x80  }
.Ltmp0:
0x59: {  	[sflag:s21] =	ssyncset.done $0x0;
	(pc) =	sbr.rel @p0 .LBB2_2-.Ltmp0, $4  }
0x5a: {  	[sflag:s21] =	ssyncadd.s32 $0xFFFFFF80  }
0x5b: {  	[spmem:s1] =	stream.indirect.scatter.add.f32 [tilespmem:s24], [sflag:$0x1], $0x1, s22, s23, $0xb8;
	[tilespmem:$0x700] =	vst v63  }
0x5c: {  	_ =	swait.ge [sflag:s21], $0x80  }
0x5d: {  	s0 =	smov.u32 s3;
	[sflag:s21] =	ssyncset.done $0x0  }
0x5e: {  	s0 =	sadd.s32 s31, s19;
	[sflag:s21] =	ssyncadd.s32 $0xFFFFFF80  }
0x5f: {  	[tilespmem:s22], [sflag:$0x1] =	stream.linear.gather [hbm4b:s0+s4], $0x80, $0x38;
	[tilespmem:$0x700] =	vst v63  }
0x60: {  	_ =	swait.ge [sflag:s21], $0x80  }
0x61: {  	[sflag:s21] =	ssyncset.done $0x0  }
0x62: {  	[sflag:s21] =	ssyncadd.s32 $0xFFFFFF80  }
0x63: {  	[spmem:s1] =	stream.indirect.scatter.add.f32 [tilespmem:s24], [sflag:$0x1], $0x1, s22, s23, $0xb8;
	[tilespmem:$0x700] =	vst v63  }
0x64: {  	_ =	swait.ge [sflag:s21], $0x80  }
0x65: {  	[sflag:s21] =	ssyncset.done $0x0  }
0x66: {  	[sflag:s21] =	ssyncadd.s32 $0xFFFFFF80  }
0x67: {  	[tilespmem:s25], [sflag:$0x1] =	stream.linear.gather [hbm4b:s15+s4], $0x60, $0x38;
	[tilespmem:$0x700] =	vst v63  }
0x68: {  	_ =	swait.ge [sflag:s21], $0x60  }
0x69: {  	[sflag:s21] =	ssyncset.done $0x0  }
0x6a: {  	[sflag:s21] =	ssyncadd.s32 $0xFFFFFFA0  }
0x6b: {  	s2 =	rddreg [dreg:$0x2]  }
0x6c: {  	[spmem:s2] =	stream.indirect.scatter.add.f32 [tilespmem:s24], [sflag:$0x1], $0x1, s25, s26, $0xb8;
	[tilespmem:$0x700] =	vst v63  }
0x6d: {  	_ =	swait.ge [sflag:s21], $0x60  }
0x6e: {  	s3 =	stileid.u32;
	[sflag:s21] =	ssyncset.done $0x0  }
0x6f: {  	s0 =	sshll.u32 s3, $0x6;
	[sflag:s21] =	ssyncadd.s32 $0xFFFFFFA0  }
0x70: {  	s0 =	sor.u32 $0x1C01, s0;
	s2 =	sshrl.u32 s5, $0x3;
	[bflag:$0x0] =	sbarrier.arrive $0xFFFF  }
0x71: {  	[hbm:s16@s28], [sflag:s0] =	dma.strided [spmem:s2@s29], $0x50, s21, $0x10   }
0x72: {  	s30 =	sadd.s32 $0x1, s30;
	_ =	swait.ge [sflag:s21], $0x50  }
0x73: {  	p0 =	sne.s32 s30, s18;
	[sflag:s21] =	ssyncset.done $0x0  }
.Ltmp1:
0x74: {  	s31 =	sshrl.u32 s6, $0x3;
	[sflag:s21] =	ssyncadd.s32 $0xFFFFFFB0;
	(pc) =	sbr.rel @p0 .LBB2_1-.Ltmp1, $4  }
0x75: {  	[hbm:s17@s28], [sflag:s0] =	dma.strided [spmem:s31@s29], $0x50, s21, $0x10   }
0x76: {  	_ =	swait.ge [sflag:s21], $0x50  }
0x77: {  	[sflag:s21] =	ssyncset.done $0x0  }
0x78: {  	[sflag:s21] =	ssyncadd.s32 $0xFFFFFFB0  }
0x79: {  	_ =	sfence.sel $0x180000  }
0x7a: {  	[bflag:$0x0] =	sbarrier.arrive $0xFFFF  }
0x7b: {  	_ =	strace $0x90000047  }
0x7c: {  	s0 =	stileid.u32;
	[bflag:$0x2] =	sbarrier.arrive $0xFFFF  }
0x7d: {  	p0 =	sne.s32 s0, $0x0;
	s0 =	rddreg [dreg:$0x3]  }
0x7e: {  	s0 =	sadd.s32 @!p0 $0x100000, s0  }
0x7f: {  	[sflag:s0] =	ssyncadd.tile.s32 @!p0 $0x1;
	_ =	shalt  }
.Lfunc_end2:
_tile_overlayer_lowered:
.L_overlay_start_2:
0x80: {  	(tag) =	ssettag $0x2  }
0x81: {  	s0 =	rddreg [dreg:$0x0];
	s2 =	stileid.u32  }
0x82: {  	s1 =	rddreg [dreg:$0x1];
	p0 =	sne.s32 s2, $0x0  }
0x83: {  	s3 =	rddreg [dreg:$0x2];
	[bflag:$0x3] =	sbarrier.arrive $0xFFFF;
	s2 =	simm.s32 @!p0 $0x1C01  }
0x84: {  	[timem:s3], [sflag:s2] =	dma.local @!p0 [hbm:s0], s1  }
0x85: {  	s0 =	simm.s32 @!p0 $0x1  }
0x86: {  	_ =	swait.ge @!p0 [sflag:s0], s1  }
0x87: {  	s1 =	ssub.s32 @!p0 $0x0, s1;
	[sflag:s0] =	ssyncset.done @!p0 $0x0  }
0x88: {  	[sflag:s0] =	ssyncadd.s32 @!p0 s1  }
0x89: {  	[bflag:$0x3] =	sbarrier.arrive $0xFFFF  }
0x8a: {  	_ =	shalt  }

// kernel: kernel.15.cloned.1.call-start
scs
__scs_entry_jumppad:
0x0: {  	(pc) =	sbr.rel $0x88, $3  }
0x1: {  	(tag) =	ssettag $0x0;
	lr =	simm.s32 $0x1  }
0x2: {  	[smem:$0x3F91] =	sst lr;
	_ =	strace $0xD0000000  }
0x3: {  	_ = 	snop  }
0x4: {  	_ = 	snop  }
0x5: {  	_ = 	snop  }
0x6: {  	_ = 	snop  }
0x7: {  	_ = 	snop  }
__scs_overlays_trampoline_lowered:
0x8: {  	[smem:$0x3FA0] =	sst s0  }
0x9: {  	[smem:$0x3FA1] =	sst s1  }
0xa: {  	[smem:$0x3FA2] =	sst s2  }
0xb: {  	[smem:$0x3FA3] =	sst s3  }
0xc: {  	[smem:$0x3FA4] =	sst s4  }
0xd: {  	[smem:$0x3FA5] =	sst s5  }
0xe: {  	[smem:$0x3FA6] =	sst s6  }
0xf: {  	[smem:$0x3FA7] =	sst s7  }
0x10: {  	[smem:$0x3FA8] =	sst s8  }
0x11: {  	[smem:$0x3FA9] =	sst s9;
	s0 =	simm.s32 @!p0 $0x0  }
0x12: {  	s1 =	sld [smem:$0x3F8F];
	s0 =	simm.s32 @p0 $0x1  }
0x13: {  	[smem:$0x3FAA] =	sst s0;
	s0 =	simm.s32 @!p1 $0x0  }
0x14: {  	s2 =	sld [smem:$0x3F8E];
	s0 =	simm.s32 @p1 $0x1  }
0x15: {  	[smem:$0x3FAB] =	sst s0;
	s0 =	simm.s32 @!p2 $0x0  }
0x16: {  	s3 =	sld [smem:$0x3FDB];
	s0 =	simm.s32 @p2 $0x1  }
0x17: {  	s4 =	simm.s32 $0x1BF5;
	[smem:$0x3FAD] =	sst s0  }
0x18: {  	s0 =	sld [smem:$0x3F90];
	_ =	swait.ge [sflag:s4], $0x0  }
0x19: {  	s7 =	sld [smem:$0x3F91]  }
0x1a: {  	s8 =	sadd.s32 $0xFFFFE003, lr  }
0x1b: {  	s9 =	sadd.s32 $0xFFFFFEF7, lr;
	s5 =	simm.s32 $0xFFFFFFFF;
	p2 =	slt.u32 s8, $0xFFFFF086  }
0x1c: {  	p1 =	slt.u32 s9, $0xF7A;
	s5 =	simm.s32 @!p2 $0x0  }
0x1d: {  	s5 =	simm.s32 @p1 $0x1;
	p0 =	seq.s32 s7, s2  }
0x1e: {  	s7 =	smul.u32 @!p0 $0xF7A, s2;
	p2 =	seq.s32 @!p0 s5, $0x0  }
0x1f: {  	s9 =	smul.u32 $0xF7A, s1;
	s8 =	simm.s32 @!p0 $0x1BF5;
	p2 =	por !p2, p0  }
0x20: {  	[sflag:s8] =	ssyncset.s32 @!p0 $0xFFFFF086;
	s6 =	sadd.s32 @!p0 s3, s7;
	s7 =	simm.s32 @!p0 $0x108  }
0x21: {  	s3 =	sadd.s32 s3, s9;
	s6 =	sadd.s32 @!p0 $0x88, s6;
	s7 =	simm.s32 @p2 $0x1082  }
0x22: {  	[simem:s7], [sflag:s8] =	dma.local @!p0 [hbm:s6], $0xF7A  }
0x23: {  	s9 =	sor.u32 $0xD0000000, s2;
	s6 =	simm.s32 $0x108;
	_ =	swait.ge @!p0 [sflag:s8], $0x0  }
0x24: {  	s3 =	sadd.s32 $0x88, s3;
	s6 =	simm.s32 @!p1 $0x1082;
	[sflag:s4] =	ssyncset.s32 $0xFFFFF086  }
0x25: {  	[simem:s6], [sflag:s4] =	dma.local [hbm:s3], $0xF7A  }
0x26: {  	[smem:$0x3F91] =	sst s1;
	(tag) =	ssettag s2;
	_ =	strace s9  }
0x27: {  	s1 =	sld [smem:$0x3FA1]  }
0x28: {  	s2 =	sld [smem:$0x3FA2]  }
0x29: {  	s4 =	sld [smem:$0x3FA4]  }
0x2a: {  	p0 =	seq.s32 s5, $0x0;
	s5 =	sld [smem:$0x3FA5]  }
0x2b: {  	s6 =	sld [smem:$0x3FA6]  }
0x2c: {  	s7 =	sld [smem:$0x3FA7]  }
0x2d: {  	s3 =	simm.s32 $0x108;
	s8 =	sld [smem:$0x3FA8]  }
0x2e: {  	s3 =	simm.s32 @!p0 $0x1082;
	s9 =	sld [smem:$0x3FA9]  }
0x2f: {  	lr =	sadd.s32 s0, s3;
	s0 =	sld [smem:$0x3FA0]  }
0x30: {  	s3 =	sld [smem:$0x3FA3]  }
0x31: {  	[smem:$0x3FAC] =	sst s10  }
0x32: {  	s10 =	sld [smem:$0x3FAA];
	_ =	sdelay $0x3  }
0x33: {  	p0 =	seq.s32 s10, $0x1;
	s10 =	sld [smem:$0x3FAC];
	_ =	sdelay $0x3  }
0x34: {  	[smem:$0x3FAC] =	sst s10  }
0x35: {  	s10 =	sld [smem:$0x3FAB];
	_ =	sdelay $0x3  }
0x36: {  	p1 =	seq.s32 s10, $0x1;
	s10 =	sld [smem:$0x3FAC];
	_ =	sdelay $0x3  }
0x37: {  	[smem:$0x3FAC] =	sst s10  }
0x38: {  	s10 =	sld [smem:$0x3FAD]  }
0x39: {  	_ = 	snop;
	(pc) =	sbr.ind lr, $3  }
0x3a: {  	_ = 	snop  }
0x3b: {  	_ = 	snop  }
0x3c: {  	p2 =	seq.s32 s10, $0x1;
	s10 =	sld [smem:$0x3FAC]  }
0x3d: {  	_ =	shalt  }
0x3e: {  	_ =	shalt  }
0x3f: {  	_ =	shalt  }
0x40: {  	_ =	shalt  }
0x41: {  	_ =	shalt  }
0x42: {  	_ =	shalt  }
0x43: {  	_ =	shalt  }
0x44: {  	_ =	shalt  }
0x45: {  	_ =	shalt  }
0x46: {  	_ =	shalt  }
0x47: {  	_ =	shalt  }
0x48: {  	_ =	shalt  }
0x49: {  	_ =	shalt  }
0x4a: {  	_ =	shalt  }
0x4b: {  	_ =	shalt  }
0x4c: {  	_ =	shalt  }
0x4d: {  	_ =	shalt  }
0x4e: {  	_ =	shalt  }
0x4f: {  	_ =	shalt  }
0x50: {  	_ =	shalt  }
0x51: {  	_ =	shalt  }
0x52: {  	_ =	shalt  }
0x53: {  	_ =	shalt  }
0x54: {  	_ =	shalt  }
0x55: {  	_ =	shalt  }
0x56: {  	_ =	shalt  }
0x57: {  	_ =	shalt  }
0x58: {  	_ =	shalt  }
0x59: {  	_ =	shalt  }
0x5a: {  	_ =	shalt  }
0x5b: {  	_ =	shalt  }
0x5c: {  	_ =	shalt  }
0x5d: {  	_ =	shalt  }
0x5e: {  	_ =	shalt  }
0x5f: {  	_ =	shalt  }
0x60: {  	_ =	shalt  }
0x61: {  	_ =	shalt  }
0x62: {  	_ =	shalt  }
0x63: {  	_ =	shalt  }
0x64: {  	_ =	shalt  }
0x65: {  	_ =	shalt  }
0x66: {  	_ =	shalt  }
0x67: {  	_ =	shalt  }
0x68: {  	_ =	shalt  }
0x69: {  	_ =	shalt  }
0x6a: {  	_ =	shalt  }
0x6b: {  	_ =	shalt  }
0x6c: {  	_ =	shalt  }
0x6d: {  	_ =	shalt  }
0x6e: {  	_ =	shalt  }
0x6f: {  	_ =	shalt  }
0x70: {  	_ =	shalt  }
0x71: {  	_ =	shalt  }
0x72: {  	_ =	shalt  }
0x73: {  	_ =	shalt  }
0x74: {  	_ =	shalt  }
0x75: {  	_ =	shalt  }
0x76: {  	_ =	shalt  }
0x77: {  	_ =	shalt  }
0x78: {  	_ =	shalt  }
0x79: {  	_ =	shalt  }
0x7a: {  	_ =	shalt  }
0x7b: {  	_ =	shalt  }
0x7c: {  	_ =	shalt  }
0x7d: {  	_ =	shalt  }
0x7e: {  	_ =	shalt  }
0x7f: {  	_ =	shalt  }
0x80: {  	_ =	shalt  }
0x81: {  	_ =	shalt  }
0x82: {  	_ =	shalt  }
0x83: {  	_ =	shalt  }
0x84: {  	_ =	shalt  }
0x85: {  	_ =	shalt  }
0x86: {  	_ =	shalt  }
0x87: {  	_ =	shalt  }
.Lfunc_end0:
.L_simem_size_0:
called_computation.1_lowered:
.L_overlay_start_0:
0x88: {  	s2 =	sld [smem:$0x3FD9]  }
0x89: {  	s3 =	sld [smem:$0x3FFE];
	_ =	sdelay $0x1  }
0x8a: {  	s1 =	srdreg.scid  }
0x8b: {  	s0 =	sand.u32 $0x1, s1  }
0x8c: {  	s16 =	sshll.u32 s0, $0xA;
	s2 =	sadd.s32 s3, s2  }
0x8d: {  	s2 =	sadd.s32 s2, s16  }
0x8e: {  	[smem:$0x3FB8] =	sst s2  }
0x8f: {  	_ = 	snop  }
0x90: {  	(tm) =	ssettm $0x1  }
0x91: {  	s17 =	sld [smem:$0x3FFB];
	_ =	sdelay $0x3  }
0x92: {  	_ =	strace s17  }
0x93: {  	s2 =	sld [smem:$0x3FFC];
	_ =	sdelay $0x3  }
0x94: {  	_ =	strace s2  }
0x95: {  	s2 =	sld [smem:$0x3FFD];
	_ =	sdelay $0x3  }
0x96: {  	_ =	strace s2  }
0x97: {  	_ =	strace $0x8FFFFFFF  }
0x98: {  	s18 =	sld [smem:$0x3FDB];
	_ =	sdelay $0x1  }
0x99: {  	s19 =	simm.s32 $_scs_section_size  }
0x9a: {  	s4 =	simm.s32 $_size__tile_overlayer_lowered;
	s5 =	simm.s32 $_tile_overlayer_lowered  }
0x9b: {  	s22 =	simm.s32 $0x1BFF;
	s21 =	sshll.u32 s5, $0x1;
	s2 =	sadd.s32 s19, s18  }
0x9c: {  	s6 =	simm.s32 $0x0;
	s20 =	sshll.u32 s4, $0x1;
	s4 =	sadd.s32 s21, s2  }
0x9d: {  	[timem:s6], [sflag:s22] =	dma.local [hbm:s4], s20  }
0x9e: {  	_ =	swait.ge [sflag:s22], s20  }
0x9f: {  	s3 =	ssub.s32 $0x0, s20;
	[sflag:s22] =	ssyncset.done $0x0  }
0xa0: {  	[sflag:s22] =	ssyncadd.s32 s3;
	_ =	sdelay $0x1  }
0xa1: {  	s23 =	simm.s32 $0x1B8B  }
0xa2: {  	_ =	swait.ge [sflag:s23], $0x1  }
0xa3: {  	[sflag:s23] =	ssyncset.done $0x0  }
0xa4: {  	s25 =	simm.s32 $0x1B8E;
	s24 =	sld [smem:$0x3FFE];
	[sflag:s23] =	ssyncadd.s32 $0xFFFFFFFF  }
0xa5: {  	s26 =	simm.s32 $execute0_lowered;
	[smem:$0x3FD2] =	sst s25  }
0xa6: {  	s4 =	sshll.u32 s26, $0x1;
	_ =	strace $0x80000049;
	[dreg:$0x1] =	wrdreg $0xFFFFFFFF  }
0xa7: {  	s28 =	simm.s32 $_size_execute0_lowered;
	s2 =	sadd.s32 s2, s4;
	[dreg:$0x0] =	wrdreg $0x0  }
0xa8: {  	s4 =	sshll.u32 s28, $0x1;
	[dreg:$0x2] =	wrdreg s2  }
0xa9: {  	[dreg:$0x3] =	wrdreg s4  }
0xaa: {  	[dreg:$0x4] =	wrdreg $0xC0  }
0xab: {  	_ =	task [dreg:s6], $0x5FFFF  }
0xac: {  	[dreg:$0x1] =	wrdreg $0xFFFFFFFF  }
0xad: {  	[dreg:$0x0] =	wrdreg $0x60  }
0xae: {  	[dreg:$0x2] =	wrdreg s24  }
0xaf: {  	[dreg:$0x3] =	wrdreg $0x0  }
0xb0: {  	[dreg:$0x4] =	wrdreg $0x9  }
0xb1: {  	_ =	task.clear_ibuf [dreg:s6], $0x5FFFF;
	_ =	strace $0x90000049  }
0xb2: {  	s29 =	simm.s32 $0x9;
	_ =	strace $0x8000004B  }
0xb3: {  	_ =	swait.ge [sflag:s29], $0x1  }
0xb4: {  	[sflag:s29] =	ssyncadd.s32 $0xFFFFFFFF  }
0xb5: {  	_ =	strace $0x9000004B  }
0xb6: {  	_ =	sfence  }
0xb7: {  	s30 =	sld [smem:$0x0];
	_ =	sdelay $0x2  }
0xb8: {  	s31 =	sshll.u32 s1, $0xD;
	s1 =	sshrl.u32 s1, $0x2  }
0xb9: {  	s3 =	sand.u32 $0x4000, s31;
	s1 =	sadd.s32 s1, s30  }
0xba: {  	s0 =	sor.u32 s3, s0;
	s1 =	sshll.u32 s1, $0x11  }
0xbb: {  	s0 =	sor.u32 s1, s0  }
0xbc: {  	s0 =	sadd.s32 $0x8F2B, s0  }
0xbd: {  	[sflag:s0] =	ssyncadd.remote.s32 $0x1  }
0xbe: {  	_ =	sfence.sel $0xFFFF  }
0xbf: {  	[dreg:$0x0] =	wrdreg $0xFFFFFFFF;
	(pc) =	sbr.abs _section_cstart, $3  }
0xc0: {  	[dreg:$0x1] =	wrdreg $0xFFFFFFFF  }
0xc1: {  	_ =	task.clear_ibuf [dreg:s6], $0x2FFFF;
	_ =	strace $0x9FFFFFFF  }
0xc2: {  	(tm) =	ssettm $0x7FFFFFFF  }
0xc3: {  	_ =	shalt  }
tec
execute0_lowered:
.L_overlay_start_1:
0x0: {  	(tag) =	ssettag $0x1  }
0x1: {  	s5 =	rddreg [dreg:$0x0]  }
0x2: {  	s1 =	rddreg [dreg:$0x1]  }
0x3: {  	s2 =	srdreg.scid;
	s0 =	rddreg [dreg:$0x2];
	s3 =	simm.s32 $0x0  }
0x4: {  	s18 =	simm.s32 $0x14000;
	s19 =	simm.s32 $0x15400;
	s20 =	simm.s32 $0x80  }
0x5: {  	s21 =	simm.s32 $0x14080;
	s22 =	simm.s32 $0x1A800;
	s23 =	simm.s32 $0x1  }
0x6: {  	s24 =	simm.s32 $0x2;
	s25 =	simm.s32 $0x16700;
	s6 =	sand.u32 $0x1, s2  }
0x7: {  	s2 =	stileid.u32;
	[smem:$0x7FF] =	sst s3;
	s4 =	sadd.s32 $0x74000, s5  }
0x8: {  	s12 =	sadd.s32 $0x1A000, s5;
	s13 =	sadd.s32 $0xEA00, s5;
	s7 =	smul.u32 $0x140000, s6  }
0x9: {  	s8 =	smul.u32 $0x14000, s2;
	_ =	strace $0x8000004A;
	s29 =	sshll.u32 s2, $0x1  }
0xa: {  	s26 =	smul.u32 $0x50000, s2;
	s28 =	ssub.s32 $0x2, s6;
	s10 =	sor.u32 s6, s29  }
0xb: {  	s9 =	sshrl.u32 s28, $0x1;
	s7 =	sadd.s32 s8, s7;
	s11 =	smul.u32 $0x2800, s10  }
0xc: {  	s30 =	sshrl.u32 s26, $0x2;
	s15 =	ssub.s32 s28, s9;
	s16 =	smul.u32 $0x500, s10  }
0xd: {  	s26 =	simm.s32 $0x16780;
	s7 =	sshrl.u32 s7, $0x3;
	s15 =	smax.u32 s15, $0x1  }
0xe: {  	s14 =	sadd.s32 s7, s5;
	s5 =	sadd.s32 s30, s1;
	s17 =	sshrl.u32 s11, $0x3  }
0xf: {  	s10 =	sadd.s32 s12, s16;
	s11 =	sadd.s32 s13, s16;
	s16 =	simm.s32 $0x16800  }
0x10: {  	s6 =	sadd.s32 $0x4000, s5;
	s7 =	sadd.s32 $0x8000, s5;
	s8 =	sadd.s32 $0xC000, s5  }
0x11: {  	s9 =	sadd.s32 $0x10000, s5;
	s31 =	sadd.s32 $0x280, s17;
	s14 =	sadd.s32 $0x9B200, s14  }
0x12: {  	v0 =	vimm.f32 $0.0e+00;
	s17 =	simm.s32 $0x3;
	s12 =	sadd.s32 s12, s31;
	s13 =	sadd.s32 s13, s31  }
.LBB2_1:
0x13: {  	s28 =	simm.s32 $0x0;
	s29 =	simm.s32 $0x200  }
.LBB2_2:
0x14: {  	p0 =	sne.s32 s29, $0xFE00;
	[tilespmem:s28+$0x16870] =	vst v0  }
0x15: {  	[tilespmem:s28+$0x16800] =	vst v0  }
0x16: {  	[tilespmem:s28+$0x16810] =	vst v0  }
.Ltmp0:
0x17: {  	[tilespmem:s28+$0x16820] =	vst v0;
	(pc) =	sbr.rel @p0 .LBB2_2-.Ltmp0, $4  }
0x18: {  	[tilespmem:s28+$0x16830] =	vst v0  }
0x19: {  	[tilespmem:s28+$0x16840] =	vst v0  }
0x1a: {  	[tilespmem:s28+$0x16850] =	vst v0  }
0x1b: {  	[tilespmem:s28+$0x16860] =	vst v0;
	s28 =	sshra.s32 s29, $0x2;
	s29 =	sadd.s32 $0x200, s29  }
0x1c: {  	[tilespmem:s28+$0x16870] =	vst v0  }
0x1d: {  	[tilespmem:s28+$0x16800] =	vst v0  }
0x1e: {  	[tilespmem:s28+$0x16810] =	vst v0  }
0x1f: {  	[tilespmem:s28+$0x16820] =	vst v0  }
0x20: {  	[tilespmem:s28+$0x16830] =	vst v0  }
0x21: {  	[tilespmem:s28+$0x16840] =	vst v0  }
0x22: {  	[tilespmem:s28+$0x16850] =	vst v0  }
0x23: {  	[tilespmem:s28+$0x16860] =	vst v0  }
0x24: {  	[spmem:s5] =	stream.linear.scatter [tilespmem:s16], [sflag:$0x3], $0x4000, $0x38;
	[tilespmem:$0x1E800] =	vst v63  }
0x25: {  	_ =	swait.ge [sflag:s17], $0x4000  }
0x26: {  	[sflag:s17] =	ssyncset.done $0x0  }
0x27: {  	[sflag:s17] =	ssyncadd.s32 $0xFFFFC000  }
0x28: {  	[spmem:s6] =	stream.linear.scatter [tilespmem:s16], [sflag:$0x3], $0x4000, $0x38;
	[tilespmem:$0x1E800] =	vst v63  }
0x29: {  	_ =	swait.ge [sflag:s17], $0x4000  }
0x2a: {  	[sflag:s17] =	ssyncset.done $0x0  }
0x2b: {  	[sflag:s17] =	ssyncadd.s32 $0xFFFFC000  }
0x2c: {  	[spmem:s7] =	stream.linear.scatter [tilespmem:s16], [sflag:$0x3], $0x4000, $0x38;
	[tilespmem:$0x1E800] =	vst v63  }
0x2d: {  	_ =	swait.ge [sflag:s17], $0x4000  }
0x2e: {  	[sflag:s17] =	ssyncset.done $0x0  }
0x2f: {  	[sflag:s17] =	ssyncadd.s32 $0xFFFFC000  }
0x30: {  	[spmem:s8] =	stream.linear.scatter [tilespmem:s16], [sflag:$0x3], $0x4000, $0x38;
	[tilespmem:$0x1E800] =	vst v63  }
0x31: {  	_ =	swait.ge [sflag:s17], $0x4000  }
0x32: {  	[sflag:s17] =	ssyncset.done $0x0  }
0x33: {  	[sflag:s17] =	ssyncadd.s32 $0xFFFFC000  }
0x34: {  	[spmem:s9] =	stream.linear.scatter [tilespmem:s16], [sflag:$0x3], $0x4000, $0x38;
	[tilespmem:$0x1E800] =	vst v63  }
0x35: {  	_ =	swait.ge [sflag:s17], $0x4000  }
0x36: {  	[sflag:s17] =	ssyncset.done $0x0  }
0x37: {  	[sflag:s17] =	ssyncadd.s32 $0xFFFFC000  }
0x38: {  	s28 =	simm.s32 $0x0;
	[bflag:$0x0] =	sbarrier.arrive $0xFFFF  }
0x39: {  	[tilespmem:s18], [sflag:$0x3] =	stream.linear.gather [hbm4b:s10+s28], $0x1400, $0x38;
	[tilespmem:$0x1E800] =	vst v63  }
0x3a: {  	_ =	swait.ge [sflag:s17], $0x1400  }
0x3b: {  	[sflag:s17] =	ssyncset.done $0x0  }
0x3c: {  	[sflag:s17] =	ssyncadd.s32 $0xFFFFEC00  }
0x3d: {  	[tilespmem:s19], [sflag:$0x3] =	stream.linear.gather [hbm4b:s11+s28], $0x1400, $0x38;
	[tilespmem:$0x1E800] =	vst v63  }
0x3e: {  	_ =	swait.ge [sflag:s17], $0x1400  }
0x3f: {  	[sflag:s17] =	ssyncset.done $0x0  }
0x40: {  	[sflag:s17] =	ssyncadd.s32 $0xFFFFEC00  }
0x41: {  	[tilespmem:s16], [sflag:$0x1] =	stream.indirect.gather [hbm4b:s4+s20], $0x80, s18, s20, $0xb8;
	[tilespmem:$0x1E800] =	vst v63  }
0x42: {  	_ = 	snop  }
0x43: {  	[tilespmem:s22], [sflag:$0x2] =	stream.indirect.gather [hbm4b:s4+s20], $0x80, s21, s20, $0xb8;
	[tilespmem:$0x1E800] =	vst v63  }
0x44: {  	_ =	swait.ge [sflag:s23], $0x4000  }
0x45: {  	[sflag:s23] =	ssyncset.done $0x0  }
0x46: {  	s28 =	simm.s32 $0x15400;
	[sflag:s23] =	ssyncadd.s32 $0xFFFFC000  }
0x47: {  	[spmem:s1] =	stream.indirect.scatter.add.f32 [tilespmem:s16], [sflag:$0x3], $0x80, s28, s20, $0xb8;
	[tilespmem:$0x1E800] =	vst v63  }
0x48: {  	_ =	swait.ge [sflag:s17], $0x4000  }
0x49: {  	[sflag:s17] =	ssyncset.done $0x0  }
0x4a: {  	s28 =	simm.s32 $0x14100;
	[sflag:s17] =	ssyncadd.s32 $0xFFFFC000  }
0x4b: {  	[tilespmem:s16], [sflag:$0x1] =	stream.indirect.gather [hbm4b:s4+s20], $0x80, s28, s20, $0xb8;
	[tilespmem:$0x1E800] =	vst v63  }
0x4c: {  	_ =	swait.ge [sflag:s24], $0x4000  }
0x4d: {  	[sflag:s24] =	ssyncset.done $0x0  }
0x4e: {  	s28 =	simm.s32 $0x15480;
	[sflag:s24] =	ssyncadd.s32 $0xFFFFC000  }
0x4f: {  	[spmem:s1] =	stream.indirect.scatter.add.f32 [tilespmem:s22], [sflag:$0x3], $0x80, s28, s20, $0xb8;
	[tilespmem:$0x1E800] =	vst v63  }
0x50: {  	_ =	swait.ge [sflag:s17], $0x4000  }
0x51: {  	[sflag:s17] =	ssyncset.done $0x0  }
0x52: {  	s29 =	simm.s32 $0x14180;
	s28 =	simm.s32 $0x400;
	[sflag:s17] =	ssyncadd.s32 $0xFFFFC000  }
.LBB2_4:
0x53: {  	[tilespmem:s22], [sflag:$0x2] =	stream.indirect.gather [hbm4b:s4+s20], $0x80, s29, s20, $0xb8;
	[tilespmem:$0x1E800] =	vst v63  }
0x54: {  	s29 =	smov.u32 s28  }
0x55: {  	p0 =	sne.s32 s28, $0x4800;
	s28 =	sadd.s32 $0x400, s28;
	_ =	swait.ge [sflag:s23], $0x4000  }
0x56: {  	s29 =	sshra.s32 s29, $0x2;
	[sflag:s23] =	ssyncset.done $0x0  }
0x57: {  	s30 =	sadd.s32 $0x15400, s29;
	[sflag:s23] =	ssyncadd.s32 $0xFFFFC000  }
0x58: {  	[spmem:s1] =	stream.indirect.scatter.add.f32 [tilespmem:s16], [sflag:$0x3], $0x80, s30, s20, $0xb8;
	[tilespmem:$0x1E800] =	vst v63  }
0x59: {  	_ =	swait.ge [sflag:s17], $0x4000  }
0x5a: {  	[sflag:s17] =	ssyncset.done $0x0  }
0x5b: {  	s30 =	sadd.s32 $0x14100, s29;
	[sflag:s17] =	ssyncadd.s32 $0xFFFFC000  }
0x5c: {  	[tilespmem:s16], [sflag:$0x1] =	stream.indirect.gather [hbm4b:s4+s20], $0x80, s30, s20, $0xb8;
	[tilespmem:$0x1E800] =	vst v63  }
0x5d: {  	_ =	swait.ge [sflag:s24], $0x4000  }
0x5e: {  	[sflag:s24] =	ssyncset.done $0x0  }
.Ltmp1:
0x5f: {  	s30 =	sadd.s32 $0x15480, s29;
	[sflag:s24] =	ssyncadd.s32 $0xFFFFC000;
	(pc) =	sbr.rel @p0 .LBB2_4-.Ltmp1, $4  }
0x60: {  	[spmem:s1] =	stream.indirect.scatter.add.f32 [tilespmem:s22], [sflag:$0x3], $0x80, s30, s20, $0xb8;
	[tilespmem:$0x1E800] =	vst v63  }
0x61: {  	_ =	swait.ge [sflag:s17], $0x4000  }
0x62: {  	[sflag:s17] =	ssyncset.done $0x0  }
0x63: {  	s29 =	sadd.s32 $0x14180, s29;
	[sflag:s17] =	ssyncadd.s32 $0xFFFFC000  }
0x64: {  	[tilespmem:s22], [sflag:$0x2] =	stream.indirect.gather [hbm4b:s4+s20], $0x80, s29, s20, $0xb8;
	[tilespmem:$0x1E800] =	vst v63  }
0x65: {  	_ =	swait.ge [sflag:s23], $0x4000  }
0x66: {  	[sflag:s23] =	ssyncset.done $0x0  }
0x67: {  	[sflag:s23] =	ssyncadd.s32 $0xFFFFC000  }
0x68: {  	[spmem:s1] =	stream.indirect.scatter.add.f32 [tilespmem:s16], [sflag:$0x3], $0x80, s25, s20, $0xb8;
	[tilespmem:$0x1E800] =	vst v63  }
0x69: {  	_ =	swait.ge [sflag:s17], $0x4000  }
0x6a: {  	[sflag:s17] =	ssyncset.done $0x0  }
0x6b: {  	[sflag:s17] =	ssyncadd.s32 $0xFFFFC000  }
0x6c: {  	_ =	swait.ge [sflag:s24], $0x4000  }
0x6d: {  	[sflag:s24] =	ssyncset.done $0x0  }
0x6e: {  	[sflag:s24] =	ssyncadd.s32 $0xFFFFC000  }
0x6f: {  	[spmem:s1] =	stream.indirect.scatter.add.f32 [tilespmem:s22], [sflag:$0x3], $0x80, s26, s20, $0xb8;
	[tilespmem:$0x1E800] =	vst v63  }
0x70: {  	_ =	swait.ge [sflag:s17], $0x4000  }
0x71: {  	[sflag:s17] =	ssyncset.done $0x0  }
0x72: {  	s28 =	simm.s32 $0x0;
	[sflag:s17] =	ssyncadd.s32 $0xFFFFC000  }
0x73: {  	[tilespmem:s18], [sflag:$0x3] =	stream.linear.gather [hbm4b:s12+s28], $0x1400, $0x38;
	[tilespmem:$0x1E800] =	vst v63  }
0x74: {  	_ =	swait.ge [sflag:s17], $0x1400  }
0x75: {  	[sflag:s17] =	ssyncset.done $0x0  }
0x76: {  	[sflag:s17] =	ssyncadd.s32 $0xFFFFEC00  }
0x77: {  	[tilespmem:s19], [sflag:$0x3] =	stream.linear.gather [hbm4b:s13+s28], $0x1400, $0x38;
	[tilespmem:$0x1E800] =	vst v63  }
0x78: {  	_ =	swait.ge [sflag:s17], $0x1400  }
0x79: {  	[sflag:s17] =	ssyncset.done $0x0  }
0x7a: {  	[sflag:s17] =	ssyncadd.s32 $0xFFFFEC00  }
0x7b: {  	[tilespmem:s16], [sflag:$0x1] =	stream.indirect.gather [hbm4b:s4+s20], $0x80, s18, s20, $0xb8;
	[tilespmem:$0x1E800] =	vst v63  }
0x7c: {  	_ = 	snop  }
0x7d: {  	[tilespmem:s22], [sflag:$0x2] =	stream.indirect.gather [hbm4b:s4+s20], $0x80, s21, s20, $0xb8;
	[tilespmem:$0x1E800] =	vst v63  }
0x7e: {  	_ =	swait.ge [sflag:s23], $0x4000  }
0x7f: {  	[sflag:s23] =	ssyncset.done $0x0  }
0x80: {  	s28 =	simm.s32 $0x15400;
	[sflag:s23] =	ssyncadd.s32 $0xFFFFC000  }
0x81: {  	[spmem:s1] =	stream.indirect.scatter.add.f32 [tilespmem:s16], [sflag:$0x3], $0x80, s28, s20, $0xb8;
	[tilespmem:$0x1E800] =	vst v63  }
0x82: {  	_ =	swait.ge [sflag:s17], $0x4000  }
0x83: {  	[sflag:s17] =	ssyncset.done $0x0  }
0x84: {  	s28 =	simm.s32 $0x14100;
	[sflag:s17] =	ssyncadd.s32 $0xFFFFC000  }
0x85: {  	[tilespmem:s16], [sflag:$0x1] =	stream.indirect.gather [hbm4b:s4+s20], $0x80, s28, s20, $0xb8;
	[tilespmem:$0x1E800] =	vst v63  }
0x86: {  	_ =	swait.ge [sflag:s24], $0x4000  }
0x87: {  	[sflag:s24] =	ssyncset.done $0x0  }
0x88: {  	s28 =	simm.s32 $0x15480;
	[sflag:s24] =	ssyncadd.s32 $0xFFFFC000  }
0x89: {  	[spmem:s1] =	stream.indirect.scatter.add.f32 [tilespmem:s22], [sflag:$0x3], $0x80, s28, s20, $0xb8;
	[tilespmem:$0x1E800] =	vst v63  }
0x8a: {  	_ =	swait.ge [sflag:s17], $0x4000  }
0x8b: {  	[sflag:s17] =	ssyncset.done $0x0  }
0x8c: {  	s29 =	simm.s32 $0x14180;
	s28 =	simm.s32 $0x400;
	[sflag:s17] =	ssyncadd.s32 $0xFFFFC000  }
.LBB2_6:
0x8d: {  	[tilespmem:s22], [sflag:$0x2] =	stream.indirect.gather [hbm4b:s4+s20], $0x80, s29, s20, $0xb8;
	[tilespmem:$0x1E800] =	vst v63  }
0x8e: {  	s29 =	smov.u32 s28  }
0x8f: {  	p0 =	sne.s32 s28, $0x4800;
	s28 =	sadd.s32 $0x400, s28;
	_ =	swait.ge [sflag:s23], $0x4000  }
0x90: {  	s29 =	sshra.s32 s29, $0x2;
	[sflag:s23] =	ssyncset.done $0x0  }
0x91: {  	s30 =	sadd.s32 $0x15400, s29;
	[sflag:s23] =	ssyncadd.s32 $0xFFFFC000  }
0x92: {  	[spmem:s1] =	stream.indirect.scatter.add.f32 [tilespmem:s16], [sflag:$0x3], $0x80, s30, s20, $0xb8;
	[tilespmem:$0x1E800] =	vst v63  }
0x93: {  	_ =	swait.ge [sflag:s17], $0x4000  }
0x94: {  	[sflag:s17] =	ssyncset.done $0x0  }
0x95: {  	s30 =	sadd.s32 $0x14100, s29;
	[sflag:s17] =	ssyncadd.s32 $0xFFFFC000  }
0x96: {  	[tilespmem:s16], [sflag:$0x1] =	stream.indirect.gather [hbm4b:s4+s20], $0x80, s30, s20, $0xb8;
	[tilespmem:$0x1E800] =	vst v63  }
0x97: {  	_ =	swait.ge [sflag:s24], $0x4000  }
0x98: {  	[sflag:s24] =	ssyncset.done $0x0  }
.Ltmp2:
0x99: {  	s30 =	sadd.s32 $0x15480, s29;
	[sflag:s24] =	ssyncadd.s32 $0xFFFFC000;
	(pc) =	sbr.rel @p0 .LBB2_6-.Ltmp2, $4  }
0x9a: {  	[spmem:s1] =	stream.indirect.scatter.add.f32 [tilespmem:s22], [sflag:$0x3], $0x80, s30, s20, $0xb8;
	[tilespmem:$0x1E800] =	vst v63  }
0x9b: {  	_ =	swait.ge [sflag:s17], $0x4000  }
0x9c: {  	[sflag:s17] =	ssyncset.done $0x0  }
0x9d: {  	s29 =	sadd.s32 $0x14180, s29;
	[sflag:s17] =	ssyncadd.s32 $0xFFFFC000  }
0x9e: {  	[tilespmem:s22], [sflag:$0x2] =	stream.indirect.gather [hbm4b:s4+s20], $0x80, s29, s20, $0xb8;
	[tilespmem:$0x1E800] =	vst v63  }
0x9f: {  	_ =	swait.ge [sflag:s23], $0x4000  }
0xa0: {  	[sflag:s23] =	ssyncset.done $0x0  }
0xa1: {  	[sflag:s23] =	ssyncadd.s32 $0xFFFFC000  }
0xa2: {  	[spmem:s1] =	stream.indirect.scatter.add.f32 [tilespmem:s16], [sflag:$0x3], $0x80, s25, s20, $0xb8;
	[tilespmem:$0x1E800] =	vst v63  }
0xa3: {  	_ =	swait.ge [sflag:s17], $0x4000  }
0xa4: {  	[sflag:s17] =	ssyncset.done $0x0  }
0xa5: {  	[sflag:s17] =	ssyncadd.s32 $0xFFFFC000  }
0xa6: {  	_ =	swait.ge [sflag:s24], $0x4000  }
0xa7: {  	[sflag:s24] =	ssyncset.done $0x0  }
0xa8: {  	[sflag:s24] =	ssyncadd.s32 $0xFFFFC000  }
0xa9: {  	[spmem:s1] =	stream.indirect.scatter.add.f32 [tilespmem:s22], [sflag:$0x3], $0x80, s26, s20, $0xb8;
	[tilespmem:$0x1E800] =	vst v63  }
0xaa: {  	_ =	swait.ge [sflag:s17], $0x4000  }
0xab: {  	s28 =	sshll.u32 s2, $0x6;
	s3 =	sadd.s32 $0x1, s3;
	[sflag:s17] =	ssyncset.done $0x0  }
0xac: {  	s31 =	sshrl.u32 s5, $0x3;
	p0 =	sne.s32 s3, s15;
	[sflag:s17] =	ssyncadd.s32 $0xFFFFC000  }
.Ltmp3:
0xad: {  	s28 =	sor.u32 $0x1C03, s28;
	[bflag:$0x0] =	sbarrier.arrive $0xFFFF;
	(pc) =	sbr.rel @p0 .LBB2_1-.Ltmp3, $4  }
0xae: {  	[hbm:s14], [sflag:s28] =	dma.local [spmem:s31], $0x2800  }
0xaf: {  	_ =	swait.ge [sflag:s17], $0x2800  }
0xb0: {  	[sflag:s17] =	ssyncset.done $0x0  }
0xb1: {  	[sflag:s17] =	ssyncadd.s32 $0xFFFFD800  }
0xb2: {  	_ =	sfence.sel $0x180000  }
0xb3: {  	[bflag:$0x0] =	sbarrier.arrive $0xFFFF  }
0xb4: {  	p0 =	sne.s32 s2, $0x0;
	_ =	strace $0x9000004A  }
0xb5: {  	s0 =	sadd.s32 @!p0 $0x100000, s0;
	[bflag:$0x2] =	sbarrier.arrive $0xFFFF  }
0xb6: {  	[sflag:s0] =	ssyncadd.tile.s32 @!p0 $0x1;
	_ =	shalt  }
.Lfunc_end2:
_tile_overlayer_lowered:
.L_overlay_start_2:
0xb7: {  	(tag) =	ssettag $0x2  }
0xb8: {  	s0 =	rddreg [dreg:$0x0];
	s2 =	stileid.u32  }
0xb9: {  	s1 =	rddreg [dreg:$0x1];
	p0 =	sne.s32 s2, $0x0  }
0xba: {  	s3 =	rddreg [dreg:$0x2];
	[bflag:$0x3] =	sbarrier.arrive $0xFFFF;
	s2 =	simm.s32 @!p0 $0x1C03  }
0xbb: {  	[timem:s3], [sflag:s2] =	dma.local @!p0 [hbm:s0], s1  }
0xbc: {  	s0 =	simm.s32 @!p0 $0x3  }
0xbd: {  	_ =	swait.ge @!p0 [sflag:s0], s1  }
0xbe: {  	s1 =	ssub.s32 @!p0 $0x0, s1;
	[sflag:s0] =	ssyncset.done @!p0 $0x0  }
0xbf: {  	[sflag:s0] =	ssyncadd.s32 @!p0 s1  }
0xc0: {  	[bflag:$0x3] =	sbarrier.arrive $0xFFFF  }
0xc1: {  	_ =	shalt  }

// kernel: kernel.18.cloned.1.call-start
scs
__scs_entry_jumppad:
0x0: {  	(pc) =	sbr.rel $0x88, $3  }
0x1: {  	(tag) =	ssettag $0x0;
	lr =	simm.s32 $0x1  }
0x2: {  	[smem:$0x3F91] =	sst lr;
	_ =	strace $0xD0000000  }
0x3: {  	_ = 	snop  }
0x4: {  	_ = 	snop  }
0x5: {  	_ = 	snop  }
0x6: {  	_ = 	snop  }
0x7: {  	_ = 	snop  }
__scs_overlays_trampoline_lowered:
0x8: {  	[smem:$0x3FA0] =	sst s0  }
0x9: {  	[smem:$0x3FA1] =	sst s1  }
0xa: {  	[smem:$0x3FA2] =	sst s2  }
0xb: {  	[smem:$0x3FA3] =	sst s3  }
0xc: {  	[smem:$0x3FA4] =	sst s4  }
0xd: {  	[smem:$0x3FA5] =	sst s5  }
0xe: {  	[smem:$0x3FA6] =	sst s6  }
0xf: {  	[smem:$0x3FA7] =	sst s7  }
0x10: {  	[smem:$0x3FA8] =	sst s8  }
0x11: {  	[smem:$0x3FA9] =	sst s9;
	s0 =	simm.s32 @!p0 $0x0  }
0x12: {  	s1 =	sld [smem:$0x3F8F];
	s0 =	simm.s32 @p0 $0x1  }
0x13: {  	[smem:$0x3FAA] =	sst s0;
	s0 =	simm.s32 @!p1 $0x0  }
0x14: {  	s2 =	sld [smem:$0x3F8E];
	s0 =	simm.s32 @p1 $0x1  }
0x15: {  	[smem:$0x3FAB] =	sst s0;
	s0 =	simm.s32 @!p2 $0x0  }
0x16: {  	s3 =	sld [smem:$0x3FDB];
	s0 =	simm.s32 @p2 $0x1  }
0x17: {  	s4 =	simm.s32 $0x1BF5;
	[smem:$0x3FAD] =	sst s0  }
0x18: {  	s0 =	sld [smem:$0x3F90];
	_ =	swait.ge [sflag:s4], $0x0  }
0x19: {  	s7 =	sld [smem:$0x3F91]  }
0x1a: {  	s8 =	sadd.s32 $0xFFFFE003, lr  }
0x1b: {  	s9 =	sadd.s32 $0xFFFFFEF7, lr;
	s5 =	simm.s32 $0xFFFFFFFF;
	p2 =	slt.u32 s8, $0xFFFFF086  }
0x1c: {  	p1 =	slt.u32 s9, $0xF7A;
	s5 =	simm.s32 @!p2 $0x0  }
0x1d: {  	s5 =	simm.s32 @p1 $0x1;
	p0 =	seq.s32 s7, s2  }
0x1e: {  	s7 =	smul.u32 @!p0 $0xF7A, s2;
	p2 =	seq.s32 @!p0 s5, $0x0  }
0x1f: {  	s9 =	smul.u32 $0xF7A, s1;
	s8 =	simm.s32 @!p0 $0x1BF5;
	p2 =	por !p2, p0  }
0x20: {  	[sflag:s8] =	ssyncset.s32 @!p0 $0xFFFFF086;
	s6 =	sadd.s32 @!p0 s3, s7;
	s7 =	simm.s32 @!p0 $0x108  }
0x21: {  	s3 =	sadd.s32 s3, s9;
	s6 =	sadd.s32 @!p0 $0x88, s6;
	s7 =	simm.s32 @p2 $0x1082  }
0x22: {  	[simem:s7], [sflag:s8] =	dma.local @!p0 [hbm:s6], $0xF7A  }
0x23: {  	s9 =	sor.u32 $0xD0000000, s2;
	s6 =	simm.s32 $0x108;
	_ =	swait.ge @!p0 [sflag:s8], $0x0  }
0x24: {  	s3 =	sadd.s32 $0x88, s3;
	s6 =	simm.s32 @!p1 $0x1082;
	[sflag:s4] =	ssyncset.s32 $0xFFFFF086  }
0x25: {  	[simem:s6], [sflag:s4] =	dma.local [hbm:s3], $0xF7A  }
0x26: {  	[smem:$0x3F91] =	sst s1;
	(tag) =	ssettag s2;
	_ =	strace s9  }
0x27: {  	s1 =	sld [smem:$0x3FA1]  }
0x28: {  	s2 =	sld [smem:$0x3FA2]  }
0x29: {  	s4 =	sld [smem:$0x3FA4]  }
0x2a: {  	p0 =	seq.s32 s5, $0x0;
	s5 =	sld [smem:$0x3FA5]  }
0x2b: {  	s6 =	sld [smem:$0x3FA6]  }
0x2c: {  	s7 =	sld [smem:$0x3FA7]  }
0x2d: {  	s3 =	simm.s32 $0x108;
	s8 =	sld [smem:$0x3FA8]  }
0x2e: {  	s3 =	simm.s32 @!p0 $0x1082;
	s9 =	sld [smem:$0x3FA9]  }
0x2f: {  	lr =	sadd.s32 s0, s3;
	s0 =	sld [smem:$0x3FA0]  }
0x30: {  	s3 =	sld [smem:$0x3FA3]  }
0x31: {  	[smem:$0x3FAC] =	sst s10  }
0x32: {  	s10 =	sld [smem:$0x3FAA];
	_ =	sdelay $0x3  }
0x33: {  	p0 =	seq.s32 s10, $0x1;
	s10 =	sld [smem:$0x3FAC];
	_ =	sdelay $0x3  }
0x34: {  	[smem:$0x3FAC] =	sst s10  }
0x35: {  	s10 =	sld [smem:$0x3FAB];
	_ =	sdelay $0x3  }
0x36: {  	p1 =	seq.s32 s10, $0x1;
	s10 =	sld [smem:$0x3FAC];
	_ =	sdelay $0x3  }
0x37: {  	[smem:$0x3FAC] =	sst s10  }
0x38: {  	s10 =	sld [smem:$0x3FAD]  }
0x39: {  	_ = 	snop;
	(pc) =	sbr.ind lr, $3  }
0x3a: {  	_ = 	snop  }
0x3b: {  	_ = 	snop  }
0x3c: {  	p2 =	seq.s32 s10, $0x1;
	s10 =	sld [smem:$0x3FAC]  }
0x3d: {  	_ =	shalt  }
0x3e: {  	_ =	shalt  }
0x3f: {  	_ =	shalt  }
0x40: {  	_ =	shalt  }
0x41: {  	_ =	shalt  }
0x42: {  	_ =	shalt  }
0x43: {  	_ =	shalt  }
0x44: {  	_ =	shalt  }
0x45: {  	_ =	shalt  }
0x46: {  	_ =	shalt  }
0x47: {  	_ =	shalt  }
0x48: {  	_ =	shalt  }
0x49: {  	_ =	shalt  }
0x4a: {  	_ =	shalt  }
0x4b: {  	_ =	shalt  }
0x4c: {  	_ =	shalt  }
0x4d: {  	_ =	shalt  }
0x4e: {  	_ =	shalt  }
0x4f: {  	_ =	shalt  }
0x50: {  	_ =	shalt  }
0x51: {  	_ =	shalt  }
0x52: {  	_ =	shalt  }
0x53: {  	_ =	shalt  }
0x54: {  	_ =	shalt  }
0x55: {  	_ =	shalt  }
0x56: {  	_ =	shalt  }
0x57: {  	_ =	shalt  }
0x58: {  	_ =	shalt  }
0x59: {  	_ =	shalt  }
0x5a: {  	_ =	shalt  }
0x5b: {  	_ =	shalt  }
0x5c: {  	_ =	shalt  }
0x5d: {  	_ =	shalt  }
0x5e: {  	_ =	shalt  }
0x5f: {  	_ =	shalt  }
0x60: {  	_ =	shalt  }
0x61: {  	_ =	shalt  }
0x62: {  	_ =	shalt  }
0x63: {  	_ =	shalt  }
0x64: {  	_ =	shalt  }
0x65: {  	_ =	shalt  }
0x66: {  	_ =	shalt  }
0x67: {  	_ =	shalt  }
0x68: {  	_ =	shalt  }
0x69: {  	_ =	shalt  }
0x6a: {  	_ =	shalt  }
0x6b: {  	_ =	shalt  }
0x6c: {  	_ =	shalt  }
0x6d: {  	_ =	shalt  }
0x6e: {  	_ =	shalt  }
0x6f: {  	_ =	shalt  }
0x70: {  	_ =	shalt  }
0x71: {  	_ =	shalt  }
0x72: {  	_ =	shalt  }
0x73: {  	_ =	shalt  }
0x74: {  	_ =	shalt  }
0x75: {  	_ =	shalt  }
0x76: {  	_ =	shalt  }
0x77: {  	_ =	shalt  }
0x78: {  	_ =	shalt  }
0x79: {  	_ =	shalt  }
0x7a: {  	_ =	shalt  }
0x7b: {  	_ =	shalt  }
0x7c: {  	_ =	shalt  }
0x7d: {  	_ =	shalt  }
0x7e: {  	_ =	shalt  }
0x7f: {  	_ =	shalt  }
0x80: {  	_ =	shalt  }
0x81: {  	_ =	shalt  }
0x82: {  	_ =	shalt  }
0x83: {  	_ =	shalt  }
0x84: {  	_ =	shalt  }
0x85: {  	_ =	shalt  }
0x86: {  	_ =	shalt  }
0x87: {  	_ =	shalt  }
.Lfunc_end0:
.L_simem_size_0:
called_computation.2_lowered:
.L_overlay_start_0:
0x88: {  	s2 =	sld [smem:$0x3FD9]  }
0x89: {  	s3 =	sld [smem:$0x3FFE];
	_ =	sdelay $0x1  }
0x8a: {  	s1 =	srdreg.scid  }
0x8b: {  	s0 =	sand.u32 $0x1, s1  }
0x8c: {  	s16 =	sshll.u32 s0, $0xA;
	s2 =	sadd.s32 s3, s2  }
0x8d: {  	s2 =	sadd.s32 s2, s16  }
0x8e: {  	[smem:$0x3FB8] =	sst s2  }
0x8f: {  	_ = 	snop  }
0x90: {  	(tm) =	ssettm $0x1  }
0x91: {  	s17 =	sld [smem:$0x3FFB];
	_ =	sdelay $0x3  }
0x92: {  	_ =	strace s17  }
0x93: {  	s2 =	sld [smem:$0x3FFC];
	_ =	sdelay $0x3  }
0x94: {  	_ =	strace s2  }
0x95: {  	s2 =	sld [smem:$0x3FFD];
	_ =	sdelay $0x3  }
0x96: {  	_ =	strace s2  }
0x97: {  	_ =	strace $0x8FFFFFFF  }
0x98: {  	s18 =	sld [smem:$0x3FDB];
	_ =	sdelay $0x1  }
0x99: {  	s19 =	simm.s32 $_scs_section_size  }
0x9a: {  	s4 =	simm.s32 $_size__tile_overlayer_lowered;
	s5 =	simm.s32 $_tile_overlayer_lowered  }
0x9b: {  	s22 =	simm.s32 $0x1BFF;
	s21 =	sshll.u32 s5, $0x1;
	s2 =	sadd.s32 s19, s18  }
0x9c: {  	s6 =	simm.s32 $0x0;
	s20 =	sshll.u32 s4, $0x1;
	s4 =	sadd.s32 s21, s2  }
0x9d: {  	[timem:s6], [sflag:s22] =	dma.local [hbm:s4], s20  }
0x9e: {  	_ =	swait.ge [sflag:s22], s20  }
0x9f: {  	s3 =	ssub.s32 $0x0, s20;
	[sflag:s22] =	ssyncset.done $0x0  }
0xa0: {  	[sflag:s22] =	ssyncadd.s32 s3;
	_ =	sdelay $0x1  }
0xa1: {  	s23 =	simm.s32 $0x1B8B  }
0xa2: {  	_ =	swait.ge [sflag:s23], $0x1  }
0xa3: {  	[sflag:s23] =	ssyncset.done $0x0  }
0xa4: {  	s25 =	simm.s32 $0x1B8E;
	s24 =	sld [smem:$0x3FFE];
	[sflag:s23] =	ssyncadd.s32 $0xFFFFFFFF  }
0xa5: {  	s26 =	simm.s32 $execute0_lowered;
	[smem:$0x3FD2] =	sst s25  }
0xa6: {  	s4 =	sshll.u32 s26, $0x1;
	_ =	strace $0x8000004C;
	[dreg:$0x1] =	wrdreg $0xFFFFFFFF  }
0xa7: {  	s28 =	simm.s32 $_size_execute0_lowered;
	s2 =	sadd.s32 s2, s4;
	[dreg:$0x0] =	wrdreg $0x0  }
0xa8: {  	s4 =	sshll.u32 s28, $0x1;
	[dreg:$0x2] =	wrdreg s2  }
0xa9: {  	[dreg:$0x3] =	wrdreg s4  }
0xaa: {  	[dreg:$0x4] =	wrdreg $0xC0  }
0xab: {  	_ =	task [dreg:s6], $0x5FFFF  }
0xac: {  	[dreg:$0x1] =	wrdreg $0xFFFFFFFF  }
0xad: {  	[dreg:$0x0] =	wrdreg $0x60  }
0xae: {  	[dreg:$0x2] =	wrdreg s24  }
0xaf: {  	[dreg:$0x3] =	wrdreg $0x0  }
0xb0: {  	[dreg:$0x4] =	wrdreg $0x9  }
0xb1: {  	_ =	task.clear_ibuf [dreg:s6], $0x5FFFF;
	_ =	strace $0x9000004C  }
0xb2: {  	s29 =	simm.s32 $0x9;
	_ =	strace $0x8000004E  }
0xb3: {  	_ =	swait.ge [sflag:s29], $0x1  }
0xb4: {  	[sflag:s29] =	ssyncadd.s32 $0xFFFFFFFF  }
0xb5: {  	_ =	strace $0x9000004E  }
0xb6: {  	_ =	sfence  }
0xb7: {  	s30 =	sld [smem:$0x0];
	_ =	sdelay $0x2  }
0xb8: {  	s31 =	sshll.u32 s1, $0xD;
	s1 =	sshrl.u32 s1, $0x2  }
0xb9: {  	s3 =	sand.u32 $0x4000, s31;
	s1 =	sadd.s32 s1, s30  }
0xba: {  	s0 =	sor.u32 s3, s0;
	s1 =	sshll.u32 s1, $0x11  }
0xbb: {  	s0 =	sor.u32 s1, s0  }
0xbc: {  	s0 =	sadd.s32 $0x8F2B, s0  }
0xbd: {  	[sflag:s0] =	ssyncadd.remote.s32 $0x1  }
0xbe: {  	_ =	sfence.sel $0xFFFF  }
0xbf: {  	[dreg:$0x0] =	wrdreg $0xFFFFFFFF;
	(pc) =	sbr.abs _section_cstart, $3  }
0xc0: {  	[dreg:$0x1] =	wrdreg $0xFFFFFFFF  }
0xc1: {  	_ =	task.clear_ibuf [dreg:s6], $0x2FFFF;
	_ =	strace $0x9FFFFFFF  }
0xc2: {  	(tm) =	ssettm $0x7FFFFFFF  }
0xc3: {  	_ =	shalt  }
tec
execute0_lowered:
.L_overlay_start_1:
0x0: {  	(tag) =	ssettag $0x1  }
0x1: {  	s5 =	rddreg [dreg:$0x0]  }
0x2: {  	s1 =	rddreg [dreg:$0x1]  }
0x3: {  	s2 =	srdreg.scid;
	s0 =	rddreg [dreg:$0x2];
	s3 =	simm.s32 $0x0  }
0x4: {  	s18 =	simm.s32 $0x14000;
	s19 =	simm.s32 $0x15400;
	s20 =	simm.s32 $0x80  }
0x5: {  	s21 =	simm.s32 $0x14080;
	s22 =	simm.s32 $0x1A800;
	s23 =	simm.s32 $0x1  }
0x6: {  	s24 =	simm.s32 $0x2;
	s25 =	simm.s32 $0x16700;
	s6 =	sand.u32 $0x1, s2  }
0x7: {  	s2 =	stileid.u32;
	[smem:$0x7FF] =	sst s3;
	s4 =	sadd.s32 $0x74000, s5  }
0x8: {  	s12 =	sadd.s32 $0x1A000, s5;
	s13 =	sadd.s32 $0xEA00, s5;
	s7 =	smul.u32 $0x140000, s6  }
0x9: {  	s8 =	smul.u32 $0x14000, s2;
	_ =	strace $0x8000004D;
	s29 =	sshll.u32 s2, $0x1  }
0xa: {  	s26 =	smul.u32 $0x50000, s2;
	s28 =	ssub.s32 $0x2, s6;
	s10 =	sor.u32 s6, s29  }
0xb: {  	s9 =	sshrl.u32 s28, $0x1;
	s7 =	sadd.s32 s8, s7;
	s11 =	smul.u32 $0x2800, s10  }
0xc: {  	s30 =	sshrl.u32 s26, $0x2;
	s15 =	ssub.s32 s28, s9;
	s16 =	smul.u32 $0x500, s10  }
0xd: {  	s26 =	simm.s32 $0x16780;
	s7 =	sshrl.u32 s7, $0x3;
	s15 =	smax.u32 s15, $0x1  }
0xe: {  	s14 =	sadd.s32 s7, s5;
	s5 =	sadd.s32 s30, s1;
	s17 =	sshrl.u32 s11, $0x3  }
0xf: {  	s10 =	sadd.s32 s12, s16;
	s11 =	sadd.s32 s13, s16;
	s16 =	simm.s32 $0x16800  }
0x10: {  	s6 =	sadd.s32 $0x4000, s5;
	s7 =	sadd.s32 $0x8000, s5;
	s8 =	sadd.s32 $0xC000, s5  }
0x11: {  	s9 =	sadd.s32 $0x10000, s5;
	s31 =	sadd.s32 $0x280, s17;
	s14 =	sadd.s32 $0x9B200, s14  }
0x12: {  	v0 =	vimm.f32 $0.0e+00;
	s17 =	simm.s32 $0x3;
	s12 =	sadd.s32 s12, s31;
	s13 =	sadd.s32 s13, s31  }
.LBB2_1:
0x13: {  	s28 =	simm.s32 $0x0;
	s29 =	simm.s32 $0x200  }
.LBB2_2:
0x14: {  	p0 =	sne.s32 s29, $0xFE00;
	[tilespmem:s28+$0x16870] =	vst v0  }
0x15: {  	[tilespmem:s28+$0x16800] =	vst v0  }
0x16: {  	[tilespmem:s28+$0x16810] =	vst v0  }
.Ltmp0:
0x17: {  	[tilespmem:s28+$0x16820] =	vst v0;
	(pc) =	sbr.rel @p0 .LBB2_2-.Ltmp0, $4  }
0x18: {  	[tilespmem:s28+$0x16830] =	vst v0  }
0x19: {  	[tilespmem:s28+$0x16840] =	vst v0  }
0x1a: {  	[tilespmem:s28+$0x16850] =	vst v0  }
0x1b: {  	[tilespmem:s28+$0x16860] =	vst v0;
	s28 =	sshra.s32 s29, $0x2;
	s29 =	sadd.s32 $0x200, s29  }
0x1c: {  	[tilespmem:s28+$0x16870] =	vst v0  }
0x1d: {  	[tilespmem:s28+$0x16800] =	vst v0  }
0x1e: {  	[tilespmem:s28+$0x16810] =	vst v0  }
0x1f: {  	[tilespmem:s28+$0x16820] =	vst v0  }
0x20: {  	[tilespmem:s28+$0x16830] =	vst v0  }
0x21: {  	[tilespmem:s28+$0x16840] =	vst v0  }
0x22: {  	[tilespmem:s28+$0x16850] =	vst v0  }
0x23: {  	[tilespmem:s28+$0x16860] =	vst v0  }
0x24: {  	[spmem:s5] =	stream.linear.scatter [tilespmem:s16], [sflag:$0x3], $0x4000, $0x38;
	[tilespmem:$0x1E800] =	vst v63  }
0x25: {  	_ =	swait.ge [sflag:s17], $0x4000  }
0x26: {  	[sflag:s17] =	ssyncset.done $0x0  }
0x27: {  	[sflag:s17] =	ssyncadd.s32 $0xFFFFC000  }
0x28: {  	[spmem:s6] =	stream.linear.scatter [tilespmem:s16], [sflag:$0x3], $0x4000, $0x38;
	[tilespmem:$0x1E800] =	vst v63  }
0x29: {  	_ =	swait.ge [sflag:s17], $0x4000  }
0x2a: {  	[sflag:s17] =	ssyncset.done $0x0  }
0x2b: {  	[sflag:s17] =	ssyncadd.s32 $0xFFFFC000  }
0x2c: {  	[spmem:s7] =	stream.linear.scatter [tilespmem:s16], [sflag:$0x3], $0x4000, $0x38;
	[tilespmem:$0x1E800] =	vst v63  }
0x2d: {  	_ =	swait.ge [sflag:s17], $0x4000  }
0x2e: {  	[sflag:s17] =	ssyncset.done $0x0  }
0x2f: {  	[sflag:s17] =	ssyncadd.s32 $0xFFFFC000  }
0x30: {  	[spmem:s8] =	stream.linear.scatter [tilespmem:s16], [sflag:$0x3], $0x4000, $0x38;
	[tilespmem:$0x1E800] =	vst v63  }
0x31: {  	_ =	swait.ge [sflag:s17], $0x4000  }
0x32: {  	[sflag:s17] =	ssyncset.done $0x0  }
0x33: {  	[sflag:s17] =	ssyncadd.s32 $0xFFFFC000  }
0x34: {  	[spmem:s9] =	stream.linear.scatter [tilespmem:s16], [sflag:$0x3], $0x4000, $0x38;
	[tilespmem:$0x1E800] =	vst v63  }
0x35: {  	_ =	swait.ge [sflag:s17], $0x4000  }
0x36: {  	[sflag:s17] =	ssyncset.done $0x0  }
0x37: {  	[sflag:s17] =	ssyncadd.s32 $0xFFFFC000  }
0x38: {  	s28 =	simm.s32 $0x0;
	[bflag:$0x0] =	sbarrier.arrive $0xFFFF  }
0x39: {  	[tilespmem:s18], [sflag:$0x3] =	stream.linear.gather [hbm4b:s10+s28], $0x1400, $0x38;
	[tilespmem:$0x1E800] =	vst v63  }
0x3a: {  	_ =	swait.ge [sflag:s17], $0x1400  }
0x3b: {  	[sflag:s17] =	ssyncset.done $0x0  }
0x3c: {  	[sflag:s17] =	ssyncadd.s32 $0xFFFFEC00  }
0x3d: {  	[tilespmem:s19], [sflag:$0x3] =	stream.linear.gather [hbm4b:s11+s28], $0x1400, $0x38;
	[tilespmem:$0x1E800] =	vst v63  }
0x3e: {  	_ =	swait.ge [sflag:s17], $0x1400  }
0x3f: {  	[sflag:s17] =	ssyncset.done $0x0  }
0x40: {  	[sflag:s17] =	ssyncadd.s32 $0xFFFFEC00  }
0x41: {  	[tilespmem:s16], [sflag:$0x1] =	stream.indirect.gather [hbm4b:s4+s20], $0x80, s18, s20, $0xb8;
	[tilespmem:$0x1E800] =	vst v63  }
0x42: {  	_ = 	snop  }
0x43: {  	[tilespmem:s22], [sflag:$0x2] =	stream.indirect.gather [hbm4b:s4+s20], $0x80, s21, s20, $0xb8;
	[tilespmem:$0x1E800] =	vst v63  }
0x44: {  	_ =	swait.ge [sflag:s23], $0x4000  }
0x45: {  	[sflag:s23] =	ssyncset.done $0x0  }
0x46: {  	s28 =	simm.s32 $0x15400;
	[sflag:s23] =	ssyncadd.s32 $0xFFFFC000  }
0x47: {  	[spmem:s1] =	stream.indirect.scatter.add.f32 [tilespmem:s16], [sflag:$0x3], $0x80, s28, s20, $0xb8;
	[tilespmem:$0x1E800] =	vst v63  }
0x48: {  	_ =	swait.ge [sflag:s17], $0x4000  }
0x49: {  	[sflag:s17] =	ssyncset.done $0x0  }
0x4a: {  	s28 =	simm.s32 $0x14100;
	[sflag:s17] =	ssyncadd.s32 $0xFFFFC000  }
0x4b: {  	[tilespmem:s16], [sflag:$0x1] =	stream.indirect.gather [hbm4b:s4+s20], $0x80, s28, s20, $0xb8;
	[tilespmem:$0x1E800] =	vst v63  }
0x4c: {  	_ =	swait.ge [sflag:s24], $0x4000  }
0x4d: {  	[sflag:s24] =	ssyncset.done $0x0  }
0x4e: {  	s28 =	simm.s32 $0x15480;
	[sflag:s24] =	ssyncadd.s32 $0xFFFFC000  }
0x4f: {  	[spmem:s1] =	stream.indirect.scatter.add.f32 [tilespmem:s22], [sflag:$0x3], $0x80, s28, s20, $0xb8;
	[tilespmem:$0x1E800] =	vst v63  }
0x50: {  	_ =	swait.ge [sflag:s17], $0x4000  }
0x51: {  	[sflag:s17] =	ssyncset.done $0x0  }
0x52: {  	s29 =	simm.s32 $0x14180;
	s28 =	simm.s32 $0x400;
	[sflag:s17] =	ssyncadd.s32 $0xFFFFC000  }
.LBB2_4:
0x53: {  	[tilespmem:s22], [sflag:$0x2] =	stream.indirect.gather [hbm4b:s4+s20], $0x80, s29, s20, $0xb8;
	[tilespmem:$0x1E800] =	vst v63  }
0x54: {  	s29 =	smov.u32 s28  }
0x55: {  	p0 =	sne.s32 s28, $0x4800;
	s28 =	sadd.s32 $0x400, s28;
	_ =	swait.ge [sflag:s23], $0x4000  }
0x56: {  	s29 =	sshra.s32 s29, $0x2;
	[sflag:s23] =	ssyncset.done $0x0  }
0x57: {  	s30 =	sadd.s32 $0x15400, s29;
	[sflag:s23] =	ssyncadd.s32 $0xFFFFC000  }
0x58: {  	[spmem:s1] =	stream.indirect.scatter.add.f32 [tilespmem:s16], [sflag:$0x3], $0x80, s30, s20, $0xb8;
	[tilespmem:$0x1E800] =	vst v63  }
0x59: {  	_ =	swait.ge [sflag:s17], $0x4000  }
0x5a: {  	[sflag:s17] =	ssyncset.done $0x0  }
0x5b: {  	s30 =	sadd.s32 $0x14100, s29;
	[sflag:s17] =	ssyncadd.s32 $0xFFFFC000  }
0x5c: {  	[tilespmem:s16], [sflag:$0x1] =	stream.indirect.gather [hbm4b:s4+s20], $0x80, s30, s20, $0xb8;
	[tilespmem:$0x1E800] =	vst v63  }
0x5d: {  	_ =	swait.ge [sflag:s24], $0x4000  }
0x5e: {  	[sflag:s24] =	ssyncset.done $0x0  }
.Ltmp1:
0x5f: {  	s30 =	sadd.s32 $0x15480, s29;
	[sflag:s24] =	ssyncadd.s32 $0xFFFFC000;
	(pc) =	sbr.rel @p0 .LBB2_4-.Ltmp1, $4  }
0x60: {  	[spmem:s1] =	stream.indirect.scatter.add.f32 [tilespmem:s22], [sflag:$0x3], $0x80, s30, s20, $0xb8;
	[tilespmem:$0x1E800] =	vst v63  }
0x61: {  	_ =	swait.ge [sflag:s17], $0x4000  }
0x62: {  	[sflag:s17] =	ssyncset.done $0x0  }
0x63: {  	s29 =	sadd.s32 $0x14180, s29;
	[sflag:s17] =	ssyncadd.s32 $0xFFFFC000  }
0x64: {  	[tilespmem:s22], [sflag:$0x2] =	stream.indirect.gather [hbm4b:s4+s20], $0x80, s29, s20, $0xb8;
	[tilespmem:$0x1E800] =	vst v63  }
0x65: {  	_ =	swait.ge [sflag:s23], $0x4000  }
0x66: {  	[sflag:s23] =	ssyncset.done $0x0  }
0x67: {  	[sflag:s23] =	ssyncadd.s32 $0xFFFFC000  }
0x68: {  	[spmem:s1] =	stream.indirect.scatter.add.f32 [tilespmem:s16], [sflag:$0x3], $0x80, s25, s20, $0xb8;
	[tilespmem:$0x1E800] =	vst v63  }
0x69: {  	_ =	swait.ge [sflag:s17], $0x4000  }
0x6a: {  	[sflag:s17] =	ssyncset.done $0x0  }
0x6b: {  	[sflag:s17] =	ssyncadd.s32 $0xFFFFC000  }
0x6c: {  	_ =	swait.ge [sflag:s24], $0x4000  }
0x6d: {  	[sflag:s24] =	ssyncset.done $0x0  }
0x6e: {  	[sflag:s24] =	ssyncadd.s32 $0xFFFFC000  }
0x6f: {  	[spmem:s1] =	stream.indirect.scatter.add.f32 [tilespmem:s22], [sflag:$0x3], $0x80, s26, s20, $0xb8;
	[tilespmem:$0x1E800] =	vst v63  }
0x70: {  	_ =	swait.ge [sflag:s17], $0x4000  }
0x71: {  	[sflag:s17] =	ssyncset.done $0x0  }
0x72: {  	s28 =	simm.s32 $0x0;
	[sflag:s17] =	ssyncadd.s32 $0xFFFFC000  }
0x73: {  	[tilespmem:s18], [sflag:$0x3] =	stream.linear.gather [hbm4b:s12+s28], $0x1400, $0x38;
	[tilespmem:$0x1E800] =	vst v63  }
0x74: {  	_ =	swait.ge [sflag:s17], $0x1400  }
0x75: {  	[sflag:s17] =	ssyncset.done $0x0  }
0x76: {  	[sflag:s17] =	ssyncadd.s32 $0xFFFFEC00  }
0x77: {  	[tilespmem:s19], [sflag:$0x3] =	stream.linear.gather [hbm4b:s13+s28], $0x1400, $0x38;
	[tilespmem:$0x1E800] =	vst v63  }
0x78: {  	_ =	swait.ge [sflag:s17], $0x1400  }
0x79: {  	[sflag:s17] =	ssyncset.done $0x0  }
0x7a: {  	[sflag:s17] =	ssyncadd.s32 $0xFFFFEC00  }
0x7b: {  	[tilespmem:s16], [sflag:$0x1] =	stream.indirect.gather [hbm4b:s4+s20], $0x80, s18, s20, $0xb8;
	[tilespmem:$0x1E800] =	vst v63  }
0x7c: {  	_ = 	snop  }
0x7d: {  	[tilespmem:s22], [sflag:$0x2] =	stream.indirect.gather [hbm4b:s4+s20], $0x80, s21, s20, $0xb8;
	[tilespmem:$0x1E800] =	vst v63  }
0x7e: {  	_ =	swait.ge [sflag:s23], $0x4000  }
0x7f: {  	[sflag:s23] =	ssyncset.done $0x0  }
0x80: {  	s28 =	simm.s32 $0x15400;
	[sflag:s23] =	ssyncadd.s32 $0xFFFFC000  }
0x81: {  	[spmem:s1] =	stream.indirect.scatter.add.f32 [tilespmem:s16], [sflag:$0x3], $0x80, s28, s20, $0xb8;
	[tilespmem:$0x1E800] =	vst v63  }
0x82: {  	_ =	swait.ge [sflag:s17], $0x4000  }
0x83: {  	[sflag:s17] =	ssyncset.done $0x0  }
0x84: {  	s28 =	simm.s32 $0x14100;
	[sflag:s17] =	ssyncadd.s32 $0xFFFFC000  }
0x85: {  	[tilespmem:s16], [sflag:$0x1] =	stream.indirect.gather [hbm4b:s4+s20], $0x80, s28, s20, $0xb8;
	[tilespmem:$0x1E800] =	vst v63  }
0x86: {  	_ =	swait.ge [sflag:s24], $0x4000  }
0x87: {  	[sflag:s24] =	ssyncset.done $0x0  }
0x88: {  	s28 =	simm.s32 $0x15480;
	[sflag:s24] =	ssyncadd.s32 $0xFFFFC000  }
0x89: {  	[spmem:s1] =	stream.indirect.scatter.add.f32 [tilespmem:s22], [sflag:$0x3], $0x80, s28, s20, $0xb8;
	[tilespmem:$0x1E800] =	vst v63  }
0x8a: {  	_ =	swait.ge [sflag:s17], $0x4000  }
0x8b: {  	[sflag:s17] =	ssyncset.done $0x0  }
0x8c: {  	s29 =	simm.s32 $0x14180;
	s28 =	simm.s32 $0x400;
	[sflag:s17] =	ssyncadd.s32 $0xFFFFC000  }
.LBB2_6:
0x8d: {  	[tilespmem:s22], [sflag:$0x2] =	stream.indirect.gather [hbm4b:s4+s20], $0x80, s29, s20, $0xb8;
	[tilespmem:$0x1E800] =	vst v63  }
0x8e: {  	s29 =	smov.u32 s28  }
0x8f: {  	p0 =	sne.s32 s28, $0x4800;
	s28 =	sadd.s32 $0x400, s28;
	_ =	swait.ge [sflag:s23], $0x4000  }
0x90: {  	s29 =	sshra.s32 s29, $0x2;
	[sflag:s23] =	ssyncset.done $0x0  }
0x91: {  	s30 =	sadd.s32 $0x15400, s29;
	[sflag:s23] =	ssyncadd.s32 $0xFFFFC000  }
0x92: {  	[spmem:s1] =	stream.indirect.scatter.add.f32 [tilespmem:s16], [sflag:$0x3], $0x80, s30, s20, $0xb8;
	[tilespmem:$0x1E800] =	vst v63  }
0x93: {  	_ =	swait.ge [sflag:s17], $0x4000  }
0x94: {  	[sflag:s17] =	ssyncset.done $0x0  }
0x95: {  	s30 =	sadd.s32 $0x14100, s29;
	[sflag:s17] =	ssyncadd.s32 $0xFFFFC000  }
0x96: {  	[tilespmem:s16], [sflag:$0x1] =	stream.indirect.gather [hbm4b:s4+s20], $0x80, s30, s20, $0xb8;
	[tilespmem:$0x1E800] =	vst v63  }
0x97: {  	_ =	swait.ge [sflag:s24], $0x4000  }
0x98: {  	[sflag:s24] =	ssyncset.done $0x0  }
.Ltmp2:
0x99: {  	s30 =	sadd.s32 $0x15480, s29;
	[sflag:s24] =	ssyncadd.s32 $0xFFFFC000;
	(pc) =	sbr.rel @p0 .LBB2_6-.Ltmp2, $4  }
0x9a: {  	[spmem:s1] =	stream.indirect.scatter.add.f32 [tilespmem:s22], [sflag:$0x3], $0x80, s30, s20, $0xb8;
	[tilespmem:$0x1E800] =	vst v63  }
0x9b: {  	_ =	swait.ge [sflag:s17], $0x4000  }
0x9c: {  	[sflag:s17] =	ssyncset.done $0x0  }
0x9d: {  	s29 =	sadd.s32 $0x14180, s29;
	[sflag:s17] =	ssyncadd.s32 $0xFFFFC000  }
0x9e: {  	[tilespmem:s22], [sflag:$0x2] =	stream.indirect.gather [hbm4b:s4+s20], $0x80, s29, s20, $0xb8;
	[tilespmem:$0x1E800] =	vst v63  }
0x9f: {  	_ =	swait.ge [sflag:s23], $0x4000  }
0xa0: {  	[sflag:s23] =	ssyncset.done $0x0  }
0xa1: {  	[sflag:s23] =	ssyncadd.s32 $0xFFFFC000  }
0xa2: {  	[spmem:s1] =	stream.indirect.scatter.add.f32 [tilespmem:s16], [sflag:$0x3], $0x80, s25, s20, $0xb8;
	[tilespmem:$0x1E800] =	vst v63  }
0xa3: {  	_ =	swait.ge [sflag:s17], $0x4000  }
0xa4: {  	[sflag:s17] =	ssyncset.done $0x0  }
0xa5: {  	[sflag:s17] =	ssyncadd.s32 $0xFFFFC000  }
0xa6: {  	_ =	swait.ge [sflag:s24], $0x4000  }
0xa7: {  	[sflag:s24] =	ssyncset.done $0x0  }
0xa8: {  	[sflag:s24] =	ssyncadd.s32 $0xFFFFC000  }
0xa9: {  	[spmem:s1] =	stream.indirect.scatter.add.f32 [tilespmem:s22], [sflag:$0x3], $0x80, s26, s20, $0xb8;
	[tilespmem:$0x1E800] =	vst v63  }
0xaa: {  	_ =	swait.ge [sflag:s17], $0x4000  }
0xab: {  	s28 =	sshll.u32 s2, $0x6;
	s3 =	sadd.s32 $0x1, s3;
	[sflag:s17] =	ssyncset.done $0x0  }
0xac: {  	s31 =	sshrl.u32 s5, $0x3;
	p0 =	sne.s32 s3, s15;
	[sflag:s17] =	ssyncadd.s32 $0xFFFFC000  }
.Ltmp3:
0xad: {  	s28 =	sor.u32 $0x1C03, s28;
	[bflag:$0x0] =	sbarrier.arrive $0xFFFF;
	(pc) =	sbr.rel @p0 .LBB2_1-.Ltmp3, $4  }
0xae: {  	[hbm:s14], [sflag:s28] =	dma.local [spmem:s31], $0x2800  }
0xaf: {  	_ =	swait.ge [sflag:s17], $0x2800  }
0xb0: {  	[sflag:s17] =	ssyncset.done $0x0  }
0xb1: {  	[sflag:s17] =	ssyncadd.s32 $0xFFFFD800  }
0xb2: {  	_ =	sfence.sel $0x180000  }
0xb3: {  	[bflag:$0x0] =	sbarrier.arrive $0xFFFF  }
0xb4: {  	p0 =	sne.s32 s2, $0x0;
	_ =	strace $0x9000004D  }
0xb5: {  	s0 =	sadd.s32 @!p0 $0x100000, s0;
	[bflag:$0x2] =	sbarrier.arrive $0xFFFF  }
0xb6: {  	[sflag:s0] =	ssyncadd.tile.s32 @!p0 $0x1;
	_ =	shalt  }
.Lfunc_end2:
_tile_overlayer_lowered:
.L_overlay_start_2:
0xb7: {  	(tag) =	ssettag $0x2  }
0xb8: {  	s0 =	rddreg [dreg:$0x0];
	s2 =	stileid.u32  }
0xb9: {  	s1 =	rddreg [dreg:$0x1];
	p0 =	sne.s32 s2, $0x0  }
0xba: {  	s3 =	rddreg [dreg:$0x2];
	[bflag:$0x3] =	sbarrier.arrive $0xFFFF;
	s2 =	simm.s32 @!p0 $0x1C03  }
0xbb: {  	[timem:s3], [sflag:s2] =	dma.local @!p0 [hbm:s0], s1  }
0xbc: {  	s0 =	simm.s32 @!p0 $0x3  }
0xbd: {  	_ =	swait.ge @!p0 [sflag:s0], s1  }
0xbe: {  	s1 =	ssub.s32 @!p0 $0x0, s1;
	[sflag:s0] =	ssyncset.done @!p0 $0x0  }
0xbf: {  	[sflag:s0] =	ssyncadd.s32 @!p0 s1  }
0xc0: {  	[bflag:$0x3] =	sbarrier.arrive $0xFFFF  }
0xc1: {  	_ =	shalt  }

// kernel: kernel.21.cloned.1.call-start
scs
__scs_entry_jumppad:
0x0: {  	(pc) =	sbr.rel $0x88, $3  }
0x1: {  	(tag) =	ssettag $0x0;
	lr =	simm.s32 $0x1  }
0x2: {  	[smem:$0x3F91] =	sst lr;
	_ =	strace $0xD0000000  }
0x3: {  	_ = 	snop  }
0x4: {  	_ = 	snop  }
0x5: {  	_ = 	snop  }
0x6: {  	_ = 	snop  }
0x7: {  	_ = 	snop  }
__scs_overlays_trampoline_lowered:
0x8: {  	[smem:$0x3FA0] =	sst s0  }
0x9: {  	[smem:$0x3FA1] =	sst s1  }
0xa: {  	[smem:$0x3FA2] =	sst s2  }
0xb: {  	[smem:$0x3FA3] =	sst s3  }
0xc: {  	[smem:$0x3FA4] =	sst s4  }
0xd: {  	[smem:$0x3FA5] =	sst s5  }
0xe: {  	[smem:$0x3FA6] =	sst s6  }
0xf: {  	[smem:$0x3FA7] =	sst s7  }
0x10: {  	[smem:$0x3FA8] =	sst s8  }
0x11: {  	[smem:$0x3FA9] =	sst s9;
	s0 =	simm.s32 @!p0 $0x0  }
0x12: {  	s1 =	sld [smem:$0x3F8F];
	s0 =	simm.s32 @p0 $0x1  }
0x13: {  	[smem:$0x3FAA] =	sst s0;
	s0 =	simm.s32 @!p1 $0x0  }
0x14: {  	s2 =	sld [smem:$0x3F8E];
	s0 =	simm.s32 @p1 $0x1  }
0x15: {  	[smem:$0x3FAB] =	sst s0;
	s0 =	simm.s32 @!p2 $0x0  }
0x16: {  	s3 =	sld [smem:$0x3FDB];
	s0 =	simm.s32 @p2 $0x1  }
0x17: {  	s4 =	simm.s32 $0x1BF5;
	[smem:$0x3FAD] =	sst s0  }
0x18: {  	s0 =	sld [smem:$0x3F90];
	_ =	swait.ge [sflag:s4], $0x0  }
0x19: {  	s7 =	sld [smem:$0x3F91]  }
0x1a: {  	s8 =	sadd.s32 $0xFFFFE003, lr  }
0x1b: {  	s9 =	sadd.s32 $0xFFFFFEF7, lr;
	s5 =	simm.s32 $0xFFFFFFFF;
	p2 =	slt.u32 s8, $0xFFFFF086  }
0x1c: {  	p1 =	slt.u32 s9, $0xF7A;
	s5 =	simm.s32 @!p2 $0x0  }
0x1d: {  	s5 =	simm.s32 @p1 $0x1;
	p0 =	seq.s32 s7, s2  }
0x1e: {  	s7 =	smul.u32 @!p0 $0xF7A, s2;
	p2 =	seq.s32 @!p0 s5, $0x0  }
0x1f: {  	s9 =	smul.u32 $0xF7A, s1;
	s8 =	simm.s32 @!p0 $0x1BF5;
	p2 =	por !p2, p0  }
0x20: {  	[sflag:s8] =	ssyncset.s32 @!p0 $0xFFFFF086;
	s6 =	sadd.s32 @!p0 s3, s7;
	s7 =	simm.s32 @!p0 $0x108  }
0x21: {  	s3 =	sadd.s32 s3, s9;
	s6 =	sadd.s32 @!p0 $0x88, s6;
	s7 =	simm.s32 @p2 $0x1082  }
0x22: {  	[simem:s7], [sflag:s8] =	dma.local @!p0 [hbm:s6], $0xF7A  }
0x23: {  	s9 =	sor.u32 $0xD0000000, s2;
	s6 =	simm.s32 $0x108;
	_ =	swait.ge @!p0 [sflag:s8], $0x0  }
0x24: {  	s3 =	sadd.s32 $0x88, s3;
	s6 =	simm.s32 @!p1 $0x1082;
	[sflag:s4] =	ssyncset.s32 $0xFFFFF086  }
0x25: {  	[simem:s6], [sflag:s4] =	dma.local [hbm:s3], $0xF7A  }
0x26: {  	[smem:$0x3F91] =	sst s1;
	(tag) =	ssettag s2;
	_ =	strace s9  }
0x27: {  	s1 =	sld [smem:$0x3FA1]  }
0x28: {  	s2 =	sld [smem:$0x3FA2]  }
0x29: {  	s4 =	sld [smem:$0x3FA4]  }
0x2a: {  	p0 =	seq.s32 s5, $0x0;
	s5 =	sld [smem:$0x3FA5]  }
0x2b: {  	s6 =	sld [smem:$0x3FA6]  }
0x2c: {  	s7 =	sld [smem:$0x3FA7]  }
0x2d: {  	s3 =	simm.s32 $0x108;
	s8 =	sld [smem:$0x3FA8]  }
0x2e: {  	s3 =	simm.s32 @!p0 $0x1082;
	s9 =	sld [smem:$0x3FA9]  }
0x2f: {  	lr =	sadd.s32 s0, s3;
	s0 =	sld [smem:$0x3FA0]  }
0x30: {  	s3 =	sld [smem:$0x3FA3]  }
0x31: {  	[smem:$0x3FAC] =	sst s10  }
0x32: {  	s10 =	sld [smem:$0x3FAA];
	_ =	sdelay $0x3  }
0x33: {  	p0 =	seq.s32 s10, $0x1;
	s10 =	sld [smem:$0x3FAC];
	_ =	sdelay $0x3  }
0x34: {  	[smem:$0x3FAC] =	sst s10  }
0x35: {  	s10 =	sld [smem:$0x3FAB];
	_ =	sdelay $0x3  }
0x36: {  	p1 =	seq.s32 s10, $0x1;
	s10 =	sld [smem:$0x3FAC];
	_ =	sdelay $0x3  }
0x37: {  	[smem:$0x3FAC] =	sst s10  }
0x38: {  	s10 =	sld [smem:$0x3FAD]  }
0x39: {  	_ = 	snop;
	(pc) =	sbr.ind lr, $3  }
0x3a: {  	_ = 	snop  }
0x3b: {  	_ = 	snop  }
0x3c: {  	p2 =	seq.s32 s10, $0x1;
	s10 =	sld [smem:$0x3FAC]  }
0x3d: {  	_ =	shalt  }
0x3e: {  	_ =	shalt  }
0x3f: {  	_ =	shalt  }
0x40: {  	_ =	shalt  }
0x41: {  	_ =	shalt  }
0x42: {  	_ =	shalt  }
0x43: {  	_ =	shalt  }
0x44: {  	_ =	shalt  }
0x45: {  	_ =	shalt  }
0x46: {  	_ =	shalt  }
0x47: {  	_ =	shalt  }
0x48: {  	_ =	shalt  }
0x49: {  	_ =	shalt  }
0x4a: {  	_ =	shalt  }
0x4b: {  	_ =	shalt  }
0x4c: {  	_ =	shalt  }
0x4d: {  	_ =	shalt  }
0x4e: {  	_ =	shalt  }
0x4f: {  	_ =	shalt  }
0x50: {  	_ =	shalt  }
0x51: {  	_ =	shalt  }
0x52: {  	_ =	shalt  }
0x53: {  	_ =	shalt  }
0x54: {  	_ =	shalt  }
0x55: {  	_ =	shalt  }
0x56: {  	_ =	shalt  }
0x57: {  	_ =	shalt  }
0x58: {  	_ =	shalt  }
0x59: {  	_ =	shalt  }
0x5a: {  	_ =	shalt  }
0x5b: {  	_ =	shalt  }
0x5c: {  	_ =	shalt  }
0x5d: {  	_ =	shalt  }
0x5e: {  	_ =	shalt  }
0x5f: {  	_ =	shalt  }
0x60: {  	_ =	shalt  }
0x61: {  	_ =	shalt  }
0x62: {  	_ =	shalt  }
0x63: {  	_ =	shalt  }
0x64: {  	_ =	shalt  }
0x65: {  	_ =	shalt  }
0x66: {  	_ =	shalt  }
0x67: {  	_ =	shalt  }
0x68: {  	_ =	shalt  }
0x69: {  	_ =	shalt  }
0x6a: {  	_ =	shalt  }
0x6b: {  	_ =	shalt  }
0x6c: {  	_ =	shalt  }
0x6d: {  	_ =	shalt  }
0x6e: {  	_ =	shalt  }
0x6f: {  	_ =	shalt  }
0x70: {  	_ =	shalt  }
0x71: {  	_ =	shalt  }
0x72: {  	_ =	shalt  }
0x73: {  	_ =	shalt  }
0x74: {  	_ =	shalt  }
0x75: {  	_ =	shalt  }
0x76: {  	_ =	shalt  }
0x77: {  	_ =	shalt  }
0x78: {  	_ =	shalt  }
0x79: {  	_ =	shalt  }
0x7a: {  	_ =	shalt  }
0x7b: {  	_ =	shalt  }
0x7c: {  	_ =	shalt  }
0x7d: {  	_ =	shalt  }
0x7e: {  	_ =	shalt  }
0x7f: {  	_ =	shalt  }
0x80: {  	_ =	shalt  }
0x81: {  	_ =	shalt  }
0x82: {  	_ =	shalt  }
0x83: {  	_ =	shalt  }
0x84: {  	_ =	shalt  }
0x85: {  	_ =	shalt  }
0x86: {  	_ =	shalt  }
0x87: {  	_ =	shalt  }
.Lfunc_end0:
.L_simem_size_0:
called_computation.3_lowered:
.L_overlay_start_0:
0x88: {  	s2 =	sld [smem:$0x3FD9]  }
0x89: {  	s3 =	sld [smem:$0x3FFE];
	_ =	sdelay $0x1  }
0x8a: {  	s1 =	srdreg.scid  }
0x8b: {  	s0 =	sand.u32 $0x1, s1  }
0x8c: {  	s16 =	sshll.u32 s0, $0xA;
	s2 =	sadd.s32 s3, s2  }
0x8d: {  	s2 =	sadd.s32 s2, s16  }
0x8e: {  	[smem:$0x3FB8] =	sst s2  }
0x8f: {  	_ = 	snop  }
0x90: {  	(tm) =	ssettm $0x1  }
0x91: {  	s17 =	sld [smem:$0x3FFB];
	_ =	sdelay $0x3  }
0x92: {  	_ =	strace s17  }
0x93: {  	s2 =	sld [smem:$0x3FFC];
	_ =	sdelay $0x3  }
0x94: {  	_ =	strace s2  }
0x95: {  	s2 =	sld [smem:$0x3FFD];
	_ =	sdelay $0x3  }
0x96: {  	_ =	strace s2  }
0x97: {  	_ =	strace $0x8FFFFFFF  }
0x98: {  	s18 =	sld [smem:$0x3FDB];
	_ =	sdelay $0x1  }
0x99: {  	s19 =	simm.s32 $_scs_section_size  }
0x9a: {  	s4 =	simm.s32 $_size__tile_overlayer_lowered;
	s5 =	simm.s32 $_tile_overlayer_lowered  }
0x9b: {  	s22 =	simm.s32 $0x1BFF;
	s21 =	sshll.u32 s5, $0x1;
	s2 =	sadd.s32 s19, s18  }
0x9c: {  	s6 =	simm.s32 $0x0;
	s20 =	sshll.u32 s4, $0x1;
	s4 =	sadd.s32 s21, s2  }
0x9d: {  	[timem:s6], [sflag:s22] =	dma.local [hbm:s4], s20  }
0x9e: {  	_ =	swait.ge [sflag:s22], s20  }
0x9f: {  	s3 =	ssub.s32 $0x0, s20;
	[sflag:s22] =	ssyncset.done $0x0  }
0xa0: {  	[sflag:s22] =	ssyncadd.s32 s3;
	_ =	sdelay $0x1  }
0xa1: {  	s23 =	simm.s32 $0x1B8B  }
0xa2: {  	_ =	swait.ge [sflag:s23], $0x1  }
0xa3: {  	[sflag:s23] =	ssyncset.done $0x0  }
0xa4: {  	s25 =	simm.s32 $0x1B8E;
	s24 =	sld [smem:$0x3FFE];
	[sflag:s23] =	ssyncadd.s32 $0xFFFFFFFF  }
0xa5: {  	s26 =	simm.s32 $execute0_lowered;
	[smem:$0x3FD2] =	sst s25  }
0xa6: {  	s4 =	sshll.u32 s26, $0x1;
	_ =	strace $0x8000004F;
	[dreg:$0x1] =	wrdreg $0xFFFFFFFF  }
0xa7: {  	s28 =	simm.s32 $_size_execute0_lowered;
	s2 =	sadd.s32 s2, s4;
	[dreg:$0x0] =	wrdreg $0x0  }
0xa8: {  	s4 =	sshll.u32 s28, $0x1;
	[dreg:$0x2] =	wrdreg s2  }
0xa9: {  	[dreg:$0x3] =	wrdreg s4  }
0xaa: {  	[dreg:$0x4] =	wrdreg $0xC0  }
0xab: {  	_ =	task [dreg:s6], $0x5FFFF  }
0xac: {  	[dreg:$0x1] =	wrdreg $0xFFFFFFFF  }
0xad: {  	[dreg:$0x0] =	wrdreg $0x60  }
0xae: {  	[dreg:$0x2] =	wrdreg s24  }
0xaf: {  	[dreg:$0x3] =	wrdreg $0x0  }
0xb0: {  	[dreg:$0x4] =	wrdreg $0x9  }
0xb1: {  	_ =	task.clear_ibuf [dreg:s6], $0x5FFFF;
	_ =	strace $0x9000004F  }
0xb2: {  	s29 =	simm.s32 $0x9;
	_ =	strace $0x80000051  }
0xb3: {  	_ =	swait.ge [sflag:s29], $0x1  }
0xb4: {  	[sflag:s29] =	ssyncadd.s32 $0xFFFFFFFF  }
0xb5: {  	_ =	strace $0x90000051  }
0xb6: {  	_ =	sfence  }
0xb7: {  	s30 =	sld [smem:$0x0];
	_ =	sdelay $0x2  }
0xb8: {  	s31 =	sshll.u32 s1, $0xD;
	s1 =	sshrl.u32 s1, $0x2  }
0xb9: {  	s3 =	sand.u32 $0x4000, s31;
	s1 =	sadd.s32 s1, s30  }
0xba: {  	s0 =	sor.u32 s3, s0;
	s1 =	sshll.u32 s1, $0x11  }
0xbb: {  	s0 =	sor.u32 s1, s0  }
0xbc: {  	s0 =	sadd.s32 $0x8F2B, s0  }
0xbd: {  	[sflag:s0] =	ssyncadd.remote.s32 $0x1  }
0xbe: {  	_ =	sfence.sel $0xFFFF  }
0xbf: {  	[dreg:$0x0] =	wrdreg $0xFFFFFFFF;
	(pc) =	sbr.abs _section_cstart, $3  }
0xc0: {  	[dreg:$0x1] =	wrdreg $0xFFFFFFFF  }
0xc1: {  	_ =	task.clear_ibuf [dreg:s6], $0x2FFFF;
	_ =	strace $0x9FFFFFFF  }
0xc2: {  	(tm) =	ssettm $0x7FFFFFFF  }
0xc3: {  	_ =	shalt  }
tec
execute0_lowered:
.L_overlay_start_1:
0x0: {  	(tag) =	ssettag $0x1  }
0x1: {  	s5 =	rddreg [dreg:$0x0]  }
0x2: {  	s1 =	rddreg [dreg:$0x1]  }
0x3: {  	s2 =	srdreg.scid;
	s0 =	rddreg [dreg:$0x2];
	s3 =	simm.s32 $0x0  }
0x4: {  	s18 =	simm.s32 $0x14000;
	s19 =	simm.s32 $0x15400;
	s20 =	simm.s32 $0x80  }
0x5: {  	s21 =	simm.s32 $0x14080;
	s22 =	simm.s32 $0x1A800;
	s23 =	simm.s32 $0x1  }
0x6: {  	s24 =	simm.s32 $0x2;
	s25 =	simm.s32 $0x16700;
	s6 =	sand.u32 $0x1, s2  }
0x7: {  	s2 =	stileid.u32;
	[smem:$0x7FF] =	sst s3;
	s4 =	sadd.s32 $0x74000, s5  }
0x8: {  	s12 =	sadd.s32 $0x1A000, s5;
	s13 =	sadd.s32 $0xEA00, s5;
	s7 =	smul.u32 $0x140000, s6  }
0x9: {  	s8 =	smul.u32 $0x14000, s2;
	_ =	strace $0x80000050;
	s29 =	sshll.u32 s2, $0x1  }
0xa: {  	s26 =	smul.u32 $0x50000, s2;
	s28 =	ssub.s32 $0x2, s6;
	s10 =	sor.u32 s6, s29  }
0xb: {  	s9 =	sshrl.u32 s28, $0x1;
	s7 =	sadd.s32 s8, s7;
	s11 =	smul.u32 $0x2800, s10  }
0xc: {  	s30 =	sshrl.u32 s26, $0x2;
	s15 =	ssub.s32 s28, s9;
	s16 =	smul.u32 $0x500, s10  }
0xd: {  	s26 =	simm.s32 $0x16780;
	s7 =	sshrl.u32 s7, $0x3;
	s15 =	smax.u32 s15, $0x1  }
0xe: {  	s14 =	sadd.s32 s7, s5;
	s5 =	sadd.s32 s30, s1;
	s17 =	sshrl.u32 s11, $0x3  }
0xf: {  	s10 =	sadd.s32 s12, s16;
	s11 =	sadd.s32 s13, s16;
	s16 =	simm.s32 $0x16800  }
0x10: {  	s6 =	sadd.s32 $0x4000, s5;
	s7 =	sadd.s32 $0x8000, s5;
	s8 =	sadd.s32 $0xC000, s5  }
0x11: {  	s9 =	sadd.s32 $0x10000, s5;
	s31 =	sadd.s32 $0x280, s17;
	s14 =	sadd.s32 $0x9B200, s14  }
0x12: {  	v0 =	vimm.f32 $0.0e+00;
	s17 =	simm.s32 $0x3;
	s12 =	sadd.s32 s12, s31;
	s13 =	sadd.s32 s13, s31  }
.LBB2_1:
0x13: {  	s28 =	simm.s32 $0x0;
	s29 =	simm.s32 $0x200  }
.LBB2_2:
0x14: {  	p0 =	sne.s32 s29, $0xFE00;
	[tilespmem:s28+$0x16870] =	vst v0  }
0x15: {  	[tilespmem:s28+$0x16800] =	vst v0  }
0x16: {  	[tilespmem:s28+$0x16810] =	vst v0  }
.Ltmp0:
0x17: {  	[tilespmem:s28+$0x16820] =	vst v0;
	(pc) =	sbr.rel @p0 .LBB2_2-.Ltmp0, $4  }
0x18: {  	[tilespmem:s28+$0x16830] =	vst v0  }
0x19: {  	[tilespmem:s28+$0x16840] =	vst v0  }
0x1a: {  	[tilespmem:s28+$0x16850] =	vst v0  }
0x1b: {  	[tilespmem:s28+$0x16860] =	vst v0;
	s28 =	sshra.s32 s29, $0x2;
	s29 =	sadd.s32 $0x200, s29  }
0x1c: {  	[tilespmem:s28+$0x16870] =	vst v0  }
0x1d: {  	[tilespmem:s28+$0x16800] =	vst v0  }
0x1e: {  	[tilespmem:s28+$0x16810] =	vst v0  }
0x1f: {  	[tilespmem:s28+$0x16820] =	vst v0  }
0x20: {  	[tilespmem:s28+$0x16830] =	vst v0  }
0x21: {  	[tilespmem:s28+$0x16840] =	vst v0  }
0x22: {  	[tilespmem:s28+$0x16850] =	vst v0  }
0x23: {  	[tilespmem:s28+$0x16860] =	vst v0  }
0x24: {  	[spmem:s5] =	stream.linear.scatter [tilespmem:s16], [sflag:$0x3], $0x4000, $0x38;
	[tilespmem:$0x1E800] =	vst v63  }
0x25: {  	_ =	swait.ge [sflag:s17], $0x4000  }
0x26: {  	[sflag:s17] =	ssyncset.done $0x0  }
0x27: {  	[sflag:s17] =	ssyncadd.s32 $0xFFFFC000  }
0x28: {  	[spmem:s6] =	stream.linear.scatter [tilespmem:s16], [sflag:$0x3], $0x4000, $0x38;
	[tilespmem:$0x1E800] =	vst v63  }
0x29: {  	_ =	swait.ge [sflag:s17], $0x4000  }
0x2a: {  	[sflag:s17] =	ssyncset.done $0x0  }
0x2b: {  	[sflag:s17] =	ssyncadd.s32 $0xFFFFC000  }
0x2c: {  	[spmem:s7] =	stream.linear.scatter [tilespmem:s16], [sflag:$0x3], $0x4000, $0x38;
	[tilespmem:$0x1E800] =	vst v63  }
0x2d: {  	_ =	swait.ge [sflag:s17], $0x4000  }
0x2e: {  	[sflag:s17] =	ssyncset.done $0x0  }
0x2f: {  	[sflag:s17] =	ssyncadd.s32 $0xFFFFC000  }
0x30: {  	[spmem:s8] =	stream.linear.scatter [tilespmem:s16], [sflag:$0x3], $0x4000, $0x38;
	[tilespmem:$0x1E800] =	vst v63  }
0x31: {  	_ =	swait.ge [sflag:s17], $0x4000  }
0x32: {  	[sflag:s17] =	ssyncset.done $0x0  }
0x33: {  	[sflag:s17] =	ssyncadd.s32 $0xFFFFC000  }
0x34: {  	[spmem:s9] =	stream.linear.scatter [tilespmem:s16], [sflag:$0x3], $0x4000, $0x38;
	[tilespmem:$0x1E800] =	vst v63  }
0x35: {  	_ =	swait.ge [sflag:s17], $0x4000  }
0x36: {  	[sflag:s17] =	ssyncset.done $0x0  }
0x37: {  	[sflag:s17] =	ssyncadd.s32 $0xFFFFC000  }
0x38: {  	s28 =	simm.s32 $0x0;
	[bflag:$0x0] =	sbarrier.arrive $0xFFFF  }
0x39: {  	[tilespmem:s18], [sflag:$0x3] =	stream.linear.gather [hbm4b:s10+s28], $0x1400, $0x38;
	[tilespmem:$0x1E800] =	vst v63  }
0x3a: {  	_ =	swait.ge [sflag:s17], $0x1400  }
0x3b: {  	[sflag:s17] =	ssyncset.done $0x0  }
0x3c: {  	[sflag:s17] =	ssyncadd.s32 $0xFFFFEC00  }
0x3d: {  	[tilespmem:s19], [sflag:$0x3] =	stream.linear.gather [hbm4b:s11+s28], $0x1400, $0x38;
	[tilespmem:$0x1E800] =	vst v63  }
0x3e: {  	_ =	swait.ge [sflag:s17], $0x1400  }
0x3f: {  	[sflag:s17] =	ssyncset.done $0x0  }
0x40: {  	[sflag:s17] =	ssyncadd.s32 $0xFFFFEC00  }
0x41: {  	[tilespmem:s16], [sflag:$0x1] =	stream.indirect.gather [hbm4b:s4+s20], $0x80, s18, s20, $0xb8;
	[tilespmem:$0x1E800] =	vst v63  }
0x42: {  	_ = 	snop  }
0x43: {  	[tilespmem:s22], [sflag:$0x2] =	stream.indirect.gather [hbm4b:s4+s20], $0x80, s21, s20, $0xb8;
	[tilespmem:$0x1E800] =	vst v63  }
0x44: {  	_ =	swait.ge [sflag:s23], $0x4000  }
0x45: {  	[sflag:s23] =	ssyncset.done $0x0  }
0x46: {  	s28 =	simm.s32 $0x15400;
	[sflag:s23] =	ssyncadd.s32 $0xFFFFC000  }
0x47: {  	[spmem:s1] =	stream.indirect.scatter.add.f32 [tilespmem:s16], [sflag:$0x3], $0x80, s28, s20, $0xb8;
	[tilespmem:$0x1E800] =	vst v63  }
0x48: {  	_ =	swait.ge [sflag:s17], $0x4000  }
0x49: {  	[sflag:s17] =	ssyncset.done $0x0  }
0x4a: {  	s28 =	simm.s32 $0x14100;
	[sflag:s17] =	ssyncadd.s32 $0xFFFFC000  }
0x4b: {  	[tilespmem:s16], [sflag:$0x1] =	stream.indirect.gather [hbm4b:s4+s20], $0x80, s28, s20, $0xb8;
	[tilespmem:$0x1E800] =	vst v63  }
0x4c: {  	_ =	swait.ge [sflag:s24], $0x4000  }
0x4d: {  	[sflag:s24] =	ssyncset.done $0x0  }
0x4e: {  	s28 =	simm.s32 $0x15480;
	[sflag:s24] =	ssyncadd.s32 $0xFFFFC000  }
0x4f: {  	[spmem:s1] =	stream.indirect.scatter.add.f32 [tilespmem:s22], [sflag:$0x3], $0x80, s28, s20, $0xb8;
	[tilespmem:$0x1E800] =	vst v63  }
0x50: {  	_ =	swait.ge [sflag:s17], $0x4000  }
0x51: {  	[sflag:s17] =	ssyncset.done $0x0  }
0x52: {  	s29 =	simm.s32 $0x14180;
	s28 =	simm.s32 $0x400;
	[sflag:s17] =	ssyncadd.s32 $0xFFFFC000  }
.LBB2_4:
0x53: {  	[tilespmem:s22], [sflag:$0x2] =	stream.indirect.gather [hbm4b:s4+s20], $0x80, s29, s20, $0xb8;
	[tilespmem:$0x1E800] =	vst v63  }
0x54: {  	s29 =	smov.u32 s28  }
0x55: {  	p0 =	sne.s32 s28, $0x4800;
	s28 =	sadd.s32 $0x400, s28;
	_ =	swait.ge [sflag:s23], $0x4000  }
0x56: {  	s29 =	sshra.s32 s29, $0x2;
	[sflag:s23] =	ssyncset.done $0x0  }
0x57: {  	s30 =	sadd.s32 $0x15400, s29;
	[sflag:s23] =	ssyncadd.s32 $0xFFFFC000  }
0x58: {  	[spmem:s1] =	stream.indirect.scatter.add.f32 [tilespmem:s16], [sflag:$0x3], $0x80, s30, s20, $0xb8;
	[tilespmem:$0x1E800] =	vst v63  }
0x59: {  	_ =	swait.ge [sflag:s17], $0x4000  }
0x5a: {  	[sflag:s17] =	ssyncset.done $0x0  }
0x5b: {  	s30 =	sadd.s32 $0x14100, s29;
	[sflag:s17] =	ssyncadd.s32 $0xFFFFC000  }
0x5c: {  	[tilespmem:s16], [sflag:$0x1] =	stream.indirect.gather [hbm4b:s4+s20], $0x80, s30, s20, $0xb8;
	[tilespmem:$0x1E800] =	vst v63  }
0x5d: {  	_ =	swait.ge [sflag:s24], $0x4000  }
0x5e: {  	[sflag:s24] =	ssyncset.done $0x0  }
.Ltmp1:
0x5f: {  	s30 =	sadd.s32 $0x15480, s29;
	[sflag:s24] =	ssyncadd.s32 $0xFFFFC000;
	(pc) =	sbr.rel @p0 .LBB2_4-.Ltmp1, $4  }
0x60: {  	[spmem:s1] =	stream.indirect.scatter.add.f32 [tilespmem:s22], [sflag:$0x3], $0x80, s30, s20, $0xb8;
	[tilespmem:$0x1E800] =	vst v63  }
0x61: {  	_ =	swait.ge [sflag:s17], $0x4000  }
0x62: {  	[sflag:s17] =	ssyncset.done $0x0  }
0x63: {  	s29 =	sadd.s32 $0x14180, s29;
	[sflag:s17] =	ssyncadd.s32 $0xFFFFC000  }
0x64: {  	[tilespmem:s22], [sflag:$0x2] =	stream.indirect.gather [hbm4b:s4+s20], $0x80, s29, s20, $0xb8;
	[tilespmem:$0x1E800] =	vst v63  }
0x65: {  	_ =	swait.ge [sflag:s23], $0x4000  }
0x66: {  	[sflag:s23] =	ssyncset.done $0x0  }
0x67: {  	[sflag:s23] =	ssyncadd.s32 $0xFFFFC000  }
0x68: {  	[spmem:s1] =	stream.indirect.scatter.add.f32 [tilespmem:s16], [sflag:$0x3], $0x80, s25, s20, $0xb8;
	[tilespmem:$0x1E800] =	vst v63  }
0x69: {  	_ =	swait.ge [sflag:s17], $0x4000  }
0x6a: {  	[sflag:s17] =	ssyncset.done $0x0  }
0x6b: {  	[sflag:s17] =	ssyncadd.s32 $0xFFFFC000  }
0x6c: {  	_ =	swait.ge [sflag:s24], $0x4000  }
0x6d: {  	[sflag:s24] =	ssyncset.done $0x0  }
0x6e: {  	[sflag:s24] =	ssyncadd.s32 $0xFFFFC000  }
0x6f: {  	[spmem:s1] =	stream.indirect.scatter.add.f32 [tilespmem:s22], [sflag:$0x3], $0x80, s26, s20, $0xb8;
	[tilespmem:$0x1E800] =	vst v63  }
0x70: {  	_ =	swait.ge [sflag:s17], $0x4000  }
0x71: {  	[sflag:s17] =	ssyncset.done $0x0  }
0x72: {  	s28 =	simm.s32 $0x0;
	[sflag:s17] =	ssyncadd.s32 $0xFFFFC000  }
0x73: {  	[tilespmem:s18], [sflag:$0x3] =	stream.linear.gather [hbm4b:s12+s28], $0x1400, $0x38;
	[tilespmem:$0x1E800] =	vst v63  }
0x74: {  	_ =	swait.ge [sflag:s17], $0x1400  }
0x75: {  	[sflag:s17] =	ssyncset.done $0x0  }
0x76: {  	[sflag:s17] =	ssyncadd.s32 $0xFFFFEC00  }
0x77: {  	[tilespmem:s19], [sflag:$0x3] =	stream.linear.gather [hbm4b:s13+s28], $0x1400, $0x38;
	[tilespmem:$0x1E800] =	vst v63  }
0x78: {  	_ =	swait.ge [sflag:s17], $0x1400  }
0x79: {  	[sflag:s17] =	ssyncset.done $0x0  }
0x7a: {  	[sflag:s17] =	ssyncadd.s32 $0xFFFFEC00  }
0x7b: {  	[tilespmem:s16], [sflag:$0x1] =	stream.indirect.gather [hbm4b:s4+s20], $0x80, s18, s20, $0xb8;
	[tilespmem:$0x1E800] =	vst v63  }
0x7c: {  	_ = 	snop  }
0x7d: {  	[tilespmem:s22], [sflag:$0x2] =	stream.indirect.gather [hbm4b:s4+s20], $0x80, s21, s20, $0xb8;
	[tilespmem:$0x1E800] =	vst v63  }
0x7e: {  	_ =	swait.ge [sflag:s23], $0x4000  }
0x7f: {  	[sflag:s23] =	ssyncset.done $0x0  }
0x80: {  	s28 =	simm.s32 $0x15400;
	[sflag:s23] =	ssyncadd.s32 $0xFFFFC000  }
0x81: {  	[spmem:s1] =	stream.indirect.scatter.add.f32 [tilespmem:s16], [sflag:$0x3], $0x80, s28, s20, $0xb8;
	[tilespmem:$0x1E800] =	vst v63  }
0x82: {  	_ =	swait.ge [sflag:s17], $0x4000  }
0x83: {  	[sflag:s17] =	ssyncset.done $0x0  }
0x84: {  	s28 =	simm.s32 $0x14100;
	[sflag:s17] =	ssyncadd.s32 $0xFFFFC000  }
0x85: {  	[tilespmem:s16], [sflag:$0x1] =	stream.indirect.gather [hbm4b:s4+s20], $0x80, s28, s20, $0xb8;
	[tilespmem:$0x1E800] =	vst v63  }
0x86: {  	_ =	swait.ge [sflag:s24], $0x4000  }
0x87: {  	[sflag:s24] =	ssyncset.done $0x0  }
0x88: {  	s28 =	simm.s32 $0x15480;
	[sflag:s24] =	ssyncadd.s32 $0xFFFFC000  }
0x89: {  	[spmem:s1] =	stream.indirect.scatter.add.f32 [tilespmem:s22], [sflag:$0x3], $0x80, s28, s20, $0xb8;
	[tilespmem:$0x1E800] =	vst v63  }
0x8a: {  	_ =	swait.ge [sflag:s17], $0x4000  }
0x8b: {  	[sflag:s17] =	ssyncset.done $0x0  }
0x8c: {  	s29 =	simm.s32 $0x14180;
	s28 =	simm.s32 $0x400;
	[sflag:s17] =	ssyncadd.s32 $0xFFFFC000  }
.LBB2_6:
0x8d: {  	[tilespmem:s22], [sflag:$0x2] =	stream.indirect.gather [hbm4b:s4+s20], $0x80, s29, s20, $0xb8;
	[tilespmem:$0x1E800] =	vst v63  }
0x8e: {  	s29 =	smov.u32 s28  }
0x8f: {  	p0 =	sne.s32 s28, $0x4800;
	s28 =	sadd.s32 $0x400, s28;
	_ =	swait.ge [sflag:s23], $0x4000  }
0x90: {  	s29 =	sshra.s32 s29, $0x2;
	[sflag:s23] =	ssyncset.done $0x0  }
0x91: {  	s30 =	sadd.s32 $0x15400, s29;
	[sflag:s23] =	ssyncadd.s32 $0xFFFFC000  }
0x92: {  	[spmem:s1] =	stream.indirect.scatter.add.f32 [tilespmem:s16], [sflag:$0x3], $0x80, s30, s20, $0xb8;
	[tilespmem:$0x1E800] =	vst v63  }
0x93: {  	_ =	swait.ge [sflag:s17], $0x4000  }
0x94: {  	[sflag:s17] =	ssyncset.done $0x0  }
0x95: {  	s30 =	sadd.s32 $0x14100, s29;
	[sflag:s17] =	ssyncadd.s32 $0xFFFFC000  }
0x96: {  	[tilespmem:s16], [sflag:$0x1] =	stream.indirect.gather [hbm4b:s4+s20], $0x80, s30, s20, $0xb8;
	[tilespmem:$0x1E800] =	vst v63  }
0x97: {  	_ =	swait.ge [sflag:s24], $0x4000  }
0x98: {  	[sflag:s24] =	ssyncset.done $0x0  }
.Ltmp2:
0x99: {  	s30 =	sadd.s32 $0x15480, s29;
	[sflag:s24] =	ssyncadd.s32 $0xFFFFC000;
	(pc) =	sbr.rel @p0 .LBB2_6-.Ltmp2, $4  }
0x9a: {  	[spmem:s1] =	stream.indirect.scatter.add.f32 [tilespmem:s22], [sflag:$0x3], $0x80, s30, s20, $0xb8;
	[tilespmem:$0x1E800] =	vst v63  }
0x9b: {  	_ =	swait.ge [sflag:s17], $0x4000  }
0x9c: {  	[sflag:s17] =	ssyncset.done $0x0  }
0x9d: {  	s29 =	sadd.s32 $0x14180, s29;
	[sflag:s17] =	ssyncadd.s32 $0xFFFFC000  }
0x9e: {  	[tilespmem:s22], [sflag:$0x2] =	stream.indirect.gather [hbm4b:s4+s20], $0x80, s29, s20, $0xb8;
	[tilespmem:$0x1E800] =	vst v63  }
0x9f: {  	_ =	swait.ge [sflag:s23], $0x4000  }
0xa0: {  	[sflag:s23] =	ssyncset.done $0x0  }
0xa1: {  	[sflag:s23] =	ssyncadd.s32 $0xFFFFC000  }
0xa2: {  	[spmem:s1] =	stream.indirect.scatter.add.f32 [tilespmem:s16], [sflag:$0x3], $0x80, s25, s20, $0xb8;
	[tilespmem:$0x1E800] =	vst v63  }
0xa3: {  	_ =	swait.ge [sflag:s17], $0x4000  }
0xa4: {  	[sflag:s17] =	ssyncset.done $0x0  }
0xa5: {  	[sflag:s17] =	ssyncadd.s32 $0xFFFFC000  }
0xa6: {  	_ =	swait.ge [sflag:s24], $0x4000  }
0xa7: {  	[sflag:s24] =	ssyncset.done $0x0  }
0xa8: {  	[sflag:s24] =	ssyncadd.s32 $0xFFFFC000  }
0xa9: {  	[spmem:s1] =	stream.indirect.scatter.add.f32 [tilespmem:s22], [sflag:$0x3], $0x80, s26, s20, $0xb8;
	[tilespmem:$0x1E800] =	vst v63  }
0xaa: {  	_ =	swait.ge [sflag:s17], $0x4000  }
0xab: {  	s28 =	sshll.u32 s2, $0x6;
	s3 =	sadd.s32 $0x1, s3;
	[sflag:s17] =	ssyncset.done $0x0  }
0xac: {  	s31 =	sshrl.u32 s5, $0x3;
	p0 =	sne.s32 s3, s15;
	[sflag:s17] =	ssyncadd.s32 $0xFFFFC000  }
.Ltmp3:
0xad: {  	s28 =	sor.u32 $0x1C03, s28;
	[bflag:$0x0] =	sbarrier.arrive $0xFFFF;
	(pc) =	sbr.rel @p0 .LBB2_1-.Ltmp3, $4  }
0xae: {  	[hbm:s14], [sflag:s28] =	dma.local [spmem:s31], $0x2800  }
0xaf: {  	_ =	swait.ge [sflag:s17], $0x2800  }
0xb0: {  	[sflag:s17] =	ssyncset.done $0x0  }
0xb1: {  	[sflag:s17] =	ssyncadd.s32 $0xFFFFD800  }
0xb2: {  	_ =	sfence.sel $0x180000  }
0xb3: {  	[bflag:$0x0] =	sbarrier.arrive $0xFFFF  }
0xb4: {  	p0 =	sne.s32 s2, $0x0;
	_ =	strace $0x90000050  }
0xb5: {  	s0 =	sadd.s32 @!p0 $0x100000, s0;
	[bflag:$0x2] =	sbarrier.arrive $0xFFFF  }
0xb6: {  	[sflag:s0] =	ssyncadd.tile.s32 @!p0 $0x1;
	_ =	shalt  }
.Lfunc_end2:
_tile_overlayer_lowered:
.L_overlay_start_2:
0xb7: {  	(tag) =	ssettag $0x2  }
0xb8: {  	s0 =	rddreg [dreg:$0x0];
	s2 =	stileid.u32  }
0xb9: {  	s1 =	rddreg [dreg:$0x1];
	p0 =	sne.s32 s2, $0x0  }
0xba: {  	s3 =	rddreg [dreg:$0x2];
	[bflag:$0x3] =	sbarrier.arrive $0xFFFF;
	s2 =	simm.s32 @!p0 $0x1C03  }
0xbb: {  	[timem:s3], [sflag:s2] =	dma.local @!p0 [hbm:s0], s1  }
0xbc: {  	s0 =	simm.s32 @!p0 $0x3  }
0xbd: {  	_ =	swait.ge @!p0 [sflag:s0], s1  }
0xbe: {  	s1 =	ssub.s32 @!p0 $0x0, s1;
	[sflag:s0] =	ssyncset.done @!p0 $0x0  }
0xbf: {  	[sflag:s0] =	ssyncadd.s32 @!p0 s1  }
0xc0: {  	[bflag:$0x3] =	sbarrier.arrive $0xFFFF  }
0xc1: {  	_ =	shalt  }

// kernel: kernel.24.cloned.1.call-start
scs
__scs_entry_jumppad:
0x0: {  	(pc) =	sbr.rel $0x88, $3  }
0x1: {  	(tag) =	ssettag $0x0;
	lr =	simm.s32 $0x1  }
0x2: {  	[smem:$0x3F91] =	sst lr;
	_ =	strace $0xD0000000  }
0x3: {  	_ = 	snop  }
0x4: {  	_ = 	snop  }
0x5: {  	_ = 	snop  }
0x6: {  	_ = 	snop  }
0x7: {  	_ = 	snop  }
__scs_overlays_trampoline_lowered:
0x8: {  	[smem:$0x3FA0] =	sst s0  }
0x9: {  	[smem:$0x3FA1] =	sst s1  }
0xa: {  	[smem:$0x3FA2] =	sst s2  }
0xb: {  	[smem:$0x3FA3] =	sst s3  }
0xc: {  	[smem:$0x3FA4] =	sst s4  }
0xd: {  	[smem:$0x3FA5] =	sst s5  }
0xe: {  	[smem:$0x3FA6] =	sst s6  }
0xf: {  	[smem:$0x3FA7] =	sst s7  }
0x10: {  	[smem:$0x3FA8] =	sst s8  }
0x11: {  	[smem:$0x3FA9] =	sst s9;
	s0 =	simm.s32 @!p0 $0x0  }
0x12: {  	s1 =	sld [smem:$0x3F8F];
	s0 =	simm.s32 @p0 $0x1  }
0x13: {  	[smem:$0x3FAA] =	sst s0;
	s0 =	simm.s32 @!p1 $0x0  }
0x14: {  	s2 =	sld [smem:$0x3F8E];
	s0 =	simm.s32 @p1 $0x1  }
0x15: {  	[smem:$0x3FAB] =	sst s0;
	s0 =	simm.s32 @!p2 $0x0  }
0x16: {  	s3 =	sld [smem:$0x3FDB];
	s0 =	simm.s32 @p2 $0x1  }
0x17: {  	s4 =	simm.s32 $0x1BF5;
	[smem:$0x3FAD] =	sst s0  }
0x18: {  	s0 =	sld [smem:$0x3F90];
	_ =	swait.ge [sflag:s4], $0x0  }
0x19: {  	s7 =	sld [smem:$0x3F91]  }
0x1a: {  	s8 =	sadd.s32 $0xFFFFE003, lr  }
0x1b: {  	s9 =	sadd.s32 $0xFFFFFEF7, lr;
	s5 =	simm.s32 $0xFFFFFFFF;
	p2 =	slt.u32 s8, $0xFFFFF086  }
0x1c: {  	p1 =	slt.u32 s9, $0xF7A;
	s5 =	simm.s32 @!p2 $0x0  }
0x1d: {  	s5 =	simm.s32 @p1 $0x1;
	p0 =	seq.s32 s7, s2  }
0x1e: {  	s7 =	smul.u32 @!p0 $0xF7A, s2;
	p2 =	seq.s32 @!p0 s5, $0x0  }
0x1f: {  	s9 =	smul.u32 $0xF7A, s1;
	s8 =	simm.s32 @!p0 $0x1BF5;
	p2 =	por !p2, p0  }
0x20: {  	[sflag:s8] =	ssyncset.s32 @!p0 $0xFFFFF086;
	s6 =	sadd.s32 @!p0 s3, s7;
	s7 =	simm.s32 @!p0 $0x108  }
0x21: {  	s3 =	sadd.s32 s3, s9;
	s6 =	sadd.s32 @!p0 $0x88, s6;
	s7 =	simm.s32 @p2 $0x1082  }
0x22: {  	[simem:s7], [sflag:s8] =	dma.local @!p0 [hbm:s6], $0xF7A  }
0x23: {  	s9 =	sor.u32 $0xD0000000, s2;
	s6 =	simm.s32 $0x108;
	_ =	swait.ge @!p0 [sflag:s8], $0x0  }
0x24: {  	s3 =	sadd.s32 $0x88, s3;
	s6 =	simm.s32 @!p1 $0x1082;
	[sflag:s4] =	ssyncset.s32 $0xFFFFF086  }
0x25: {  	[simem:s6], [sflag:s4] =	dma.local [hbm:s3], $0xF7A  }
0x26: {  	[smem:$0x3F91] =	sst s1;
	(tag) =	ssettag s2;
	_ =	strace s9  }
0x27: {  	s1 =	sld [smem:$0x3FA1]  }
0x28: {  	s2 =	sld [smem:$0x3FA2]  }
0x29: {  	s4 =	sld [smem:$0x3FA4]  }
0x2a: {  	p0 =	seq.s32 s5, $0x0;
	s5 =	sld [smem:$0x3FA5]  }
0x2b: {  	s6 =	sld [smem:$0x3FA6]  }
0x2c: {  	s7 =	sld [smem:$0x3FA7]  }
0x2d: {  	s3 =	simm.s32 $0x108;
	s8 =	sld [smem:$0x3FA8]  }
0x2e: {  	s3 =	simm.s32 @!p0 $0x1082;
	s9 =	sld [smem:$0x3FA9]  }
0x2f: {  	lr =	sadd.s32 s0, s3;
	s0 =	sld [smem:$0x3FA0]  }
0x30: {  	s3 =	sld [smem:$0x3FA3]  }
0x31: {  	[smem:$0x3FAC] =	sst s10  }
0x32: {  	s10 =	sld [smem:$0x3FAA];
	_ =	sdelay $0x3  }
0x33: {  	p0 =	seq.s32 s10, $0x1;
	s10 =	sld [smem:$0x3FAC];
	_ =	sdelay $0x3  }
0x34: {  	[smem:$0x3FAC] =	sst s10  }
0x35: {  	s10 =	sld [smem:$0x3FAB];
	_ =	sdelay $0x3  }
0x36: {  	p1 =	seq.s32 s10, $0x1;
	s10 =	sld [smem:$0x3FAC];
	_ =	sdelay $0x3  }
0x37: {  	[smem:$0x3FAC] =	sst s10  }
0x38: {  	s10 =	sld [smem:$0x3FAD]  }
0x39: {  	_ = 	snop;
	(pc) =	sbr.ind lr, $3  }
0x3a: {  	_ = 	snop  }
0x3b: {  	_ = 	snop  }
0x3c: {  	p2 =	seq.s32 s10, $0x1;
	s10 =	sld [smem:$0x3FAC]  }
0x3d: {  	_ =	shalt  }
0x3e: {  	_ =	shalt  }
0x3f: {  	_ =	shalt  }
0x40: {  	_ =	shalt  }
0x41: {  	_ =	shalt  }
0x42: {  	_ =	shalt  }
0x43: {  	_ =	shalt  }
0x44: {  	_ =	shalt  }
0x45: {  	_ =	shalt  }
0x46: {  	_ =	shalt  }
0x47: {  	_ =	shalt  }
0x48: {  	_ =	shalt  }
0x49: {  	_ =	shalt  }
0x4a: {  	_ =	shalt  }
0x4b: {  	_ =	shalt  }
0x4c: {  	_ =	shalt  }
0x4d: {  	_ =	shalt  }
0x4e: {  	_ =	shalt  }
0x4f: {  	_ =	shalt  }
0x50: {  	_ =	shalt  }
0x51: {  	_ =	shalt  }
0x52: {  	_ =	shalt  }
0x53: {  	_ =	shalt  }
0x54: {  	_ =	shalt  }
0x55: {  	_ =	shalt  }
0x56: {  	_ =	shalt  }
0x57: {  	_ =	shalt  }
0x58: {  	_ =	shalt  }
0x59: {  	_ =	shalt  }
0x5a: {  	_ =	shalt  }
0x5b: {  	_ =	shalt  }
0x5c: {  	_ =	shalt  }
0x5d: {  	_ =	shalt  }
0x5e: {  	_ =	shalt  }
0x5f: {  	_ =	shalt  }
0x60: {  	_ =	shalt  }
0x61: {  	_ =	shalt  }
0x62: {  	_ =	shalt  }
0x63: {  	_ =	shalt  }
0x64: {  	_ =	shalt  }
0x65: {  	_ =	shalt  }
0x66: {  	_ =	shalt  }
0x67: {  	_ =	shalt  }
0x68: {  	_ =	shalt  }
0x69: {  	_ =	shalt  }
0x6a: {  	_ =	shalt  }
0x6b: {  	_ =	shalt  }
0x6c: {  	_ =	shalt  }
0x6d: {  	_ =	shalt  }
0x6e: {  	_ =	shalt  }
0x6f: {  	_ =	shalt  }
0x70: {  	_ =	shalt  }
0x71: {  	_ =	shalt  }
0x72: {  	_ =	shalt  }
0x73: {  	_ =	shalt  }
0x74: {  	_ =	shalt  }
0x75: {  	_ =	shalt  }
0x76: {  	_ =	shalt  }
0x77: {  	_ =	shalt  }
0x78: {  	_ =	shalt  }
0x79: {  	_ =	shalt  }
0x7a: {  	_ =	shalt  }
0x7b: {  	_ =	shalt  }
0x7c: {  	_ =	shalt  }
0x7d: {  	_ =	shalt  }
0x7e: {  	_ =	shalt  }
0x7f: {  	_ =	shalt  }
0x80: {  	_ =	shalt  }
0x81: {  	_ =	shalt  }
0x82: {  	_ =	shalt  }
0x83: {  	_ =	shalt  }
0x84: {  	_ =	shalt  }
0x85: {  	_ =	shalt  }
0x86: {  	_ =	shalt  }
0x87: {  	_ =	shalt  }
.Lfunc_end0:
.L_simem_size_0:
called_computation.4_lowered:
.L_overlay_start_0:
0x88: {  	s2 =	sld [smem:$0x3FD9]  }
0x89: {  	s3 =	sld [smem:$0x3FFE];
	_ =	sdelay $0x1  }
0x8a: {  	s1 =	srdreg.scid  }
0x8b: {  	s0 =	sand.u32 $0x1, s1  }
0x8c: {  	s16 =	sshll.u32 s0, $0xA;
	s2 =	sadd.s32 s3, s2  }
0x8d: {  	s2 =	sadd.s32 s2, s16  }
0x8e: {  	[smem:$0x3FB8] =	sst s2  }
0x8f: {  	_ = 	snop  }
0x90: {  	(tm) =	ssettm $0x1  }
0x91: {  	s17 =	sld [smem:$0x3FFB];
	_ =	sdelay $0x3  }
0x92: {  	_ =	strace s17  }
0x93: {  	s2 =	sld [smem:$0x3FFC];
	_ =	sdelay $0x3  }
0x94: {  	_ =	strace s2  }
0x95: {  	s2 =	sld [smem:$0x3FFD];
	_ =	sdelay $0x3  }
0x96: {  	_ =	strace s2  }
0x97: {  	_ =	strace $0x8FFFFFFF  }
0x98: {  	s18 =	sld [smem:$0x3FDB];
	_ =	sdelay $0x1  }
0x99: {  	s19 =	simm.s32 $_scs_section_size  }
0x9a: {  	s4 =	simm.s32 $_size__tile_overlayer_lowered;
	s5 =	simm.s32 $_tile_overlayer_lowered  }
0x9b: {  	s22 =	simm.s32 $0x1BFF;
	s21 =	sshll.u32 s5, $0x1;
	s2 =	sadd.s32 s19, s18  }
0x9c: {  	s6 =	simm.s32 $0x0;
	s20 =	sshll.u32 s4, $0x1;
	s4 =	sadd.s32 s21, s2  }
0x9d: {  	[timem:s6], [sflag:s22] =	dma.local [hbm:s4], s20  }
0x9e: {  	_ =	swait.ge [sflag:s22], s20  }
0x9f: {  	s3 =	ssub.s32 $0x0, s20;
	[sflag:s22] =	ssyncset.done $0x0  }
0xa0: {  	[sflag:s22] =	ssyncadd.s32 s3;
	_ =	sdelay $0x1  }
0xa1: {  	s23 =	simm.s32 $0x1B8B  }
0xa2: {  	_ =	swait.ge [sflag:s23], $0x1  }
0xa3: {  	[sflag:s23] =	ssyncset.done $0x0  }
0xa4: {  	s25 =	simm.s32 $0x1B8E;
	s24 =	sld [smem:$0x3FFE];
	[sflag:s23] =	ssyncadd.s32 $0xFFFFFFFF  }
0xa5: {  	s26 =	simm.s32 $execute0_lowered;
	[smem:$0x3FD2] =	sst s25  }
0xa6: {  	s4 =	sshll.u32 s26, $0x1;
	_ =	strace $0x80000052;
	[dreg:$0x1] =	wrdreg $0xFFFFFFFF  }
0xa7: {  	s28 =	simm.s32 $_size_execute0_lowered;
	s2 =	sadd.s32 s2, s4;
	[dreg:$0x0] =	wrdreg $0x0  }
0xa8: {  	s4 =	sshll.u32 s28, $0x1;
	[dreg:$0x2] =	wrdreg s2  }
0xa9: {  	[dreg:$0x3] =	wrdreg s4  }
0xaa: {  	[dreg:$0x4] =	wrdreg $0xC0  }
0xab: {  	_ =	task [dreg:s6], $0x5FFFF  }
0xac: {  	[dreg:$0x1] =	wrdreg $0xFFFFFFFF  }
0xad: {  	[dreg:$0x0] =	wrdreg $0x60  }
0xae: {  	[dreg:$0x2] =	wrdreg s24  }
0xaf: {  	[dreg:$0x3] =	wrdreg $0x0  }
0xb0: {  	[dreg:$0x4] =	wrdreg $0x9  }
0xb1: {  	_ =	task.clear_ibuf [dreg:s6], $0x5FFFF;
	_ =	strace $0x90000052  }
0xb2: {  	s29 =	simm.s32 $0x9;
	_ =	strace $0x80000054  }
0xb3: {  	_ =	swait.ge [sflag:s29], $0x1  }
0xb4: {  	[sflag:s29] =	ssyncadd.s32 $0xFFFFFFFF  }
0xb5: {  	_ =	strace $0x90000054  }
0xb6: {  	_ =	sfence  }
0xb7: {  	s30 =	sld [smem:$0x0];
	_ =	sdelay $0x2  }
0xb8: {  	s31 =	sshll.u32 s1, $0xD;
	s1 =	sshrl.u32 s1, $0x2  }
0xb9: {  	s3 =	sand.u32 $0x4000, s31;
	s1 =	sadd.s32 s1, s30  }
0xba: {  	s0 =	sor.u32 s3, s0;
	s1 =	sshll.u32 s1, $0x11  }
0xbb: {  	s0 =	sor.u32 s1, s0  }
0xbc: {  	s0 =	sadd.s32 $0x8F2B, s0  }
0xbd: {  	[sflag:s0] =	ssyncadd.remote.s32 $0x1  }
0xbe: {  	_ =	sfence.sel $0xFFFF  }
0xbf: {  	[dreg:$0x0] =	wrdreg $0xFFFFFFFF;
	(pc) =	sbr.abs _section_cstart, $3  }
0xc0: {  	[dreg:$0x1] =	wrdreg $0xFFFFFFFF  }
0xc1: {  	_ =	task.clear_ibuf [dreg:s6], $0x2FFFF;
	_ =	strace $0x9FFFFFFF  }
0xc2: {  	(tm) =	ssettm $0x7FFFFFFF  }
0xc3: {  	_ =	shalt  }
tec
execute0_lowered:
.L_overlay_start_1:
0x0: {  	(tag) =	ssettag $0x1  }
0x1: {  	s5 =	rddreg [dreg:$0x0]  }
0x2: {  	s1 =	rddreg [dreg:$0x1]  }
0x3: {  	s2 =	srdreg.scid;
	s0 =	rddreg [dreg:$0x2];
	s3 =	simm.s32 $0x0  }
0x4: {  	s18 =	simm.s32 $0x14000;
	s19 =	simm.s32 $0x15400;
	s20 =	simm.s32 $0x80  }
0x5: {  	s21 =	simm.s32 $0x14080;
	s22 =	simm.s32 $0x1A800;
	s23 =	simm.s32 $0x1  }
0x6: {  	s24 =	simm.s32 $0x2;
	s25 =	simm.s32 $0x16700;
	s6 =	sand.u32 $0x1, s2  }
0x7: {  	s2 =	stileid.u32;
	[smem:$0x7FF] =	sst s3;
	s4 =	sadd.s32 $0x74000, s5  }
0x8: {  	s12 =	sadd.s32 $0x1A000, s5;
	s13 =	sadd.s32 $0xEA00, s5;
	s7 =	smul.u32 $0x140000, s6  }
0x9: {  	s8 =	smul.u32 $0x14000, s2;
	_ =	strace $0x80000053;
	s29 =	sshll.u32 s2, $0x1  }
0xa: {  	s26 =	smul.u32 $0x50000, s2;
	s28 =	ssub.s32 $0x2, s6;
	s10 =	sor.u32 s6, s29  }
0xb: {  	s9 =	sshrl.u32 s28, $0x1;
	s7 =	sadd.s32 s8, s7;
	s11 =	smul.u32 $0x2800, s10  }
0xc: {  	s30 =	sshrl.u32 s26, $0x2;
	s15 =	ssub.s32 s28, s9;
	s16 =	smul.u32 $0x500, s10  }
0xd: {  	s26 =	simm.s32 $0x16780;
	s7 =	sshrl.u32 s7, $0x3;
	s15 =	smax.u32 s15, $0x1  }
0xe: {  	s14 =	sadd.s32 s7, s5;
	s5 =	sadd.s32 s30, s1;
	s17 =	sshrl.u32 s11, $0x3  }
0xf: {  	s10 =	sadd.s32 s12, s16;
	s11 =	sadd.s32 s13, s16;
	s16 =	simm.s32 $0x16800  }
0x10: {  	s6 =	sadd.s32 $0x4000, s5;
	s7 =	sadd.s32 $0x8000, s5;
	s8 =	sadd.s32 $0xC000, s5  }
0x11: {  	s9 =	sadd.s32 $0x10000, s5;
	s31 =	sadd.s32 $0x280, s17;
	s14 =	sadd.s32 $0x9B200, s14  }
0x12: {  	v0 =	vimm.f32 $0.0e+00;
	s17 =	simm.s32 $0x3;
	s12 =	sadd.s32 s12, s31;
	s13 =	sadd.s32 s13, s31  }
.LBB2_1:
0x13: {  	s28 =	simm.s32 $0x0;
	s29 =	simm.s32 $0x200  }
.LBB2_2:
0x14: {  	p0 =	sne.s32 s29, $0xFE00;
	[tilespmem:s28+$0x16870] =	vst v0  }
0x15: {  	[tilespmem:s28+$0x16800] =	vst v0  }
0x16: {  	[tilespmem:s28+$0x16810] =	vst v0  }
.Ltmp0:
0x17: {  	[tilespmem:s28+$0x16820] =	vst v0;
	(pc) =	sbr.rel @p0 .LBB2_2-.Ltmp0, $4  }
0x18: {  	[tilespmem:s28+$0x16830] =	vst v0  }
0x19: {  	[tilespmem:s28+$0x16840] =	vst v0  }
0x1a: {  	[tilespmem:s28+$0x16850] =	vst v0  }
0x1b: {  	[tilespmem:s28+$0x16860] =	vst v0;
	s28 =	sshra.s32 s29, $0x2;
	s29 =	sadd.s32 $0x200, s29  }
0x1c: {  	[tilespmem:s28+$0x16870] =	vst v0  }
0x1d: {  	[tilespmem:s28+$0x16800] =	vst v0  }
0x1e: {  	[tilespmem:s28+$0x16810] =	vst v0  }
0x1f: {  	[tilespmem:s28+$0x16820] =	vst v0  }
0x20: {  	[tilespmem:s28+$0x16830] =	vst v0  }
0x21: {  	[tilespmem:s28+$0x16840] =	vst v0  }
0x22: {  	[tilespmem:s28+$0x16850] =	vst v0  }
0x23: {  	[tilespmem:s28+$0x16860] =	vst v0  }
0x24: {  	[spmem:s5] =	stream.linear.scatter [tilespmem:s16], [sflag:$0x3], $0x4000, $0x38;
	[tilespmem:$0x1E800] =	vst v63  }
0x25: {  	_ =	swait.ge [sflag:s17], $0x4000  }
0x26: {  	[sflag:s17] =	ssyncset.done $0x0  }
0x27: {  	[sflag:s17] =	ssyncadd.s32 $0xFFFFC000  }
0x28: {  	[spmem:s6] =	stream.linear.scatter [tilespmem:s16], [sflag:$0x3], $0x4000, $0x38;
	[tilespmem:$0x1E800] =	vst v63  }
0x29: {  	_ =	swait.ge [sflag:s17], $0x4000  }
0x2a: {  	[sflag:s17] =	ssyncset.done $0x0  }
0x2b: {  	[sflag:s17] =	ssyncadd.s32 $0xFFFFC000  }
0x2c: {  	[spmem:s7] =	stream.linear.scatter [tilespmem:s16], [sflag:$0x3], $0x4000, $0x38;
	[tilespmem:$0x1E800] =	vst v63  }
0x2d: {  	_ =	swait.ge [sflag:s17], $0x4000  }
0x2e: {  	[sflag:s17] =	ssyncset.done $0x0  }
0x2f: {  	[sflag:s17] =	ssyncadd.s32 $0xFFFFC000  }
0x30: {  	[spmem:s8] =	stream.linear.scatter [tilespmem:s16], [sflag:$0x3], $0x4000, $0x38;
	[tilespmem:$0x1E800] =	vst v63  }
0x31: {  	_ =	swait.ge [sflag:s17], $0x4000  }
0x32: {  	[sflag:s17] =	ssyncset.done $0x0  }
0x33: {  	[sflag:s17] =	ssyncadd.s32 $0xFFFFC000  }
0x34: {  	[spmem:s9] =	stream.linear.scatter [tilespmem:s16], [sflag:$0x3], $0x4000, $0x38;
	[tilespmem:$0x1E800] =	vst v63  }
0x35: {  	_ =	swait.ge [sflag:s17], $0x4000  }
0x36: {  	[sflag:s17] =	ssyncset.done $0x0  }
0x37: {  	[sflag:s17] =	ssyncadd.s32 $0xFFFFC000  }
0x38: {  	s28 =	simm.s32 $0x0;
	[bflag:$0x0] =	sbarrier.arrive $0xFFFF  }
0x39: {  	[tilespmem:s18], [sflag:$0x3] =	stream.linear.gather [hbm4b:s10+s28], $0x1400, $0x38;
	[tilespmem:$0x1E800] =	vst v63  }
0x3a: {  	_ =	swait.ge [sflag:s17], $0x1400  }
0x3b: {  	[sflag:s17] =	ssyncset.done $0x0  }
0x3c: {  	[sflag:s17] =	ssyncadd.s32 $0xFFFFEC00  }
0x3d: {  	[tilespmem:s19], [sflag:$0x3] =	stream.linear.gather [hbm4b:s11+s28], $0x1400, $0x38;
	[tilespmem:$0x1E800] =	vst v63  }
0x3e: {  	_ =	swait.ge [sflag:s17], $0x1400  }
0x3f: {  	[sflag:s17] =	ssyncset.done $0x0  }
0x40: {  	[sflag:s17] =	ssyncadd.s32 $0xFFFFEC00  }
0x41: {  	[tilespmem:s16], [sflag:$0x1] =	stream.indirect.gather [hbm4b:s4+s20], $0x80, s18, s20, $0xb8;
	[tilespmem:$0x1E800] =	vst v63  }
0x42: {  	_ = 	snop  }
0x43: {  	[tilespmem:s22], [sflag:$0x2] =	stream.indirect.gather [hbm4b:s4+s20], $0x80, s21, s20, $0xb8;
	[tilespmem:$0x1E800] =	vst v63  }
0x44: {  	_ =	swait.ge [sflag:s23], $0x4000  }
0x45: {  	[sflag:s23] =	ssyncset.done $0x0  }
0x46: {  	s28 =	simm.s32 $0x15400;
	[sflag:s23] =	ssyncadd.s32 $0xFFFFC000  }
0x47: {  	[spmem:s1] =	stream.indirect.scatter.add.f32 [tilespmem:s16], [sflag:$0x3], $0x80, s28, s20, $0xb8;
	[tilespmem:$0x1E800] =	vst v63  }
0x48: {  	_ =	swait.ge [sflag:s17], $0x4000  }
0x49: {  	[sflag:s17] =	ssyncset.done $0x0  }
0x4a: {  	s28 =	simm.s32 $0x14100;
	[sflag:s17] =	ssyncadd.s32 $0xFFFFC000  }
0x4b: {  	[tilespmem:s16], [sflag:$0x1] =	stream.indirect.gather [hbm4b:s4+s20], $0x80, s28, s20, $0xb8;
	[tilespmem:$0x1E800] =	vst v63  }
0x4c: {  	_ =	swait.ge [sflag:s24], $0x4000  }
0x4d: {  	[sflag:s24] =	ssyncset.done $0x0  }
0x4e: {  	s28 =	simm.s32 $0x15480;
	[sflag:s24] =	ssyncadd.s32 $0xFFFFC000  }
0x4f: {  	[spmem:s1] =	stream.indirect.scatter.add.f32 [tilespmem:s22], [sflag:$0x3], $0x80, s28, s20, $0xb8;
	[tilespmem:$0x1E800] =	vst v63  }
0x50: {  	_ =	swait.ge [sflag:s17], $0x4000  }
0x51: {  	[sflag:s17] =	ssyncset.done $0x0  }
0x52: {  	s29 =	simm.s32 $0x14180;
	s28 =	simm.s32 $0x400;
	[sflag:s17] =	ssyncadd.s32 $0xFFFFC000  }
.LBB2_4:
0x53: {  	[tilespmem:s22], [sflag:$0x2] =	stream.indirect.gather [hbm4b:s4+s20], $0x80, s29, s20, $0xb8;
	[tilespmem:$0x1E800] =	vst v63  }
0x54: {  	s29 =	smov.u32 s28  }
0x55: {  	p0 =	sne.s32 s28, $0x4800;
	s28 =	sadd.s32 $0x400, s28;
	_ =	swait.ge [sflag:s23], $0x4000  }
0x56: {  	s29 =	sshra.s32 s29, $0x2;
	[sflag:s23] =	ssyncset.done $0x0  }
0x57: {  	s30 =	sadd.s32 $0x15400, s29;
	[sflag:s23] =	ssyncadd.s32 $0xFFFFC000  }
0x58: {  	[spmem:s1] =	stream.indirect.scatter.add.f32 [tilespmem:s16], [sflag:$0x3], $0x80, s30, s20, $0xb8;
	[tilespmem:$0x1E800] =	vst v63  }
0x59: {  	_ =	swait.ge [sflag:s17], $0x4000  }
0x5a: {  	[sflag:s17] =	ssyncset.done $0x0  }
0x5b: {  	s30 =	sadd.s32 $0x14100, s29;
	[sflag:s17] =	ssyncadd.s32 $0xFFFFC000  }
0x5c: {  	[tilespmem:s16], [sflag:$0x1] =	stream.indirect.gather [hbm4b:s4+s20], $0x80, s30, s20, $0xb8;
	[tilespmem:$0x1E800] =	vst v63  }
0x5d: {  	_ =	swait.ge [sflag:s24], $0x4000  }
0x5e: {  	[sflag:s24] =	ssyncset.done $0x0  }
.Ltmp1:
0x5f: {  	s30 =	sadd.s32 $0x15480, s29;
	[sflag:s24] =	ssyncadd.s32 $0xFFFFC000;
	(pc) =	sbr.rel @p0 .LBB2_4-.Ltmp1, $4  }
0x60: {  	[spmem:s1] =	stream.indirect.scatter.add.f32 [tilespmem:s22], [sflag:$0x3], $0x80, s30, s20, $0xb8;
	[tilespmem:$0x1E800] =	vst v63  }
0x61: {  	_ =	swait.ge [sflag:s17], $0x4000  }
0x62: {  	[sflag:s17] =	ssyncset.done $0x0  }
0x63: {  	s29 =	sadd.s32 $0x14180, s29;
	[sflag:s17] =	ssyncadd.s32 $0xFFFFC000  }
0x64: {  	[tilespmem:s22], [sflag:$0x2] =	stream.indirect.gather [hbm4b:s4+s20], $0x80, s29, s20, $0xb8;
	[tilespmem:$0x1E800] =	vst v63  }
0x65: {  	_ =	swait.ge [sflag:s23], $0x4000  }
0x66: {  	[sflag:s23] =	ssyncset.done $0x0  }
0x67: {  	[sflag:s23] =	ssyncadd.s32 $0xFFFFC000  }
0x68: {  	[spmem:s1] =	stream.indirect.scatter.add.f32 [tilespmem:s16], [sflag:$0x3], $0x80, s25, s20, $0xb8;
	[tilespmem:$0x1E800] =	vst v63  }
0x69: {  	_ =	swait.ge [sflag:s17], $0x4000  }
0x6a: {  	[sflag:s17] =	ssyncset.done $0x0  }
0x6b: {  	[sflag:s17] =	ssyncadd.s32 $0xFFFFC000  }
0x6c: {  	_ =	swait.ge [sflag:s24], $0x4000  }
0x6d: {  	[sflag:s24] =	ssyncset.done $0x0  }
0x6e: {  	[sflag:s24] =	ssyncadd.s32 $0xFFFFC000  }
0x6f: {  	[spmem:s1] =	stream.indirect.scatter.add.f32 [tilespmem:s22], [sflag:$0x3], $0x80, s26, s20, $0xb8;
	[tilespmem:$0x1E800] =	vst v63  }
0x70: {  	_ =	swait.ge [sflag:s17], $0x4000  }
0x71: {  	[sflag:s17] =	ssyncset.done $0x0  }
0x72: {  	s28 =	simm.s32 $0x0;
	[sflag:s17] =	ssyncadd.s32 $0xFFFFC000  }
0x73: {  	[tilespmem:s18], [sflag:$0x3] =	stream.linear.gather [hbm4b:s12+s28], $0x1400, $0x38;
	[tilespmem:$0x1E800] =	vst v63  }
0x74: {  	_ =	swait.ge [sflag:s17], $0x1400  }
0x75: {  	[sflag:s17] =	ssyncset.done $0x0  }
0x76: {  	[sflag:s17] =	ssyncadd.s32 $0xFFFFEC00  }
0x77: {  	[tilespmem:s19], [sflag:$0x3] =	stream.linear.gather [hbm4b:s13+s28], $0x1400, $0x38;
	[tilespmem:$0x1E800] =	vst v63  }
0x78: {  	_ =	swait.ge [sflag:s17], $0x1400  }
0x79: {  	[sflag:s17] =	ssyncset.done $0x0  }
0x7a: {  	[sflag:s17] =	ssyncadd.s32 $0xFFFFEC00  }
0x7b: {  	[tilespmem:s16], [sflag:$0x1] =	stream.indirect.gather [hbm4b:s4+s20], $0x80, s18, s20, $0xb8;
	[tilespmem:$0x1E800] =	vst v63  }
0x7c: {  	_ = 	snop  }
0x7d: {  	[tilespmem:s22], [sflag:$0x2] =	stream.indirect.gather [hbm4b:s4+s20], $0x80, s21, s20, $0xb8;
	[tilespmem:$0x1E800] =	vst v63  }
0x7e: {  	_ =	swait.ge [sflag:s23], $0x4000  }
0x7f: {  	[sflag:s23] =	ssyncset.done $0x0  }
0x80: {  	s28 =	simm.s32 $0x15400;
	[sflag:s23] =	ssyncadd.s32 $0xFFFFC000  }
0x81: {  	[spmem:s1] =	stream.indirect.scatter.add.f32 [tilespmem:s16], [sflag:$0x3], $0x80, s28, s20, $0xb8;
	[tilespmem:$0x1E800] =	vst v63  }
0x82: {  	_ =	swait.ge [sflag:s17], $0x4000  }
0x83: {  	[sflag:s17] =	ssyncset.done $0x0  }
0x84: {  	s28 =	simm.s32 $0x14100;
	[sflag:s17] =	ssyncadd.s32 $0xFFFFC000  }
0x85: {  	[tilespmem:s16], [sflag:$0x1] =	stream.indirect.gather [hbm4b:s4+s20], $0x80, s28, s20, $0xb8;
	[tilespmem:$0x1E800] =	vst v63  }
0x86: {  	_ =	swait.ge [sflag:s24], $0x4000  }
0x87: {  	[sflag:s24] =	ssyncset.done $0x0  }
0x88: {  	s28 =	simm.s32 $0x15480;
	[sflag:s24] =	ssyncadd.s32 $0xFFFFC000  }
0x89: {  	[spmem:s1] =	stream.indirect.scatter.add.f32 [tilespmem:s22], [sflag:$0x3], $0x80, s28, s20, $0xb8;
	[tilespmem:$0x1E800] =	vst v63  }
0x8a: {  	_ =	swait.ge [sflag:s17], $0x4000  }
0x8b: {  	[sflag:s17] =	ssyncset.done $0x0  }
0x8c: {  	s29 =	simm.s32 $0x14180;
	s28 =	simm.s32 $0x400;
	[sflag:s17] =	ssyncadd.s32 $0xFFFFC000  }
.LBB2_6:
0x8d: {  	[tilespmem:s22], [sflag:$0x2] =	stream.indirect.gather [hbm4b:s4+s20], $0x80, s29, s20, $0xb8;
	[tilespmem:$0x1E800] =	vst v63  }
0x8e: {  	s29 =	smov.u32 s28  }
0x8f: {  	p0 =	sne.s32 s28, $0x4800;
	s28 =	sadd.s32 $0x400, s28;
	_ =	swait.ge [sflag:s23], $0x4000  }
0x90: {  	s29 =	sshra.s32 s29, $0x2;
	[sflag:s23] =	ssyncset.done $0x0  }
0x91: {  	s30 =	sadd.s32 $0x15400, s29;
	[sflag:s23] =	ssyncadd.s32 $0xFFFFC000  }
0x92: {  	[spmem:s1] =	stream.indirect.scatter.add.f32 [tilespmem:s16], [sflag:$0x3], $0x80, s30, s20, $0xb8;
	[tilespmem:$0x1E800] =	vst v63  }
0x93: {  	_ =	swait.ge [sflag:s17], $0x4000  }
0x94: {  	[sflag:s17] =	ssyncset.done $0x0  }
0x95: {  	s30 =	sadd.s32 $0x14100, s29;
	[sflag:s17] =	ssyncadd.s32 $0xFFFFC000  }
0x96: {  	[tilespmem:s16], [sflag:$0x1] =	stream.indirect.gather [hbm4b:s4+s20], $0x80, s30, s20, $0xb8;
	[tilespmem:$0x1E800] =	vst v63  }
0x97: {  	_ =	swait.ge [sflag:s24], $0x4000  }
0x98: {  	[sflag:s24] =	ssyncset.done $0x0  }
.Ltmp2:
0x99: {  	s30 =	sadd.s32 $0x15480, s29;
	[sflag:s24] =	ssyncadd.s32 $0xFFFFC000;
	(pc) =	sbr.rel @p0 .LBB2_6-.Ltmp2, $4  }
0x9a: {  	[spmem:s1] =	stream.indirect.scatter.add.f32 [tilespmem:s22], [sflag:$0x3], $0x80, s30, s20, $0xb8;
	[tilespmem:$0x1E800] =	vst v63  }
0x9b: {  	_ =	swait.ge [sflag:s17], $0x4000  }
0x9c: {  	[sflag:s17] =	ssyncset.done $0x0  }
0x9d: {  	s29 =	sadd.s32 $0x14180, s29;
	[sflag:s17] =	ssyncadd.s32 $0xFFFFC000  }
0x9e: {  	[tilespmem:s22], [sflag:$0x2] =	stream.indirect.gather [hbm4b:s4+s20], $0x80, s29, s20, $0xb8;
	[tilespmem:$0x1E800] =	vst v63  }
0x9f: {  	_ =	swait.ge [sflag:s23], $0x4000  }
0xa0: {  	[sflag:s23] =	ssyncset.done $0x0  }
0xa1: {  	[sflag:s23] =	ssyncadd.s32 $0xFFFFC000  }
0xa2: {  	[spmem:s1] =	stream.indirect.scatter.add.f32 [tilespmem:s16], [sflag:$0x3], $0x80, s25, s20, $0xb8;
	[tilespmem:$0x1E800] =	vst v63  }
0xa3: {  	_ =	swait.ge [sflag:s17], $0x4000  }
0xa4: {  	[sflag:s17] =	ssyncset.done $0x0  }
0xa5: {  	[sflag:s17] =	ssyncadd.s32 $0xFFFFC000  }
0xa6: {  	_ =	swait.ge [sflag:s24], $0x4000  }
0xa7: {  	[sflag:s24] =	ssyncset.done $0x0  }
0xa8: {  	[sflag:s24] =	ssyncadd.s32 $0xFFFFC000  }
0xa9: {  	[spmem:s1] =	stream.indirect.scatter.add.f32 [tilespmem:s22], [sflag:$0x3], $0x80, s26, s20, $0xb8;
	[tilespmem:$0x1E800] =	vst v63  }
0xaa: {  	_ =	swait.ge [sflag:s17], $0x4000  }
0xab: {  	s28 =	sshll.u32 s2, $0x6;
	s3 =	sadd.s32 $0x1, s3;
	[sflag:s17] =	ssyncset.done $0x0  }
0xac: {  	s31 =	sshrl.u32 s5, $0x3;
	p0 =	sne.s32 s3, s15;
	[sflag:s17] =	ssyncadd.s32 $0xFFFFC000  }
.Ltmp3:
0xad: {  	s28 =	sor.u32 $0x1C03, s28;
	[bflag:$0x0] =	sbarrier.arrive $0xFFFF;
	(pc) =	sbr.rel @p0 .LBB2_1-.Ltmp3, $4  }
0xae: {  	[hbm:s14], [sflag:s28] =	dma.local [spmem:s31], $0x2800  }
0xaf: {  	_ =	swait.ge [sflag:s17], $0x2800  }
0xb0: {  	[sflag:s17] =	ssyncset.done $0x0  }
0xb1: {  	[sflag:s17] =	ssyncadd.s32 $0xFFFFD800  }
0xb2: {  	_ =	sfence.sel $0x180000  }
0xb3: {  	[bflag:$0x0] =	sbarrier.arrive $0xFFFF  }
0xb4: {  	p0 =	sne.s32 s2, $0x0;
	_ =	strace $0x90000053  }
0xb5: {  	s0 =	sadd.s32 @!p0 $0x100000, s0;
	[bflag:$0x2] =	sbarrier.arrive $0xFFFF  }
0xb6: {  	[sflag:s0] =	ssyncadd.tile.s32 @!p0 $0x1;
	_ =	shalt  }
.Lfunc_end2:
_tile_overlayer_lowered:
.L_overlay_start_2:
0xb7: {  	(tag) =	ssettag $0x2  }
0xb8: {  	s0 =	rddreg [dreg:$0x0];
	s2 =	stileid.u32  }
0xb9: {  	s1 =	rddreg [dreg:$0x1];
	p0 =	sne.s32 s2, $0x0  }
0xba: {  	s3 =	rddreg [dreg:$0x2];
	[bflag:$0x3] =	sbarrier.arrive $0xFFFF;
	s2 =	simm.s32 @!p0 $0x1C03  }
0xbb: {  	[timem:s3], [sflag:s2] =	dma.local @!p0 [hbm:s0], s1  }
0xbc: {  	s0 =	simm.s32 @!p0 $0x3  }
0xbd: {  	_ =	swait.ge @!p0 [sflag:s0], s1  }
0xbe: {  	s1 =	ssub.s32 @!p0 $0x0, s1;
	[sflag:s0] =	ssyncset.done @!p0 $0x0  }
0xbf: {  	[sflag:s0] =	ssyncadd.s32 @!p0 s1  }
0xc0: {  	[bflag:$0x3] =	sbarrier.arrive $0xFFFF  }
0xc1: {  	_ =	shalt  }

</sc_bundles>
